<compile_context>
chip_gen: v7x
topology: tpu7x:2x2x1
jax: 0.10.2.dev20260603
libtpu: 0.0.44.dev20260713+nightly
codegen_flags: <defaults>
</compile_context>

<pallas_src>
import functools

import jax
import jax.numpy as jnp
from jax import lax
from jax.experimental import pallas as pl
from jax.experimental.pallas import tpu as pltpu
from jax.experimental.pallas import tpu_sc as plsc

L = 8192
C = 768
H = 8
D = C // H
POS = 16
S = 33
MAXF, MINF = 16.0, 1.0
SCALE = POS ** (-0.5)

NC, NS = 2, 16
NW = NC * NS
WROWS = L // NW
HALO = 272
RH = WROWS + 2 * HALO

BL1 = 256
BL2 = 512
SP = 48
CHP = D // 2
HPAD = CHP + 1


def _tc1_body(x_ref, wavewt_ref, waveb_ref, qwt_ref, qb_ref, kw_ref,
              attn_ref, idx_ref):
    i = pl.program_id(0)
    xb = x_ref[...]
    wv = jax.nn.silu(jnp.dot(xb, wavewt_ref[...]) + waveb_ref[...])
    q = jax.nn.silu(jnp.dot(xb, qwt_ref[...]) + qb_ref[...])

    fr = jax.nn.sigmoid(wv[:, 0:H]) * (MAXF - MINF) + MINF
    ph = jnp.tanh(wv[:, H:2 * H]) * MAXF
    dc = jax.nn.sigmoid(wv[:, 2 * H:3 * H]) * 9.5 + 0.5
    fa = jnp.mean(fr, axis=1, keepdims=True)
    pa = jnp.mean(ph, axis=1, keepdims=True)

    li = i * BL1 + lax.broadcasted_iota(jnp.int32, (BL1, 1), 0)
    lf = li.astype(jnp.float32)
    off = (lax.broadcasted_iota(jnp.int32, (1, S), 1).astype(jnp.float32)
           - 16.0)
    pos = lf + off * fa + pa
    valid = (pos >= 0.0) & (pos < float(L))
    sidx = jnp.clip(pos.astype(jnp.int32), 0, L - 1)
    rlo = jnp.clip((li // WROWS) * WROWS - HALO, 0, L - RH)
    lo = jnp.maximum(li - HALO, 0)
    hi = jnp.minimum(li + HALO, L - 1)
    lidx = jnp.clip(sidx, lo, hi) - rlo
    idx_ref[...] = jnp.concatenate(
        [lidx, jnp.zeros((BL1, SP - S), jnp.int32)], axis=1)

    kw = kw_ref[...]
    aoff_c = jnp.abs(
        lax.broadcasted_iota(jnp.int32, (S, 1), 0).astype(jnp.float32)
        - 16.0)
    fr_t = fr.T
    dc_t = dc.T
    q_t = q.T
    valid_t = valid.T
    vf = valid_t.astype(jnp.float32)
    neg = jnp.float32(-jnp.inf)
    for h in range(H):
        rel_h = aoff_c * fr_t[h:h + 1, :]
        acc = jnp.zeros((S, BL1), jnp.float32)
        for p in range(POS):
            qp = q_t[H * p + h:H * p + h + 1, :]
            acc = acc + qp * jax.nn.silu(rel_h * kw[0, p])
        lg = jnp.where(valid_t, acc * SCALE, neg)
        m = jnp.max(lg, axis=0, keepdims=True)
        e = jnp.exp(lg - m)
        sm = e / jnp.sum(e, axis=0, keepdims=True)
        env = jnp.exp(-rel_h / jnp.clip(dc_t[h:h + 1, :], 0.1, None))
        at = sm * env * vf
        at = at / (jnp.sum(at, axis=0, keepdims=True) + 1e-8)
        attn_ref[h] = jnp.concatenate(
            [at.T, jnp.zeros((BL1, SP - S), jnp.float32)], axis=1)


_tc1 = pl.pallas_call(
    _tc1_body,
    grid=(L // BL1,),
    in_specs=[
        pl.BlockSpec((BL1, C), lambda i: (i, 0)),
        pl.BlockSpec((C, 3 * H), lambda i: (0, 0)),
        pl.BlockSpec((1, 3 * H), lambda i: (0, 0)),
        pl.BlockSpec((C, H * POS), lambda i: (0, 0)),
        pl.BlockSpec((1, H * POS), lambda i: (0, 0)),
        pl.BlockSpec((1, POS), lambda i: (0, 0)),
    ],
    out_specs=[
        pl.BlockSpec((H, BL1, SP), lambda i: (0, i, 0)),
        pl.BlockSpec((BL1, SP), lambda i: (i, 0)),
    ],
    out_shape=[
        jax.ShapeDtypeStruct((H, L, SP), jnp.float32),
        jax.ShapeDtypeStruct((L, SP), jnp.int32),
    ],
)


def _sc_body(x_hbm, attn_hbm, idx_hbm, out_hbm, halo_v, idx_v, attn_v, out_v):
    wid = lax.axis_index("sub") * NC + lax.axis_index("core")
    w0 = wid * WROWS
    rlo = jnp.clip(w0 - HALO, 0, L - RH)
    pltpu.sync_copy(idx_hbm.at[pl.ds(w0, WROWS)], idx_v)
    iota16 = lax.iota(jnp.int32, 16)

    nblk = CHP // 16
    pvecs = [16 * b + iota16 for b in range(nblk)]
    cvecsa = [32 * b + 2 * iota16 for b in range(nblk)]
    cvecsb = [32 * b + 2 * iota16 + 1 for b in range(nblk)]

    def h_body(h, hcarry):
        pltpu.sync_copy(attn_hbm.at[h, pl.ds(w0, WROWS)], attn_v)
        coff = pl.multiple_of(h * CHP, 8)
        pltpu.sync_copy(x_hbm.at[pl.ds(rlo, RH), pl.ds(coff, CHP)],
                        halo_v.at[pl.ds(0, RH), pl.ds(0, CHP)])
        hoff = pl.multiple_of(h * D, 8)

        def l_body(lrow, lc):
            lvec = jnp.full((16,), lrow, jnp.int32)
            wrows = [attn_v[lrow, pl.ds(16 * k, 16)] for k in range(3)]
            rrows = [idx_v[lrow, pl.ds(16 * k, 16)] for k in range(3)]
            accs = [jnp.zeros((16,), jnp.float32) for _ in range(2 * nblk)]
            for s in range(S):
                wv = jnp.full((16,), wrows[s // 16][s % 16], jnp.float32)
                rv = jnp.full((16,), rrows[s // 16][s % 16], jnp.int32)
                for b in range(nblk):
                    vp = plsc.load_gather(halo_v, [rv, pvecs[b]])
                    vb = plsc.bitcast(vp, jnp.bfloat16)
                    va, vc = plsc.unpack(
                        vb, format=plsc.PackFormat.INTERLEAVED,
                        preferred_element_type=jnp.float32)
                    accs[2 * b] = accs[2 * b] + wv * va
                    accs[2 * b + 1] = accs[2 * b + 1] + wv * vc
            for b in range(nblk):
                plsc.store_scatter(out_v, [lvec, cvecsa[b]], accs[2 * b])
                plsc.store_scatter(out_v, [lvec, cvecsb[b]], accs[2 * b + 1])
            return lc

        lax.fori_loop(0, WROWS, l_body, 0)
        pltpu.sync_copy(out_v.at[pl.ds(0, WROWS), pl.ds(0, D)],
                        out_hbm.at[pl.ds(w0, WROWS), pl.ds(hoff, D)])
        return hcarry

    lax.fori_loop(0, H, h_body, 0)


@functools.lru_cache(maxsize=None)
def _get_sc_gather():
    return pl.kernel(
        _sc_body,
        out_type=jax.ShapeDtypeStruct((L, C), jnp.float32),
        mesh=plsc.VectorSubcoreMesh(core_axis_name="core",
                                    subcore_axis_name="sub",
                                    num_cores=NC, num_subcores=NS),
        compiler_params=pltpu.CompilerParams(use_tc_tiling_on_sc=False,
                                             needs_layout_passes=False),
        scratch_types=[
            pltpu.VMEM((RH, HPAD), jnp.int32),
            pltpu.VMEM((WROWS, SP), jnp.int32),
            pltpu.VMEM((WROWS, SP), jnp.float32),
            pltpu.VMEM((WROWS, D + 1), jnp.float32),
        ],
    )


def _tc2_body(g_ref, se1wt_ref, se1b_ref, se2wt_ref, se2b_ref, outwt_ref,
              y_ref):
    gb = g_ref[...]
    h1 = jax.nn.silu(jnp.dot(gb, se1wt_ref[...]) + se1b_ref[...])
    se = jax.nn.sigmoid(jnp.dot(h1, se2wt_ref[...]) + se2b_ref[...])
    o = gb * se
    y_ref[...] = jax.nn.silu(jnp.dot(o, outwt_ref[...]))


_tc2 = pl.pallas_call(
    _tc2_body,
    grid=(L // BL2,),
    in_specs=[
        pl.BlockSpec((BL2, C), lambda i: (i, 0)),
        pl.BlockSpec((C, C // 4), lambda i: (0, 0)),
        pl.BlockSpec((1, C // 4), lambda i: (0, 0)),
        pl.BlockSpec((C // 4, C), lambda i: (0, 0)),
        pl.BlockSpec((1, C), lambda i: (0, 0)),
        pl.BlockSpec((C, C), lambda i: (0, 0)),
    ],
    out_specs=pl.BlockSpec((BL2, C), lambda i: (i, 0)),
    out_shape=jax.ShapeDtypeStruct((L, C), jnp.float32),
)


def kernel(x, wave_W, wave_b, query_W, query_b, key_W, out_W,
           se1_W, se1_b, se2_W, se2_b):
    xf = x.reshape(L, C)
    qwt = query_W.reshape(H, POS, C).transpose(1, 0, 2).reshape(H * POS, C).T
    qb = query_b.reshape(H, POS).T.reshape(1, H * POS)
    attn, lidx = _tc1(xf, wave_W.T, wave_b.reshape(1, 3 * H), qwt, qb,
                      key_W.reshape(1, POS))
    xpack = lax.bitcast_convert_type(
        xf.astype(jnp.bfloat16).reshape(L, C // 2, 2), jnp.int32)
    g = _get_sc_gather()(xpack, attn, lidx)
    y = _tc2(g, se1_W.T, se1_b.reshape(1, C // 4), se2_W.T,
             se2_b.reshape(1, C), out_W.T)
    return y.reshape(1, L, C)

# --- scband reference (transcript-rebuilt; emitter-appended) ---
"""Pipeline reference for scband-adaptive-conv-nd-77043123355920 (READ-ONLY COPY).

The authoritative reference and input builder live on the scoring server;
editing this copy changes nothing except your own understanding.
"""

import jax, jax.numpy as jnp
import numpy as np

B, L, C = 1, 8192, 768
H = 8
D = C // H
POS = 16
MAXF, MINF = 16.0, 1.0
OFFSETS = jnp.arange(-16, 17, dtype=jnp.float32)  # samples_per_dim=32 -> half_s=16 -> 33 samples
S = 33
SCALE = POS ** (-0.5)


def setup_inputs(seed: int = 0) -> dict:
    key = jax.random.key(seed)
    ks = jax.random.split(key, 12)

    def lin(k, o, i):
        return jax.random.normal(k, (o, i), jnp.float32) / np.sqrt(i)

    return {
        "x": jax.random.normal(ks[0], (B, L, C), jnp.float32),
        "wave_W": lin(ks[1], 3 * H, C),
        "wave_b": jnp.zeros((3 * H,), jnp.float32),
        "query_W": lin(ks[2], H * POS, C),
        "query_b": jnp.zeros((H * POS,), jnp.float32),
        "key_W": lin(ks[3], POS, 1),
        "out_W": lin(ks[4], C, C),
        "se1_W": lin(ks[5], C // 4, C),
        "se1_b": jnp.zeros((C // 4,), jnp.float32),
        "se2_W": lin(ks[6], C, C // 4),
        "se2_b": jnp.zeros((C,), jnp.float32),
    }


def reference(x, wave_W, wave_b, query_W, query_b, key_W, out_W, se1_W, se1_b, se2_W, se2_b):
    silu = jax.nn.silu
    # wave params and queries (per-position, so chunking in the torch code is a no-op mathematically)
    wave = silu(x @ wave_W.T + wave_b).reshape(B, L, 3, H).transpose(0, 1, 3, 2)  # [B,L,H,3]
    queries = silu(x @ query_W.T + query_b).reshape(B, L, H, POS)
    freq = jax.nn.sigmoid(wave[..., 0]) * (MAXF - MINF) + MINF  # [B,L,H]
    phase = jnp.tanh(wave[..., 1]) * MAXF
    decay = jax.nn.sigmoid(wave[..., 2]) * 9.5 + 0.5
    freq_avg = freq.mean(axis=2)  # [B,L]
    phase_avg = phase.mean(axis=2)
    centers = jnp.arange(L, dtype=x.dtype)
    sample_pos = centers[None, :, None] + OFFSETS[None, None, :] * freq_avg[..., None] + phase_avg[..., None]  # [B,L,S]
    valid = (sample_pos >= 0) & (sample_pos < L)
    # torch .long() truncates toward zero; int cast in jnp does the same
    sample_idx = jnp.clip(sample_pos.astype(jnp.int32), 0, L - 1)
    # gather: x_flat[batch_idx, sample_idx] -> [B,L,S,C]
    values = x[jnp.arange(B)[:, None, None], sample_idx]
    values = values.reshape(B, L, S, H, D).transpose(0, 1, 3, 2, 4)  # [B,L,H,S,D]
    valid_h = jnp.broadcast_to(valid[:, :, None, :], (B, L, H, S))
    rel_dist = jnp.abs(jnp.abs(OFFSETS)[None, None, None, :] * freq[..., None])  # [B,L,H,S]
    keys = silu(rel_dist[..., None] @ key_W.T)  # [B,L,H,S,POS]
    attn_logits = jnp.einsum('blhd,blhsd->blhs', queries, keys) * SCALE
    decay_env = jnp.exp(-rel_dist / jnp.clip(decay[..., None], 0.1, None))
    attn_logits = jnp.where(valid_h, attn_logits, -jnp.inf)
    attn = jax.nn.softmax(attn_logits, axis=-1) * decay_env * valid_h.astype(x.dtype)
    attn = attn / (attn.sum(axis=-1, keepdims=True) + 1e-8)
    out = jnp.einsum('blhsd,blhs->blhd', values, attn).reshape(B, L, C)
    se = jax.nn.sigmoid(silu(out @ se1_W.T + se1_b) @ se2_W.T + se2_b)
    out = out * se
    return silu(out @ out_W.T)

if __name__ == "__main__":
    import jax
    _d = setup_inputs()
    print(jax.jit(kernel)(*tuple(_d.values())))

</pallas_src>

<mosaic_0001>
#map = affine_map<(d0, d1) -> (0, 0)>
#map1 = affine_map<(d0, d1) -> (0, 0, 0)>
module attributes {stable_mosaic.version = 14 : i64} {
  func.func @_sc_body(%arg0: i32, %arg1: i32, %arg2: memref<8192x384xi32, #tpu.memory_space<hbm>>, %arg3: memref<8x8192x48xf32, #tpu.memory_space<hbm>>, %arg4: memref<8192x48xi32, #tpu.memory_space<hbm>>, %arg5: memref<8192x768xf32, #tpu.memory_space<hbm>>, %arg6: memref<800x49xi32, #tpu.memory_space<vmem>>, %arg7: memref<256x48xi32, #tpu.memory_space<vmem>>, %arg8: memref<256x48xf32, #tpu.memory_space<vmem>>, %arg9: memref<256x97xf32, #tpu.memory_space<vmem>>) attributes {dimension_semantics = [#tpu.dimension_semantics<core_parallel>, #tpu.dimension_semantics<subcore_parallel>], iteration_bounds = array<i64: 2, 16>, scalar_prefetch = 0 : i64, scratch_operands = 4 : i64, tpu.core_type = #tpu.core_type<sc_vector_subcore>, window_params = [{transform_indices = #map}, {transform_indices = #map1}, {transform_indices = #map}, {transform_indices = #map}]} {
    %mul3A = arith.constant 2 : i32
    %mul3A_0 = arith.muli %arg1, %mul3A : i32
    %add3A = arith.addi %mul3A_0, %arg0 : i32
    %mul3A_1 = arith.constant 256 : i32
    %mul3A_2 = arith.muli %add3A, %mul3A_1 : i32
    %sub3A = arith.constant 272 : i32
    %sub3A_3 = arith.subi %mul3A_2, %sub3A : i32
    %jit3A = arith.constant 0 : i32
    %jit3A_4 = arith.constant 7392 : i32
    %max3A = arith.maxsi %jit3A, %sub3A_3 : i32
    %min3A = arith.minsi %jit3A_4, %max3A : i32
    "tpu.region"() ({
      %run_scoped3A = tpu.sem_alloc : memref<!tpu.dma_semaphore, #tpu.memory_space<semaphore_mem>>
      %dma_start3A = arith.constant 0 : i32
      %dma_start3A_64 = tpu.memref_slice %arg4[%mul3A_2, %dma_start3A] : memref<8192x48xi32, #tpu.memory_space<hbm>> -> memref<256x48xi32, #tpu.memory_space<hbm>>
      %dma_start3A_65 = arith.constant 0 : i32
      %dma_start3A_66 = tpu.memref_slice %arg4[%mul3A_2, %dma_start3A_65] : memref<8192x48xi32, #tpu.memory_space<hbm>> -> memref<256x48xi32, #tpu.memory_space<hbm>>
      tpu.enqueue_dma source(%dma_start3A_66 : memref<256x48xi32, #tpu.memory_space<hbm>>) target(%arg7 : memref<256x48xi32, #tpu.memory_space<vmem>>) target_semaphore(%run_scoped3A : memref<!tpu.dma_semaphore, #tpu.memory_space<semaphore_mem>>)
      %dma_wait3A = arith.constant 0 : i32
      %dma_wait3A_67 = tpu.memref_slice %arg4[%mul3A_2, %dma_wait3A] : memref<8192x48xi32, #tpu.memory_space<hbm>> -> memref<256x48xi32, #tpu.memory_space<hbm>>
      %dma_wait3A_68 = arith.constant 0 : i32
      %dma_wait3A_69 = tpu.memref_slice %arg4[%mul3A_2, %dma_wait3A_68] : memref<8192x48xi32, #tpu.memory_space<hbm>> -> memref<256x48xi32, #tpu.memory_space<hbm>>
      tpu.wait_dma2 semaphore(%run_scoped3A : memref<!tpu.dma_semaphore, #tpu.memory_space<semaphore_mem>>) src(%dma_wait3A_69 : memref<256x48xi32, #tpu.memory_space<hbm>>) dst(%arg7 : memref<256x48xi32, #tpu.memory_space<vmem>>)
      tpu.yield
    }) : () -> ()
    %iota3A = tpu.iota {dimensions = array<i32: 0>} : vector<16xi32>
    %add3A_5 = arith.constant 0 : i32
    %add3A_6 = vector.broadcast %add3A_5 : i32 to vector<16xi32>
    %add3A_7 = arith.addi %add3A_6, %iota3A : vector<16xi32>
    %add3A_8 = arith.constant 16 : i32
    %add3A_9 = vector.broadcast %add3A_8 : i32 to vector<16xi32>
    %add3A_10 = arith.addi %add3A_9, %iota3A : vector<16xi32>
    %add3A_11 = arith.constant 32 : i32
    %add3A_12 = vector.broadcast %add3A_11 : i32 to vector<16xi32>
    %add3A_13 = arith.addi %add3A_12, %iota3A : vector<16xi32>
    %mul3A_14 = arith.constant 2 : i32
    %mul3A_15 = vector.broadcast %mul3A_14 : i32 to vector<16xi32>
    %mul3A_16 = arith.muli %mul3A_15, %iota3A : vector<16xi32>
    %add3A_17 = arith.constant 0 : i32
    %add3A_18 = vector.broadcast %add3A_17 : i32 to vector<16xi32>
    %add3A_19 = arith.addi %add3A_18, %mul3A_16 : vector<16xi32>
    %mul3A_20 = arith.constant 2 : i32
    %mul3A_21 = vector.broadcast %mul3A_20 : i32 to vector<16xi32>
    %mul3A_22 = arith.muli %mul3A_21, %iota3A : vector<16xi32>
    %add3A_23 = arith.constant 32 : i32
    %add3A_24 = vector.broadcast %add3A_23 : i32 to vector<16xi32>
    %add3A_25 = arith.addi %add3A_24, %mul3A_22 : vector<16xi32>
    %mul3A_26 = arith.constant 2 : i32
    %mul3A_27 = vector.broadcast %mul3A_26 : i32 to vector<16xi32>
    %mul3A_28 = arith.muli %mul3A_27, %iota3A : vector<16xi32>
    %add3A_29 = arith.constant 64 : i32
    %add3A_30 = vector.broadcast %add3A_29 : i32 to vector<16xi32>
    %add3A_31 = arith.addi %add3A_30, %mul3A_28 : vector<16xi32>
    %mul3A_32 = arith.constant 2 : i32
    %mul3A_33 = vector.broadcast %mul3A_32 : i32 to vector<16xi32>
    %mul3A_34 = arith.muli %mul3A_33, %iota3A : vector<16xi32>
    %add3A_35 = arith.constant 0 : i32
    %add3A_36 = vector.broadcast %add3A_35 : i32 to vector<16xi32>
    %add3A_37 = arith.addi %add3A_36, %mul3A_34 : vector<16xi32>
    %add3A_38 = arith.constant 1 : i32
    %add3A_39 = vector.broadcast %add3A_38 : i32 to vector<16xi32>
    %add3A_40 = arith.addi %add3A_37, %add3A_39 : vector<16xi32>
    %mul3A_41 = arith.constant 2 : i32
    %mul3A_42 = vector.broadcast %mul3A_41 : i32 to vector<16xi32>
    %mul3A_43 = arith.muli %mul3A_42, %iota3A : vector<16xi32>
    %add3A_44 = arith.constant 32 : i32
    %add3A_45 = vector.broadcast %add3A_44 : i32 to vector<16xi32>
    %add3A_46 = arith.addi %add3A_45, %mul3A_43 : vector<16xi32>
    %add3A_47 = arith.constant 1 : i32
    %add3A_48 = vector.broadcast %add3A_47 : i32 to vector<16xi32>
    %add3A_49 = arith.addi %add3A_46, %add3A_48 : vector<16xi32>
    %mul3A_50 = arith.constant 2 : i32
    %mul3A_51 = vector.broadcast %mul3A_50 : i32 to vector<16xi32>
    %mul3A_52 = arith.muli %mul3A_51, %iota3A : vector<16xi32>
    %add3A_53 = arith.constant 64 : i32
    %add3A_54 = vector.broadcast %add3A_53 : i32 to vector<16xi32>
    %add3A_55 = arith.addi %add3A_54, %mul3A_52 : vector<16xi32>
    %add3A_56 = arith.constant 1 : i32
    %add3A_57 = vector.broadcast %add3A_56 : i32 to vector<16xi32>
    %add3A_58 = arith.addi %add3A_55, %add3A_57 : vector<16xi32>
    %scan3A = arith.constant 0 : i32
    %scan3A_59 = arith.constant 0 : i32
    %scan3A_60 = arith.constant 8 : i32
    %scan3A_61 = arith.addi %scan3A_59, %scan3A_60 : i32
    %scan3A_62 = arith.constant 1 : i32
    scf.for %scan3A_64 = %scan3A_59 to %scan3A_61 step %scan3A_62  : i32 {
      "tpu.region"() ({
        %run_scoped3A = tpu.sem_alloc : memref<!tpu.dma_semaphore, #tpu.memory_space<semaphore_mem>>
        %dma_start3A = arith.constant 0 : i32
        %dma_start3A_76 = tpu.memref_slice %arg3[%scan3A_64, %mul3A_2, %dma_start3A] : memref<8x8192x48xf32, #tpu.memory_space<hbm>> -> memref<1x256x48xf32, #tpu.memory_space<hbm>>
        %dma_start3A_77 = tpu.memref_squeeze %dma_start3A_76 : memref<1x256x48xf32, #tpu.memory_space<hbm>> -> memref<256x48xf32, #tpu.memory_space<hbm>>
        %dma_start3A_78 = arith.constant 0 : i32
        %dma_start3A_79 = tpu.memref_slice %arg3[%scan3A_64, %mul3A_2, %dma_start3A_78] : memref<8x8192x48xf32, #tpu.memory_space<hbm>> -> memref<1x256x48xf32, #tpu.memory_space<hbm>>
        %dma_start3A_80 = tpu.memref_squeeze %dma_start3A_79 : memref<1x256x48xf32, #tpu.memory_space<hbm>> -> memref<256x48xf32, #tpu.memory_space<hbm>>
        tpu.enqueue_dma source(%dma_start3A_80 : memref<256x48xf32, #tpu.memory_space<hbm>>) target(%arg8 : memref<256x48xf32, #tpu.memory_space<vmem>>) target_semaphore(%run_scoped3A : memref<!tpu.dma_semaphore, #tpu.memory_space<semaphore_mem>>)
        %dma_wait3A = arith.constant 0 : i32
        %dma_wait3A_81 = tpu.memref_slice %arg3[%scan3A_64, %mul3A_2, %dma_wait3A] : memref<8x8192x48xf32, #tpu.memory_space<hbm>> -> memref<1x256x48xf32, #tpu.memory_space<hbm>>
        %dma_wait3A_82 = tpu.memref_squeeze %dma_wait3A_81 : memref<1x256x48xf32, #tpu.memory_space<hbm>> -> memref<256x48xf32, #tpu.memory_space<hbm>>
        %dma_wait3A_83 = arith.constant 0 : i32
        %dma_wait3A_84 = tpu.memref_slice %arg3[%scan3A_64, %mul3A_2, %dma_wait3A_83] : memref<8x8192x48xf32, #tpu.memory_space<hbm>> -> memref<1x256x48xf32, #tpu.memory_space<hbm>>
        %dma_wait3A_85 = tpu.memref_squeeze %dma_wait3A_84 : memref<1x256x48xf32, #tpu.memory_space<hbm>> -> memref<256x48xf32, #tpu.memory_space<hbm>>
        tpu.wait_dma2 semaphore(%run_scoped3A : memref<!tpu.dma_semaphore, #tpu.memory_space<semaphore_mem>>) src(%dma_wait3A_85 : memref<256x48xf32, #tpu.memory_space<hbm>>) dst(%arg8 : memref<256x48xf32, #tpu.memory_space<vmem>>)
        tpu.yield
      }) : () -> ()
      %mul3A_65 = arith.constant 48 : i32
      %mul3A_66 = arith.muli %scan3A_64, %mul3A_65 : i32
      %multiple_of3A = tpu.assume_multiple %mul3A_66, 8 : i32
      "tpu.region"() ({
        %run_scoped3A = tpu.sem_alloc : memref<!tpu.dma_semaphore, #tpu.memory_space<semaphore_mem>>
        %dma_start3A = arith.constant 0 : i32
        %dma_start3A_76 = arith.constant 0 : i32
        %dma_start3A_77 = tpu.memref_slice %arg6[%dma_start3A, %dma_start3A_76] : memref<800x49xi32, #tpu.memory_space<vmem>> -> memref<800x48xi32, #tpu.memory_space<vmem>>
        %dma_start3A_78 = tpu.memref_slice %arg2[%min3A, %multiple_of3A] : memref<8192x384xi32, #tpu.memory_space<hbm>> -> memref<800x48xi32, #tpu.memory_space<hbm>>
        %dma_start3A_79 = arith.constant 0 : i32
        %dma_start3A_80 = arith.constant 0 : i32
        %dma_start3A_81 = tpu.memref_slice %arg6[%dma_start3A_79, %dma_start3A_80] : memref<800x49xi32, #tpu.memory_space<vmem>> -> memref<800x48xi32, #tpu.memory_space<vmem>>
        %dma_start3A_82 = tpu.memref_slice %arg2[%min3A, %multiple_of3A] : memref<8192x384xi32, #tpu.memory_space<hbm>> -> memref<800x48xi32, #tpu.memory_space<hbm>>
        tpu.enqueue_dma source(%dma_start3A_82 : memref<800x48xi32, #tpu.memory_space<hbm>>) target(%dma_start3A_81 : memref<800x48xi32, #tpu.memory_space<vmem>>) target_semaphore(%run_scoped3A : memref<!tpu.dma_semaphore, #tpu.memory_space<semaphore_mem>>)
        %dma_wait3A = arith.constant 0 : i32
        %dma_wait3A_83 = arith.constant 0 : i32
        %dma_wait3A_84 = tpu.memref_slice %arg6[%dma_wait3A, %dma_wait3A_83] : memref<800x49xi32, #tpu.memory_space<vmem>> -> memref<800x48xi32, #tpu.memory_space<vmem>>
        %dma_wait3A_85 = tpu.memref_slice %arg2[%min3A, %multiple_of3A] : memref<8192x384xi32, #tpu.memory_space<hbm>> -> memref<800x48xi32, #tpu.memory_space<hbm>>
        %dma_wait3A_86 = arith.constant 0 : i32
        %dma_wait3A_87 = arith.constant 0 : i32
        %dma_wait3A_88 = tpu.memref_slice %arg6[%dma_wait3A_86, %dma_wait3A_87] : memref<800x49xi32, #tpu.memory_space<vmem>> -> memref<800x48xi32, #tpu.memory_space<vmem>>
        %dma_wait3A_89 = tpu.memref_slice %arg2[%min3A, %multiple_of3A] : memref<8192x384xi32, #tpu.memory_space<hbm>> -> memref<800x48xi32, #tpu.memory_space<hbm>>
        tpu.wait_dma2 semaphore(%run_scoped3A : memref<!tpu.dma_semaphore, #tpu.memory_space<semaphore_mem>>) src(%dma_wait3A_89 : memref<800x48xi32, #tpu.memory_space<hbm>>) dst(%dma_wait3A_88 : memref<800x48xi32, #tpu.memory_space<vmem>>)
        tpu.yield
      }) : () -> ()
      %mul3A_67 = arith.constant 96 : i32
      %mul3A_68 = arith.muli %scan3A_64, %mul3A_67 : i32
      %multiple_of3A_69 = tpu.assume_multiple %mul3A_68, 8 : i32
      %scan3A_70 = arith.constant 0 : i32
      %scan3A_71 = arith.constant 0 : i32
      %scan3A_72 = arith.constant 256 : i32
      %scan3A_73 = arith.addi %scan3A_71, %scan3A_72 : i32
      %scan3A_74 = arith.constant 1 : i32
      scf.for %scan3A_76 = %scan3A_71 to %scan3A_73 step %scan3A_74  : i32 {
        %broadcast_in_dim3A = vector.broadcast %scan3A_76 : i32 to vector<16xi32>
        %get3A = arith.index_cast %scan3A_76 : i32 to index
        %get3A_77 = arith.constant 0 : index
        %get3A_78 = tpu.vector_load %arg8[%get3A, %get3A_77] {strides = array<i32>} : memref<256x48xf32, #tpu.memory_space<vmem>>, vector<16xf32>,
        %get3A_79 = arith.index_cast %scan3A_76 : i32 to index
        %get3A_80 = arith.constant 16 : index
        %get3A_81 = tpu.vector_load %arg8[%get3A_79, %get3A_80] {strides = array<i32>} : memref<256x48xf32, #tpu.memory_space<vmem>>, vector<16xf32>,
        %get3A_82 = arith.index_cast %scan3A_76 : i32 to index
        %get3A_83 = arith.constant 32 : index
        %get3A_84 = tpu.vector_load %arg8[%get3A_82, %get3A_83] {strides = array<i32>} : memref<256x48xf32, #tpu.memory_space<vmem>>, vector<16xf32>,
        %get3A_85 = arith.index_cast %scan3A_76 : i32 to index
        %get3A_86 = arith.constant 0 : index
        %get3A_87 = tpu.vector_load %arg7[%get3A_85, %get3A_86] {strides = array<i32>} : memref<256x48xi32, #tpu.memory_space<vmem>>, vector<16xi32>,
        %get3A_88 = arith.index_cast %scan3A_76 : i32 to index
        %get3A_89 = arith.constant 16 : index
        %get3A_90 = tpu.vector_load %arg7[%get3A_88, %get3A_89] {strides = array<i32>} : memref<256x48xi32, #tpu.memory_space<vmem>>, vector<16xi32>,
        %get3A_91 = arith.index_cast %scan3A_76 : i32 to index
        %get3A_92 = arith.constant 32 : index
        %get3A_93 = tpu.vector_load %arg7[%get3A_91, %get3A_92] {strides = array<i32>} : memref<256x48xi32, #tpu.memory_space<vmem>>, vector<16xi32>,
        %broadcast_in_dim3A_94 = arith.constant 0.000000e+00 : f32
        %broadcast_in_dim3A_95 = vector.broadcast %broadcast_in_dim3A_94 : f32 to vector<16xf32>
        %broadcast_in_dim3A_96 = arith.constant 0.000000e+00 : f32
        %broadcast_in_dim3A_97 = vector.broadcast %broadcast_in_dim3A_96 : f32 to vector<16xf32>
        %broadcast_in_dim3A_98 = arith.constant 0.000000e+00 : f32
        %broadcast_in_dim3A_99 = vector.broadcast %broadcast_in_dim3A_98 : f32 to vector<16xf32>
        %broadcast_in_dim3A_100 = arith.constant 0.000000e+00 : f32
        %broadcast_in_dim3A_101 = vector.broadcast %broadcast_in_dim3A_100 : f32 to vector<16xf32>
        %broadcast_in_dim3A_102 = arith.constant 0.000000e+00 : f32
        %broadcast_in_dim3A_103 = vector.broadcast %broadcast_in_dim3A_102 : f32 to vector<16xf32>
        %broadcast_in_dim3A_104 = arith.constant 0.000000e+00 : f32
        %broadcast_in_dim3A_105 = vector.broadcast %broadcast_in_dim3A_104 : f32 to vector<16xf32>
        %slice3A = vector.extract_strided_slice %get3A_78 {offsets = [0], sizes = [1], strides = [1]} : vector<16xf32> to vector<1xf32>
        %squeeze3A = vector.extract %slice3A[0] : f32 from vector<1xf32>
        %broadcast_in_dim3A_106 = vector.broadcast %squeeze3A : f32 to vector<16xf32>
        %slice3A_107 = vector.extract_strided_slice %get3A_87 {offsets = [0], sizes = [1], strides = [1]} : vector<16xi32> to vector<1xi32>
        %squeeze3A_108 = vector.extract %slice3A_107[0] : i32 from vector<1xi32>
        %broadcast_in_dim3A_109 = vector.broadcast %squeeze3A_108 : i32 to vector<16xi32>
        %gather3A = tpu.vector_load_idx %arg6[%broadcast_in_dim3A_109, %add3A_7] : memref<800x49xi32, #tpu.memory_space<vmem>>[vector<16xi32>, vector<16xi32>], vector<16xi32>,
        %bitcast3A = vector.bitcast %gather3A : vector<16xi32> to vector<32xbf16>
        %unpack3A = tpu.unpack_subelements %bitcast3A, 0 {pack_format = #tpu.pack_format<interleaved>} : vector<32xbf16> -> vector<16xf32>
        %unpack3A_110 = tpu.unpack_subelements %bitcast3A, 1 {pack_format = #tpu.pack_format<interleaved>} : vector<32xbf16> -> vector<16xf32>
        %mul3A_111 = arith.mulf %broadcast_in_dim3A_106, %unpack3A : vector<16xf32>
        %add3A_112 = arith.addf %broadcast_in_dim3A_95, %mul3A_111 : vector<16xf32>
        %mul3A_113 = arith.mulf %broadcast_in_dim3A_106, %unpack3A_110 : vector<16xf32>
        %add3A_114 = arith.addf %broadcast_in_dim3A_97, %mul3A_113 : vector<16xf32>
        %gather3A_115 = tpu.vector_load_idx %arg6[%broadcast_in_dim3A_109, %add3A_10] : memref<800x49xi32, #tpu.memory_space<vmem>>[vector<16xi32>, vector<16xi32>], vector<16xi32>,
        %bitcast3A_116 = vector.bitcast %gather3A_115 : vector<16xi32> to vector<32xbf16>
        %unpack3A_117 = tpu.unpack_subelements %bitcast3A_116, 0 {pack_format = #tpu.pack_format<interleaved>} : vector<32xbf16> -> vector<16xf32>
        %unpack3A_118 = tpu.unpack_subelements %bitcast3A_116, 1 {pack_format = #tpu.pack_format<interleaved>} : vector<32xbf16> -> vector<16xf32>
        %mul3A_119 = arith.mulf %broadcast_in_dim3A_106, %unpack3A_117 : vector<16xf32>
        %add3A_120 = arith.addf %broadcast_in_dim3A_99, %mul3A_119 : vector<16xf32>
        %mul3A_121 = arith.mulf %broadcast_in_dim3A_106, %unpack3A_118 : vector<16xf32>
        %add3A_122 = arith.addf %broadcast_in_dim3A_101, %mul3A_121 : vector<16xf32>
        %gather3A_123 = tpu.vector_load_idx %arg6[%broadcast_in_dim3A_109, %add3A_13] : memref<800x49xi32, #tpu.memory_space<vmem>>[vector<16xi32>, vector<16xi32>], vector<16xi32>,
        %bitcast3A_124 = vector.bitcast %gather3A_123 : vector<16xi32> to vector<32xbf16>
        %unpack3A_125 = tpu.unpack_subelements %bitcast3A_124, 0 {pack_format = #tpu.pack_format<interleaved>} : vector<32xbf16> -> vector<16xf32>
        %unpack3A_126 = tpu.unpack_subelements %bitcast3A_124, 1 {pack_format = #tpu.pack_format<interleaved>} : vector<32xbf16> -> vector<16xf32>
        %mul3A_127 = arith.mulf %broadcast_in_dim3A_106, %unpack3A_125 : vector<16xf32>
        %add3A_128 = arith.addf %broadcast_in_dim3A_103, %mul3A_127 : vector<16xf32>
        %mul3A_129 = arith.mulf %broadcast_in_dim3A_106, %unpack3A_126 : vector<16xf32>
        %add3A_130 = arith.addf %broadcast_in_dim3A_105, %mul3A_129 : vector<16xf32>
        %slice3A_131 = vector.extract_strided_slice %get3A_78 {offsets = [1], sizes = [1], strides = [1]} : vector<16xf32> to vector<1xf32>
        %squeeze3A_132 = vector.extract %slice3A_131[0] : f32 from vector<1xf32>
        %broadcast_in_dim3A_133 = vector.broadcast %squeeze3A_132 : f32 to vector<16xf32>
        %slice3A_134 = vector.extract_strided_slice %get3A_87 {offsets = [1], sizes = [1], strides = [1]} : vector<16xi32> to vector<1xi32>
        %squeeze3A_135 = vector.extract %slice3A_134[0] : i32 from vector<1xi32>
        %broadcast_in_dim3A_136 = vector.broadcast %squeeze3A_135 : i32 to vector<16xi32>
        %gather3A_137 = tpu.vector_load_idx %arg6[%broadcast_in_dim3A_136, %add3A_7] : memref<800x49xi32, #tpu.memory_space<vmem>>[vector<16xi32>, vector<16xi32>], vector<16xi32>,
        %bitcast3A_138 = vector.bitcast %gather3A_137 : vector<16xi32> to vector<32xbf16>
        %unpack3A_139 = tpu.unpack_subelements %bitcast3A_138, 0 {pack_format = #tpu.pack_format<interleaved>} : vector<32xbf16> -> vector<16xf32>
        %unpack3A_140 = tpu.unpack_subelements %bitcast3A_138, 1 {pack_format = #tpu.pack_format<interleaved>} : vector<32xbf16> -> vector<16xf32>
        %mul3A_141 = arith.mulf %broadcast_in_dim3A_133, %unpack3A_139 : vector<16xf32>
        %add3A_142 = arith.addf %add3A_112, %mul3A_141 : vector<16xf32>
        %mul3A_143 = arith.mulf %broadcast_in_dim3A_133, %unpack3A_140 : vector<16xf32>
        %add3A_144 = arith.addf %add3A_114, %mul3A_143 : vector<16xf32>
        %gather3A_145 = tpu.vector_load_idx %arg6[%broadcast_in_dim3A_136, %add3A_10] : memref<800x49xi32, #tpu.memory_space<vmem>>[vector<16xi32>, vector<16xi32>], vector<16xi32>,
        %bitcast3A_146 = vector.bitcast %gather3A_145 : vector<16xi32> to vector<32xbf16>
        %unpack3A_147 = tpu.unpack_subelements %bitcast3A_146, 0 {pack_format = #tpu.pack_format<interleaved>} : vector<32xbf16> -> vector<16xf32>
        %unpack3A_148 = tpu.unpack_subelements %bitcast3A_146, 1 {pack_format = #tpu.pack_format<interleaved>} : vector<32xbf16> -> vector<16xf32>
        %mul3A_149 = arith.mulf %broadcast_in_dim3A_133, %unpack3A_147 : vector<16xf32>
        %add3A_150 = arith.addf %add3A_120, %mul3A_149 : vector<16xf32>
        %mul3A_151 = arith.mulf %broadcast_in_dim3A_133, %unpack3A_148 : vector<16xf32>
        %add3A_152 = arith.addf %add3A_122, %mul3A_151 : vector<16xf32>
        %gather3A_153 = tpu.vector_load_idx %arg6[%broadcast_in_dim3A_136, %add3A_13] : memref<800x49xi32, #tpu.memory_space<vmem>>[vector<16xi32>, vector<16xi32>], vector<16xi32>,
        %bitcast3A_154 = vector.bitcast %gather3A_153 : vector<16xi32> to vector<32xbf16>
        %unpack3A_155 = tpu.unpack_subelements %bitcast3A_154, 0 {pack_format = #tpu.pack_format<interleaved>} : vector<32xbf16> -> vector<16xf32>
        %unpack3A_156 = tpu.unpack_subelements %bitcast3A_154, 1 {pack_format = #tpu.pack_format<interleaved>} : vector<32xbf16> -> vector<16xf32>
        %mul3A_157 = arith.mulf %broadcast_in_dim3A_133, %unpack3A_155 : vector<16xf32>
        %add3A_158 = arith.addf %add3A_128, %mul3A_157 : vector<16xf32>
        %mul3A_159 = arith.mulf %broadcast_in_dim3A_133, %unpack3A_156 : vector<16xf32>
        %add3A_160 = arith.addf %add3A_130, %mul3A_159 : vector<16xf32>
        %slice3A_161 = vector.extract_strided_slice %get3A_78 {offsets = [2], sizes = [1], strides = [1]} : vector<16xf32> to vector<1xf32>
        %squeeze3A_162 = vector.extract %slice3A_161[0] : f32 from vector<1xf32>
        %broadcast_in_dim3A_163 = vector.broadcast %squeeze3A_162 : f32 to vector<16xf32>
        %slice3A_164 = vector.extract_strided_slice %get3A_87 {offsets = [2], sizes = [1], strides = [1]} : vector<16xi32> to vector<1xi32>
        %squeeze3A_165 = vector.extract %slice3A_164[0] : i32 from vector<1xi32>
        %broadcast_in_dim3A_166 = vector.broadcast %squeeze3A_165 : i32 to vector<16xi32>
        %gather3A_167 = tpu.vector_load_idx %arg6[%broadcast_in_dim3A_166, %add3A_7] : memref<800x49xi32, #tpu.memory_space<vmem>>[vector<16xi32>, vector<16xi32>], vector<16xi32>,
        %bitcast3A_168 = vector.bitcast %gather3A_167 : vector<16xi32> to vector<32xbf16>
        %unpack3A_169 = tpu.unpack_subelements %bitcast3A_168, 0 {pack_format = #tpu.pack_format<interleaved>} : vector<32xbf16> -> vector<16xf32>
        %unpack3A_170 = tpu.unpack_subelements %bitcast3A_168, 1 {pack_format = #tpu.pack_format<interleaved>} : vector<32xbf16> -> vector<16xf32>
        %mul3A_171 = arith.mulf %broadcast_in_dim3A_163, %unpack3A_169 : vector<16xf32>
        %add3A_172 = arith.addf %add3A_142, %mul3A_171 : vector<16xf32>
        %mul3A_173 = arith.mulf %broadcast_in_dim3A_163, %unpack3A_170 : vector<16xf32>
        %add3A_174 = arith.addf %add3A_144, %mul3A_173 : vector<16xf32>
        %gather3A_175 = tpu.vector_load_idx %arg6[%broadcast_in_dim3A_166, %add3A_10] : memref<800x49xi32, #tpu.memory_space<vmem>>[vector<16xi32>, vector<16xi32>], vector<16xi32>,
        %bitcast3A_176 = vector.bitcast %gather3A_175 : vector<16xi32> to vector<32xbf16>
        %unpack3A_177 = tpu.unpack_subelements %bitcast3A_176, 0 {pack_format = #tpu.pack_format<interleaved>} : vector<32xbf16> -> vector<16xf32>
        %unpack3A_178 = tpu.unpack_subelements %bitcast3A_176, 1 {pack_format = #tpu.pack_format<interleaved>} : vector<32xbf16> -> vector<16xf32>
        %mul3A_179 = arith.mulf %broadcast_in_dim3A_163, %unpack3A_177 : vector<16xf32>
        %add3A_180 = arith.addf %add3A_150, %mul3A_179 : vector<16xf32>
        %mul3A_181 = arith.mulf %broadcast_in_dim3A_163, %unpack3A_178 : vector<16xf32>
        %add3A_182 = arith.addf %add3A_152, %mul3A_181 : vector<16xf32>
        %gather3A_183 = tpu.vector_load_idx %arg6[%broadcast_in_dim3A_166, %add3A_13] : memref<800x49xi32, #tpu.memory_space<vmem>>[vector<16xi32>, vector<16xi32>], vector<16xi32>,
        %bitcast3A_184 = vector.bitcast %gather3A_183 : vector<16xi32> to vector<32xbf16>
        %unpack3A_185 = tpu.unpack_subelements %bitcast3A_184, 0 {pack_format = #tpu.pack_format<interleaved>} : vector<32xbf16> -> vector<16xf32>
        %unpack3A_186 = tpu.unpack_subelements %bitcast3A_184, 1 {pack_format = #tpu.pack_format<interleaved>} : vector<32xbf16> -> vector<16xf32>
        %mul3A_187 = arith.mulf %broadcast_in_dim3A_163, %unpack3A_185 : vector<16xf32>
        %add3A_188 = arith.addf %add3A_158, %mul3A_187 : vector<16xf32>
        %mul3A_189 = arith.mulf %broadcast_in_dim3A_163, %unpack3A_186 : vector<16xf32>
        %add3A_190 = arith.addf %add3A_160, %mul3A_189 : vector<16xf32>
        %slice3A_191 = vector.extract_strided_slice %get3A_78 {offsets = [3], sizes = [1], strides = [1]} : vector<16xf32> to vector<1xf32>
        %squeeze3A_192 = vector.extract %slice3A_191[0] : f32 from vector<1xf32>
        %broadcast_in_dim3A_193 = vector.broadcast %squeeze3A_192 : f32 to vector<16xf32>
        %slice3A_194 = vector.extract_strided_slice %get3A_87 {offsets = [3], sizes = [1], strides = [1]} : vector<16xi32> to vector<1xi32>
        %squeeze3A_195 = vector.extract %slice3A_194[0] : i32 from vector<1xi32>
        %broadcast_in_dim3A_196 = vector.broadcast %squeeze3A_195 : i32 to vector<16xi32>
        %gather3A_197 = tpu.vector_load_idx %arg6[%broadcast_in_dim3A_196, %add3A_7] : memref<800x49xi32, #tpu.memory_space<vmem>>[vector<16xi32>, vector<16xi32>], vector<16xi32>,
        %bitcast3A_198 = vector.bitcast %gather3A_197 : vector<16xi32> to vector<32xbf16>
        %unpack3A_199 = tpu.unpack_subelements %bitcast3A_198, 0 {pack_format = #tpu.pack_format<interleaved>} : vector<32xbf16> -> vector<16xf32>
        %unpack3A_200 = tpu.unpack_subelements %bitcast3A_198, 1 {pack_format = #tpu.pack_format<interleaved>} : vector<32xbf16> -> vector<16xf32>
        %mul3A_201 = arith.mulf %broadcast_in_dim3A_193, %unpack3A_199 : vector<16xf32>
        %add3A_202 = arith.addf %add3A_172, %mul3A_201 : vector<16xf32>
        %mul3A_203 = arith.mulf %broadcast_in_dim3A_193, %unpack3A_200 : vector<16xf32>
        %add3A_204 = arith.addf %add3A_174, %mul3A_203 : vector<16xf32>
        %gather3A_205 = tpu.vector_load_idx %arg6[%broadcast_in_dim3A_196, %add3A_10] : memref<800x49xi32, #tpu.memory_space<vmem>>[vector<16xi32>, vector<16xi32>], vector<16xi32>,
        %bitcast3A_206 = vector.bitcast %gather3A_205 : vector<16xi32> to vector<32xbf16>
        %unpack3A_207 = tpu.unpack_subelements %bitcast3A_206, 0 {pack_format = #tpu.pack_format<interleaved>} : vector<32xbf16> -> vector<16xf32>
        %unpack3A_208 = tpu.unpack_subelements %bitcast3A_206, 1 {pack_format = #tpu.pack_format<interleaved>} : vector<32xbf16> -> vector<16xf32>
        %mul3A_209 = arith.mulf %broadcast_in_dim3A_193, %unpack3A_207 : vector<16xf32>
        %add3A_210 = arith.addf %add3A_180, %mul3A_209 : vector<16xf32>
        %mul3A_211 = arith.mulf %broadcast_in_dim3A_193, %unpack3A_208 : vector<16xf32>
        %add3A_212 = arith.addf %add3A_182, %mul3A_211 : vector<16xf32>
        %gather3A_213 = tpu.vector_load_idx %arg6[%broadcast_in_dim3A_196, %add3A_13] : memref<800x49xi32, #tpu.memory_space<vmem>>[vector<16xi32>, vector<16xi32>], vector<16xi32>,
        %bitcast3A_214 = vector.bitcast %gather3A_213 : vector<16xi32> to vector<32xbf16>
        %unpack3A_215 = tpu.unpack_subelements %bitcast3A_214, 0 {pack_format = #tpu.pack_format<interleaved>} : vector<32xbf16> -> vector<16xf32>
        %unpack3A_216 = tpu.unpack_subelements %bitcast3A_214, 1 {pack_format = #tpu.pack_format<interleaved>} : vector<32xbf16> -> vector<16xf32>
        %mul3A_217 = arith.mulf %broadcast_in_dim3A_193, %unpack3A_215 : vector<16xf32>
        %add3A_218 = arith.addf %add3A_188, %mul3A_217 : vector<16xf32>
        %mul3A_219 = arith.mulf %broadcast_in_dim3A_193, %unpack3A_216 : vector<16xf32>
        %add3A_220 = arith.addf %add3A_190, %mul3A_219 : vector<16xf32>
        %slice3A_221 = vector.extract_strided_slice %get3A_78 {offsets = [4], sizes = [1], strides = [1]} : vector<16xf32> to vector<1xf32>
        %squeeze3A_222 = vector.extract %slice3A_221[0] : f32 from vector<1xf32>
        %broadcast_in_dim3A_223 = vector.broadcast %squeeze3A_222 : f32 to vector<16xf32>
        %slice3A_224 = vector.extract_strided_slice %get3A_87 {offsets = [4], sizes = [1], strides = [1]} : vector<16xi32> to vector<1xi32>
        %squeeze3A_225 = vector.extract %slice3A_224[0] : i32 from vector<1xi32>
        %broadcast_in_dim3A_226 = vector.broadcast %squeeze3A_225 : i32 to vector<16xi32>
        %gather3A_227 = tpu.vector_load_idx %arg6[%broadcast_in_dim3A_226, %add3A_7] : memref<800x49xi32, #tpu.memory_space<vmem>>[vector<16xi32>, vector<16xi32>], vector<16xi32>,
        %bitcast3A_228 = vector.bitcast %gather3A_227 : vector<16xi32> to vector<32xbf16>
        %unpack3A_229 = tpu.unpack_subelements %bitcast3A_228, 0 {pack_format = #tpu.pack_format<interleaved>} : vector<32xbf16> -> vector<16xf32>
        %unpack3A_230 = tpu.unpack_subelements %bitcast3A_228, 1 {pack_format = #tpu.pack_format<interleaved>} : vector<32xbf16> -> vector<16xf32>
        %mul3A_231 = arith.mulf %broadcast_in_dim3A_223, %unpack3A_229 : vector<16xf32>
        %add3A_232 = arith.addf %add3A_202, %mul3A_231 : vector<16xf32>
        %mul3A_233 = arith.mulf %broadcast_in_dim3A_223, %unpack3A_230 : vector<16xf32>
        %add3A_234 = arith.addf %add3A_204, %mul3A_233 : vector<16xf32>
        %gather3A_235 = tpu.vector_load_idx %arg6[%broadcast_in_dim3A_226, %add3A_10] : memref<800x49xi32, #tpu.memory_space<vmem>>[vector<16xi32>, vector<16xi32>], vector<16xi32>,
        %bitcast3A_236 = vector.bitcast %gather3A_235 : vector<16xi32> to vector<32xbf16>
        %unpack3A_237 = tpu.unpack_subelements %bitcast3A_236, 0 {pack_format = #tpu.pack_format<interleaved>} : vector<32xbf16> -> vector<16xf32>
        %unpack3A_238 = tpu.unpack_subelements %bitcast3A_236, 1 {pack_format = #tpu.pack_format<interleaved>} : vector<32xbf16> -> vector<16xf32>
        %mul3A_239 = arith.mulf %broadcast_in_dim3A_223, %unpack3A_237 : vector<16xf32>
        %add3A_240 = arith.addf %add3A_210, %mul3A_239 : vector<16xf32>
        %mul3A_241 = arith.mulf %broadcast_in_dim3A_223, %unpack3A_238 : vector<16xf32>
        %add3A_242 = arith.addf %add3A_212, %mul3A_241 : vector<16xf32>
        %gather3A_243 = tpu.vector_load_idx %arg6[%broadcast_in_dim3A_226, %add3A_13] : memref<800x49xi32, #tpu.memory_space<vmem>>[vector<16xi32>, vector<16xi32>], vector<16xi32>,
        %bitcast3A_244 = vector.bitcast %gather3A_243 : vector<16xi32> to vector<32xbf16>
        %unpack3A_245 = tpu.unpack_subelements %bitcast3A_244, 0 {pack_format = #tpu.pack_format<interleaved>} : vector<32xbf16> -> vector<16xf32>
        %unpack3A_246 = tpu.unpack_subelements %bitcast3A_244, 1 {pack_format = #tpu.pack_format<interleaved>} : vector<32xbf16> -> vector<16xf32>
        %mul3A_247 = arith.mulf %broadcast_in_dim3A_223, %unpack3A_245 : vector<16xf32>
        %add3A_248 = arith.addf %add3A_218, %mul3A_247 : vector<16xf32>
        %mul3A_249 = arith.mulf %broadcast_in_dim3A_223, %unpack3A_246 : vector<16xf32>
        %add3A_250 = arith.addf %add3A_220, %mul3A_249 : vector<16xf32>
        %slice3A_251 = vector.extract_strided_slice %get3A_78 {offsets = [5], sizes = [1], strides = [1]} : vector<16xf32> to vector<1xf32>
        %squeeze3A_252 = vector.extract %slice3A_251[0] : f32 from vector<1xf32>
        %broadcast_in_dim3A_253 = vector.broadcast %squeeze3A_252 : f32 to vector<16xf32>
        %slice3A_254 = vector.extract_strided_slice %get3A_87 {offsets = [5], sizes = [1], strides = [1]} : vector<16xi32> to vector<1xi32>
        %squeeze3A_255 = vector.extract %slice3A_254[0] : i32 from vector<1xi32>
        %broadcast_in_dim3A_256 = vector.broadcast %squeeze3A_255 : i32 to vector<16xi32>
        %gather3A_257 = tpu.vector_load_idx %arg6[%broadcast_in_dim3A_256, %add3A_7] : memref<800x49xi32, #tpu.memory_space<vmem>>[vector<16xi32>, vector<16xi32>], vector<16xi32>,
        %bitcast3A_258 = vector.bitcast %gather3A_257 : vector<16xi32> to vector<32xbf16>
        %unpack3A_259 = tpu.unpack_subelements %bitcast3A_258, 0 {pack_format = #tpu.pack_format<interleaved>} : vector<32xbf16> -> vector<16xf32>
        %unpack3A_260 = tpu.unpack_subelements %bitcast3A_258, 1 {pack_format = #tpu.pack_format<interleaved>} : vector<32xbf16> -> vector<16xf32>
        %mul3A_261 = arith.mulf %broadcast_in_dim3A_253, %unpack3A_259 : vector<16xf32>
        %add3A_262 = arith.addf %add3A_232, %mul3A_261 : vector<16xf32>
        %mul3A_263 = arith.mulf %broadcast_in_dim3A_253, %unpack3A_260 : vector<16xf32>
        %add3A_264 = arith.addf %add3A_234, %mul3A_263 : vector<16xf32>
        %gather3A_265 = tpu.vector_load_idx %arg6[%broadcast_in_dim3A_256, %add3A_10] : memref<800x49xi32, #tpu.memory_space<vmem>>[vector<16xi32>, vector<16xi32>], vector<16xi32>,
        %bitcast3A_266 = vector.bitcast %gather3A_265 : vector<16xi32> to vector<32xbf16>
        %unpack3A_267 = tpu.unpack_subelements %bitcast3A_266, 0 {pack_format = #tpu.pack_format<interleaved>} : vector<32xbf16> -> vector<16xf32>
        %unpack3A_268 = tpu.unpack_subelements %bitcast3A_266, 1 {pack_format = #tpu.pack_format<interleaved>} : vector<32xbf16> -> vector<16xf32>
        %mul3A_269 = arith.mulf %broadcast_in_dim3A_253, %unpack3A_267 : vector<16xf32>
        %add3A_270 = arith.addf %add3A_240, %mul3A_269 : vector<16xf32>
        %mul3A_271 = arith.mulf %broadcast_in_dim3A_253, %unpack3A_268 : vector<16xf32>
        %add3A_272 = arith.addf %add3A_242, %mul3A_271 : vector<16xf32>
        %gather3A_273 = tpu.vector_load_idx %arg6[%broadcast_in_dim3A_256, %add3A_13] : memref<800x49xi32, #tpu.memory_space<vmem>>[vector<16xi32>, vector<16xi32>], vector<16xi32>,
        %bitcast3A_274 = vector.bitcast %gather3A_273 : vector<16xi32> to vector<32xbf16>
        %unpack3A_275 = tpu.unpack_subelements %bitcast3A_274, 0 {pack_format = #tpu.pack_format<interleaved>} : vector<32xbf16> -> vector<16xf32>
        %unpack3A_276 = tpu.unpack_subelements %bitcast3A_274, 1 {pack_format = #tpu.pack_format<interleaved>} : vector<32xbf16> -> vector<16xf32>
        %mul3A_277 = arith.mulf %broadcast_in_dim3A_253, %unpack3A_275 : vector<16xf32>
        %add3A_278 = arith.addf %add3A_248, %mul3A_277 : vector<16xf32>
        %mul3A_279 = arith.mulf %broadcast_in_dim3A_253, %unpack3A_276 : vector<16xf32>
        %add3A_280 = arith.addf %add3A_250, %mul3A_279 : vector<16xf32>
        %slice3A_281 = vector.extract_strided_slice %get3A_78 {offsets = [6], sizes = [1], strides = [1]} : vector<16xf32> to vector<1xf32>
        %squeeze3A_282 = vector.extract %slice3A_281[0] : f32 from vector<1xf32>
        %broadcast_in_dim3A_283 = vector.broadcast %squeeze3A_282 : f32 to vector<16xf32>
        %slice3A_284 = vector.extract_strided_slice %get3A_87 {offsets = [6], sizes = [1], strides = [1]} : vector<16xi32> to vector<1xi32>
        %squeeze3A_285 = vector.extract %slice3A_284[0] : i32 from vector<1xi32>
        %broadcast_in_dim3A_286 = vector.broadcast %squeeze3A_285 : i32 to vector<16xi32>
        %gather3A_287 = tpu.vector_load_idx %arg6[%broadcast_in_dim3A_286, %add3A_7] : memref<800x49xi32, #tpu.memory_space<vmem>>[vector<16xi32>, vector<16xi32>], vector<16xi32>,
        %bitcast3A_288 = vector.bitcast %gather3A_287 : vector<16xi32> to vector<32xbf16>
        %unpack3A_289 = tpu.unpack_subelements %bitcast3A_288, 0 {pack_format = #tpu.pack_format<interleaved>} : vector<32xbf16> -> vector<16xf32>
        %unpack3A_290 = tpu.unpack_subelements %bitcast3A_288, 1 {pack_format = #tpu.pack_format<interleaved>} : vector<32xbf16> -> vector<16xf32>
        %mul3A_291 = arith.mulf %broadcast_in_dim3A_283, %unpack3A_289 : vector<16xf32>
        %add3A_292 = arith.addf %add3A_262, %mul3A_291 : vector<16xf32>
        %mul3A_293 = arith.mulf %broadcast_in_dim3A_283, %unpack3A_290 : vector<16xf32>
        %add3A_294 = arith.addf %add3A_264, %mul3A_293 : vector<16xf32>
        %gather3A_295 = tpu.vector_load_idx %arg6[%broadcast_in_dim3A_286, %add3A_10] : memref<800x49xi32, #tpu.memory_space<vmem>>[vector<16xi32>, vector<16xi32>], vector<16xi32>,
        %bitcast3A_296 = vector.bitcast %gather3A_295 : vector<16xi32> to vector<32xbf16>
        %unpack3A_297 = tpu.unpack_subelements %bitcast3A_296, 0 {pack_format = #tpu.pack_format<interleaved>} : vector<32xbf16> -> vector<16xf32>
        %unpack3A_298 = tpu.unpack_subelements %bitcast3A_296, 1 {pack_format = #tpu.pack_format<interleaved>} : vector<32xbf16> -> vector<16xf32>
        %mul3A_299 = arith.mulf %broadcast_in_dim3A_283, %unpack3A_297 : vector<16xf32>
        %add3A_300 = arith.addf %add3A_270, %mul3A_299 : vector<16xf32>
        %mul3A_301 = arith.mulf %broadcast_in_dim3A_283, %unpack3A_298 : vector<16xf32>
        %add3A_302 = arith.addf %add3A_272, %mul3A_301 : vector<16xf32>
        %gather3A_303 = tpu.vector_load_idx %arg6[%broadcast_in_dim3A_286, %add3A_13] : memref<800x49xi32, #tpu.memory_space<vmem>>[vector<16xi32>, vector<16xi32>], vector<16xi32>,
        %bitcast3A_304 = vector.bitcast %gather3A_303 : vector<16xi32> to vector<32xbf16>
        %unpack3A_305 = tpu.unpack_subelements %bitcast3A_304, 0 {pack_format = #tpu.pack_format<interleaved>} : vector<32xbf16> -> vector<16xf32>
        %unpack3A_306 = tpu.unpack_subelements %bitcast3A_304, 1 {pack_format = #tpu.pack_format<interleaved>} : vector<32xbf16> -> vector<16xf32>
        %mul3A_307 = arith.mulf %broadcast_in_dim3A_283, %unpack3A_305 : vector<16xf32>
        %add3A_308 = arith.addf %add3A_278, %mul3A_307 : vector<16xf32>
        %mul3A_309 = arith.mulf %broadcast_in_dim3A_283, %unpack3A_306 : vector<16xf32>
        %add3A_310 = arith.addf %add3A_280, %mul3A_309 : vector<16xf32>
        %slice3A_311 = vector.extract_strided_slice %get3A_78 {offsets = [7], sizes = [1], strides = [1]} : vector<16xf32> to vector<1xf32>
        %squeeze3A_312 = vector.extract %slice3A_311[0] : f32 from vector<1xf32>
        %broadcast_in_dim3A_313 = vector.broadcast %squeeze3A_312 : f32 to vector<16xf32>
        %slice3A_314 = vector.extract_strided_slice %get3A_87 {offsets = [7], sizes = [1], strides = [1]} : vector<16xi32> to vector<1xi32>
        %squeeze3A_315 = vector.extract %slice3A_314[0] : i32 from vector<1xi32>
        %broadcast_in_dim3A_316 = vector.broadcast %squeeze3A_315 : i32 to vector<16xi32>
        %gather3A_317 = tpu.vector_load_idx %arg6[%broadcast_in_dim3A_316, %add3A_7] : memref<800x49xi32, #tpu.memory_space<vmem>>[vector<16xi32>, vector<16xi32>], vector<16xi32>,
        %bitcast3A_318 = vector.bitcast %gather3A_317 : vector<16xi32> to vector<32xbf16>
        %unpack3A_319 = tpu.unpack_subelements %bitcast3A_318, 0 {pack_format = #tpu.pack_format<interleaved>} : vector<32xbf16> -> vector<16xf32>
        %unpack3A_320 = tpu.unpack_subelements %bitcast3A_318, 1 {pack_format = #tpu.pack_format<interleaved>} : vector<32xbf16> -> vector<16xf32>
        %mul3A_321 = arith.mulf %broadcast_in_dim3A_313, %unpack3A_319 : vector<16xf32>
        %add3A_322 = arith.addf %add3A_292, %mul3A_321 : vector<16xf32>
        %mul3A_323 = arith.mulf %broadcast_in_dim3A_313, %unpack3A_320 : vector<16xf32>
        %add3A_324 = arith.addf %add3A_294, %mul3A_323 : vector<16xf32>
        %gather3A_325 = tpu.vector_load_idx %arg6[%broadcast_in_dim3A_316, %add3A_10] : memref<800x49xi32, #tpu.memory_space<vmem>>[vector<16xi32>, vector<16xi32>], vector<16xi32>,
        %bitcast3A_326 = vector.bitcast %gather3A_325 : vector<16xi32> to vector<32xbf16>
        %unpack3A_327 = tpu.unpack_subelements %bitcast3A_326, 0 {pack_format = #tpu.pack_format<interleaved>} : vector<32xbf16> -> vector<16xf32>
        %unpack3A_328 = tpu.unpack_subelements %bitcast3A_326, 1 {pack_format = #tpu.pack_format<interleaved>} : vector<32xbf16> -> vector<16xf32>
        %mul3A_329 = arith.mulf %broadcast_in_dim3A_313, %unpack3A_327 : vector<16xf32>
        %add3A_330 = arith.addf %add3A_300, %mul3A_329 : vector<16xf32>
        %mul3A_331 = arith.mulf %broadcast_in_dim3A_313, %unpack3A_328 : vector<16xf32>
        %add3A_332 = arith.addf %add3A_302, %mul3A_331 : vector<16xf32>
        %gather3A_333 = tpu.vector_load_idx %arg6[%broadcast_in_dim3A_316, %add3A_13] : memref<800x49xi32, #tpu.memory_space<vmem>>[vector<16xi32>, vector<16xi32>], vector<16xi32>,
        %bitcast3A_334 = vector.bitcast %gather3A_333 : vector<16xi32> to vector<32xbf16>
        %unpack3A_335 = tpu.unpack_subelements %bitcast3A_334, 0 {pack_format = #tpu.pack_format<interleaved>} : vector<32xbf16> -> vector<16xf32>
        %unpack3A_336 = tpu.unpack_subelements %bitcast3A_334, 1 {pack_format = #tpu.pack_format<interleaved>} : vector<32xbf16> -> vector<16xf32>
        %mul3A_337 = arith.mulf %broadcast_in_dim3A_313, %unpack3A_335 : vector<16xf32>
        %add3A_338 = arith.addf %add3A_308, %mul3A_337 : vector<16xf32>
        %mul3A_339 = arith.mulf %broadcast_in_dim3A_313, %unpack3A_336 : vector<16xf32>
        %add3A_340 = arith.addf %add3A_310, %mul3A_339 : vector<16xf32>
        %slice3A_341 = vector.extract_strided_slice %get3A_78 {offsets = [8], sizes = [1], strides = [1]} : vector<16xf32> to vector<1xf32>
        %squeeze3A_342 = vector.extract %slice3A_341[0] : f32 from vector<1xf32>
        %broadcast_in_dim3A_343 = vector.broadcast %squeeze3A_342 : f32 to vector<16xf32>
        %slice3A_344 = vector.extract_strided_slice %get3A_87 {offsets = [8], sizes = [1], strides = [1]} : vector<16xi32> to vector<1xi32>
        %squeeze3A_345 = vector.extract %slice3A_344[0] : i32 from vector<1xi32>
        %broadcast_in_dim3A_346 = vector.broadcast %squeeze3A_345 : i32 to vector<16xi32>
        %gather3A_347 = tpu.vector_load_idx %arg6[%broadcast_in_dim3A_346, %add3A_7] : memref<800x49xi32, #tpu.memory_space<vmem>>[vector<16xi32>, vector<16xi32>], vector<16xi32>,
        %bitcast3A_348 = vector.bitcast %gather3A_347 : vector<16xi32> to vector<32xbf16>
        %unpack3A_349 = tpu.unpack_subelements %bitcast3A_348, 0 {pack_format = #tpu.pack_format<interleaved>} : vector<32xbf16> -> vector<16xf32>
        %unpack3A_350 = tpu.unpack_subelements %bitcast3A_348, 1 {pack_format = #tpu.pack_format<interleaved>} : vector<32xbf16> -> vector<16xf32>
        %mul3A_351 = arith.mulf %broadcast_in_dim3A_343, %unpack3A_349 : vector<16xf32>
        %add3A_352 = arith.addf %add3A_322, %mul3A_351 : vector<16xf32>
        %mul3A_353 = arith.mulf %broadcast_in_dim3A_343, %unpack3A_350 : vector<16xf32>
        %add3A_354 = arith.addf %add3A_324, %mul3A_353 : vector<16xf32>
        %gather3A_355 = tpu.vector_load_idx %arg6[%broadcast_in_dim3A_346, %add3A_10] : memref<800x49xi32, #tpu.memory_space<vmem>>[vector<16xi32>, vector<16xi32>], vector<16xi32>,
        %bitcast3A_356 = vector.bitcast %gather3A_355 : vector<16xi32> to vector<32xbf16>
        %unpack3A_357 = tpu.unpack_subelements %bitcast3A_356, 0 {pack_format = #tpu.pack_format<interleaved>} : vector<32xbf16> -> vector<16xf32>
        %unpack3A_358 = tpu.unpack_subelements %bitcast3A_356, 1 {pack_format = #tpu.pack_format<interleaved>} : vector<32xbf16> -> vector<16xf32>
        %mul3A_359 = arith.mulf %broadcast_in_dim3A_343, %unpack3A_357 : vector<16xf32>
        %add3A_360 = arith.addf %add3A_330, %mul3A_359 : vector<16xf32>
        %mul3A_361 = arith.mulf %broadcast_in_dim3A_343, %unpack3A_358 : vector<16xf32>
        %add3A_362 = arith.addf %add3A_332, %mul3A_361 : vector<16xf32>
        %gather3A_363 = tpu.vector_load_idx %arg6[%broadcast_in_dim3A_346, %add3A_13] : memref<800x49xi32, #tpu.memory_space<vmem>>[vector<16xi32>, vector<16xi32>], vector<16xi32>,
        %bitcast3A_364 = vector.bitcast %gather3A_363 : vector<16xi32> to vector<32xbf16>
        %unpack3A_365 = tpu.unpack_subelements %bitcast3A_364, 0 {pack_format = #tpu.pack_format<interleaved>} : vector<32xbf16> -> vector<16xf32>
        %unpack3A_366 = tpu.unpack_subelements %bitcast3A_364, 1 {pack_format = #tpu.pack_format<interleaved>} : vector<32xbf16> -> vector<16xf32>
        %mul3A_367 = arith.mulf %broadcast_in_dim3A_343, %unpack3A_365 : vector<16xf32>
        %add3A_368 = arith.addf %add3A_338, %mul3A_367 : vector<16xf32>
        %mul3A_369 = arith.mulf %broadcast_in_dim3A_343, %unpack3A_366 : vector<16xf32>
        %add3A_370 = arith.addf %add3A_340, %mul3A_369 : vector<16xf32>
        %slice3A_371 = vector.extract_strided_slice %get3A_78 {offsets = [9], sizes = [1], strides = [1]} : vector<16xf32> to vector<1xf32>
        %squeeze3A_372 = vector.extract %slice3A_371[0] : f32 from vector<1xf32>
        %broadcast_in_dim3A_373 = vector.broadcast %squeeze3A_372 : f32 to vector<16xf32>
        %slice3A_374 = vector.extract_strided_slice %get3A_87 {offsets = [9], sizes = [1], strides = [1]} : vector<16xi32> to vector<1xi32>
        %squeeze3A_375 = vector.extract %slice3A_374[0] : i32 from vector<1xi32>
        %broadcast_in_dim3A_376 = vector.broadcast %squeeze3A_375 : i32 to vector<16xi32>
        %gather3A_377 = tpu.vector_load_idx %arg6[%broadcast_in_dim3A_376, %add3A_7] : memref<800x49xi32, #tpu.memory_space<vmem>>[vector<16xi32>, vector<16xi32>], vector<16xi32>,
        %bitcast3A_378 = vector.bitcast %gather3A_377 : vector<16xi32> to vector<32xbf16>
        %unpack3A_379 = tpu.unpack_subelements %bitcast3A_378, 0 {pack_format = #tpu.pack_format<interleaved>} : vector<32xbf16> -> vector<16xf32>
        %unpack3A_380 = tpu.unpack_subelements %bitcast3A_378, 1 {pack_format = #tpu.pack_format<interleaved>} : vector<32xbf16> -> vector<16xf32>
        %mul3A_381 = arith.mulf %broadcast_in_dim3A_373, %unpack3A_379 : vector<16xf32>
        %add3A_382 = arith.addf %add3A_352, %mul3A_381 : vector<16xf32>
        %mul3A_383 = arith.mulf %broadcast_in_dim3A_373, %unpack3A_380 : vector<16xf32>
        %add3A_384 = arith.addf %add3A_354, %mul3A_383 : vector<16xf32>
        %gather3A_385 = tpu.vector_load_idx %arg6[%broadcast_in_dim3A_376, %add3A_10] : memref<800x49xi32, #tpu.memory_space<vmem>>[vector<16xi32>, vector<16xi32>], vector<16xi32>,
        %bitcast3A_386 = vector.bitcast %gather3A_385 : vector<16xi32> to vector<32xbf16>
        %unpack3A_387 = tpu.unpack_subelements %bitcast3A_386, 0 {pack_format = #tpu.pack_format<interleaved>} : vector<32xbf16> -> vector<16xf32>
        %unpack3A_388 = tpu.unpack_subelements %bitcast3A_386, 1 {pack_format = #tpu.pack_format<interleaved>} : vector<32xbf16> -> vector<16xf32>
        %mul3A_389 = arith.mulf %broadcast_in_dim3A_373, %unpack3A_387 : vector<16xf32>
        %add3A_390 = arith.addf %add3A_360, %mul3A_389 : vector<16xf32>
        %mul3A_391 = arith.mulf %broadcast_in_dim3A_373, %unpack3A_388 : vector<16xf32>
        %add3A_392 = arith.addf %add3A_362, %mul3A_391 : vector<16xf32>
        %gather3A_393 = tpu.vector_load_idx %arg6[%broadcast_in_dim3A_376, %add3A_13] : memref<800x49xi32, #tpu.memory_space<vmem>>[vector<16xi32>, vector<16xi32>], vector<16xi32>,
        %bitcast3A_394 = vector.bitcast %gather3A_393 : vector<16xi32> to vector<32xbf16>
        %unpack3A_395 = tpu.unpack_subelements %bitcast3A_394, 0 {pack_format = #tpu.pack_format<interleaved>} : vector<32xbf16> -> vector<16xf32>
        %unpack3A_396 = tpu.unpack_subelements %bitcast3A_394, 1 {pack_format = #tpu.pack_format<interleaved>} : vector<32xbf16> -> vector<16xf32>
        %mul3A_397 = arith.mulf %broadcast_in_dim3A_373, %unpack3A_395 : vector<16xf32>
        %add3A_398 = arith.addf %add3A_368, %mul3A_397 : vector<16xf32>
        %mul3A_399 = arith.mulf %broadcast_in_dim3A_373, %unpack3A_396 : vector<16xf32>
        %add3A_400 = arith.addf %add3A_370, %mul3A_399 : vector<16xf32>
        %slice3A_401 = vector.extract_strided_slice %get3A_78 {offsets = [10], sizes = [1], strides = [1]} : vector<16xf32> to vector<1xf32>
        %squeeze3A_402 = vector.extract %slice3A_401[0] : f32 from vector<1xf32>
        %broadcast_in_dim3A_403 = vector.broadcast %squeeze3A_402 : f32 to vector<16xf32>
        %slice3A_404 = vector.extract_strided_slice %get3A_87 {offsets = [10], sizes = [1], strides = [1]} : vector<16xi32> to vector<1xi32>
        %squeeze3A_405 = vector.extract %slice3A_404[0] : i32 from vector<1xi32>
        %broadcast_in_dim3A_406 = vector.broadcast %squeeze3A_405 : i32 to vector<16xi32>
        %gather3A_407 = tpu.vector_load_idx %arg6[%broadcast_in_dim3A_406, %add3A_7] : memref<800x49xi32, #tpu.memory_space<vmem>>[vector<16xi32>, vector<16xi32>], vector<16xi32>,
        %bitcast3A_408 = vector.bitcast %gather3A_407 : vector<16xi32> to vector<32xbf16>
        %unpack3A_409 = tpu.unpack_subelements %bitcast3A_408, 0 {pack_format = #tpu.pack_format<interleaved>} : vector<32xbf16> -> vector<16xf32>
        %unpack3A_410 = tpu.unpack_subelements %bitcast3A_408, 1 {pack_format = #tpu.pack_format<interleaved>} : vector<32xbf16> -> vector<16xf32>
        %mul3A_411 = arith.mulf %broadcast_in_dim3A_403, %unpack3A_409 : vector<16xf32>
        %add3A_412 = arith.addf %add3A_382, %mul3A_411 : vector<16xf32>
        %mul3A_413 = arith.mulf %broadcast_in_dim3A_403, %unpack3A_410 : vector<16xf32>
        %add3A_414 = arith.addf %add3A_384, %mul3A_413 : vector<16xf32>
        %gather3A_415 = tpu.vector_load_idx %arg6[%broadcast_in_dim3A_406, %add3A_10] : memref<800x49xi32, #tpu.memory_space<vmem>>[vector<16xi32>, vector<16xi32>], vector<16xi32>,
        %bitcast3A_416 = vector.bitcast %gather3A_415 : vector<16xi32> to vector<32xbf16>
        %unpack3A_417 = tpu.unpack_subelements %bitcast3A_416, 0 {pack_format = #tpu.pack_format<interleaved>} : vector<32xbf16> -> vector<16xf32>
        %unpack3A_418 = tpu.unpack_subelements %bitcast3A_416, 1 {pack_format = #tpu.pack_format<interleaved>} : vector<32xbf16> -> vector<16xf32>
        %mul3A_419 = arith.mulf %broadcast_in_dim3A_403, %unpack3A_417 : vector<16xf32>
        %add3A_420 = arith.addf %add3A_390, %mul3A_419 : vector<16xf32>
        %mul3A_421 = arith.mulf %broadcast_in_dim3A_403, %unpack3A_418 : vector<16xf32>
        %add3A_422 = arith.addf %add3A_392, %mul3A_421 : vector<16xf32>
        %gather3A_423 = tpu.vector_load_idx %arg6[%broadcast_in_dim3A_406, %add3A_13] : memref<800x49xi32, #tpu.memory_space<vmem>>[vector<16xi32>, vector<16xi32>], vector<16xi32>,
        %bitcast3A_424 = vector.bitcast %gather3A_423 : vector<16xi32> to vector<32xbf16>
        %unpack3A_425 = tpu.unpack_subelements %bitcast3A_424, 0 {pack_format = #tpu.pack_format<interleaved>} : vector<32xbf16> -> vector<16xf32>
        %unpack3A_426 = tpu.unpack_subelements %bitcast3A_424, 1 {pack_format = #tpu.pack_format<interleaved>} : vector<32xbf16> -> vector<16xf32>
        %mul3A_427 = arith.mulf %broadcast_in_dim3A_403, %unpack3A_425 : vector<16xf32>
        %add3A_428 = arith.addf %add3A_398, %mul3A_427 : vector<16xf32>
        %mul3A_429 = arith.mulf %broadcast_in_dim3A_403, %unpack3A_426 : vector<16xf32>
        %add3A_430 = arith.addf %add3A_400, %mul3A_429 : vector<16xf32>
        %slice3A_431 = vector.extract_strided_slice %get3A_78 {offsets = [11], sizes = [1], strides = [1]} : vector<16xf32> to vector<1xf32>
        %squeeze3A_432 = vector.extract %slice3A_431[0] : f32 from vector<1xf32>
        %broadcast_in_dim3A_433 = vector.broadcast %squeeze3A_432 : f32 to vector<16xf32>
        %slice3A_434 = vector.extract_strided_slice %get3A_87 {offsets = [11], sizes = [1], strides = [1]} : vector<16xi32> to vector<1xi32>
        %squeeze3A_435 = vector.extract %slice3A_434[0] : i32 from vector<1xi32>
        %broadcast_in_dim3A_436 = vector.broadcast %squeeze3A_435 : i32 to vector<16xi32>
        %gather3A_437 = tpu.vector_load_idx %arg6[%broadcast_in_dim3A_436, %add3A_7] : memref<800x49xi32, #tpu.memory_space<vmem>>[vector<16xi32>, vector<16xi32>], vector<16xi32>,
        %bitcast3A_438 = vector.bitcast %gather3A_437 : vector<16xi32> to vector<32xbf16>
        %unpack3A_439 = tpu.unpack_subelements %bitcast3A_438, 0 {pack_format = #tpu.pack_format<interleaved>} : vector<32xbf16> -> vector<16xf32>
        %unpack3A_440 = tpu.unpack_subelements %bitcast3A_438, 1 {pack_format = #tpu.pack_format<interleaved>} : vector<32xbf16> -> vector<16xf32>
        %mul3A_441 = arith.mulf %broadcast_in_dim3A_433, %unpack3A_439 : vector<16xf32>
        %add3A_442 = arith.addf %add3A_412, %mul3A_441 : vector<16xf32>
        %mul3A_443 = arith.mulf %broadcast_in_dim3A_433, %unpack3A_440 : vector<16xf32>
        %add3A_444 = arith.addf %add3A_414, %mul3A_443 : vector<16xf32>
        %gather3A_445 = tpu.vector_load_idx %arg6[%broadcast_in_dim3A_436, %add3A_10] : memref<800x49xi32, #tpu.memory_space<vmem>>[vector<16xi32>, vector<16xi32>], vector<16xi32>,
        %bitcast3A_446 = vector.bitcast %gather3A_445 : vector<16xi32> to vector<32xbf16>
        %unpack3A_447 = tpu.unpack_subelements %bitcast3A_446, 0 {pack_format = #tpu.pack_format<interleaved>} : vector<32xbf16> -> vector<16xf32>
        %unpack3A_448 = tpu.unpack_subelements %bitcast3A_446, 1 {pack_format = #tpu.pack_format<interleaved>} : vector<32xbf16> -> vector<16xf32>
        %mul3A_449 = arith.mulf %broadcast_in_dim3A_433, %unpack3A_447 : vector<16xf32>
        %add3A_450 = arith.addf %add3A_420, %mul3A_449 : vector<16xf32>
        %mul3A_451 = arith.mulf %broadcast_in_dim3A_433, %unpack3A_448 : vector<16xf32>
        %add3A_452 = arith.addf %add3A_422, %mul3A_451 : vector<16xf32>
        %gather3A_453 = tpu.vector_load_idx %arg6[%broadcast_in_dim3A_436, %add3A_13] : memref<800x49xi32, #tpu.memory_space<vmem>>[vector<16xi32>, vector<16xi32>], vector<16xi32>,
        %bitcast3A_454 = vector.bitcast %gather3A_453 : vector<16xi32> to vector<32xbf16>
        %unpack3A_455 = tpu.unpack_subelements %bitcast3A_454, 0 {pack_format = #tpu.pack_format<interleaved>} : vector<32xbf16> -> vector<16xf32>
        %unpack3A_456 = tpu.unpack_subelements %bitcast3A_454, 1 {pack_format = #tpu.pack_format<interleaved>} : vector<32xbf16> -> vector<16xf32>
        %mul3A_457 = arith.mulf %broadcast_in_dim3A_433, %unpack3A_455 : vector<16xf32>
        %add3A_458 = arith.addf %add3A_428, %mul3A_457 : vector<16xf32>
        %mul3A_459 = arith.mulf %broadcast_in_dim3A_433, %unpack3A_456 : vector<16xf32>
        %add3A_460 = arith.addf %add3A_430, %mul3A_459 : vector<16xf32>
        %slice3A_461 = vector.extract_strided_slice %get3A_78 {offsets = [12], sizes = [1], strides = [1]} : vector<16xf32> to vector<1xf32>
        %squeeze3A_462 = vector.extract %slice3A_461[0] : f32 from vector<1xf32>
        %broadcast_in_dim3A_463 = vector.broadcast %squeeze3A_462 : f32 to vector<16xf32>
        %slice3A_464 = vector.extract_strided_slice %get3A_87 {offsets = [12], sizes = [1], strides = [1]} : vector<16xi32> to vector<1xi32>
        %squeeze3A_465 = vector.extract %slice3A_464[0] : i32 from vector<1xi32>
        %broadcast_in_dim3A_466 = vector.broadcast %squeeze3A_465 : i32 to vector<16xi32>
        %gather3A_467 = tpu.vector_load_idx %arg6[%broadcast_in_dim3A_466, %add3A_7] : memref<800x49xi32, #tpu.memory_space<vmem>>[vector<16xi32>, vector<16xi32>], vector<16xi32>,
        %bitcast3A_468 = vector.bitcast %gather3A_467 : vector<16xi32> to vector<32xbf16>
        %unpack3A_469 = tpu.unpack_subelements %bitcast3A_468, 0 {pack_format = #tpu.pack_format<interleaved>} : vector<32xbf16> -> vector<16xf32>
        %unpack3A_470 = tpu.unpack_subelements %bitcast3A_468, 1 {pack_format = #tpu.pack_format<interleaved>} : vector<32xbf16> -> vector<16xf32>
        %mul3A_471 = arith.mulf %broadcast_in_dim3A_463, %unpack3A_469 : vector<16xf32>
        %add3A_472 = arith.addf %add3A_442, %mul3A_471 : vector<16xf32>
        %mul3A_473 = arith.mulf %broadcast_in_dim3A_463, %unpack3A_470 : vector<16xf32>
        %add3A_474 = arith.addf %add3A_444, %mul3A_473 : vector<16xf32>
        %gather3A_475 = tpu.vector_load_idx %arg6[%broadcast_in_dim3A_466, %add3A_10] : memref<800x49xi32, #tpu.memory_space<vmem>>[vector<16xi32>, vector<16xi32>], vector<16xi32>,
        %bitcast3A_476 = vector.bitcast %gather3A_475 : vector<16xi32> to vector<32xbf16>
        %unpack3A_477 = tpu.unpack_subelements %bitcast3A_476, 0 {pack_format = #tpu.pack_format<interleaved>} : vector<32xbf16> -> vector<16xf32>
        %unpack3A_478 = tpu.unpack_subelements %bitcast3A_476, 1 {pack_format = #tpu.pack_format<interleaved>} : vector<32xbf16> -> vector<16xf32>
        %mul3A_479 = arith.mulf %broadcast_in_dim3A_463, %unpack3A_477 : vector<16xf32>
        %add3A_480 = arith.addf %add3A_450, %mul3A_479 : vector<16xf32>
        %mul3A_481 = arith.mulf %broadcast_in_dim3A_463, %unpack3A_478 : vector<16xf32>
        %add3A_482 = arith.addf %add3A_452, %mul3A_481 : vector<16xf32>
        %gather3A_483 = tpu.vector_load_idx %arg6[%broadcast_in_dim3A_466, %add3A_13] : memref<800x49xi32, #tpu.memory_space<vmem>>[vector<16xi32>, vector<16xi32>], vector<16xi32>,
        %bitcast3A_484 = vector.bitcast %gather3A_483 : vector<16xi32> to vector<32xbf16>
        %unpack3A_485 = tpu.unpack_subelements %bitcast3A_484, 0 {pack_format = #tpu.pack_format<interleaved>} : vector<32xbf16> -> vector<16xf32>
        %unpack3A_486 = tpu.unpack_subelements %bitcast3A_484, 1 {pack_format = #tpu.pack_format<interleaved>} : vector<32xbf16> -> vector<16xf32>
        %mul3A_487 = arith.mulf %broadcast_in_dim3A_463, %unpack3A_485 : vector<16xf32>
        %add3A_488 = arith.addf %add3A_458, %mul3A_487 : vector<16xf32>
        %mul3A_489 = arith.mulf %broadcast_in_dim3A_463, %unpack3A_486 : vector<16xf32>
        %add3A_490 = arith.addf %add3A_460, %mul3A_489 : vector<16xf32>
        %slice3A_491 = vector.extract_strided_slice %get3A_78 {offsets = [13], sizes = [1], strides = [1]} : vector<16xf32> to vector<1xf32>
        %squeeze3A_492 = vector.extract %slice3A_491[0] : f32 from vector<1xf32>
        %broadcast_in_dim3A_493 = vector.broadcast %squeeze3A_492 : f32 to vector<16xf32>
        %slice3A_494 = vector.extract_strided_slice %get3A_87 {offsets = [13], sizes = [1], strides = [1]} : vector<16xi32> to vector<1xi32>
        %squeeze3A_495 = vector.extract %slice3A_494[0] : i32 from vector<1xi32>
        %broadcast_in_dim3A_496 = vector.broadcast %squeeze3A_495 : i32 to vector<16xi32>
        %gather3A_497 = tpu.vector_load_idx %arg6[%broadcast_in_dim3A_496, %add3A_7] : memref<800x49xi32, #tpu.memory_space<vmem>>[vector<16xi32>, vector<16xi32>], vector<16xi32>,
        %bitcast3A_498 = vector.bitcast %gather3A_497 : vector<16xi32> to vector<32xbf16>
        %unpack3A_499 = tpu.unpack_subelements %bitcast3A_498, 0 {pack_format = #tpu.pack_format<interleaved>} : vector<32xbf16> -> vector<16xf32>
        %unpack3A_500 = tpu.unpack_subelements %bitcast3A_498, 1 {pack_format = #tpu.pack_format<interleaved>} : vector<32xbf16> -> vector<16xf32>
        %mul3A_501 = arith.mulf %broadcast_in_dim3A_493, %unpack3A_499 : vector<16xf32>
        %add3A_502 = arith.addf %add3A_472, %mul3A_501 : vector<16xf32>
        %mul3A_503 = arith.mulf %broadcast_in_dim3A_493, %unpack3A_500 : vector<16xf32>
        %add3A_504 = arith.addf %add3A_474, %mul3A_503 : vector<16xf32>
        %gather3A_505 = tpu.vector_load_idx %arg6[%broadcast_in_dim3A_496, %add3A_10] : memref<800x49xi32, #tpu.memory_space<vmem>>[vector<16xi32>, vector<16xi32>], vector<16xi32>,
        %bitcast3A_506 = vector.bitcast %gather3A_505 : vector<16xi32> to vector<32xbf16>
        %unpack3A_507 = tpu.unpack_subelements %bitcast3A_506, 0 {pack_format = #tpu.pack_format<interleaved>} : vector<32xbf16> -> vector<16xf32>
        %unpack3A_508 = tpu.unpack_subelements %bitcast3A_506, 1 {pack_format = #tpu.pack_format<interleaved>} : vector<32xbf16> -> vector<16xf32>
        %mul3A_509 = arith.mulf %broadcast_in_dim3A_493, %unpack3A_507 : vector<16xf32>
        %add3A_510 = arith.addf %add3A_480, %mul3A_509 : vector<16xf32>
        %mul3A_511 = arith.mulf %broadcast_in_dim3A_493, %unpack3A_508 : vector<16xf32>
        %add3A_512 = arith.addf %add3A_482, %mul3A_511 : vector<16xf32>
        %gather3A_513 = tpu.vector_load_idx %arg6[%broadcast_in_dim3A_496, %add3A_13] : memref<800x49xi32, #tpu.memory_space<vmem>>[vector<16xi32>, vector<16xi32>], vector<16xi32>,
        %bitcast3A_514 = vector.bitcast %gather3A_513 : vector<16xi32> to vector<32xbf16>
        %unpack3A_515 = tpu.unpack_subelements %bitcast3A_514, 0 {pack_format = #tpu.pack_format<interleaved>} : vector<32xbf16> -> vector<16xf32>
        %unpack3A_516 = tpu.unpack_subelements %bitcast3A_514, 1 {pack_format = #tpu.pack_format<interleaved>} : vector<32xbf16> -> vector<16xf32>
        %mul3A_517 = arith.mulf %broadcast_in_dim3A_493, %unpack3A_515 : vector<16xf32>
        %add3A_518 = arith.addf %add3A_488, %mul3A_517 : vector<16xf32>
        %mul3A_519 = arith.mulf %broadcast_in_dim3A_493, %unpack3A_516 : vector<16xf32>
        %add3A_520 = arith.addf %add3A_490, %mul3A_519 : vector<16xf32>
        %slice3A_521 = vector.extract_strided_slice %get3A_78 {offsets = [14], sizes = [1], strides = [1]} : vector<16xf32> to vector<1xf32>
        %squeeze3A_522 = vector.extract %slice3A_521[0] : f32 from vector<1xf32>
        %broadcast_in_dim3A_523 = vector.broadcast %squeeze3A_522 : f32 to vector<16xf32>
        %slice3A_524 = vector.extract_strided_slice %get3A_87 {offsets = [14], sizes = [1], strides = [1]} : vector<16xi32> to vector<1xi32>
        %squeeze3A_525 = vector.extract %slice3A_524[0] : i32 from vector<1xi32>
        %broadcast_in_dim3A_526 = vector.broadcast %squeeze3A_525 : i32 to vector<16xi32>
        %gather3A_527 = tpu.vector_load_idx %arg6[%broadcast_in_dim3A_526, %add3A_7] : memref<800x49xi32, #tpu.memory_space<vmem>>[vector<16xi32>, vector<16xi32>], vector<16xi32>,
        %bitcast3A_528 = vector.bitcast %gather3A_527 : vector<16xi32> to vector<32xbf16>
        %unpack3A_529 = tpu.unpack_subelements %bitcast3A_528, 0 {pack_format = #tpu.pack_format<interleaved>} : vector<32xbf16> -> vector<16xf32>
        %unpack3A_530 = tpu.unpack_subelements %bitcast3A_528, 1 {pack_format = #tpu.pack_format<interleaved>} : vector<32xbf16> -> vector<16xf32>
        %mul3A_531 = arith.mulf %broadcast_in_dim3A_523, %unpack3A_529 : vector<16xf32>
        %add3A_532 = arith.addf %add3A_502, %mul3A_531 : vector<16xf32>
        %mul3A_533 = arith.mulf %broadcast_in_dim3A_523, %unpack3A_530 : vector<16xf32>
        %add3A_534 = arith.addf %add3A_504, %mul3A_533 : vector<16xf32>
        %gather3A_535 = tpu.vector_load_idx %arg6[%broadcast_in_dim3A_526, %add3A_10] : memref<800x49xi32, #tpu.memory_space<vmem>>[vector<16xi32>, vector<16xi32>], vector<16xi32>,
        %bitcast3A_536 = vector.bitcast %gather3A_535 : vector<16xi32> to vector<32xbf16>
        %unpack3A_537 = tpu.unpack_subelements %bitcast3A_536, 0 {pack_format = #tpu.pack_format<interleaved>} : vector<32xbf16> -> vector<16xf32>
        %unpack3A_538 = tpu.unpack_subelements %bitcast3A_536, 1 {pack_format = #tpu.pack_format<interleaved>} : vector<32xbf16> -> vector<16xf32>
        %mul3A_539 = arith.mulf %broadcast_in_dim3A_523, %unpack3A_537 : vector<16xf32>
        %add3A_540 = arith.addf %add3A_510, %mul3A_539 : vector<16xf32>
        %mul3A_541 = arith.mulf %broadcast_in_dim3A_523, %unpack3A_538 : vector<16xf32>
        %add3A_542 = arith.addf %add3A_512, %mul3A_541 : vector<16xf32>
        %gather3A_543 = tpu.vector_load_idx %arg6[%broadcast_in_dim3A_526, %add3A_13] : memref<800x49xi32, #tpu.memory_space<vmem>>[vector<16xi32>, vector<16xi32>], vector<16xi32>,
        %bitcast3A_544 = vector.bitcast %gather3A_543 : vector<16xi32> to vector<32xbf16>
        %unpack3A_545 = tpu.unpack_subelements %bitcast3A_544, 0 {pack_format = #tpu.pack_format<interleaved>} : vector<32xbf16> -> vector<16xf32>
        %unpack3A_546 = tpu.unpack_subelements %bitcast3A_544, 1 {pack_format = #tpu.pack_format<interleaved>} : vector<32xbf16> -> vector<16xf32>
        %mul3A_547 = arith.mulf %broadcast_in_dim3A_523, %unpack3A_545 : vector<16xf32>
        %add3A_548 = arith.addf %add3A_518, %mul3A_547 : vector<16xf32>
        %mul3A_549 = arith.mulf %broadcast_in_dim3A_523, %unpack3A_546 : vector<16xf32>
        %add3A_550 = arith.addf %add3A_520, %mul3A_549 : vector<16xf32>
        %slice3A_551 = vector.extract_strided_slice %get3A_78 {offsets = [15], sizes = [1], strides = [1]} : vector<16xf32> to vector<1xf32>
        %squeeze3A_552 = vector.extract %slice3A_551[0] : f32 from vector<1xf32>
        %broadcast_in_dim3A_553 = vector.broadcast %squeeze3A_552 : f32 to vector<16xf32>
        %slice3A_554 = vector.extract_strided_slice %get3A_87 {offsets = [15], sizes = [1], strides = [1]} : vector<16xi32> to vector<1xi32>
        %squeeze3A_555 = vector.extract %slice3A_554[0] : i32 from vector<1xi32>
        %broadcast_in_dim3A_556 = vector.broadcast %squeeze3A_555 : i32 to vector<16xi32>
        %gather3A_557 = tpu.vector_load_idx %arg6[%broadcast_in_dim3A_556, %add3A_7] : memref<800x49xi32, #tpu.memory_space<vmem>>[vector<16xi32>, vector<16xi32>], vector<16xi32>,
        %bitcast3A_558 = vector.bitcast %gather3A_557 : vector<16xi32> to vector<32xbf16>
        %unpack3A_559 = tpu.unpack_subelements %bitcast3A_558, 0 {pack_format = #tpu.pack_format<interleaved>} : vector<32xbf16> -> vector<16xf32>
        %unpack3A_560 = tpu.unpack_subelements %bitcast3A_558, 1 {pack_format = #tpu.pack_format<interleaved>} : vector<32xbf16> -> vector<16xf32>
        %mul3A_561 = arith.mulf %broadcast_in_dim3A_553, %unpack3A_559 : vector<16xf32>
        %add3A_562 = arith.addf %add3A_532, %mul3A_561 : vector<16xf32>
        %mul3A_563 = arith.mulf %broadcast_in_dim3A_553, %unpack3A_560 : vector<16xf32>
        %add3A_564 = arith.addf %add3A_534, %mul3A_563 : vector<16xf32>
        %gather3A_565 = tpu.vector_load_idx %arg6[%broadcast_in_dim3A_556, %add3A_10] : memref<800x49xi32, #tpu.memory_space<vmem>>[vector<16xi32>, vector<16xi32>], vector<16xi32>,
        %bitcast3A_566 = vector.bitcast %gather3A_565 : vector<16xi32> to vector<32xbf16>
        %unpack3A_567 = tpu.unpack_subelements %bitcast3A_566, 0 {pack_format = #tpu.pack_format<interleaved>} : vector<32xbf16> -> vector<16xf32>
        %unpack3A_568 = tpu.unpack_subelements %bitcast3A_566, 1 {pack_format = #tpu.pack_format<interleaved>} : vector<32xbf16> -> vector<16xf32>
        %mul3A_569 = arith.mulf %broadcast_in_dim3A_553, %unpack3A_567 : vector<16xf32>
        %add3A_570 = arith.addf %add3A_540, %mul3A_569 : vector<16xf32>
        %mul3A_571 = arith.mulf %broadcast_in_dim3A_553, %unpack3A_568 : vector<16xf32>
        %add3A_572 = arith.addf %add3A_542, %mul3A_571 : vector<16xf32>
        %gather3A_573 = tpu.vector_load_idx %arg6[%broadcast_in_dim3A_556, %add3A_13] : memref<800x49xi32, #tpu.memory_space<vmem>>[vector<16xi32>, vector<16xi32>], vector<16xi32>,
        %bitcast3A_574 = vector.bitcast %gather3A_573 : vector<16xi32> to vector<32xbf16>
        %unpack3A_575 = tpu.unpack_subelements %bitcast3A_574, 0 {pack_format = #tpu.pack_format<interleaved>} : vector<32xbf16> -> vector<16xf32>
        %unpack3A_576 = tpu.unpack_subelements %bitcast3A_574, 1 {pack_format = #tpu.pack_format<interleaved>} : vector<32xbf16> -> vector<16xf32>
        %mul3A_577 = arith.mulf %broadcast_in_dim3A_553, %unpack3A_575 : vector<16xf32>
        %add3A_578 = arith.addf %add3A_548, %mul3A_577 : vector<16xf32>
        %mul3A_579 = arith.mulf %broadcast_in_dim3A_553, %unpack3A_576 : vector<16xf32>
        %add3A_580 = arith.addf %add3A_550, %mul3A_579 : vector<16xf32>
        %slice3A_581 = vector.extract_strided_slice %get3A_81 {offsets = [0], sizes = [1], strides = [1]} : vector<16xf32> to vector<1xf32>
        %squeeze3A_582 = vector.extract %slice3A_581[0] : f32 from vector<1xf32>
        %broadcast_in_dim3A_583 = vector.broadcast %squeeze3A_582 : f32 to vector<16xf32>
        %slice3A_584 = vector.extract_strided_slice %get3A_90 {offsets = [0], sizes = [1], strides = [1]} : vector<16xi32> to vector<1xi32>
        %squeeze3A_585 = vector.extract %slice3A_584[0] : i32 from vector<1xi32>
        %broadcast_in_dim3A_586 = vector.broadcast %squeeze3A_585 : i32 to vector<16xi32>
        %gather3A_587 = tpu.vector_load_idx %arg6[%broadcast_in_dim3A_586, %add3A_7] : memref<800x49xi32, #tpu.memory_space<vmem>>[vector<16xi32>, vector<16xi32>], vector<16xi32>,
        %bitcast3A_588 = vector.bitcast %gather3A_587 : vector<16xi32> to vector<32xbf16>
        %unpack3A_589 = tpu.unpack_subelements %bitcast3A_588, 0 {pack_format = #tpu.pack_format<interleaved>} : vector<32xbf16> -> vector<16xf32>
        %unpack3A_590 = tpu.unpack_subelements %bitcast3A_588, 1 {pack_format = #tpu.pack_format<interleaved>} : vector<32xbf16> -> vector<16xf32>
        %mul3A_591 = arith.mulf %broadcast_in_dim3A_583, %unpack3A_589 : vector<16xf32>
        %add3A_592 = arith.addf %add3A_562, %mul3A_591 : vector<16xf32>
        %mul3A_593 = arith.mulf %broadcast_in_dim3A_583, %unpack3A_590 : vector<16xf32>
        %add3A_594 = arith.addf %add3A_564, %mul3A_593 : vector<16xf32>
        %gather3A_595 = tpu.vector_load_idx %arg6[%broadcast_in_dim3A_586, %add3A_10] : memref<800x49xi32, #tpu.memory_space<vmem>>[vector<16xi32>, vector<16xi32>], vector<16xi32>,
        %bitcast3A_596 = vector.bitcast %gather3A_595 : vector<16xi32> to vector<32xbf16>
        %unpack3A_597 = tpu.unpack_subelements %bitcast3A_596, 0 {pack_format = #tpu.pack_format<interleaved>} : vector<32xbf16> -> vector<16xf32>
        %unpack3A_598 = tpu.unpack_subelements %bitcast3A_596, 1 {pack_format = #tpu.pack_format<interleaved>} : vector<32xbf16> -> vector<16xf32>
        %mul3A_599 = arith.mulf %broadcast_in_dim3A_583, %unpack3A_597 : vector<16xf32>
        %add3A_600 = arith.addf %add3A_570, %mul3A_599 : vector<16xf32>
        %mul3A_601 = arith.mulf %broadcast_in_dim3A_583, %unpack3A_598 : vector<16xf32>
        %add3A_602 = arith.addf %add3A_572, %mul3A_601 : vector<16xf32>
        %gather3A_603 = tpu.vector_load_idx %arg6[%broadcast_in_dim3A_586, %add3A_13] : memref<800x49xi32, #tpu.memory_space<vmem>>[vector<16xi32>, vector<16xi32>], vector<16xi32>,
        %bitcast3A_604 = vector.bitcast %gather3A_603 : vector<16xi32> to vector<32xbf16>
        %unpack3A_605 = tpu.unpack_subelements %bitcast3A_604, 0 {pack_format = #tpu.pack_format<interleaved>} : vector<32xbf16> -> vector<16xf32>
        %unpack3A_606 = tpu.unpack_subelements %bitcast3A_604, 1 {pack_format = #tpu.pack_format<interleaved>} : vector<32xbf16> -> vector<16xf32>
        %mul3A_607 = arith.mulf %broadcast_in_dim3A_583, %unpack3A_605 : vector<16xf32>
        %add3A_608 = arith.addf %add3A_578, %mul3A_607 : vector<16xf32>
        %mul3A_609 = arith.mulf %broadcast_in_dim3A_583, %unpack3A_606 : vector<16xf32>
        %add3A_610 = arith.addf %add3A_580, %mul3A_609 : vector<16xf32>
        %slice3A_611 = vector.extract_strided_slice %get3A_81 {offsets = [1], sizes = [1], strides = [1]} : vector<16xf32> to vector<1xf32>
        %squeeze3A_612 = vector.extract %slice3A_611[0] : f32 from vector<1xf32>
        %broadcast_in_dim3A_613 = vector.broadcast %squeeze3A_612 : f32 to vector<16xf32>
        %slice3A_614 = vector.extract_strided_slice %get3A_90 {offsets = [1], sizes = [1], strides = [1]} : vector<16xi32> to vector<1xi32>
        %squeeze3A_615 = vector.extract %slice3A_614[0] : i32 from vector<1xi32>
        %broadcast_in_dim3A_616 = vector.broadcast %squeeze3A_615 : i32 to vector<16xi32>
        %gather3A_617 = tpu.vector_load_idx %arg6[%broadcast_in_dim3A_616, %add3A_7] : memref<800x49xi32, #tpu.memory_space<vmem>>[vector<16xi32>, vector<16xi32>], vector<16xi32>,
        %bitcast3A_618 = vector.bitcast %gather3A_617 : vector<16xi32> to vector<32xbf16>
        %unpack3A_619 = tpu.unpack_subelements %bitcast3A_618, 0 {pack_format = #tpu.pack_format<interleaved>} : vector<32xbf16> -> vector<16xf32>
        %unpack3A_620 = tpu.unpack_subelements %bitcast3A_618, 1 {pack_format = #tpu.pack_format<interleaved>} : vector<32xbf16> -> vector<16xf32>
        %mul3A_621 = arith.mulf %broadcast_in_dim3A_613, %unpack3A_619 : vector<16xf32>
        %add3A_622 = arith.addf %add3A_592, %mul3A_621 : vector<16xf32>
        %mul3A_623 = arith.mulf %broadcast_in_dim3A_613, %unpack3A_620 : vector<16xf32>
        %add3A_624 = arith.addf %add3A_594, %mul3A_623 : vector<16xf32>
        %gather3A_625 = tpu.vector_load_idx %arg6[%broadcast_in_dim3A_616, %add3A_10] : memref<800x49xi32, #tpu.memory_space<vmem>>[vector<16xi32>, vector<16xi32>], vector<16xi32>,
        %bitcast3A_626 = vector.bitcast %gather3A_625 : vector<16xi32> to vector<32xbf16>
        %unpack3A_627 = tpu.unpack_subelements %bitcast3A_626, 0 {pack_format = #tpu.pack_format<interleaved>} : vector<32xbf16> -> vector<16xf32>
        %unpack3A_628 = tpu.unpack_subelements %bitcast3A_626, 1 {pack_format = #tpu.pack_format<interleaved>} : vector<32xbf16> -> vector<16xf32>
        %mul3A_629 = arith.mulf %broadcast_in_dim3A_613, %unpack3A_627 : vector<16xf32>
        %add3A_630 = arith.addf %add3A_600, %mul3A_629 : vector<16xf32>
        %mul3A_631 = arith.mulf %broadcast_in_dim3A_613, %unpack3A_628 : vector<16xf32>
        %add3A_632 = arith.addf %add3A_602, %mul3A_631 : vector<16xf32>
        %gather3A_633 = tpu.vector_load_idx %arg6[%broadcast_in_dim3A_616, %add3A_13] : memref<800x49xi32, #tpu.memory_space<vmem>>[vector<16xi32>, vector<16xi32>], vector<16xi32>,
        %bitcast3A_634 = vector.bitcast %gather3A_633 : vector<16xi32> to vector<32xbf16>
        %unpack3A_635 = tpu.unpack_subelements %bitcast3A_634, 0 {pack_format = #tpu.pack_format<interleaved>} : vector<32xbf16> -> vector<16xf32>
        %unpack3A_636 = tpu.unpack_subelements %bitcast3A_634, 1 {pack_format = #tpu.pack_format<interleaved>} : vector<32xbf16> -> vector<16xf32>
        %mul3A_637 = arith.mulf %broadcast_in_dim3A_613, %unpack3A_635 : vector<16xf32>
        %add3A_638 = arith.addf %add3A_608, %mul3A_637 : vector<16xf32>
        %mul3A_639 = arith.mulf %broadcast_in_dim3A_613, %unpack3A_636 : vector<16xf32>
        %add3A_640 = arith.addf %add3A_610, %mul3A_639 : vector<16xf32>
        %slice3A_641 = vector.extract_strided_slice %get3A_81 {offsets = [2], sizes = [1], strides = [1]} : vector<16xf32> to vector<1xf32>
        %squeeze3A_642 = vector.extract %slice3A_641[0] : f32 from vector<1xf32>
        %broadcast_in_dim3A_643 = vector.broadcast %squeeze3A_642 : f32 to vector<16xf32>
        %slice3A_644 = vector.extract_strided_slice %get3A_90 {offsets = [2], sizes = [1], strides = [1]} : vector<16xi32> to vector<1xi32>
        %squeeze3A_645 = vector.extract %slice3A_644[0] : i32 from vector<1xi32>
        %broadcast_in_dim3A_646 = vector.broadcast %squeeze3A_645 : i32 to vector<16xi32>
        %gather3A_647 = tpu.vector_load_idx %arg6[%broadcast_in_dim3A_646, %add3A_7] : memref<800x49xi32, #tpu.memory_space<vmem>>[vector<16xi32>, vector<16xi32>], vector<16xi32>,
        %bitcast3A_648 = vector.bitcast %gather3A_647 : vector<16xi32> to vector<32xbf16>
        %unpack3A_649 = tpu.unpack_subelements %bitcast3A_648, 0 {pack_format = #tpu.pack_format<interleaved>} : vector<32xbf16> -> vector<16xf32>
        %unpack3A_650 = tpu.unpack_subelements %bitcast3A_648, 1 {pack_format = #tpu.pack_format<interleaved>} : vector<32xbf16> -> vector<16xf32>
        %mul3A_651 = arith.mulf %broadcast_in_dim3A_643, %unpack3A_649 : vector<16xf32>
        %add3A_652 = arith.addf %add3A_622, %mul3A_651 : vector<16xf32>
        %mul3A_653 = arith.mulf %broadcast_in_dim3A_643, %unpack3A_650 : vector<16xf32>
        %add3A_654 = arith.addf %add3A_624, %mul3A_653 : vector<16xf32>
        %gather3A_655 = tpu.vector_load_idx %arg6[%broadcast_in_dim3A_646, %add3A_10] : memref<800x49xi32, #tpu.memory_space<vmem>>[vector<16xi32>, vector<16xi32>], vector<16xi32>,
        %bitcast3A_656 = vector.bitcast %gather3A_655 : vector<16xi32> to vector<32xbf16>
        %unpack3A_657 = tpu.unpack_subelements %bitcast3A_656, 0 {pack_format = #tpu.pack_format<interleaved>} : vector<32xbf16> -> vector<16xf32>
        %unpack3A_658 = tpu.unpack_subelements %bitcast3A_656, 1 {pack_format = #tpu.pack_format<interleaved>} : vector<32xbf16> -> vector<16xf32>
        %mul3A_659 = arith.mulf %broadcast_in_dim3A_643, %unpack3A_657 : vector<16xf32>
        %add3A_660 = arith.addf %add3A_630, %mul3A_659 : vector<16xf32>
        %mul3A_661 = arith.mulf %broadcast_in_dim3A_643, %unpack3A_658 : vector<16xf32>
        %add3A_662 = arith.addf %add3A_632, %mul3A_661 : vector<16xf32>
        %gather3A_663 = tpu.vector_load_idx %arg6[%broadcast_in_dim3A_646, %add3A_13] : memref<800x49xi32, #tpu.memory_space<vmem>>[vector<16xi32>, vector<16xi32>], vector<16xi32>,
        %bitcast3A_664 = vector.bitcast %gather3A_663 : vector<16xi32> to vector<32xbf16>
        %unpack3A_665 = tpu.unpack_subelements %bitcast3A_664, 0 {pack_format = #tpu.pack_format<interleaved>} : vector<32xbf16> -> vector<16xf32>
        %unpack3A_666 = tpu.unpack_subelements %bitcast3A_664, 1 {pack_format = #tpu.pack_format<interleaved>} : vector<32xbf16> -> vector<16xf32>
        %mul3A_667 = arith.mulf %broadcast_in_dim3A_643, %unpack3A_665 : vector<16xf32>
        %add3A_668 = arith.addf %add3A_638, %mul3A_667 : vector<16xf32>
        %mul3A_669 = arith.mulf %broadcast_in_dim3A_643, %unpack3A_666 : vector<16xf32>
        %add3A_670 = arith.addf %add3A_640, %mul3A_669 : vector<16xf32>
        %slice3A_671 = vector.extract_strided_slice %get3A_81 {offsets = [3], sizes = [1], strides = [1]} : vector<16xf32> to vector<1xf32>
        %squeeze3A_672 = vector.extract %slice3A_671[0] : f32 from vector<1xf32>
        %broadcast_in_dim3A_673 = vector.broadcast %squeeze3A_672 : f32 to vector<16xf32>
        %slice3A_674 = vector.extract_strided_slice %get3A_90 {offsets = [3], sizes = [1], strides = [1]} : vector<16xi32> to vector<1xi32>
        %squeeze3A_675 = vector.extract %slice3A_674[0] : i32 from vector<1xi32>
        %broadcast_in_dim3A_676 = vector.broadcast %squeeze3A_675 : i32 to vector<16xi32>
        %gather3A_677 = tpu.vector_load_idx %arg6[%broadcast_in_dim3A_676, %add3A_7] : memref<800x49xi32, #tpu.memory_space<vmem>>[vector<16xi32>, vector<16xi32>], vector<16xi32>,
        %bitcast3A_678 = vector.bitcast %gather3A_677 : vector<16xi32> to vector<32xbf16>
        %unpack3A_679 = tpu.unpack_subelements %bitcast3A_678, 0 {pack_format = #tpu.pack_format<interleaved>} : vector<32xbf16> -> vector<16xf32>
        %unpack3A_680 = tpu.unpack_subelements %bitcast3A_678, 1 {pack_format = #tpu.pack_format<interleaved>} : vector<32xbf16> -> vector<16xf32>
        %mul3A_681 = arith.mulf %broadcast_in_dim3A_673, %unpack3A_679 : vector<16xf32>
        %add3A_682 = arith.addf %add3A_652, %mul3A_681 : vector<16xf32>
        %mul3A_683 = arith.mulf %broadcast_in_dim3A_673, %unpack3A_680 : vector<16xf32>
        %add3A_684 = arith.addf %add3A_654, %mul3A_683 : vector<16xf32>
        %gather3A_685 = tpu.vector_load_idx %arg6[%broadcast_in_dim3A_676, %add3A_10] : memref<800x49xi32, #tpu.memory_space<vmem>>[vector<16xi32>, vector<16xi32>], vector<16xi32>,
        %bitcast3A_686 = vector.bitcast %gather3A_685 : vector<16xi32> to vector<32xbf16>
        %unpack3A_687 = tpu.unpack_subelements %bitcast3A_686, 0 {pack_format = #tpu.pack_format<interleaved>} : vector<32xbf16> -> vector<16xf32>
        %unpack3A_688 = tpu.unpack_subelements %bitcast3A_686, 1 {pack_format = #tpu.pack_format<interleaved>} : vector<32xbf16> -> vector<16xf32>
        %mul3A_689 = arith.mulf %broadcast_in_dim3A_673, %unpack3A_687 : vector<16xf32>
        %add3A_690 = arith.addf %add3A_660, %mul3A_689 : vector<16xf32>
        %mul3A_691 = arith.mulf %broadcast_in_dim3A_673, %unpack3A_688 : vector<16xf32>
        %add3A_692 = arith.addf %add3A_662, %mul3A_691 : vector<16xf32>
        %gather3A_693 = tpu.vector_load_idx %arg6[%broadcast_in_dim3A_676, %add3A_13] : memref<800x49xi32, #tpu.memory_space<vmem>>[vector<16xi32>, vector<16xi32>], vector<16xi32>,
        %bitcast3A_694 = vector.bitcast %gather3A_693 : vector<16xi32> to vector<32xbf16>
        %unpack3A_695 = tpu.unpack_subelements %bitcast3A_694, 0 {pack_format = #tpu.pack_format<interleaved>} : vector<32xbf16> -> vector<16xf32>
        %unpack3A_696 = tpu.unpack_subelements %bitcast3A_694, 1 {pack_format = #tpu.pack_format<interleaved>} : vector<32xbf16> -> vector<16xf32>
        %mul3A_697 = arith.mulf %broadcast_in_dim3A_673, %unpack3A_695 : vector<16xf32>
        %add3A_698 = arith.addf %add3A_668, %mul3A_697 : vector<16xf32>
        %mul3A_699 = arith.mulf %broadcast_in_dim3A_673, %unpack3A_696 : vector<16xf32>
        %add3A_700 = arith.addf %add3A_670, %mul3A_699 : vector<16xf32>
        %slice3A_701 = vector.extract_strided_slice %get3A_81 {offsets = [4], sizes = [1], strides = [1]} : vector<16xf32> to vector<1xf32>
        %squeeze3A_702 = vector.extract %slice3A_701[0] : f32 from vector<1xf32>
        %broadcast_in_dim3A_703 = vector.broadcast %squeeze3A_702 : f32 to vector<16xf32>
        %slice3A_704 = vector.extract_strided_slice %get3A_90 {offsets = [4], sizes = [1], strides = [1]} : vector<16xi32> to vector<1xi32>
        %squeeze3A_705 = vector.extract %slice3A_704[0] : i32 from vector<1xi32>
        %broadcast_in_dim3A_706 = vector.broadcast %squeeze3A_705 : i32 to vector<16xi32>
        %gather3A_707 = tpu.vector_load_idx %arg6[%broadcast_in_dim3A_706, %add3A_7] : memref<800x49xi32, #tpu.memory_space<vmem>>[vector<16xi32>, vector<16xi32>], vector<16xi32>,
        %bitcast3A_708 = vector.bitcast %gather3A_707 : vector<16xi32> to vector<32xbf16>
        %unpack3A_709 = tpu.unpack_subelements %bitcast3A_708, 0 {pack_format = #tpu.pack_format<interleaved>} : vector<32xbf16> -> vector<16xf32>
        %unpack3A_710 = tpu.unpack_subelements %bitcast3A_708, 1 {pack_format = #tpu.pack_format<interleaved>} : vector<32xbf16> -> vector<16xf32>
        %mul3A_711 = arith.mulf %broadcast_in_dim3A_703, %unpack3A_709 : vector<16xf32>
        %add3A_712 = arith.addf %add3A_682, %mul3A_711 : vector<16xf32>
        %mul3A_713 = arith.mulf %broadcast_in_dim3A_703, %unpack3A_710 : vector<16xf32>
        %add3A_714 = arith.addf %add3A_684, %mul3A_713 : vector<16xf32>
        %gather3A_715 = tpu.vector_load_idx %arg6[%broadcast_in_dim3A_706, %add3A_10] : memref<800x49xi32, #tpu.memory_space<vmem>>[vector<16xi32>, vector<16xi32>], vector<16xi32>,
        %bitcast3A_716 = vector.bitcast %gather3A_715 : vector<16xi32> to vector<32xbf16>
        %unpack3A_717 = tpu.unpack_subelements %bitcast3A_716, 0 {pack_format = #tpu.pack_format<interleaved>} : vector<32xbf16> -> vector<16xf32>
        %unpack3A_718 = tpu.unpack_subelements %bitcast3A_716, 1 {pack_format = #tpu.pack_format<interleaved>} : vector<32xbf16> -> vector<16xf32>
        %mul3A_719 = arith.mulf %broadcast_in_dim3A_703, %unpack3A_717 : vector<16xf32>
        %add3A_720 = arith.addf %add3A_690, %mul3A_719 : vector<16xf32>
        %mul3A_721 = arith.mulf %broadcast_in_dim3A_703, %unpack3A_718 : vector<16xf32>
        %add3A_722 = arith.addf %add3A_692, %mul3A_721 : vector<16xf32>
        %gather3A_723 = tpu.vector_load_idx %arg6[%broadcast_in_dim3A_706, %add3A_13] : memref<800x49xi32, #tpu.memory_space<vmem>>[vector<16xi32>, vector<16xi32>], vector<16xi32>,
        %bitcast3A_724 = vector.bitcast %gather3A_723 : vector<16xi32> to vector<32xbf16>
        %unpack3A_725 = tpu.unpack_subelements %bitcast3A_724, 0 {pack_format = #tpu.pack_format<interleaved>} : vector<32xbf16> -> vector<16xf32>
        %unpack3A_726 = tpu.unpack_subelements %bitcast3A_724, 1 {pack_format = #tpu.pack_format<interleaved>} : vector<32xbf16> -> vector<16xf32>
        %mul3A_727 = arith.mulf %broadcast_in_dim3A_703, %unpack3A_725 : vector<16xf32>
        %add3A_728 = arith.addf %add3A_698, %mul3A_727 : vector<16xf32>
        %mul3A_729 = arith.mulf %broadcast_in_dim3A_703, %unpack3A_726 : vector<16xf32>
        %add3A_730 = arith.addf %add3A_700, %mul3A_729 : vector<16xf32>
        %slice3A_731 = vector.extract_strided_slice %get3A_81 {offsets = [5], sizes = [1], strides = [1]} : vector<16xf32> to vector<1xf32>
        %squeeze3A_732 = vector.extract %slice3A_731[0] : f32 from vector<1xf32>
        %broadcast_in_dim3A_733 = vector.broadcast %squeeze3A_732 : f32 to vector<16xf32>
        %slice3A_734 = vector.extract_strided_slice %get3A_90 {offsets = [5], sizes = [1], strides = [1]} : vector<16xi32> to vector<1xi32>
        %squeeze3A_735 = vector.extract %slice3A_734[0] : i32 from vector<1xi32>
        %broadcast_in_dim3A_736 = vector.broadcast %squeeze3A_735 : i32 to vector<16xi32>
        %gather3A_737 = tpu.vector_load_idx %arg6[%broadcast_in_dim3A_736, %add3A_7] : memref<800x49xi32, #tpu.memory_space<vmem>>[vector<16xi32>, vector<16xi32>], vector<16xi32>,
        %bitcast3A_738 = vector.bitcast %gather3A_737 : vector<16xi32> to vector<32xbf16>
        %unpack3A_739 = tpu.unpack_subelements %bitcast3A_738, 0 {pack_format = #tpu.pack_format<interleaved>} : vector<32xbf16> -> vector<16xf32>
        %unpack3A_740 = tpu.unpack_subelements %bitcast3A_738, 1 {pack_format = #tpu.pack_format<interleaved>} : vector<32xbf16> -> vector<16xf32>
        %mul3A_741 = arith.mulf %broadcast_in_dim3A_733, %unpack3A_739 : vector<16xf32>
        %add3A_742 = arith.addf %add3A_712, %mul3A_741 : vector<16xf32>
        %mul3A_743 = arith.mulf %broadcast_in_dim3A_733, %unpack3A_740 : vector<16xf32>
        %add3A_744 = arith.addf %add3A_714, %mul3A_743 : vector<16xf32>
        %gather3A_745 = tpu.vector_load_idx %arg6[%broadcast_in_dim3A_736, %add3A_10] : memref<800x49xi32, #tpu.memory_space<vmem>>[vector<16xi32>, vector<16xi32>], vector<16xi32>,
        %bitcast3A_746 = vector.bitcast %gather3A_745 : vector<16xi32> to vector<32xbf16>
        %unpack3A_747 = tpu.unpack_subelements %bitcast3A_746, 0 {pack_format = #tpu.pack_format<interleaved>} : vector<32xbf16> -> vector<16xf32>
        %unpack3A_748 = tpu.unpack_subelements %bitcast3A_746, 1 {pack_format = #tpu.pack_format<interleaved>} : vector<32xbf16> -> vector<16xf32>
        %mul3A_749 = arith.mulf %broadcast_in_dim3A_733, %unpack3A_747 : vector<16xf32>
        %add3A_750 = arith.addf %add3A_720, %mul3A_749 : vector<16xf32>
        %mul3A_751 = arith.mulf %broadcast_in_dim3A_733, %unpack3A_748 : vector<16xf32>
        %add3A_752 = arith.addf %add3A_722, %mul3A_751 : vector<16xf32>
        %gather3A_753 = tpu.vector_load_idx %arg6[%broadcast_in_dim3A_736, %add3A_13] : memref<800x49xi32, #tpu.memory_space<vmem>>[vector<16xi32>, vector<16xi32>], vector<16xi32>,
        %bitcast3A_754 = vector.bitcast %gather3A_753 : vector<16xi32> to vector<32xbf16>
        %unpack3A_755 = tpu.unpack_subelements %bitcast3A_754, 0 {pack_format = #tpu.pack_format<interleaved>} : vector<32xbf16> -> vector<16xf32>
        %unpack3A_756 = tpu.unpack_subelements %bitcast3A_754, 1 {pack_format = #tpu.pack_format<interleaved>} : vector<32xbf16> -> vector<16xf32>
        %mul3A_757 = arith.mulf %broadcast_in_dim3A_733, %unpack3A_755 : vector<16xf32>
        %add3A_758 = arith.addf %add3A_728, %mul3A_757 : vector<16xf32>
        %mul3A_759 = arith.mulf %broadcast_in_dim3A_733, %unpack3A_756 : vector<16xf32>
        %add3A_760 = arith.addf %add3A_730, %mul3A_759 : vector<16xf32>
        %slice3A_761 = vector.extract_strided_slice %get3A_81 {offsets = [6], sizes = [1], strides = [1]} : vector<16xf32> to vector<1xf32>
        %squeeze3A_762 = vector.extract %slice3A_761[0] : f32 from vector<1xf32>
        %broadcast_in_dim3A_763 = vector.broadcast %squeeze3A_762 : f32 to vector<16xf32>
        %slice3A_764 = vector.extract_strided_slice %get3A_90 {offsets = [6], sizes = [1], strides = [1]} : vector<16xi32> to vector<1xi32>
        %squeeze3A_765 = vector.extract %slice3A_764[0] : i32 from vector<1xi32>
        %broadcast_in_dim3A_766 = vector.broadcast %squeeze3A_765 : i32 to vector<16xi32>
        %gather3A_767 = tpu.vector_load_idx %arg6[%broadcast_in_dim3A_766, %add3A_7] : memref<800x49xi32, #tpu.memory_space<vmem>>[vector<16xi32>, vector<16xi32>], vector<16xi32>,
        %bitcast3A_768 = vector.bitcast %gather3A_767 : vector<16xi32> to vector<32xbf16>
        %unpack3A_769 = tpu.unpack_subelements %bitcast3A_768, 0 {pack_format = #tpu.pack_format<interleaved>} : vector<32xbf16> -> vector<16xf32>
        %unpack3A_770 = tpu.unpack_subelements %bitcast3A_768, 1 {pack_format = #tpu.pack_format<interleaved>} : vector<32xbf16> -> vector<16xf32>
        %mul3A_771 = arith.mulf %broadcast_in_dim3A_763, %unpack3A_769 : vector<16xf32>
        %add3A_772 = arith.addf %add3A_742, %mul3A_771 : vector<16xf32>
        %mul3A_773 = arith.mulf %broadcast_in_dim3A_763, %unpack3A_770 : vector<16xf32>
        %add3A_774 = arith.addf %add3A_744, %mul3A_773 : vector<16xf32>
        %gather3A_775 = tpu.vector_load_idx %arg6[%broadcast_in_dim3A_766, %add3A_10] : memref<800x49xi32, #tpu.memory_space<vmem>>[vector<16xi32>, vector<16xi32>], vector<16xi32>,
        %bitcast3A_776 = vector.bitcast %gather3A_775 : vector<16xi32> to vector<32xbf16>
        %unpack3A_777 = tpu.unpack_subelements %bitcast3A_776, 0 {pack_format = #tpu.pack_format<interleaved>} : vector<32xbf16> -> vector<16xf32>
        %unpack3A_778 = tpu.unpack_subelements %bitcast3A_776, 1 {pack_format = #tpu.pack_format<interleaved>} : vector<32xbf16> -> vector<16xf32>
        %mul3A_779 = arith.mulf %broadcast_in_dim3A_763, %unpack3A_777 : vector<16xf32>
        %add3A_780 = arith.addf %add3A_750, %mul3A_779 : vector<16xf32>
        %mul3A_781 = arith.mulf %broadcast_in_dim3A_763, %unpack3A_778 : vector<16xf32>
        %add3A_782 = arith.addf %add3A_752, %mul3A_781 : vector<16xf32>
        %gather3A_783 = tpu.vector_load_idx %arg6[%broadcast_in_dim3A_766, %add3A_13] : memref<800x49xi32, #tpu.memory_space<vmem>>[vector<16xi32>, vector<16xi32>], vector<16xi32>,
        %bitcast3A_784 = vector.bitcast %gather3A_783 : vector<16xi32> to vector<32xbf16>
        %unpack3A_785 = tpu.unpack_subelements %bitcast3A_784, 0 {pack_format = #tpu.pack_format<interleaved>} : vector<32xbf16> -> vector<16xf32>
        %unpack3A_786 = tpu.unpack_subelements %bitcast3A_784, 1 {pack_format = #tpu.pack_format<interleaved>} : vector<32xbf16> -> vector<16xf32>
        %mul3A_787 = arith.mulf %broadcast_in_dim3A_763, %unpack3A_785 : vector<16xf32>
        %add3A_788 = arith.addf %add3A_758, %mul3A_787 : vector<16xf32>
        %mul3A_789 = arith.mulf %broadcast_in_dim3A_763, %unpack3A_786 : vector<16xf32>
        %add3A_790 = arith.addf %add3A_760, %mul3A_789 : vector<16xf32>
        %slice3A_791 = vector.extract_strided_slice %get3A_81 {offsets = [7], sizes = [1], strides = [1]} : vector<16xf32> to vector<1xf32>
        %squeeze3A_792 = vector.extract %slice3A_791[0] : f32 from vector<1xf32>
        %broadcast_in_dim3A_793 = vector.broadcast %squeeze3A_792 : f32 to vector<16xf32>
        %slice3A_794 = vector.extract_strided_slice %get3A_90 {offsets = [7], sizes = [1], strides = [1]} : vector<16xi32> to vector<1xi32>
        %squeeze3A_795 = vector.extract %slice3A_794[0] : i32 from vector<1xi32>
        %broadcast_in_dim3A_796 = vector.broadcast %squeeze3A_795 : i32 to vector<16xi32>
        %gather3A_797 = tpu.vector_load_idx %arg6[%broadcast_in_dim3A_796, %add3A_7] : memref<800x49xi32, #tpu.memory_space<vmem>>[vector<16xi32>, vector<16xi32>], vector<16xi32>,
        %bitcast3A_798 = vector.bitcast %gather3A_797 : vector<16xi32> to vector<32xbf16>
        %unpack3A_799 = tpu.unpack_subelements %bitcast3A_798, 0 {pack_format = #tpu.pack_format<interleaved>} : vector<32xbf16> -> vector<16xf32>
        %unpack3A_800 = tpu.unpack_subelements %bitcast3A_798, 1 {pack_format = #tpu.pack_format<interleaved>} : vector<32xbf16> -> vector<16xf32>
        %mul3A_801 = arith.mulf %broadcast_in_dim3A_793, %unpack3A_799 : vector<16xf32>
        %add3A_802 = arith.addf %add3A_772, %mul3A_801 : vector<16xf32>
        %mul3A_803 = arith.mulf %broadcast_in_dim3A_793, %unpack3A_800 : vector<16xf32>
        %add3A_804 = arith.addf %add3A_774, %mul3A_803 : vector<16xf32>
        %gather3A_805 = tpu.vector_load_idx %arg6[%broadcast_in_dim3A_796, %add3A_10] : memref<800x49xi32, #tpu.memory_space<vmem>>[vector<16xi32>, vector<16xi32>], vector<16xi32>,
        %bitcast3A_806 = vector.bitcast %gather3A_805 : vector<16xi32> to vector<32xbf16>
        %unpack3A_807 = tpu.unpack_subelements %bitcast3A_806, 0 {pack_format = #tpu.pack_format<interleaved>} : vector<32xbf16> -> vector<16xf32>
        %unpack3A_808 = tpu.unpack_subelements %bitcast3A_806, 1 {pack_format = #tpu.pack_format<interleaved>} : vector<32xbf16> -> vector<16xf32>
        %mul3A_809 = arith.mulf %broadcast_in_dim3A_793, %unpack3A_807 : vector<16xf32>
        %add3A_810 = arith.addf %add3A_780, %mul3A_809 : vector<16xf32>
        %mul3A_811 = arith.mulf %broadcast_in_dim3A_793, %unpack3A_808 : vector<16xf32>
        %add3A_812 = arith.addf %add3A_782, %mul3A_811 : vector<16xf32>
        %gather3A_813 = tpu.vector_load_idx %arg6[%broadcast_in_dim3A_796, %add3A_13] : memref<800x49xi32, #tpu.memory_space<vmem>>[vector<16xi32>, vector<16xi32>], vector<16xi32>,
        %bitcast3A_814 = vector.bitcast %gather3A_813 : vector<16xi32> to vector<32xbf16>
        %unpack3A_815 = tpu.unpack_subelements %bitcast3A_814, 0 {pack_format = #tpu.pack_format<interleaved>} : vector<32xbf16> -> vector<16xf32>
        %unpack3A_816 = tpu.unpack_subelements %bitcast3A_814, 1 {pack_format = #tpu.pack_format<interleaved>} : vector<32xbf16> -> vector<16xf32>
        %mul3A_817 = arith.mulf %broadcast_in_dim3A_793, %unpack3A_815 : vector<16xf32>
        %add3A_818 = arith.addf %add3A_788, %mul3A_817 : vector<16xf32>
        %mul3A_819 = arith.mulf %broadcast_in_dim3A_793, %unpack3A_816 : vector<16xf32>
        %add3A_820 = arith.addf %add3A_790, %mul3A_819 : vector<16xf32>
        %slice3A_821 = vector.extract_strided_slice %get3A_81 {offsets = [8], sizes = [1], strides = [1]} : vector<16xf32> to vector<1xf32>
        %squeeze3A_822 = vector.extract %slice3A_821[0] : f32 from vector<1xf32>
        %broadcast_in_dim3A_823 = vector.broadcast %squeeze3A_822 : f32 to vector<16xf32>
        %slice3A_824 = vector.extract_strided_slice %get3A_90 {offsets = [8], sizes = [1], strides = [1]} : vector<16xi32> to vector<1xi32>
        %squeeze3A_825 = vector.extract %slice3A_824[0] : i32 from vector<1xi32>
        %broadcast_in_dim3A_826 = vector.broadcast %squeeze3A_825 : i32 to vector<16xi32>
        %gather3A_827 = tpu.vector_load_idx %arg6[%broadcast_in_dim3A_826, %add3A_7] : memref<800x49xi32, #tpu.memory_space<vmem>>[vector<16xi32>, vector<16xi32>], vector<16xi32>,
        %bitcast3A_828 = vector.bitcast %gather3A_827 : vector<16xi32> to vector<32xbf16>
        %unpack3A_829 = tpu.unpack_subelements %bitcast3A_828, 0 {pack_format = #tpu.pack_format<interleaved>} : vector<32xbf16> -> vector<16xf32>
        %unpack3A_830 = tpu.unpack_subelements %bitcast3A_828, 1 {pack_format = #tpu.pack_format<interleaved>} : vector<32xbf16> -> vector<16xf32>
        %mul3A_831 = arith.mulf %broadcast_in_dim3A_823, %unpack3A_829 : vector<16xf32>
        %add3A_832 = arith.addf %add3A_802, %mul3A_831 : vector<16xf32>
        %mul3A_833 = arith.mulf %broadcast_in_dim3A_823, %unpack3A_830 : vector<16xf32>
        %add3A_834 = arith.addf %add3A_804, %mul3A_833 : vector<16xf32>
        %gather3A_835 = tpu.vector_load_idx %arg6[%broadcast_in_dim3A_826, %add3A_10] : memref<800x49xi32, #tpu.memory_space<vmem>>[vector<16xi32>, vector<16xi32>], vector<16xi32>,
        %bitcast3A_836 = vector.bitcast %gather3A_835 : vector<16xi32> to vector<32xbf16>
        %unpack3A_837 = tpu.unpack_subelements %bitcast3A_836, 0 {pack_format = #tpu.pack_format<interleaved>} : vector<32xbf16> -> vector<16xf32>
        %unpack3A_838 = tpu.unpack_subelements %bitcast3A_836, 1 {pack_format = #tpu.pack_format<interleaved>} : vector<32xbf16> -> vector<16xf32>
        %mul3A_839 = arith.mulf %broadcast_in_dim3A_823, %unpack3A_837 : vector<16xf32>
        %add3A_840 = arith.addf %add3A_810, %mul3A_839 : vector<16xf32>
        %mul3A_841 = arith.mulf %broadcast_in_dim3A_823, %unpack3A_838 : vector<16xf32>
        %add3A_842 = arith.addf %add3A_812, %mul3A_841 : vector<16xf32>
        %gather3A_843 = tpu.vector_load_idx %arg6[%broadcast_in_dim3A_826, %add3A_13] : memref<800x49xi32, #tpu.memory_space<vmem>>[vector<16xi32>, vector<16xi32>], vector<16xi32>,
        %bitcast3A_844 = vector.bitcast %gather3A_843 : vector<16xi32> to vector<32xbf16>
        %unpack3A_845 = tpu.unpack_subelements %bitcast3A_844, 0 {pack_format = #tpu.pack_format<interleaved>} : vector<32xbf16> -> vector<16xf32>
        %unpack3A_846 = tpu.unpack_subelements %bitcast3A_844, 1 {pack_format = #tpu.pack_format<interleaved>} : vector<32xbf16> -> vector<16xf32>
        %mul3A_847 = arith.mulf %broadcast_in_dim3A_823, %unpack3A_845 : vector<16xf32>
        %add3A_848 = arith.addf %add3A_818, %mul3A_847 : vector<16xf32>
        %mul3A_849 = arith.mulf %broadcast_in_dim3A_823, %unpack3A_846 : vector<16xf32>
        %add3A_850 = arith.addf %add3A_820, %mul3A_849 : vector<16xf32>
        %slice3A_851 = vector.extract_strided_slice %get3A_81 {offsets = [9], sizes = [1], strides = [1]} : vector<16xf32> to vector<1xf32>
        %squeeze3A_852 = vector.extract %slice3A_851[0] : f32 from vector<1xf32>
        %broadcast_in_dim3A_853 = vector.broadcast %squeeze3A_852 : f32 to vector<16xf32>
        %slice3A_854 = vector.extract_strided_slice %get3A_90 {offsets = [9], sizes = [1], strides = [1]} : vector<16xi32> to vector<1xi32>
        %squeeze3A_855 = vector.extract %slice3A_854[0] : i32 from vector<1xi32>
        %broadcast_in_dim3A_856 = vector.broadcast %squeeze3A_855 : i32 to vector<16xi32>
        %gather3A_857 = tpu.vector_load_idx %arg6[%broadcast_in_dim3A_856, %add3A_7] : memref<800x49xi32, #tpu.memory_space<vmem>>[vector<16xi32>, vector<16xi32>], vector<16xi32>,
        %bitcast3A_858 = vector.bitcast %gather3A_857 : vector<16xi32> to vector<32xbf16>
        %unpack3A_859 = tpu.unpack_subelements %bitcast3A_858, 0 {pack_format = #tpu.pack_format<interleaved>} : vector<32xbf16> -> vector<16xf32>
        %unpack3A_860 = tpu.unpack_subelements %bitcast3A_858, 1 {pack_format = #tpu.pack_format<interleaved>} : vector<32xbf16> -> vector<16xf32>
        %mul3A_861 = arith.mulf %broadcast_in_dim3A_853, %unpack3A_859 : vector<16xf32>
        %add3A_862 = arith.addf %add3A_832, %mul3A_861 : vector<16xf32>
        %mul3A_863 = arith.mulf %broadcast_in_dim3A_853, %unpack3A_860 : vector<16xf32>
        %add3A_864 = arith.addf %add3A_834, %mul3A_863 : vector<16xf32>
        %gather3A_865 = tpu.vector_load_idx %arg6[%broadcast_in_dim3A_856, %add3A_10] : memref<800x49xi32, #tpu.memory_space<vmem>>[vector<16xi32>, vector<16xi32>], vector<16xi32>,
        %bitcast3A_866 = vector.bitcast %gather3A_865 : vector<16xi32> to vector<32xbf16>
        %unpack3A_867 = tpu.unpack_subelements %bitcast3A_866, 0 {pack_format = #tpu.pack_format<interleaved>} : vector<32xbf16> -> vector<16xf32>
        %unpack3A_868 = tpu.unpack_subelements %bitcast3A_866, 1 {pack_format = #tpu.pack_format<interleaved>} : vector<32xbf16> -> vector<16xf32>
        %mul3A_869 = arith.mulf %broadcast_in_dim3A_853, %unpack3A_867 : vector<16xf32>
        %add3A_870 = arith.addf %add3A_840, %mul3A_869 : vector<16xf32>
        %mul3A_871 = arith.mulf %broadcast_in_dim3A_853, %unpack3A_868 : vector<16xf32>
        %add3A_872 = arith.addf %add3A_842, %mul3A_871 : vector<16xf32>
        %gather3A_873 = tpu.vector_load_idx %arg6[%broadcast_in_dim3A_856, %add3A_13] : memref<800x49xi32, #tpu.memory_space<vmem>>[vector<16xi32>, vector<16xi32>], vector<16xi32>,
        %bitcast3A_874 = vector.bitcast %gather3A_873 : vector<16xi32> to vector<32xbf16>
        %unpack3A_875 = tpu.unpack_subelements %bitcast3A_874, 0 {pack_format = #tpu.pack_format<interleaved>} : vector<32xbf16> -> vector<16xf32>
        %unpack3A_876 = tpu.unpack_subelements %bitcast3A_874, 1 {pack_format = #tpu.pack_format<interleaved>} : vector<32xbf16> -> vector<16xf32>
        %mul3A_877 = arith.mulf %broadcast_in_dim3A_853, %unpack3A_875 : vector<16xf32>
        %add3A_878 = arith.addf %add3A_848, %mul3A_877 : vector<16xf32>
        %mul3A_879 = arith.mulf %broadcast_in_dim3A_853, %unpack3A_876 : vector<16xf32>
        %add3A_880 = arith.addf %add3A_850, %mul3A_879 : vector<16xf32>
        %slice3A_881 = vector.extract_strided_slice %get3A_81 {offsets = [10], sizes = [1], strides = [1]} : vector<16xf32> to vector<1xf32>
        %squeeze3A_882 = vector.extract %slice3A_881[0] : f32 from vector<1xf32>
        %broadcast_in_dim3A_883 = vector.broadcast %squeeze3A_882 : f32 to vector<16xf32>
        %slice3A_884 = vector.extract_strided_slice %get3A_90 {offsets = [10], sizes = [1], strides = [1]} : vector<16xi32> to vector<1xi32>
        %squeeze3A_885 = vector.extract %slice3A_884[0] : i32 from vector<1xi32>
        %broadcast_in_dim3A_886 = vector.broadcast %squeeze3A_885 : i32 to vector<16xi32>
        %gather3A_887 = tpu.vector_load_idx %arg6[%broadcast_in_dim3A_886, %add3A_7] : memref<800x49xi32, #tpu.memory_space<vmem>>[vector<16xi32>, vector<16xi32>], vector<16xi32>,
        %bitcast3A_888 = vector.bitcast %gather3A_887 : vector<16xi32> to vector<32xbf16>
        %unpack3A_889 = tpu.unpack_subelements %bitcast3A_888, 0 {pack_format = #tpu.pack_format<interleaved>} : vector<32xbf16> -> vector<16xf32>
        %unpack3A_890 = tpu.unpack_subelements %bitcast3A_888, 1 {pack_format = #tpu.pack_format<interleaved>} : vector<32xbf16> -> vector<16xf32>
        %mul3A_891 = arith.mulf %broadcast_in_dim3A_883, %unpack3A_889 : vector<16xf32>
        %add3A_892 = arith.addf %add3A_862, %mul3A_891 : vector<16xf32>
        %mul3A_893 = arith.mulf %broadcast_in_dim3A_883, %unpack3A_890 : vector<16xf32>
        %add3A_894 = arith.addf %add3A_864, %mul3A_893 : vector<16xf32>
        %gather3A_895 = tpu.vector_load_idx %arg6[%broadcast_in_dim3A_886, %add3A_10] : memref<800x49xi32, #tpu.memory_space<vmem>>[vector<16xi32>, vector<16xi32>], vector<16xi32>,
        %bitcast3A_896 = vector.bitcast %gather3A_895 : vector<16xi32> to vector<32xbf16>
        %unpack3A_897 = tpu.unpack_subelements %bitcast3A_896, 0 {pack_format = #tpu.pack_format<interleaved>} : vector<32xbf16> -> vector<16xf32>
        %unpack3A_898 = tpu.unpack_subelements %bitcast3A_896, 1 {pack_format = #tpu.pack_format<interleaved>} : vector<32xbf16> -> vector<16xf32>
        %mul3A_899 = arith.mulf %broadcast_in_dim3A_883, %unpack3A_897 : vector<16xf32>
        %add3A_900 = arith.addf %add3A_870, %mul3A_899 : vector<16xf32>
        %mul3A_901 = arith.mulf %broadcast_in_dim3A_883, %unpack3A_898 : vector<16xf32>
        %add3A_902 = arith.addf %add3A_872, %mul3A_901 : vector<16xf32>
        %gather3A_903 = tpu.vector_load_idx %arg6[%broadcast_in_dim3A_886, %add3A_13] : memref<800x49xi32, #tpu.memory_space<vmem>>[vector<16xi32>, vector<16xi32>], vector<16xi32>,
        %bitcast3A_904 = vector.bitcast %gather3A_903 : vector<16xi32> to vector<32xbf16>
        %unpack3A_905 = tpu.unpack_subelements %bitcast3A_904, 0 {pack_format = #tpu.pack_format<interleaved>} : vector<32xbf16> -> vector<16xf32>
        %unpack3A_906 = tpu.unpack_subelements %bitcast3A_904, 1 {pack_format = #tpu.pack_format<interleaved>} : vector<32xbf16> -> vector<16xf32>
        %mul3A_907 = arith.mulf %broadcast_in_dim3A_883, %unpack3A_905 : vector<16xf32>
        %add3A_908 = arith.addf %add3A_878, %mul3A_907 : vector<16xf32>
        %mul3A_909 = arith.mulf %broadcast_in_dim3A_883, %unpack3A_906 : vector<16xf32>
        %add3A_910 = arith.addf %add3A_880, %mul3A_909 : vector<16xf32>
        %slice3A_911 = vector.extract_strided_slice %get3A_81 {offsets = [11], sizes = [1], strides = [1]} : vector<16xf32> to vector<1xf32>
        %squeeze3A_912 = vector.extract %slice3A_911[0] : f32 from vector<1xf32>
        %broadcast_in_dim3A_913 = vector.broadcast %squeeze3A_912 : f32 to vector<16xf32>
        %slice3A_914 = vector.extract_strided_slice %get3A_90 {offsets = [11], sizes = [1], strides = [1]} : vector<16xi32> to vector<1xi32>
        %squeeze3A_915 = vector.extract %slice3A_914[0] : i32 from vector<1xi32>
        %broadcast_in_dim3A_916 = vector.broadcast %squeeze3A_915 : i32 to vector<16xi32>
        %gather3A_917 = tpu.vector_load_idx %arg6[%broadcast_in_dim3A_916, %add3A_7] : memref<800x49xi32, #tpu.memory_space<vmem>>[vector<16xi32>, vector<16xi32>], vector<16xi32>,
        %bitcast3A_918 = vector.bitcast %gather3A_917 : vector<16xi32> to vector<32xbf16>
        %unpack3A_919 = tpu.unpack_subelements %bitcast3A_918, 0 {pack_format = #tpu.pack_format<interleaved>} : vector<32xbf16> -> vector<16xf32>
        %unpack3A_920 = tpu.unpack_subelements %bitcast3A_918, 1 {pack_format = #tpu.pack_format<interleaved>} : vector<32xbf16> -> vector<16xf32>
        %mul3A_921 = arith.mulf %broadcast_in_dim3A_913, %unpack3A_919 : vector<16xf32>
        %add3A_922 = arith.addf %add3A_892, %mul3A_921 : vector<16xf32>
        %mul3A_923 = arith.mulf %broadcast_in_dim3A_913, %unpack3A_920 : vector<16xf32>
        %add3A_924 = arith.addf %add3A_894, %mul3A_923 : vector<16xf32>
        %gather3A_925 = tpu.vector_load_idx %arg6[%broadcast_in_dim3A_916, %add3A_10] : memref<800x49xi32, #tpu.memory_space<vmem>>[vector<16xi32>, vector<16xi32>], vector<16xi32>,
        %bitcast3A_926 = vector.bitcast %gather3A_925 : vector<16xi32> to vector<32xbf16>
        %unpack3A_927 = tpu.unpack_subelements %bitcast3A_926, 0 {pack_format = #tpu.pack_format<interleaved>} : vector<32xbf16> -> vector<16xf32>
        %unpack3A_928 = tpu.unpack_subelements %bitcast3A_926, 1 {pack_format = #tpu.pack_format<interleaved>} : vector<32xbf16> -> vector<16xf32>
        %mul3A_929 = arith.mulf %broadcast_in_dim3A_913, %unpack3A_927 : vector<16xf32>
        %add3A_930 = arith.addf %add3A_900, %mul3A_929 : vector<16xf32>
        %mul3A_931 = arith.mulf %broadcast_in_dim3A_913, %unpack3A_928 : vector<16xf32>
        %add3A_932 = arith.addf %add3A_902, %mul3A_931 : vector<16xf32>
        %gather3A_933 = tpu.vector_load_idx %arg6[%broadcast_in_dim3A_916, %add3A_13] : memref<800x49xi32, #tpu.memory_space<vmem>>[vector<16xi32>, vector<16xi32>], vector<16xi32>,
        %bitcast3A_934 = vector.bitcast %gather3A_933 : vector<16xi32> to vector<32xbf16>
        %unpack3A_935 = tpu.unpack_subelements %bitcast3A_934, 0 {pack_format = #tpu.pack_format<interleaved>} : vector<32xbf16> -> vector<16xf32>
        %unpack3A_936 = tpu.unpack_subelements %bitcast3A_934, 1 {pack_format = #tpu.pack_format<interleaved>} : vector<32xbf16> -> vector<16xf32>
        %mul3A_937 = arith.mulf %broadcast_in_dim3A_913, %unpack3A_935 : vector<16xf32>
        %add3A_938 = arith.addf %add3A_908, %mul3A_937 : vector<16xf32>
        %mul3A_939 = arith.mulf %broadcast_in_dim3A_913, %unpack3A_936 : vector<16xf32>
        %add3A_940 = arith.addf %add3A_910, %mul3A_939 : vector<16xf32>
        %slice3A_941 = vector.extract_strided_slice %get3A_81 {offsets = [12], sizes = [1], strides = [1]} : vector<16xf32> to vector<1xf32>
        %squeeze3A_942 = vector.extract %slice3A_941[0] : f32 from vector<1xf32>
        %broadcast_in_dim3A_943 = vector.broadcast %squeeze3A_942 : f32 to vector<16xf32>
        %slice3A_944 = vector.extract_strided_slice %get3A_90 {offsets = [12], sizes = [1], strides = [1]} : vector<16xi32> to vector<1xi32>
        %squeeze3A_945 = vector.extract %slice3A_944[0] : i32 from vector<1xi32>
        %broadcast_in_dim3A_946 = vector.broadcast %squeeze3A_945 : i32 to vector<16xi32>
        %gather3A_947 = tpu.vector_load_idx %arg6[%broadcast_in_dim3A_946, %add3A_7] : memref<800x49xi32, #tpu.memory_space<vmem>>[vector<16xi32>, vector<16xi32>], vector<16xi32>,
        %bitcast3A_948 = vector.bitcast %gather3A_947 : vector<16xi32> to vector<32xbf16>
        %unpack3A_949 = tpu.unpack_subelements %bitcast3A_948, 0 {pack_format = #tpu.pack_format<interleaved>} : vector<32xbf16> -> vector<16xf32>
        %unpack3A_950 = tpu.unpack_subelements %bitcast3A_948, 1 {pack_format = #tpu.pack_format<interleaved>} : vector<32xbf16> -> vector<16xf32>
        %mul3A_951 = arith.mulf %broadcast_in_dim3A_943, %unpack3A_949 : vector<16xf32>
        %add3A_952 = arith.addf %add3A_922, %mul3A_951 : vector<16xf32>
        %mul3A_953 = arith.mulf %broadcast_in_dim3A_943, %unpack3A_950 : vector<16xf32>
        %add3A_954 = arith.addf %add3A_924, %mul3A_953 : vector<16xf32>
        %gather3A_955 = tpu.vector_load_idx %arg6[%broadcast_in_dim3A_946, %add3A_10] : memref<800x49xi32, #tpu.memory_space<vmem>>[vector<16xi32>, vector<16xi32>], vector<16xi32>,
        %bitcast3A_956 = vector.bitcast %gather3A_955 : vector<16xi32> to vector<32xbf16>
        %unpack3A_957 = tpu.unpack_subelements %bitcast3A_956, 0 {pack_format = #tpu.pack_format<interleaved>} : vector<32xbf16> -> vector<16xf32>
        %unpack3A_958 = tpu.unpack_subelements %bitcast3A_956, 1 {pack_format = #tpu.pack_format<interleaved>} : vector<32xbf16> -> vector<16xf32>
        %mul3A_959 = arith.mulf %broadcast_in_dim3A_943, %unpack3A_957 : vector<16xf32>
        %add3A_960 = arith.addf %add3A_930, %mul3A_959 : vector<16xf32>
        %mul3A_961 = arith.mulf %broadcast_in_dim3A_943, %unpack3A_958 : vector<16xf32>
        %add3A_962 = arith.addf %add3A_932, %mul3A_961 : vector<16xf32>
        %gather3A_963 = tpu.vector_load_idx %arg6[%broadcast_in_dim3A_946, %add3A_13] : memref<800x49xi32, #tpu.memory_space<vmem>>[vector<16xi32>, vector<16xi32>], vector<16xi32>,
        %bitcast3A_964 = vector.bitcast %gather3A_963 : vector<16xi32> to vector<32xbf16>
        %unpack3A_965 = tpu.unpack_subelements %bitcast3A_964, 0 {pack_format = #tpu.pack_format<interleaved>} : vector<32xbf16> -> vector<16xf32>
        %unpack3A_966 = tpu.unpack_subelements %bitcast3A_964, 1 {pack_format = #tpu.pack_format<interleaved>} : vector<32xbf16> -> vector<16xf32>
        %mul3A_967 = arith.mulf %broadcast_in_dim3A_943, %unpack3A_965 : vector<16xf32>
        %add3A_968 = arith.addf %add3A_938, %mul3A_967 : vector<16xf32>
        %mul3A_969 = arith.mulf %broadcast_in_dim3A_943, %unpack3A_966 : vector<16xf32>
        %add3A_970 = arith.addf %add3A_940, %mul3A_969 : vector<16xf32>
        %slice3A_971 = vector.extract_strided_slice %get3A_81 {offsets = [13], sizes = [1], strides = [1]} : vector<16xf32> to vector<1xf32>
        %squeeze3A_972 = vector.extract %slice3A_971[0] : f32 from vector<1xf32>
        %broadcast_in_dim3A_973 = vector.broadcast %squeeze3A_972 : f32 to vector<16xf32>
        %slice3A_974 = vector.extract_strided_slice %get3A_90 {offsets = [13], sizes = [1], strides = [1]} : vector<16xi32> to vector<1xi32>
        %squeeze3A_975 = vector.extract %slice3A_974[0] : i32 from vector<1xi32>
        %broadcast_in_dim3A_976 = vector.broadcast %squeeze3A_975 : i32 to vector<16xi32>
        %gather3A_977 = tpu.vector_load_idx %arg6[%broadcast_in_dim3A_976, %add3A_7] : memref<800x49xi32, #tpu.memory_space<vmem>>[vector<16xi32>, vector<16xi32>], vector<16xi32>,
        %bitcast3A_978 = vector.bitcast %gather3A_977 : vector<16xi32> to vector<32xbf16>
        %unpack3A_979 = tpu.unpack_subelements %bitcast3A_978, 0 {pack_format = #tpu.pack_format<interleaved>} : vector<32xbf16> -> vector<16xf32>
        %unpack3A_980 = tpu.unpack_subelements %bitcast3A_978, 1 {pack_format = #tpu.pack_format<interleaved>} : vector<32xbf16> -> vector<16xf32>
        %mul3A_981 = arith.mulf %broadcast_in_dim3A_973, %unpack3A_979 : vector<16xf32>
        %add3A_982 = arith.addf %add3A_952, %mul3A_981 : vector<16xf32>
        %mul3A_983 = arith.mulf %broadcast_in_dim3A_973, %unpack3A_980 : vector<16xf32>
        %add3A_984 = arith.addf %add3A_954, %mul3A_983 : vector<16xf32>
        %gather3A_985 = tpu.vector_load_idx %arg6[%broadcast_in_dim3A_976, %add3A_10] : memref<800x49xi32, #tpu.memory_space<vmem>>[vector<16xi32>, vector<16xi32>], vector<16xi32>,
        %bitcast3A_986 = vector.bitcast %gather3A_985 : vector<16xi32> to vector<32xbf16>
        %unpack3A_987 = tpu.unpack_subelements %bitcast3A_986, 0 {pack_format = #tpu.pack_format<interleaved>} : vector<32xbf16> -> vector<16xf32>
        %unpack3A_988 = tpu.unpack_subelements %bitcast3A_986, 1 {pack_format = #tpu.pack_format<interleaved>} : vector<32xbf16> -> vector<16xf32>
        %mul3A_989 = arith.mulf %broadcast_in_dim3A_973, %unpack3A_987 : vector<16xf32>
        %add3A_990 = arith.addf %add3A_960, %mul3A_989 : vector<16xf32>
        %mul3A_991 = arith.mulf %broadcast_in_dim3A_973, %unpack3A_988 : vector<16xf32>
        %add3A_992 = arith.addf %add3A_962, %mul3A_991 : vector<16xf32>
        %gather3A_993 = tpu.vector_load_idx %arg6[%broadcast_in_dim3A_976, %add3A_13] : memref<800x49xi32, #tpu.memory_space<vmem>>[vector<16xi32>, vector<16xi32>], vector<16xi32>,
        %bitcast3A_994 = vector.bitcast %gather3A_993 : vector<16xi32> to vector<32xbf16>
        %unpack3A_995 = tpu.unpack_subelements %bitcast3A_994, 0 {pack_format = #tpu.pack_format<interleaved>} : vector<32xbf16> -> vector<16xf32>
        %unpack3A_996 = tpu.unpack_subelements %bitcast3A_994, 1 {pack_format = #tpu.pack_format<interleaved>} : vector<32xbf16> -> vector<16xf32>
        %mul3A_997 = arith.mulf %broadcast_in_dim3A_973, %unpack3A_995 : vector<16xf32>
        %add3A_998 = arith.addf %add3A_968, %mul3A_997 : vector<16xf32>
        %mul3A_999 = arith.mulf %broadcast_in_dim3A_973, %unpack3A_996 : vector<16xf32>
        %add3A_1000 = arith.addf %add3A_970, %mul3A_999 : vector<16xf32>
        %slice3A_1001 = vector.extract_strided_slice %get3A_81 {offsets = [14], sizes = [1], strides = [1]} : vector<16xf32> to vector<1xf32>
        %squeeze3A_1002 = vector.extract %slice3A_1001[0] : f32 from vector<1xf32>
        %broadcast_in_dim3A_1003 = vector.broadcast %squeeze3A_1002 : f32 to vector<16xf32>
        %slice3A_1004 = vector.extract_strided_slice %get3A_90 {offsets = [14], sizes = [1], strides = [1]} : vector<16xi32> to vector<1xi32>
        %squeeze3A_1005 = vector.extract %slice3A_1004[0] : i32 from vector<1xi32>
        %broadcast_in_dim3A_1006 = vector.broadcast %squeeze3A_1005 : i32 to vector<16xi32>
        %gather3A_1007 = tpu.vector_load_idx %arg6[%broadcast_in_dim3A_1006, %add3A_7] : memref<800x49xi32, #tpu.memory_space<vmem>>[vector<16xi32>, vector<16xi32>], vector<16xi32>,
        %bitcast3A_1008 = vector.bitcast %gather3A_1007 : vector<16xi32> to vector<32xbf16>
        %unpack3A_1009 = tpu.unpack_subelements %bitcast3A_1008, 0 {pack_format = #tpu.pack_format<interleaved>} : vector<32xbf16> -> vector<16xf32>
        %unpack3A_1010 = tpu.unpack_subelements %bitcast3A_1008, 1 {pack_format = #tpu.pack_format<interleaved>} : vector<32xbf16> -> vector<16xf32>
        %mul3A_1011 = arith.mulf %broadcast_in_dim3A_1003, %unpack3A_1009 : vector<16xf32>
        %add3A_1012 = arith.addf %add3A_982, %mul3A_1011 : vector<16xf32>
        %mul3A_1013 = arith.mulf %broadcast_in_dim3A_1003, %unpack3A_1010 : vector<16xf32>
        %add3A_1014 = arith.addf %add3A_984, %mul3A_1013 : vector<16xf32>
        %gather3A_1015 = tpu.vector_load_idx %arg6[%broadcast_in_dim3A_1006, %add3A_10] : memref<800x49xi32, #tpu.memory_space<vmem>>[vector<16xi32>, vector<16xi32>], vector<16xi32>,
        %bitcast3A_1016 = vector.bitcast %gather3A_1015 : vector<16xi32> to vector<32xbf16>
        %unpack3A_1017 = tpu.unpack_subelements %bitcast3A_1016, 0 {pack_format = #tpu.pack_format<interleaved>} : vector<32xbf16> -> vector<16xf32>
        %unpack3A_1018 = tpu.unpack_subelements %bitcast3A_1016, 1 {pack_format = #tpu.pack_format<interleaved>} : vector<32xbf16> -> vector<16xf32>
        %mul3A_1019 = arith.mulf %broadcast_in_dim3A_1003, %unpack3A_1017 : vector<16xf32>
        %add3A_1020 = arith.addf %add3A_990, %mul3A_1019 : vector<16xf32>
        %mul3A_1021 = arith.mulf %broadcast_in_dim3A_1003, %unpack3A_1018 : vector<16xf32>
        %add3A_1022 = arith.addf %add3A_992, %mul3A_1021 : vector<16xf32>
        %gather3A_1023 = tpu.vector_load_idx %arg6[%broadcast_in_dim3A_1006, %add3A_13] : memref<800x49xi32, #tpu.memory_space<vmem>>[vector<16xi32>, vector<16xi32>], vector<16xi32>,
        %bitcast3A_1024 = vector.bitcast %gather3A_1023 : vector<16xi32> to vector<32xbf16>
        %unpack3A_1025 = tpu.unpack_subelements %bitcast3A_1024, 0 {pack_format = #tpu.pack_format<interleaved>} : vector<32xbf16> -> vector<16xf32>
        %unpack3A_1026 = tpu.unpack_subelements %bitcast3A_1024, 1 {pack_format = #tpu.pack_format<interleaved>} : vector<32xbf16> -> vector<16xf32>
        %mul3A_1027 = arith.mulf %broadcast_in_dim3A_1003, %unpack3A_1025 : vector<16xf32>
        %add3A_1028 = arith.addf %add3A_998, %mul3A_1027 : vector<16xf32>
        %mul3A_1029 = arith.mulf %broadcast_in_dim3A_1003, %unpack3A_1026 : vector<16xf32>
        %add3A_1030 = arith.addf %add3A_1000, %mul3A_1029 : vector<16xf32>
        %slice3A_1031 = vector.extract_strided_slice %get3A_81 {offsets = [15], sizes = [1], strides = [1]} : vector<16xf32> to vector<1xf32>
        %squeeze3A_1032 = vector.extract %slice3A_1031[0] : f32 from vector<1xf32>
        %broadcast_in_dim3A_1033 = vector.broadcast %squeeze3A_1032 : f32 to vector<16xf32>
        %slice3A_1034 = vector.extract_strided_slice %get3A_90 {offsets = [15], sizes = [1], strides = [1]} : vector<16xi32> to vector<1xi32>
        %squeeze3A_1035 = vector.extract %slice3A_1034[0] : i32 from vector<1xi32>
        %broadcast_in_dim3A_1036 = vector.broadcast %squeeze3A_1035 : i32 to vector<16xi32>
        %gather3A_1037 = tpu.vector_load_idx %arg6[%broadcast_in_dim3A_1036, %add3A_7] : memref<800x49xi32, #tpu.memory_space<vmem>>[vector<16xi32>, vector<16xi32>], vector<16xi32>,
        %bitcast3A_1038 = vector.bitcast %gather3A_1037 : vector<16xi32> to vector<32xbf16>
        %unpack3A_1039 = tpu.unpack_subelements %bitcast3A_1038, 0 {pack_format = #tpu.pack_format<interleaved>} : vector<32xbf16> -> vector<16xf32>
        %unpack3A_1040 = tpu.unpack_subelements %bitcast3A_1038, 1 {pack_format = #tpu.pack_format<interleaved>} : vector<32xbf16> -> vector<16xf32>
        %mul3A_1041 = arith.mulf %broadcast_in_dim3A_1033, %unpack3A_1039 : vector<16xf32>
        %add3A_1042 = arith.addf %add3A_1012, %mul3A_1041 : vector<16xf32>
        %mul3A_1043 = arith.mulf %broadcast_in_dim3A_1033, %unpack3A_1040 : vector<16xf32>
        %add3A_1044 = arith.addf %add3A_1014, %mul3A_1043 : vector<16xf32>
        %gather3A_1045 = tpu.vector_load_idx %arg6[%broadcast_in_dim3A_1036, %add3A_10] : memref<800x49xi32, #tpu.memory_space<vmem>>[vector<16xi32>, vector<16xi32>], vector<16xi32>,
        %bitcast3A_1046 = vector.bitcast %gather3A_1045 : vector<16xi32> to vector<32xbf16>
        %unpack3A_1047 = tpu.unpack_subelements %bitcast3A_1046, 0 {pack_format = #tpu.pack_format<interleaved>} : vector<32xbf16> -> vector<16xf32>
        %unpack3A_1048 = tpu.unpack_subelements %bitcast3A_1046, 1 {pack_format = #tpu.pack_format<interleaved>} : vector<32xbf16> -> vector<16xf32>
        %mul3A_1049 = arith.mulf %broadcast_in_dim3A_1033, %unpack3A_1047 : vector<16xf32>
        %add3A_1050 = arith.addf %add3A_1020, %mul3A_1049 : vector<16xf32>
        %mul3A_1051 = arith.mulf %broadcast_in_dim3A_1033, %unpack3A_1048 : vector<16xf32>
        %add3A_1052 = arith.addf %add3A_1022, %mul3A_1051 : vector<16xf32>
        %gather3A_1053 = tpu.vector_load_idx %arg6[%broadcast_in_dim3A_1036, %add3A_13] : memref<800x49xi32, #tpu.memory_space<vmem>>[vector<16xi32>, vector<16xi32>], vector<16xi32>,
        %bitcast3A_1054 = vector.bitcast %gather3A_1053 : vector<16xi32> to vector<32xbf16>
        %unpack3A_1055 = tpu.unpack_subelements %bitcast3A_1054, 0 {pack_format = #tpu.pack_format<interleaved>} : vector<32xbf16> -> vector<16xf32>
        %unpack3A_1056 = tpu.unpack_subelements %bitcast3A_1054, 1 {pack_format = #tpu.pack_format<interleaved>} : vector<32xbf16> -> vector<16xf32>
        %mul3A_1057 = arith.mulf %broadcast_in_dim3A_1033, %unpack3A_1055 : vector<16xf32>
        %add3A_1058 = arith.addf %add3A_1028, %mul3A_1057 : vector<16xf32>
        %mul3A_1059 = arith.mulf %broadcast_in_dim3A_1033, %unpack3A_1056 : vector<16xf32>
        %add3A_1060 = arith.addf %add3A_1030, %mul3A_1059 : vector<16xf32>
        %slice3A_1061 = vector.extract_strided_slice %get3A_84 {offsets = [0], sizes = [1], strides = [1]} : vector<16xf32> to vector<1xf32>
        %squeeze3A_1062 = vector.extract %slice3A_1061[0] : f32 from vector<1xf32>
        %broadcast_in_dim3A_1063 = vector.broadcast %squeeze3A_1062 : f32 to vector<16xf32>
        %slice3A_1064 = vector.extract_strided_slice %get3A_93 {offsets = [0], sizes = [1], strides = [1]} : vector<16xi32> to vector<1xi32>
        %squeeze3A_1065 = vector.extract %slice3A_1064[0] : i32 from vector<1xi32>
        %broadcast_in_dim3A_1066 = vector.broadcast %squeeze3A_1065 : i32 to vector<16xi32>
        %gather3A_1067 = tpu.vector_load_idx %arg6[%broadcast_in_dim3A_1066, %add3A_7] : memref<800x49xi32, #tpu.memory_space<vmem>>[vector<16xi32>, vector<16xi32>], vector<16xi32>,
        %bitcast3A_1068 = vector.bitcast %gather3A_1067 : vector<16xi32> to vector<32xbf16>
        %unpack3A_1069 = tpu.unpack_subelements %bitcast3A_1068, 0 {pack_format = #tpu.pack_format<interleaved>} : vector<32xbf16> -> vector<16xf32>
        %unpack3A_1070 = tpu.unpack_subelements %bitcast3A_1068, 1 {pack_format = #tpu.pack_format<interleaved>} : vector<32xbf16> -> vector<16xf32>
        %mul3A_1071 = arith.mulf %broadcast_in_dim3A_1063, %unpack3A_1069 : vector<16xf32>
        %add3A_1072 = arith.addf %add3A_1042, %mul3A_1071 : vector<16xf32>
        %mul3A_1073 = arith.mulf %broadcast_in_dim3A_1063, %unpack3A_1070 : vector<16xf32>
        %add3A_1074 = arith.addf %add3A_1044, %mul3A_1073 : vector<16xf32>
        %gather3A_1075 = tpu.vector_load_idx %arg6[%broadcast_in_dim3A_1066, %add3A_10] : memref<800x49xi32, #tpu.memory_space<vmem>>[vector<16xi32>, vector<16xi32>], vector<16xi32>,
        %bitcast3A_1076 = vector.bitcast %gather3A_1075 : vector<16xi32> to vector<32xbf16>
        %unpack3A_1077 = tpu.unpack_subelements %bitcast3A_1076, 0 {pack_format = #tpu.pack_format<interleaved>} : vector<32xbf16> -> vector<16xf32>
        %unpack3A_1078 = tpu.unpack_subelements %bitcast3A_1076, 1 {pack_format = #tpu.pack_format<interleaved>} : vector<32xbf16> -> vector<16xf32>
        %mul3A_1079 = arith.mulf %broadcast_in_dim3A_1063, %unpack3A_1077 : vector<16xf32>
        %add3A_1080 = arith.addf %add3A_1050, %mul3A_1079 : vector<16xf32>
        %mul3A_1081 = arith.mulf %broadcast_in_dim3A_1063, %unpack3A_1078 : vector<16xf32>
        %add3A_1082 = arith.addf %add3A_1052, %mul3A_1081 : vector<16xf32>
        %gather3A_1083 = tpu.vector_load_idx %arg6[%broadcast_in_dim3A_1066, %add3A_13] : memref<800x49xi32, #tpu.memory_space<vmem>>[vector<16xi32>, vector<16xi32>], vector<16xi32>,
        %bitcast3A_1084 = vector.bitcast %gather3A_1083 : vector<16xi32> to vector<32xbf16>
        %unpack3A_1085 = tpu.unpack_subelements %bitcast3A_1084, 0 {pack_format = #tpu.pack_format<interleaved>} : vector<32xbf16> -> vector<16xf32>
        %unpack3A_1086 = tpu.unpack_subelements %bitcast3A_1084, 1 {pack_format = #tpu.pack_format<interleaved>} : vector<32xbf16> -> vector<16xf32>
        %mul3A_1087 = arith.mulf %broadcast_in_dim3A_1063, %unpack3A_1085 : vector<16xf32>
        %add3A_1088 = arith.addf %add3A_1058, %mul3A_1087 : vector<16xf32>
        %mul3A_1089 = arith.mulf %broadcast_in_dim3A_1063, %unpack3A_1086 : vector<16xf32>
        %add3A_1090 = arith.addf %add3A_1060, %mul3A_1089 : vector<16xf32>
        tpu.vector_store_idx %arg9[%broadcast_in_dim3A, %add3A_19], %add3A_1072 : memref<256x97xf32, #tpu.memory_space<vmem>>[vector<16xi32>, vector<16xi32>], vector<16xf32>,
        tpu.vector_store_idx %arg9[%broadcast_in_dim3A, %add3A_40], %add3A_1074 : memref<256x97xf32, #tpu.memory_space<vmem>>[vector<16xi32>, vector<16xi32>], vector<16xf32>,
        tpu.vector_store_idx %arg9[%broadcast_in_dim3A, %add3A_25], %add3A_1080 : memref<256x97xf32, #tpu.memory_space<vmem>>[vector<16xi32>, vector<16xi32>], vector<16xf32>,
        tpu.vector_store_idx %arg9[%broadcast_in_dim3A, %add3A_49], %add3A_1082 : memref<256x97xf32, #tpu.memory_space<vmem>>[vector<16xi32>, vector<16xi32>], vector<16xf32>,
        tpu.vector_store_idx %arg9[%broadcast_in_dim3A, %add3A_31], %add3A_1088 : memref<256x97xf32, #tpu.memory_space<vmem>>[vector<16xi32>, vector<16xi32>], vector<16xf32>,
        tpu.vector_store_idx %arg9[%broadcast_in_dim3A, %add3A_58], %add3A_1090 : memref<256x97xf32, #tpu.memory_space<vmem>>[vector<16xi32>, vector<16xi32>], vector<16xf32>,
      }
      %scan3A_75 = arith.constant 256 : i32
      "tpu.region"() ({
        %run_scoped3A = tpu.sem_alloc : memref<!tpu.dma_semaphore, #tpu.memory_space<semaphore_mem>>
        %dma_start3A = arith.constant 0 : i32
        %dma_start3A_76 = arith.constant 0 : i32
        %dma_start3A_77 = tpu.memref_slice %arg9[%dma_start3A, %dma_start3A_76] : memref<256x97xf32, #tpu.memory_space<vmem>> -> memref<256x96xf32, #tpu.memory_space<vmem>>
        %dma_start3A_78 = tpu.memref_slice %arg5[%mul3A_2, %multiple_of3A_69] : memref<8192x768xf32, #tpu.memory_space<hbm>> -> memref<256x96xf32, #tpu.memory_space<hbm>>
        %dma_start3A_79 = tpu.memref_slice %arg5[%mul3A_2, %multiple_of3A_69] : memref<8192x768xf32, #tpu.memory_space<hbm>> -> memref<256x96xf32, #tpu.memory_space<hbm>>
        %dma_start3A_80 = arith.constant 0 : i32
        %dma_start3A_81 = arith.constant 0 : i32
        %dma_start3A_82 = tpu.memref_slice %arg9[%dma_start3A_80, %dma_start3A_81] : memref<256x97xf32, #tpu.memory_space<vmem>> -> memref<256x96xf32, #tpu.memory_space<vmem>>
        tpu.enqueue_dma source(%dma_start3A_82 : memref<256x96xf32, #tpu.memory_space<vmem>>) target(%dma_start3A_79 : memref<256x96xf32, #tpu.memory_space<hbm>>) target_semaphore(%run_scoped3A : memref<!tpu.dma_semaphore, #tpu.memory_space<semaphore_mem>>)
        %dma_wait3A = arith.constant 0 : i32
        %dma_wait3A_83 = arith.constant 0 : i32
        %dma_wait3A_84 = tpu.memref_slice %arg9[%dma_wait3A, %dma_wait3A_83] : memref<256x97xf32, #tpu.memory_space<vmem>> -> memref<256x96xf32, #tpu.memory_space<vmem>>
        %dma_wait3A_85 = tpu.memref_slice %arg5[%mul3A_2, %multiple_of3A_69] : memref<8192x768xf32, #tpu.memory_space<hbm>> -> memref<256x96xf32, #tpu.memory_space<hbm>>
        %dma_wait3A_86 = tpu.memref_slice %arg5[%mul3A_2, %multiple_of3A_69] : memref<8192x768xf32, #tpu.memory_space<hbm>> -> memref<256x96xf32, #tpu.memory_space<hbm>>
        %dma_wait3A_87 = arith.constant 0 : i32
        %dma_wait3A_88 = arith.constant 0 : i32
        %dma_wait3A_89 = tpu.memref_slice %arg9[%dma_wait3A_87, %dma_wait3A_88] : memref<256x97xf32, #tpu.memory_space<vmem>> -> memref<256x96xf32, #tpu.memory_space<vmem>>
        tpu.wait_dma2 semaphore(%run_scoped3A : memref<!tpu.dma_semaphore, #tpu.memory_space<semaphore_mem>>) src(%dma_wait3A_89 : memref<256x96xf32, #tpu.memory_space<vmem>>) dst(%dma_wait3A_86 : memref<256x96xf32, #tpu.memory_space<hbm>>)
        tpu.yield
      }) : () -> ()
    }
    %scan3A_63 = arith.constant 8 : i32
    return
  }
}

module attributes {stable_mosaic.version = 14 : i64} {
  func.func @_tc1_body(%arg0: i32, %arg1: memref<256x768xf32, #tpu.memory_space<vmem>>, %arg2: memref<768x24xf32, #tpu.memory_space<vmem>>, %arg3: memref<1x24xf32, #tpu.memory_space<vmem>>, %arg4: memref<768x128xf32, #tpu.memory_space<vmem>>, %arg5: memref<1x128xf32, #tpu.memory_space<vmem>>, %arg6: memref<1x16xf32, #tpu.memory_space<vmem>>, %arg7: memref<8x256x48xf32, #tpu.memory_space<vmem>>, %arg8: memref<256x48xi32, #tpu.memory_space<vmem>>) attributes {dimension_semantics = [#tpu.dimension_semantics<arbitrary>], iteration_bounds = array<i64: 32>, scalar_prefetch = 0 : i64, scratch_operands = 0 : i64, tpu.core_type = #tpu.core_type<tc>, window_params = [{transform_indices = @transform_0, window_bounds = array<i64: 256, 768>}, {pipeline_mode = #tpu.pipeline_mode<synchronous>, transform_indices = @transform_1, window_bounds = array<i64: 768, 24>}, {pipeline_mode = #tpu.pipeline_mode<synchronous>, transform_indices = @transform_2, window_bounds = array<i64: 1, 24>}, {pipeline_mode = #tpu.pipeline_mode<synchronous>, transform_indices = @transform_3, window_bounds = array<i64: 768, 128>}, {pipeline_mode = #tpu.pipeline_mode<synchronous>, transform_indices = @transform_4, window_bounds = array<i64: 1, 128>}, {pipeline_mode = #tpu.pipeline_mode<synchronous>, transform_indices = @transform_5, window_bounds = array<i64: 1, 16>}, {transform_indices = @transform_6, window_bounds = array<i64: 8, 256, 48>}, {transform_indices = @transform_7, window_bounds = array<i64: 256, 48>}]} {
    %get3A = arith.constant 0 : index
    %get3A_0 = arith.constant 0 : index
    %get3A_1 = vector.load %arg1[%get3A, %get3A_0] : memref<256x768xf32, #tpu.memory_space<vmem>>, vector<256x768xf32>
    %get3A_2 = arith.constant 0 : index
    %get3A_3 = arith.constant 0 : index
    %get3A_4 = vector.load %arg2[%get3A_2, %get3A_3] : memref<768x24xf32, #tpu.memory_space<vmem>>, vector<768x24xf32>
    %dot_general3A = arith.constant dense<0.000000e+00> : vector<256x24xf32>
    %dot_general3A_5 = tpu.matmul %get3A_1, %get3A_4, %dot_general3A {dimension_numbers = #tpu.dot_dimension_numbers<[1], [0], [0], [1], [0, 0, 1, 1], [], []>, transpose_lhs_hint = false} : vector<256x768xf32>, vector<768x24xf32>, vector<256x24xf32> -> vector<256x24xf32>
    %get3A_6 = arith.constant 0 : index
    %get3A_7 = arith.constant 0 : index
    %get3A_8 = vector.load %arg3[%get3A_6, %get3A_7] : memref<1x24xf32, #tpu.memory_space<vmem>>, vector<1x24xf32>
    %add3A = vector.broadcast %get3A_8 : vector<1x24xf32> to vector<256x24xf32>
    %add3A_9 = arith.addf %dot_general3A_5, %add3A : vector<256x24xf32>
    %logistic3A = arith.negf %add3A_9 : vector<256x24xf32>
    %logistic3A_10 = math.exp %logistic3A : vector<256x24xf32>
    %logistic3A_11 = arith.constant 1.000000e+00 : f32
    %logistic3A_12 = vector.broadcast %logistic3A_11 : f32 to vector<256x24xf32>
    %logistic3A_13 = arith.addf %logistic3A_12, %logistic3A_10 : vector<256x24xf32>
    %logistic3A_14 = arith.divf %logistic3A_12, %logistic3A_13 : vector<256x24xf32>
    %mul3A = arith.mulf %add3A_9, %logistic3A_14 : vector<256x24xf32>
    %get3A_15 = arith.constant 0 : index
    %get3A_16 = arith.constant 0 : index
    %get3A_17 = vector.load %arg4[%get3A_15, %get3A_16] : memref<768x128xf32, #tpu.memory_space<vmem>>, vector<768x128xf32>
    %dot_general3A_18 = arith.constant dense<0.000000e+00> : vector<256x128xf32>
    %dot_general3A_19 = tpu.matmul %get3A_1, %get3A_17, %dot_general3A_18 {dimension_numbers = #tpu.dot_dimension_numbers<[1], [0], [0], [1], [0, 0, 1, 1], [], []>, transpose_lhs_hint = false} : vector<256x768xf32>, vector<768x128xf32>, vector<256x128xf32> -> vector<256x128xf32>
    %get3A_20 = arith.constant 0 : index
    %get3A_21 = arith.constant 0 : index
    %get3A_22 = vector.load %arg5[%get3A_20, %get3A_21] : memref<1x128xf32, #tpu.memory_space<vmem>>, vector<1x128xf32>
    %add3A_23 = vector.broadcast %get3A_22 : vector<1x128xf32> to vector<256x128xf32>
    %add3A_24 = arith.addf %dot_general3A_19, %add3A_23 : vector<256x128xf32>
    %logistic3A_25 = arith.negf %add3A_24 : vector<256x128xf32>
    %logistic3A_26 = math.exp %logistic3A_25 : vector<256x128xf32>
    %logistic3A_27 = arith.constant 1.000000e+00 : f32
    %logistic3A_28 = vector.broadcast %logistic3A_27 : f32 to vector<256x128xf32>
    %logistic3A_29 = arith.addf %logistic3A_28, %logistic3A_26 : vector<256x128xf32>
    %logistic3A_30 = arith.divf %logistic3A_28, %logistic3A_29 : vector<256x128xf32>
    %mul3A_31 = arith.mulf %add3A_24, %logistic3A_30 : vector<256x128xf32>
    %slice3A = vector.extract_strided_slice %mul3A {offsets = [0, 0], sizes = [256, 8], strides = [1, 1]} : vector<256x24xf32> to vector<256x8xf32>
    %logistic3A_32 = arith.negf %slice3A : vector<256x8xf32>
    %logistic3A_33 = math.exp %logistic3A_32 : vector<256x8xf32>
    %logistic3A_34 = arith.constant 1.000000e+00 : f32
    %logistic3A_35 = vector.broadcast %logistic3A_34 : f32 to vector<256x8xf32>
    %logistic3A_36 = arith.addf %logistic3A_35, %logistic3A_33 : vector<256x8xf32>
    %logistic3A_37 = arith.divf %logistic3A_35, %logistic3A_36 : vector<256x8xf32>
    %mul3A_38 = arith.constant 1.500000e+01 : f32
    %mul3A_39 = vector.broadcast %mul3A_38 : f32 to vector<256x8xf32>
    %mul3A_40 = arith.mulf %logistic3A_37, %mul3A_39 : vector<256x8xf32>
    %add3A_41 = arith.constant 1.000000e+00 : f32
    %add3A_42 = vector.broadcast %add3A_41 : f32 to vector<256x8xf32>
    %add3A_43 = arith.addf %mul3A_40, %add3A_42 : vector<256x8xf32>
    %slice3A_44 = vector.extract_strided_slice %mul3A {offsets = [0, 8], sizes = [256, 8], strides = [1, 1]} : vector<256x24xf32> to vector<256x8xf32>
    %tanh3A = math.tanh %slice3A_44 : vector<256x8xf32>
    %mul3A_45 = arith.constant 1.600000e+01 : f32
    %mul3A_46 = vector.broadcast %mul3A_45 : f32 to vector<256x8xf32>
    %mul3A_47 = arith.mulf %tanh3A, %mul3A_46 : vector<256x8xf32>
    %slice3A_48 = vector.extract_strided_slice %mul3A {offsets = [0, 16], sizes = [256, 8], strides = [1, 1]} : vector<256x24xf32> to vector<256x8xf32>
    %logistic3A_49 = arith.negf %slice3A_48 : vector<256x8xf32>
    %logistic3A_50 = math.exp %logistic3A_49 : vector<256x8xf32>
    %logistic3A_51 = arith.constant 1.000000e+00 : f32
    %logistic3A_52 = vector.broadcast %logistic3A_51 : f32 to vector<256x8xf32>
    %logistic3A_53 = arith.addf %logistic3A_52, %logistic3A_50 : vector<256x8xf32>
    %logistic3A_54 = arith.divf %logistic3A_52, %logistic3A_53 : vector<256x8xf32>
    %mul3A_55 = arith.constant 9.500000e+00 : f32
    %mul3A_56 = vector.broadcast %mul3A_55 : f32 to vector<256x8xf32>
    %mul3A_57 = arith.mulf %logistic3A_54, %mul3A_56 : vector<256x8xf32>
    %add3A_58 = arith.constant 5.000000e-01 : f32
    %add3A_59 = vector.broadcast %add3A_58 : f32 to vector<256x8xf32>
    %add3A_60 = arith.addf %mul3A_57, %add3A_59 : vector<256x8xf32>
    %reduce_sum3A = arith.constant dense<0.000000e+00> : vector<256xf32>
    %reduce_sum3A_61 = vector.multi_reduction <add>, %add3A_43, %reduce_sum3A [1] : vector<256x8xf32> to vector<256xf32>
    %broadcast_in_dim3A = vector.shape_cast %reduce_sum3A_61 : vector<256xf32> to vector<256x1xf32>
    %div3A = arith.constant 8.000000e+00 : f32
    %div3A_62 = vector.broadcast %div3A : f32 to vector<256x1xf32>
    %div3A_63 = arith.divf %broadcast_in_dim3A, %div3A_62 : vector<256x1xf32>
    %reduce_sum3A_64 = arith.constant dense<0.000000e+00> : vector<256xf32>
    %reduce_sum3A_65 = vector.multi_reduction <add>, %mul3A_47, %reduce_sum3A_64 [1] : vector<256x8xf32> to vector<256xf32>
    %broadcast_in_dim3A_66 = vector.shape_cast %reduce_sum3A_65 : vector<256xf32> to vector<256x1xf32>
    %div3A_67 = arith.constant 8.000000e+00 : f32
    %div3A_68 = vector.broadcast %div3A_67 : f32 to vector<256x1xf32>
    %div3A_69 = arith.divf %broadcast_in_dim3A_66, %div3A_68 : vector<256x1xf32>
    %mul3A_70 = arith.constant 256 : i32
    %mul3A_71 = arith.muli %arg0, %mul3A_70 : i32
    %iota3A = tpu.iota {dimensions = array<i32: 0>} : vector<256x1xi32>
    %add3A_72 = vector.broadcast %mul3A_71 : i32 to vector<256x1xi32>
    %add3A_73 = arith.addi %add3A_72, %iota3A : vector<256x1xi32>
    %convert_element_type3A = arith.sitofp %add3A_73 : vector<256x1xi32> to vector<256x1xf32>
    %iota3A_74 = tpu.iota {dimensions = array<i32: 1>} : vector<1x33xi32>
    %convert_element_type3A_75 = arith.sitofp %iota3A_74 : vector<1x33xi32> to vector<1x33xf32>
    %sub3A = arith.constant 1.600000e+01 : f32
    %sub3A_76 = vector.broadcast %sub3A : f32 to vector<1x33xf32>
    %sub3A_77 = arith.subf %convert_element_type3A_75, %sub3A_76 : vector<1x33xf32>
    %mul3A_78 = vector.broadcast %sub3A_77 : vector<1x33xf32> to vector<256x33xf32>
    %mul3A_79 = vector.broadcast %div3A_63 : vector<256x1xf32> to vector<256x33xf32>
    %mul3A_80 = arith.mulf %mul3A_78, %mul3A_79 : vector<256x33xf32>
    %add3A_81 = vector.broadcast %convert_element_type3A : vector<256x1xf32> to vector<256x33xf32>
    %add3A_82 = arith.addf %add3A_81, %mul3A_80 : vector<256x33xf32>
    %add3A_83 = vector.broadcast %div3A_69 : vector<256x1xf32> to vector<256x33xf32>
    %add3A_84 = arith.addf %add3A_82, %add3A_83 : vector<256x33xf32>
    %ge3A = arith.constant 0.000000e+00 : f32
    %ge3A_85 = vector.broadcast %ge3A : f32 to vector<256x33xf32>
    %ge3A_86 = arith.cmpf oge, %add3A_84, %ge3A_85 : vector<256x33xf32>
    %lt3A = arith.constant 8.192000e+03 : f32
    %lt3A_87 = vector.broadcast %lt3A : f32 to vector<256x33xf32>
    %lt3A_88 = arith.cmpf olt, %add3A_84, %lt3A_87 : vector<256x33xf32>
    %and3A = arith.andi %ge3A_86, %lt3A_88 : vector<256x33xi1>
    %convert_element_type3A_89 = arith.fptosi %add3A_84 : vector<256x33xf32> to vector<256x33xi32>
    %jit3A = arith.constant 0 : i32
    %jit3A_90 = arith.constant 8191 : i32
    %max3A = vector.broadcast %jit3A : i32 to vector<256x33xi32>
    %max3A_91 = arith.maxsi %max3A, %convert_element_type3A_89 : vector<256x33xi32>
    %min3A = vector.broadcast %jit3A_90 : i32 to vector<256x33xi32>
    %min3A_92 = arith.minsi %min3A, %max3A_91 : vector<256x33xi32>
    %jit3A_93 = arith.constant 256 : i32
    %div3A_94 = vector.broadcast %jit3A_93 : i32 to vector<256x1xi32>
    %div3A_95 = arith.divsi %add3A_73, %div3A_94 : vector<256x1xi32>
    %sign3A = arith.constant 0 : i32
    %sign3A_96 = vector.broadcast %sign3A : i32 to vector<256x1xi32>
    %sign3A_97 = arith.cmpi sgt, %add3A_73, %sign3A_96 : vector<256x1xi32>
    %sign3A_98 = arith.extui %sign3A_97 : vector<256x1xi1> to vector<256x1xi32>
    %sign3A_99 = arith.constant 0 : i32
    %sign3A_100 = vector.broadcast %sign3A_99 : i32 to vector<256x1xi32>
    %sign3A_101 = arith.cmpi slt, %add3A_73, %sign3A_100 : vector<256x1xi32>
    %sign3A_102 = arith.extui %sign3A_101 : vector<256x1xi1> to vector<256x1xi32>
    %sign3A_103 = arith.subi %sign3A_98, %sign3A_102 : vector<256x1xi32>
    %sign3A_104 = arith.constant 0 : i32
    %sign3A_105 = arith.cmpi sgt, %jit3A_93, %sign3A_104 : i32
    %sign3A_106 = arith.extui %sign3A_105 : i1 to i32
    %sign3A_107 = arith.constant 0 : i32
    %sign3A_108 = arith.cmpi slt, %jit3A_93, %sign3A_107 : i32
    %sign3A_109 = arith.extui %sign3A_108 : i1 to i32
    %sign3A_110 = arith.subi %sign3A_106, %sign3A_109 : i32
    %ne3A = vector.broadcast %sign3A_110 : i32 to vector<256x1xi32>
    %ne3A_111 = arith.cmpi ne, %sign3A_103, %ne3A : vector<256x1xi32>
    %rem3A = vector.broadcast %jit3A_93 : i32 to vector<256x1xi32>
    %rem3A_112 = arith.remsi %add3A_73, %rem3A : vector<256x1xi32>
    %ne3A_113 = arith.constant 0 : i32
    %ne3A_114 = vector.broadcast %ne3A_113 : i32 to vector<256x1xi32>
    %ne3A_115 = arith.cmpi ne, %rem3A_112, %ne3A_114 : vector<256x1xi32>
    %and3A_116 = arith.andi %ne3A_111, %ne3A_115 : vector<256x1xi1>
    %sub3A_117 = arith.constant 1 : i32
    %sub3A_118 = vector.broadcast %sub3A_117 : i32 to vector<256x1xi32>
    %sub3A_119 = arith.subi %div3A_95, %sub3A_118 : vector<256x1xi32>
    %select_n3A = arith.select %and3A_116, %sub3A_119, %div3A_95 : vector<256x1xi1>, vector<256x1xi32>
    %mul3A_120 = arith.constant 256 : i32
    %mul3A_121 = vector.broadcast %mul3A_120 : i32 to vector<256x1xi32>
    %mul3A_122 = arith.muli %select_n3A, %mul3A_121 : vector<256x1xi32>
    %sub3A_123 = arith.constant 272 : i32
    %sub3A_124 = vector.broadcast %sub3A_123 : i32 to vector<256x1xi32>
    %sub3A_125 = arith.subi %mul3A_122, %sub3A_124 : vector<256x1xi32>
    %jit3A_126 = arith.constant 0 : i32
    %jit3A_127 = arith.constant 7392 : i32
    %max3A_128 = vector.broadcast %jit3A_126 : i32 to vector<256x1xi32>
    %max3A_129 = arith.maxsi %max3A_128, %sub3A_125 : vector<256x1xi32>
    %min3A_130 = vector.broadcast %jit3A_127 : i32 to vector<256x1xi32>
    %min3A_131 = arith.minsi %min3A_130, %max3A_129 : vector<256x1xi32>
    %sub3A_132 = arith.constant 272 : i32
    %sub3A_133 = vector.broadcast %sub3A_132 : i32 to vector<256x1xi32>
    %sub3A_134 = arith.subi %add3A_73, %sub3A_133 : vector<256x1xi32>
    %max3A_135 = arith.constant 0 : i32
    %max3A_136 = vector.broadcast %max3A_135 : i32 to vector<256x1xi32>
    %max3A_137 = arith.maxsi %sub3A_134, %max3A_136 : vector<256x1xi32>
    %add3A_138 = arith.constant 272 : i32
    %add3A_139 = vector.broadcast %add3A_138 : i32 to vector<256x1xi32>
    %add3A_140 = arith.addi %add3A_73, %add3A_139 : vector<256x1xi32>
    %min3A_141 = arith.constant 8191 : i32
    %min3A_142 = vector.broadcast %min3A_141 : i32 to vector<256x1xi32>
    %min3A_143 = arith.minsi %add3A_140, %min3A_142 : vector<256x1xi32>
    %max3A_144 = vector.broadcast %max3A_137 : vector<256x1xi32> to vector<256x33xi32>
    %max3A_145 = arith.maxsi %max3A_144, %min3A_92 : vector<256x33xi32>
    %min3A_146 = vector.broadcast %min3A_143 : vector<256x1xi32> to vector<256x33xi32>
    %min3A_147 = arith.minsi %min3A_146, %max3A_145 : vector<256x33xi32>
    %sub3A_148 = vector.broadcast %min3A_131 : vector<256x1xi32> to vector<256x33xi32>
    %sub3A_149 = arith.subi %min3A_147, %sub3A_148 : vector<256x33xi32>
    %broadcast_in_dim3A_150 = arith.constant 0 : i32
    %broadcast_in_dim3A_151 = vector.broadcast %broadcast_in_dim3A_150 : i32 to vector<256x15xi32>
    %concatenate3A = tpu.concatenate %sub3A_149, %broadcast_in_dim3A_151 in 1 : vector<256x33xi32>, vector<256x15xi32> -> vector<256x48xi32>
    %swap3A = arith.constant 0 : index
    %swap3A_152 = arith.constant 0 : index
    %swap3A_153 = vector.load %arg8[%swap3A, %swap3A_152] : memref<256x48xi32, #tpu.memory_space<vmem>>, vector<256x48xi32>
    tpu.vector_store %arg8[%swap3A, %swap3A_152], %concatenate3A {strides = array<i32>} : memref<256x48xi32, #tpu.memory_space<vmem>>, vector<256x48xi32>,
    %get3A_154 = arith.constant 0 : index
    %get3A_155 = arith.constant 0 : index
    %get3A_156 = vector.load %arg6[%get3A_154, %get3A_155] : memref<1x16xf32, #tpu.memory_space<vmem>>, vector<1x16xf32>
    %iota3A_157 = tpu.iota {dimensions = array<i32: 0>} : vector<33x1xi32>
    %convert_element_type3A_158 = arith.sitofp %iota3A_157 : vector<33x1xi32> to vector<33x1xf32>
    %sub3A_159 = arith.constant 1.600000e+01 : f32
    %sub3A_160 = vector.broadcast %sub3A_159 : f32 to vector<33x1xf32>
    %sub3A_161 = arith.subf %convert_element_type3A_158, %sub3A_160 : vector<33x1xf32>
    %abs3A = math.absf %sub3A_161 : vector<33x1xf32>
    %transpose3A = tpu.transpose %add3A_43, [1, 0] : vector<256x8xf32> -> vector<8x256xf32>
    %transpose3A_162 = tpu.transpose %add3A_60, [1, 0] : vector<256x8xf32> -> vector<8x256xf32>
    %transpose3A_163 = tpu.transpose %mul3A_31, [1, 0] : vector<256x128xf32> -> vector<128x256xf32>
    %transpose3A_164 = tpu.transpose %and3A, [1, 0] : vector<256x33xi1> -> vector<33x256xi1>
    %convert_element_type3A_165 = arith.extui %transpose3A_164 : vector<33x256xi1> to vector<33x256xi32>
    %convert_element_type3A_166 = arith.sitofp %convert_element_type3A_165 : vector<33x256xi32> to vector<33x256xf32>
    %slice3A_167 = vector.extract_strided_slice %transpose3A {offsets = [0, 0], sizes = [1, 256], strides = [1, 1]} : vector<8x256xf32> to vector<1x256xf32>
    %mul3A_168 = vector.broadcast %abs3A : vector<33x1xf32> to vector<33x256xf32>
    %mul3A_169 = vector.broadcast %slice3A_167 : vector<1x256xf32> to vector<33x256xf32>
    %mul3A_170 = arith.mulf %mul3A_168, %mul3A_169 : vector<33x256xf32>
    %broadcast_in_dim3A_171 = arith.constant 0.000000e+00 : f32
    %broadcast_in_dim3A_172 = vector.broadcast %broadcast_in_dim3A_171 : f32 to vector<33x256xf32>
    %slice3A_173 = vector.extract_strided_slice %transpose3A_163 {offsets = [0, 0], sizes = [1, 256], strides = [1, 1]} : vector<128x256xf32> to vector<1x256xf32>
    %slice3A_174 = vector.extract_strided_slice %get3A_156 {offsets = [0, 0], sizes = [1, 1], strides = [1, 1]} : vector<1x16xf32> to vector<1x1xf32>
    %squeeze3A = vector.extract %slice3A_174[0, 0] : f32 from vector<1x1xf32>
    %mul3A_175 = vector.broadcast %squeeze3A : f32 to vector<33x256xf32>
    %mul3A_176 = arith.mulf %mul3A_170, %mul3A_175 : vector<33x256xf32>
    %logistic3A_177 = arith.negf %mul3A_176 : vector<33x256xf32>
    %logistic3A_178 = math.exp %logistic3A_177 : vector<33x256xf32>
    %logistic3A_179 = arith.constant 1.000000e+00 : f32
    %logistic3A_180 = vector.broadcast %logistic3A_179 : f32 to vector<33x256xf32>
    %logistic3A_181 = arith.addf %logistic3A_180, %logistic3A_178 : vector<33x256xf32>
    %logistic3A_182 = arith.divf %logistic3A_180, %logistic3A_181 : vector<33x256xf32>
    %mul3A_183 = arith.mulf %mul3A_176, %logistic3A_182 : vector<33x256xf32>
    %mul3A_184 = vector.broadcast %slice3A_173 : vector<1x256xf32> to vector<33x256xf32>
    %mul3A_185 = arith.mulf %mul3A_184, %mul3A_183 : vector<33x256xf32>
    %add3A_186 = arith.addf %broadcast_in_dim3A_172, %mul3A_185 : vector<33x256xf32>
    %slice3A_187 = vector.extract_strided_slice %transpose3A_163 {offsets = [8, 0], sizes = [1, 256], strides = [1, 1]} : vector<128x256xf32> to vector<1x256xf32>
    %slice3A_188 = vector.extract_strided_slice %get3A_156 {offsets = [0, 1], sizes = [1, 1], strides = [1, 1]} : vector<1x16xf32> to vector<1x1xf32>
    %squeeze3A_189 = vector.extract %slice3A_188[0, 0] : f32 from vector<1x1xf32>
    %mul3A_190 = vector.broadcast %squeeze3A_189 : f32 to vector<33x256xf32>
    %mul3A_191 = arith.mulf %mul3A_170, %mul3A_190 : vector<33x256xf32>
    %logistic3A_192 = arith.negf %mul3A_191 : vector<33x256xf32>
    %logistic3A_193 = math.exp %logistic3A_192 : vector<33x256xf32>
    %logistic3A_194 = arith.constant 1.000000e+00 : f32
    %logistic3A_195 = vector.broadcast %logistic3A_194 : f32 to vector<33x256xf32>
    %logistic3A_196 = arith.addf %logistic3A_195, %logistic3A_193 : vector<33x256xf32>
    %logistic3A_197 = arith.divf %logistic3A_195, %logistic3A_196 : vector<33x256xf32>
    %mul3A_198 = arith.mulf %mul3A_191, %logistic3A_197 : vector<33x256xf32>
    %mul3A_199 = vector.broadcast %slice3A_187 : vector<1x256xf32> to vector<33x256xf32>
    %mul3A_200 = arith.mulf %mul3A_199, %mul3A_198 : vector<33x256xf32>
    %add3A_201 = arith.addf %add3A_186, %mul3A_200 : vector<33x256xf32>
    %slice3A_202 = vector.extract_strided_slice %transpose3A_163 {offsets = [16, 0], sizes = [1, 256], strides = [1, 1]} : vector<128x256xf32> to vector<1x256xf32>
    %slice3A_203 = vector.extract_strided_slice %get3A_156 {offsets = [0, 2], sizes = [1, 1], strides = [1, 1]} : vector<1x16xf32> to vector<1x1xf32>
    %squeeze3A_204 = vector.extract %slice3A_203[0, 0] : f32 from vector<1x1xf32>
    %mul3A_205 = vector.broadcast %squeeze3A_204 : f32 to vector<33x256xf32>
    %mul3A_206 = arith.mulf %mul3A_170, %mul3A_205 : vector<33x256xf32>
    %logistic3A_207 = arith.negf %mul3A_206 : vector<33x256xf32>
    %logistic3A_208 = math.exp %logistic3A_207 : vector<33x256xf32>
    %logistic3A_209 = arith.constant 1.000000e+00 : f32
    %logistic3A_210 = vector.broadcast %logistic3A_209 : f32 to vector<33x256xf32>
    %logistic3A_211 = arith.addf %logistic3A_210, %logistic3A_208 : vector<33x256xf32>
    %logistic3A_212 = arith.divf %logistic3A_210, %logistic3A_211 : vector<33x256xf32>
    %mul3A_213 = arith.mulf %mul3A_206, %logistic3A_212 : vector<33x256xf32>
    %mul3A_214 = vector.broadcast %slice3A_202 : vector<1x256xf32> to vector<33x256xf32>
    %mul3A_215 = arith.mulf %mul3A_214, %mul3A_213 : vector<33x256xf32>
    %add3A_216 = arith.addf %add3A_201, %mul3A_215 : vector<33x256xf32>
    %slice3A_217 = vector.extract_strided_slice %transpose3A_163 {offsets = [24, 0], sizes = [1, 256], strides = [1, 1]} : vector<128x256xf32> to vector<1x256xf32>
    %slice3A_218 = vector.extract_strided_slice %get3A_156 {offsets = [0, 3], sizes = [1, 1], strides = [1, 1]} : vector<1x16xf32> to vector<1x1xf32>
    %squeeze3A_219 = vector.extract %slice3A_218[0, 0] : f32 from vector<1x1xf32>
    %mul3A_220 = vector.broadcast %squeeze3A_219 : f32 to vector<33x256xf32>
    %mul3A_221 = arith.mulf %mul3A_170, %mul3A_220 : vector<33x256xf32>
    %logistic3A_222 = arith.negf %mul3A_221 : vector<33x256xf32>
    %logistic3A_223 = math.exp %logistic3A_222 : vector<33x256xf32>
    %logistic3A_224 = arith.constant 1.000000e+00 : f32
    %logistic3A_225 = vector.broadcast %logistic3A_224 : f32 to vector<33x256xf32>
    %logistic3A_226 = arith.addf %logistic3A_225, %logistic3A_223 : vector<33x256xf32>
    %logistic3A_227 = arith.divf %logistic3A_225, %logistic3A_226 : vector<33x256xf32>
    %mul3A_228 = arith.mulf %mul3A_221, %logistic3A_227 : vector<33x256xf32>
    %mul3A_229 = vector.broadcast %slice3A_217 : vector<1x256xf32> to vector<33x256xf32>
    %mul3A_230 = arith.mulf %mul3A_229, %mul3A_228 : vector<33x256xf32>
    %add3A_231 = arith.addf %add3A_216, %mul3A_230 : vector<33x256xf32>
    %slice3A_232 = vector.extract_strided_slice %transpose3A_163 {offsets = [32, 0], sizes = [1, 256], strides = [1, 1]} : vector<128x256xf32> to vector<1x256xf32>
    %slice3A_233 = vector.extract_strided_slice %get3A_156 {offsets = [0, 4], sizes = [1, 1], strides = [1, 1]} : vector<1x16xf32> to vector<1x1xf32>
    %squeeze3A_234 = vector.extract %slice3A_233[0, 0] : f32 from vector<1x1xf32>
    %mul3A_235 = vector.broadcast %squeeze3A_234 : f32 to vector<33x256xf32>
    %mul3A_236 = arith.mulf %mul3A_170, %mul3A_235 : vector<33x256xf32>
    %logistic3A_237 = arith.negf %mul3A_236 : vector<33x256xf32>
    %logistic3A_238 = math.exp %logistic3A_237 : vector<33x256xf32>
    %logistic3A_239 = arith.constant 1.000000e+00 : f32
    %logistic3A_240 = vector.broadcast %logistic3A_239 : f32 to vector<33x256xf32>
    %logistic3A_241 = arith.addf %logistic3A_240, %logistic3A_238 : vector<33x256xf32>
    %logistic3A_242 = arith.divf %logistic3A_240, %logistic3A_241 : vector<33x256xf32>
    %mul3A_243 = arith.mulf %mul3A_236, %logistic3A_242 : vector<33x256xf32>
    %mul3A_244 = vector.broadcast %slice3A_232 : vector<1x256xf32> to vector<33x256xf32>
    %mul3A_245 = arith.mulf %mul3A_244, %mul3A_243 : vector<33x256xf32>
    %add3A_246 = arith.addf %add3A_231, %mul3A_245 : vector<33x256xf32>
    %slice3A_247 = vector.extract_strided_slice %transpose3A_163 {offsets = [40, 0], sizes = [1, 256], strides = [1, 1]} : vector<128x256xf32> to vector<1x256xf32>
    %slice3A_248 = vector.extract_strided_slice %get3A_156 {offsets = [0, 5], sizes = [1, 1], strides = [1, 1]} : vector<1x16xf32> to vector<1x1xf32>
    %squeeze3A_249 = vector.extract %slice3A_248[0, 0] : f32 from vector<1x1xf32>
    %mul3A_250 = vector.broadcast %squeeze3A_249 : f32 to vector<33x256xf32>
    %mul3A_251 = arith.mulf %mul3A_170, %mul3A_250 : vector<33x256xf32>
    %logistic3A_252 = arith.negf %mul3A_251 : vector<33x256xf32>
    %logistic3A_253 = math.exp %logistic3A_252 : vector<33x256xf32>
    %logistic3A_254 = arith.constant 1.000000e+00 : f32
    %logistic3A_255 = vector.broadcast %logistic3A_254 : f32 to vector<33x256xf32>
    %logistic3A_256 = arith.addf %logistic3A_255, %logistic3A_253 : vector<33x256xf32>
    %logistic3A_257 = arith.divf %logistic3A_255, %logistic3A_256 : vector<33x256xf32>
    %mul3A_258 = arith.mulf %mul3A_251, %logistic3A_257 : vector<33x256xf32>
    %mul3A_259 = vector.broadcast %slice3A_247 : vector<1x256xf32> to vector<33x256xf32>
    %mul3A_260 = arith.mulf %mul3A_259, %mul3A_258 : vector<33x256xf32>
    %add3A_261 = arith.addf %add3A_246, %mul3A_260 : vector<33x256xf32>
    %slice3A_262 = vector.extract_strided_slice %transpose3A_163 {offsets = [48, 0], sizes = [1, 256], strides = [1, 1]} : vector<128x256xf32> to vector<1x256xf32>
    %slice3A_263 = vector.extract_strided_slice %get3A_156 {offsets = [0, 6], sizes = [1, 1], strides = [1, 1]} : vector<1x16xf32> to vector<1x1xf32>
    %squeeze3A_264 = vector.extract %slice3A_263[0, 0] : f32 from vector<1x1xf32>
    %mul3A_265 = vector.broadcast %squeeze3A_264 : f32 to vector<33x256xf32>
    %mul3A_266 = arith.mulf %mul3A_170, %mul3A_265 : vector<33x256xf32>
    %logistic3A_267 = arith.negf %mul3A_266 : vector<33x256xf32>
    %logistic3A_268 = math.exp %logistic3A_267 : vector<33x256xf32>
    %logistic3A_269 = arith.constant 1.000000e+00 : f32
    %logistic3A_270 = vector.broadcast %logistic3A_269 : f32 to vector<33x256xf32>
    %logistic3A_271 = arith.addf %logistic3A_270, %logistic3A_268 : vector<33x256xf32>
    %logistic3A_272 = arith.divf %logistic3A_270, %logistic3A_271 : vector<33x256xf32>
    %mul3A_273 = arith.mulf %mul3A_266, %logistic3A_272 : vector<33x256xf32>
    %mul3A_274 = vector.broadcast %slice3A_262 : vector<1x256xf32> to vector<33x256xf32>
    %mul3A_275 = arith.mulf %mul3A_274, %mul3A_273 : vector<33x256xf32>
    %add3A_276 = arith.addf %add3A_261, %mul3A_275 : vector<33x256xf32>
    %slice3A_277 = vector.extract_strided_slice %transpose3A_163 {offsets = [56, 0], sizes = [1, 256], strides = [1, 1]} : vector<128x256xf32> to vector<1x256xf32>
    %slice3A_278 = vector.extract_strided_slice %get3A_156 {offsets = [0, 7], sizes = [1, 1], strides = [1, 1]} : vector<1x16xf32> to vector<1x1xf32>
    %squeeze3A_279 = vector.extract %slice3A_278[0, 0] : f32 from vector<1x1xf32>
    %mul3A_280 = vector.broadcast %squeeze3A_279 : f32 to vector<33x256xf32>
    %mul3A_281 = arith.mulf %mul3A_170, %mul3A_280 : vector<33x256xf32>
    %logistic3A_282 = arith.negf %mul3A_281 : vector<33x256xf32>
    %logistic3A_283 = math.exp %logistic3A_282 : vector<33x256xf32>
    %logistic3A_284 = arith.constant 1.000000e+00 : f32
    %logistic3A_285 = vector.broadcast %logistic3A_284 : f32 to vector<33x256xf32>
    %logistic3A_286 = arith.addf %logistic3A_285, %logistic3A_283 : vector<33x256xf32>
    %logistic3A_287 = arith.divf %logistic3A_285, %logistic3A_286 : vector<33x256xf32>
    %mul3A_288 = arith.mulf %mul3A_281, %logistic3A_287 : vector<33x256xf32>
    %mul3A_289 = vector.broadcast %slice3A_277 : vector<1x256xf32> to vector<33x256xf32>
    %mul3A_290 = arith.mulf %mul3A_289, %mul3A_288 : vector<33x256xf32>
    %add3A_291 = arith.addf %add3A_276, %mul3A_290 : vector<33x256xf32>
    %slice3A_292 = vector.extract_strided_slice %transpose3A_163 {offsets = [64, 0], sizes = [1, 256], strides = [1, 1]} : vector<128x256xf32> to vector<1x256xf32>
    %slice3A_293 = vector.extract_strided_slice %get3A_156 {offsets = [0, 8], sizes = [1, 1], strides = [1, 1]} : vector<1x16xf32> to vector<1x1xf32>
    %squeeze3A_294 = vector.extract %slice3A_293[0, 0] : f32 from vector<1x1xf32>
    %mul3A_295 = vector.broadcast %squeeze3A_294 : f32 to vector<33x256xf32>
    %mul3A_296 = arith.mulf %mul3A_170, %mul3A_295 : vector<33x256xf32>
    %logistic3A_297 = arith.negf %mul3A_296 : vector<33x256xf32>
    %logistic3A_298 = math.exp %logistic3A_297 : vector<33x256xf32>
    %logistic3A_299 = arith.constant 1.000000e+00 : f32
    %logistic3A_300 = vector.broadcast %logistic3A_299 : f32 to vector<33x256xf32>
    %logistic3A_301 = arith.addf %logistic3A_300, %logistic3A_298 : vector<33x256xf32>
    %logistic3A_302 = arith.divf %logistic3A_300, %logistic3A_301 : vector<33x256xf32>
    %mul3A_303 = arith.mulf %mul3A_296, %logistic3A_302 : vector<33x256xf32>
    %mul3A_304 = vector.broadcast %slice3A_292 : vector<1x256xf32> to vector<33x256xf32>
    %mul3A_305 = arith.mulf %mul3A_304, %mul3A_303 : vector<33x256xf32>
    %add3A_306 = arith.addf %add3A_291, %mul3A_305 : vector<33x256xf32>
    %slice3A_307 = vector.extract_strided_slice %transpose3A_163 {offsets = [72, 0], sizes = [1, 256], strides = [1, 1]} : vector<128x256xf32> to vector<1x256xf32>
    %slice3A_308 = vector.extract_strided_slice %get3A_156 {offsets = [0, 9], sizes = [1, 1], strides = [1, 1]} : vector<1x16xf32> to vector<1x1xf32>
    %squeeze3A_309 = vector.extract %slice3A_308[0, 0] : f32 from vector<1x1xf32>
    %mul3A_310 = vector.broadcast %squeeze3A_309 : f32 to vector<33x256xf32>
    %mul3A_311 = arith.mulf %mul3A_170, %mul3A_310 : vector<33x256xf32>
    %logistic3A_312 = arith.negf %mul3A_311 : vector<33x256xf32>
    %logistic3A_313 = math.exp %logistic3A_312 : vector<33x256xf32>
    %logistic3A_314 = arith.constant 1.000000e+00 : f32
    %logistic3A_315 = vector.broadcast %logistic3A_314 : f32 to vector<33x256xf32>
    %logistic3A_316 = arith.addf %logistic3A_315, %logistic3A_313 : vector<33x256xf32>
    %logistic3A_317 = arith.divf %logistic3A_315, %logistic3A_316 : vector<33x256xf32>
    %mul3A_318 = arith.mulf %mul3A_311, %logistic3A_317 : vector<33x256xf32>
    %mul3A_319 = vector.broadcast %slice3A_307 : vector<1x256xf32> to vector<33x256xf32>
    %mul3A_320 = arith.mulf %mul3A_319, %mul3A_318 : vector<33x256xf32>
    %add3A_321 = arith.addf %add3A_306, %mul3A_320 : vector<33x256xf32>
    %slice3A_322 = vector.extract_strided_slice %transpose3A_163 {offsets = [80, 0], sizes = [1, 256], strides = [1, 1]} : vector<128x256xf32> to vector<1x256xf32>
    %slice3A_323 = vector.extract_strided_slice %get3A_156 {offsets = [0, 10], sizes = [1, 1], strides = [1, 1]} : vector<1x16xf32> to vector<1x1xf32>
    %squeeze3A_324 = vector.extract %slice3A_323[0, 0] : f32 from vector<1x1xf32>
    %mul3A_325 = vector.broadcast %squeeze3A_324 : f32 to vector<33x256xf32>
    %mul3A_326 = arith.mulf %mul3A_170, %mul3A_325 : vector<33x256xf32>
    %logistic3A_327 = arith.negf %mul3A_326 : vector<33x256xf32>
    %logistic3A_328 = math.exp %logistic3A_327 : vector<33x256xf32>
    %logistic3A_329 = arith.constant 1.000000e+00 : f32
    %logistic3A_330 = vector.broadcast %logistic3A_329 : f32 to vector<33x256xf32>
    %logistic3A_331 = arith.addf %logistic3A_330, %logistic3A_328 : vector<33x256xf32>
    %logistic3A_332 = arith.divf %logistic3A_330, %logistic3A_331 : vector<33x256xf32>
    %mul3A_333 = arith.mulf %mul3A_326, %logistic3A_332 : vector<33x256xf32>
    %mul3A_334 = vector.broadcast %slice3A_322 : vector<1x256xf32> to vector<33x256xf32>
    %mul3A_335 = arith.mulf %mul3A_334, %mul3A_333 : vector<33x256xf32>
    %add3A_336 = arith.addf %add3A_321, %mul3A_335 : vector<33x256xf32>
    %slice3A_337 = vector.extract_strided_slice %transpose3A_163 {offsets = [88, 0], sizes = [1, 256], strides = [1, 1]} : vector<128x256xf32> to vector<1x256xf32>
    %slice3A_338 = vector.extract_strided_slice %get3A_156 {offsets = [0, 11], sizes = [1, 1], strides = [1, 1]} : vector<1x16xf32> to vector<1x1xf32>
    %squeeze3A_339 = vector.extract %slice3A_338[0, 0] : f32 from vector<1x1xf32>
    %mul3A_340 = vector.broadcast %squeeze3A_339 : f32 to vector<33x256xf32>
    %mul3A_341 = arith.mulf %mul3A_170, %mul3A_340 : vector<33x256xf32>
    %logistic3A_342 = arith.negf %mul3A_341 : vector<33x256xf32>
    %logistic3A_343 = math.exp %logistic3A_342 : vector<33x256xf32>
    %logistic3A_344 = arith.constant 1.000000e+00 : f32
    %logistic3A_345 = vector.broadcast %logistic3A_344 : f32 to vector<33x256xf32>
    %logistic3A_346 = arith.addf %logistic3A_345, %logistic3A_343 : vector<33x256xf32>
    %logistic3A_347 = arith.divf %logistic3A_345, %logistic3A_346 : vector<33x256xf32>
    %mul3A_348 = arith.mulf %mul3A_341, %logistic3A_347 : vector<33x256xf32>
    %mul3A_349 = vector.broadcast %slice3A_337 : vector<1x256xf32> to vector<33x256xf32>
    %mul3A_350 = arith.mulf %mul3A_349, %mul3A_348 : vector<33x256xf32>
    %add3A_351 = arith.addf %add3A_336, %mul3A_350 : vector<33x256xf32>
    %slice3A_352 = vector.extract_strided_slice %transpose3A_163 {offsets = [96, 0], sizes = [1, 256], strides = [1, 1]} : vector<128x256xf32> to vector<1x256xf32>
    %slice3A_353 = vector.extract_strided_slice %get3A_156 {offsets = [0, 12], sizes = [1, 1], strides = [1, 1]} : vector<1x16xf32> to vector<1x1xf32>
    %squeeze3A_354 = vector.extract %slice3A_353[0, 0] : f32 from vector<1x1xf32>
    %mul3A_355 = vector.broadcast %squeeze3A_354 : f32 to vector<33x256xf32>
    %mul3A_356 = arith.mulf %mul3A_170, %mul3A_355 : vector<33x256xf32>
    %logistic3A_357 = arith.negf %mul3A_356 : vector<33x256xf32>
    %logistic3A_358 = math.exp %logistic3A_357 : vector<33x256xf32>
    %logistic3A_359 = arith.constant 1.000000e+00 : f32
    %logistic3A_360 = vector.broadcast %logistic3A_359 : f32 to vector<33x256xf32>
    %logistic3A_361 = arith.addf %logistic3A_360, %logistic3A_358 : vector<33x256xf32>
    %logistic3A_362 = arith.divf %logistic3A_360, %logistic3A_361 : vector<33x256xf32>
    %mul3A_363 = arith.mulf %mul3A_356, %logistic3A_362 : vector<33x256xf32>
    %mul3A_364 = vector.broadcast %slice3A_352 : vector<1x256xf32> to vector<33x256xf32>
    %mul3A_365 = arith.mulf %mul3A_364, %mul3A_363 : vector<33x256xf32>
    %add3A_366 = arith.addf %add3A_351, %mul3A_365 : vector<33x256xf32>
    %slice3A_367 = vector.extract_strided_slice %transpose3A_163 {offsets = [104, 0], sizes = [1, 256], strides = [1, 1]} : vector<128x256xf32> to vector<1x256xf32>
    %slice3A_368 = vector.extract_strided_slice %get3A_156 {offsets = [0, 13], sizes = [1, 1], strides = [1, 1]} : vector<1x16xf32> to vector<1x1xf32>
    %squeeze3A_369 = vector.extract %slice3A_368[0, 0] : f32 from vector<1x1xf32>
    %mul3A_370 = vector.broadcast %squeeze3A_369 : f32 to vector<33x256xf32>
    %mul3A_371 = arith.mulf %mul3A_170, %mul3A_370 : vector<33x256xf32>
    %logistic3A_372 = arith.negf %mul3A_371 : vector<33x256xf32>
    %logistic3A_373 = math.exp %logistic3A_372 : vector<33x256xf32>
    %logistic3A_374 = arith.constant 1.000000e+00 : f32
    %logistic3A_375 = vector.broadcast %logistic3A_374 : f32 to vector<33x256xf32>
    %logistic3A_376 = arith.addf %logistic3A_375, %logistic3A_373 : vector<33x256xf32>
    %logistic3A_377 = arith.divf %logistic3A_375, %logistic3A_376 : vector<33x256xf32>
    %mul3A_378 = arith.mulf %mul3A_371, %logistic3A_377 : vector<33x256xf32>
    %mul3A_379 = vector.broadcast %slice3A_367 : vector<1x256xf32> to vector<33x256xf32>
    %mul3A_380 = arith.mulf %mul3A_379, %mul3A_378 : vector<33x256xf32>
    %add3A_381 = arith.addf %add3A_366, %mul3A_380 : vector<33x256xf32>
    %slice3A_382 = vector.extract_strided_slice %transpose3A_163 {offsets = [112, 0], sizes = [1, 256], strides = [1, 1]} : vector<128x256xf32> to vector<1x256xf32>
    %slice3A_383 = vector.extract_strided_slice %get3A_156 {offsets = [0, 14], sizes = [1, 1], strides = [1, 1]} : vector<1x16xf32> to vector<1x1xf32>
    %squeeze3A_384 = vector.extract %slice3A_383[0, 0] : f32 from vector<1x1xf32>
    %mul3A_385 = vector.broadcast %squeeze3A_384 : f32 to vector<33x256xf32>
    %mul3A_386 = arith.mulf %mul3A_170, %mul3A_385 : vector<33x256xf32>
    %logistic3A_387 = arith.negf %mul3A_386 : vector<33x256xf32>
    %logistic3A_388 = math.exp %logistic3A_387 : vector<33x256xf32>
    %logistic3A_389 = arith.constant 1.000000e+00 : f32
    %logistic3A_390 = vector.broadcast %logistic3A_389 : f32 to vector<33x256xf32>
    %logistic3A_391 = arith.addf %logistic3A_390, %logistic3A_388 : vector<33x256xf32>
    %logistic3A_392 = arith.divf %logistic3A_390, %logistic3A_391 : vector<33x256xf32>
    %mul3A_393 = arith.mulf %mul3A_386, %logistic3A_392 : vector<33x256xf32>
    %mul3A_394 = vector.broadcast %slice3A_382 : vector<1x256xf32> to vector<33x256xf32>
    %mul3A_395 = arith.mulf %mul3A_394, %mul3A_393 : vector<33x256xf32>
    %add3A_396 = arith.addf %add3A_381, %mul3A_395 : vector<33x256xf32>
    %slice3A_397 = vector.extract_strided_slice %transpose3A_163 {offsets = [120, 0], sizes = [1, 256], strides = [1, 1]} : vector<128x256xf32> to vector<1x256xf32>
    %slice3A_398 = vector.extract_strided_slice %get3A_156 {offsets = [0, 15], sizes = [1, 1], strides = [1, 1]} : vector<1x16xf32> to vector<1x1xf32>
    %squeeze3A_399 = vector.extract %slice3A_398[0, 0] : f32 from vector<1x1xf32>
    %mul3A_400 = vector.broadcast %squeeze3A_399 : f32 to vector<33x256xf32>
    %mul3A_401 = arith.mulf %mul3A_170, %mul3A_400 : vector<33x256xf32>
    %logistic3A_402 = arith.negf %mul3A_401 : vector<33x256xf32>
    %logistic3A_403 = math.exp %logistic3A_402 : vector<33x256xf32>
    %logistic3A_404 = arith.constant 1.000000e+00 : f32
    %logistic3A_405 = vector.broadcast %logistic3A_404 : f32 to vector<33x256xf32>
    %logistic3A_406 = arith.addf %logistic3A_405, %logistic3A_403 : vector<33x256xf32>
    %logistic3A_407 = arith.divf %logistic3A_405, %logistic3A_406 : vector<33x256xf32>
    %mul3A_408 = arith.mulf %mul3A_401, %logistic3A_407 : vector<33x256xf32>
    %mul3A_409 = vector.broadcast %slice3A_397 : vector<1x256xf32> to vector<33x256xf32>
    %mul3A_410 = arith.mulf %mul3A_409, %mul3A_408 : vector<33x256xf32>
    %add3A_411 = arith.addf %add3A_396, %mul3A_410 : vector<33x256xf32>
    %mul3A_412 = arith.constant 2.500000e-01 : f32
    %mul3A_413 = vector.broadcast %mul3A_412 : f32 to vector<33x256xf32>
    %mul3A_414 = arith.mulf %add3A_411, %mul3A_413 : vector<33x256xf32>
    %jit3A_415 = arith.constant 0xFF800000 : f32
    %broadcast_in_dim3A_416 = vector.broadcast %jit3A_415 : f32 to vector<33x256xf32>
    %select_n3A_417 = arith.select %transpose3A_164, %mul3A_414, %broadcast_in_dim3A_416 : vector<33x256xi1>, vector<33x256xf32>
    %reduce_max3A = arith.constant dense<0xFF800000> : vector<256xf32>
    %reduce_max3A_418 = vector.multi_reduction <maximumf>, %select_n3A_417, %reduce_max3A [0] : vector<33x256xf32> to vector<256xf32>
    %broadcast_in_dim3A_419 = vector.shape_cast %reduce_max3A_418 : vector<256xf32> to vector<1x256xf32>
    %sub3A_420 = vector.broadcast %broadcast_in_dim3A_419 : vector<1x256xf32> to vector<33x256xf32>
    %sub3A_421 = arith.subf %select_n3A_417, %sub3A_420 : vector<33x256xf32>
    %exp3A = math.exp %sub3A_421 : vector<33x256xf32>
    %reduce_sum3A_422 = arith.constant dense<0.000000e+00> : vector<256xf32>
    %reduce_sum3A_423 = vector.multi_reduction <add>, %exp3A, %reduce_sum3A_422 [0] : vector<33x256xf32> to vector<256xf32>
    %broadcast_in_dim3A_424 = vector.shape_cast %reduce_sum3A_423 : vector<256xf32> to vector<1x256xf32>
    %div3A_425 = vector.broadcast %broadcast_in_dim3A_424 : vector<1x256xf32> to vector<33x256xf32>
    %div3A_426 = arith.divf %exp3A, %div3A_425 : vector<33x256xf32>
    %neg3A = arith.constant 0.000000e+00 : f32
    %neg3A_427 = vector.broadcast %neg3A : f32 to vector<33x256xf32>
    %neg3A_428 = arith.subf %neg3A_427, %mul3A_170 : vector<33x256xf32>
    %slice3A_429 = vector.extract_strided_slice %transpose3A_162 {offsets = [0, 0], sizes = [1, 256], strides = [1, 1]} : vector<8x256xf32> to vector<1x256xf32>
    %jit3A_430 = arith.constant 1.000000e-01 : f32
    %max3A_431 = vector.broadcast %jit3A_430 : f32 to vector<1x256xf32>
    %max3A_432 = arith.maximumf %max3A_431, %slice3A_429 : vector<1x256xf32>
    %div3A_433 = vector.broadcast %max3A_432 : vector<1x256xf32> to vector<33x256xf32>
    %div3A_434 = arith.divf %neg3A_428, %div3A_433 : vector<33x256xf32>
    %exp3A_435 = math.exp %div3A_434 : vector<33x256xf32>
    %mul3A_436 = arith.mulf %div3A_426, %exp3A_435 : vector<33x256xf32>
    %mul3A_437 = arith.mulf %mul3A_436, %convert_element_type3A_166 : vector<33x256xf32>
    %reduce_sum3A_438 = arith.constant dense<0.000000e+00> : vector<256xf32>
    %reduce_sum3A_439 = vector.multi_reduction <add>, %mul3A_437, %reduce_sum3A_438 [0] : vector<33x256xf32> to vector<256xf32>
    %broadcast_in_dim3A_440 = vector.shape_cast %reduce_sum3A_439 : vector<256xf32> to vector<1x256xf32>
    %add3A_441 = arith.constant 9.99999993E-9 : f32
    %add3A_442 = vector.broadcast %add3A_441 : f32 to vector<1x256xf32>
    %add3A_443 = arith.addf %broadcast_in_dim3A_440, %add3A_442 : vector<1x256xf32>
    %div3A_444 = vector.broadcast %add3A_443 : vector<1x256xf32> to vector<33x256xf32>
    %div3A_445 = arith.divf %mul3A_437, %div3A_444 : vector<33x256xf32>
    %transpose3A_446 = tpu.transpose %div3A_445, [1, 0] : vector<33x256xf32> -> vector<256x33xf32>
    %broadcast_in_dim3A_447 = arith.constant 0.000000e+00 : f32
    %broadcast_in_dim3A_448 = vector.broadcast %broadcast_in_dim3A_447 : f32 to vector<256x15xf32>
    %concatenate3A_449 = tpu.concatenate %transpose3A_446, %broadcast_in_dim3A_448 in 1 : vector<256x33xf32>, vector<256x15xf32> -> vector<256x48xf32>
    %swap3A_450 = arith.constant 0 : index
    %swap3A_451 = arith.constant 0 : index
    %swap3A_452 = arith.constant 0 : index
    %swap3A_453 = vector.load %arg7[%swap3A_450, %swap3A_451, %swap3A_452] : memref<8x256x48xf32, #tpu.memory_space<vmem>>, vector<1x256x48xf32>
    %swap3A_454 = vector.shape_cast %swap3A_453 : vector<1x256x48xf32> to vector<256x48xf32>
    %swap3A_455 = vector.shape_cast %concatenate3A_449 : vector<256x48xf32> to vector<1x256x48xf32>
    tpu.vector_store %arg7[%swap3A_450, %swap3A_451, %swap3A_452], %swap3A_455 {strides = array<i32>} : memref<8x256x48xf32, #tpu.memory_space<vmem>>, vector<1x256x48xf32>,
    %slice3A_456 = vector.extract_strided_slice %transpose3A {offsets = [1, 0], sizes = [1, 256], strides = [1, 1]} : vector<8x256xf32> to vector<1x256xf32>
    %mul3A_457 = vector.broadcast %abs3A : vector<33x1xf32> to vector<33x256xf32>
    %mul3A_458 = vector.broadcast %slice3A_456 : vector<1x256xf32> to vector<33x256xf32>
    %mul3A_459 = arith.mulf %mul3A_457, %mul3A_458 : vector<33x256xf32>
    %broadcast_in_dim3A_460 = arith.constant 0.000000e+00 : f32
    %broadcast_in_dim3A_461 = vector.broadcast %broadcast_in_dim3A_460 : f32 to vector<33x256xf32>
    %slice3A_462 = vector.extract_strided_slice %transpose3A_163 {offsets = [1, 0], sizes = [1, 256], strides = [1, 1]} : vector<128x256xf32> to vector<1x256xf32>
    %slice3A_463 = vector.extract_strided_slice %get3A_156 {offsets = [0, 0], sizes = [1, 1], strides = [1, 1]} : vector<1x16xf32> to vector<1x1xf32>
    %squeeze3A_464 = vector.extract %slice3A_463[0, 0] : f32 from vector<1x1xf32>
    %mul3A_465 = vector.broadcast %squeeze3A_464 : f32 to vector<33x256xf32>
    %mul3A_466 = arith.mulf %mul3A_459, %mul3A_465 : vector<33x256xf32>
    %logistic3A_467 = arith.negf %mul3A_466 : vector<33x256xf32>
    %logistic3A_468 = math.exp %logistic3A_467 : vector<33x256xf32>
    %logistic3A_469 = arith.constant 1.000000e+00 : f32
    %logistic3A_470 = vector.broadcast %logistic3A_469 : f32 to vector<33x256xf32>
    %logistic3A_471 = arith.addf %logistic3A_470, %logistic3A_468 : vector<33x256xf32>
    %logistic3A_472 = arith.divf %logistic3A_470, %logistic3A_471 : vector<33x256xf32>
    %mul3A_473 = arith.mulf %mul3A_466, %logistic3A_472 : vector<33x256xf32>
    %mul3A_474 = vector.broadcast %slice3A_462 : vector<1x256xf32> to vector<33x256xf32>
    %mul3A_475 = arith.mulf %mul3A_474, %mul3A_473 : vector<33x256xf32>
    %add3A_476 = arith.addf %broadcast_in_dim3A_461, %mul3A_475 : vector<33x256xf32>
    %slice3A_477 = vector.extract_strided_slice %transpose3A_163 {offsets = [9, 0], sizes = [1, 256], strides = [1, 1]} : vector<128x256xf32> to vector<1x256xf32>
    %slice3A_478 = vector.extract_strided_slice %get3A_156 {offsets = [0, 1], sizes = [1, 1], strides = [1, 1]} : vector<1x16xf32> to vector<1x1xf32>
    %squeeze3A_479 = vector.extract %slice3A_478[0, 0] : f32 from vector<1x1xf32>
    %mul3A_480 = vector.broadcast %squeeze3A_479 : f32 to vector<33x256xf32>
    %mul3A_481 = arith.mulf %mul3A_459, %mul3A_480 : vector<33x256xf32>
    %logistic3A_482 = arith.negf %mul3A_481 : vector<33x256xf32>
    %logistic3A_483 = math.exp %logistic3A_482 : vector<33x256xf32>
    %logistic3A_484 = arith.constant 1.000000e+00 : f32
    %logistic3A_485 = vector.broadcast %logistic3A_484 : f32 to vector<33x256xf32>
    %logistic3A_486 = arith.addf %logistic3A_485, %logistic3A_483 : vector<33x256xf32>
    %logistic3A_487 = arith.divf %logistic3A_485, %logistic3A_486 : vector<33x256xf32>
    %mul3A_488 = arith.mulf %mul3A_481, %logistic3A_487 : vector<33x256xf32>
    %mul3A_489 = vector.broadcast %slice3A_477 : vector<1x256xf32> to vector<33x256xf32>
    %mul3A_490 = arith.mulf %mul3A_489, %mul3A_488 : vector<33x256xf32>
    %add3A_491 = arith.addf %add3A_476, %mul3A_490 : vector<33x256xf32>
    %slice3A_492 = vector.extract_strided_slice %transpose3A_163 {offsets = [17, 0], sizes = [1, 256], strides = [1, 1]} : vector<128x256xf32> to vector<1x256xf32>
    %slice3A_493 = vector.extract_strided_slice %get3A_156 {offsets = [0, 2], sizes = [1, 1], strides = [1, 1]} : vector<1x16xf32> to vector<1x1xf32>
    %squeeze3A_494 = vector.extract %slice3A_493[0, 0] : f32 from vector<1x1xf32>
    %mul3A_495 = vector.broadcast %squeeze3A_494 : f32 to vector<33x256xf32>
    %mul3A_496 = arith.mulf %mul3A_459, %mul3A_495 : vector<33x256xf32>
    %logistic3A_497 = arith.negf %mul3A_496 : vector<33x256xf32>
    %logistic3A_498 = math.exp %logistic3A_497 : vector<33x256xf32>
    %logistic3A_499 = arith.constant 1.000000e+00 : f32
    %logistic3A_500 = vector.broadcast %logistic3A_499 : f32 to vector<33x256xf32>
    %logistic3A_501 = arith.addf %logistic3A_500, %logistic3A_498 : vector<33x256xf32>
    %logistic3A_502 = arith.divf %logistic3A_500, %logistic3A_501 : vector<33x256xf32>
    %mul3A_503 = arith.mulf %mul3A_496, %logistic3A_502 : vector<33x256xf32>
    %mul3A_504 = vector.broadcast %slice3A_492 : vector<1x256xf32> to vector<33x256xf32>
    %mul3A_505 = arith.mulf %mul3A_504, %mul3A_503 : vector<33x256xf32>
    %add3A_506 = arith.addf %add3A_491, %mul3A_505 : vector<33x256xf32>
    %slice3A_507 = vector.extract_strided_slice %transpose3A_163 {offsets = [25, 0], sizes = [1, 256], strides = [1, 1]} : vector<128x256xf32> to vector<1x256xf32>
    %slice3A_508 = vector.extract_strided_slice %get3A_156 {offsets = [0, 3], sizes = [1, 1], strides = [1, 1]} : vector<1x16xf32> to vector<1x1xf32>
    %squeeze3A_509 = vector.extract %slice3A_508[0, 0] : f32 from vector<1x1xf32>
    %mul3A_510 = vector.broadcast %squeeze3A_509 : f32 to vector<33x256xf32>
    %mul3A_511 = arith.mulf %mul3A_459, %mul3A_510 : vector<33x256xf32>
    %logistic3A_512 = arith.negf %mul3A_511 : vector<33x256xf32>
    %logistic3A_513 = math.exp %logistic3A_512 : vector<33x256xf32>
    %logistic3A_514 = arith.constant 1.000000e+00 : f32
    %logistic3A_515 = vector.broadcast %logistic3A_514 : f32 to vector<33x256xf32>
    %logistic3A_516 = arith.addf %logistic3A_515, %logistic3A_513 : vector<33x256xf32>
    %logistic3A_517 = arith.divf %logistic3A_515, %logistic3A_516 : vector<33x256xf32>
    %mul3A_518 = arith.mulf %mul3A_511, %logistic3A_517 : vector<33x256xf32>
    %mul3A_519 = vector.broadcast %slice3A_507 : vector<1x256xf32> to vector<33x256xf32>
    %mul3A_520 = arith.mulf %mul3A_519, %mul3A_518 : vector<33x256xf32>
    %add3A_521 = arith.addf %add3A_506, %mul3A_520 : vector<33x256xf32>
    %slice3A_522 = vector.extract_strided_slice %transpose3A_163 {offsets = [33, 0], sizes = [1, 256], strides = [1, 1]} : vector<128x256xf32> to vector<1x256xf32>
    %slice3A_523 = vector.extract_strided_slice %get3A_156 {offsets = [0, 4], sizes = [1, 1], strides = [1, 1]} : vector<1x16xf32> to vector<1x1xf32>
    %squeeze3A_524 = vector.extract %slice3A_523[0, 0] : f32 from vector<1x1xf32>
    %mul3A_525 = vector.broadcast %squeeze3A_524 : f32 to vector<33x256xf32>
    %mul3A_526 = arith.mulf %mul3A_459, %mul3A_525 : vector<33x256xf32>
    %logistic3A_527 = arith.negf %mul3A_526 : vector<33x256xf32>
    %logistic3A_528 = math.exp %logistic3A_527 : vector<33x256xf32>
    %logistic3A_529 = arith.constant 1.000000e+00 : f32
    %logistic3A_530 = vector.broadcast %logistic3A_529 : f32 to vector<33x256xf32>
    %logistic3A_531 = arith.addf %logistic3A_530, %logistic3A_528 : vector<33x256xf32>
    %logistic3A_532 = arith.divf %logistic3A_530, %logistic3A_531 : vector<33x256xf32>
    %mul3A_533 = arith.mulf %mul3A_526, %logistic3A_532 : vector<33x256xf32>
    %mul3A_534 = vector.broadcast %slice3A_522 : vector<1x256xf32> to vector<33x256xf32>
    %mul3A_535 = arith.mulf %mul3A_534, %mul3A_533 : vector<33x256xf32>
    %add3A_536 = arith.addf %add3A_521, %mul3A_535 : vector<33x256xf32>
    %slice3A_537 = vector.extract_strided_slice %transpose3A_163 {offsets = [41, 0], sizes = [1, 256], strides = [1, 1]} : vector<128x256xf32> to vector<1x256xf32>
    %slice3A_538 = vector.extract_strided_slice %get3A_156 {offsets = [0, 5], sizes = [1, 1], strides = [1, 1]} : vector<1x16xf32> to vector<1x1xf32>
    %squeeze3A_539 = vector.extract %slice3A_538[0, 0] : f32 from vector<1x1xf32>
    %mul3A_540 = vector.broadcast %squeeze3A_539 : f32 to vector<33x256xf32>
    %mul3A_541 = arith.mulf %mul3A_459, %mul3A_540 : vector<33x256xf32>
    %logistic3A_542 = arith.negf %mul3A_541 : vector<33x256xf32>
    %logistic3A_543 = math.exp %logistic3A_542 : vector<33x256xf32>
    %logistic3A_544 = arith.constant 1.000000e+00 : f32
    %logistic3A_545 = vector.broadcast %logistic3A_544 : f32 to vector<33x256xf32>
    %logistic3A_546 = arith.addf %logistic3A_545, %logistic3A_543 : vector<33x256xf32>
    %logistic3A_547 = arith.divf %logistic3A_545, %logistic3A_546 : vector<33x256xf32>
    %mul3A_548 = arith.mulf %mul3A_541, %logistic3A_547 : vector<33x256xf32>
    %mul3A_549 = vector.broadcast %slice3A_537 : vector<1x256xf32> to vector<33x256xf32>
    %mul3A_550 = arith.mulf %mul3A_549, %mul3A_548 : vector<33x256xf32>
    %add3A_551 = arith.addf %add3A_536, %mul3A_550 : vector<33x256xf32>
    %slice3A_552 = vector.extract_strided_slice %transpose3A_163 {offsets = [49, 0], sizes = [1, 256], strides = [1, 1]} : vector<128x256xf32> to vector<1x256xf32>
    %slice3A_553 = vector.extract_strided_slice %get3A_156 {offsets = [0, 6], sizes = [1, 1], strides = [1, 1]} : vector<1x16xf32> to vector<1x1xf32>
    %squeeze3A_554 = vector.extract %slice3A_553[0, 0] : f32 from vector<1x1xf32>
    %mul3A_555 = vector.broadcast %squeeze3A_554 : f32 to vector<33x256xf32>
    %mul3A_556 = arith.mulf %mul3A_459, %mul3A_555 : vector<33x256xf32>
    %logistic3A_557 = arith.negf %mul3A_556 : vector<33x256xf32>
    %logistic3A_558 = math.exp %logistic3A_557 : vector<33x256xf32>
    %logistic3A_559 = arith.constant 1.000000e+00 : f32
    %logistic3A_560 = vector.broadcast %logistic3A_559 : f32 to vector<33x256xf32>
    %logistic3A_561 = arith.addf %logistic3A_560, %logistic3A_558 : vector<33x256xf32>
    %logistic3A_562 = arith.divf %logistic3A_560, %logistic3A_561 : vector<33x256xf32>
    %mul3A_563 = arith.mulf %mul3A_556, %logistic3A_562 : vector<33x256xf32>
    %mul3A_564 = vector.broadcast %slice3A_552 : vector<1x256xf32> to vector<33x256xf32>
    %mul3A_565 = arith.mulf %mul3A_564, %mul3A_563 : vector<33x256xf32>
    %add3A_566 = arith.addf %add3A_551, %mul3A_565 : vector<33x256xf32>
    %slice3A_567 = vector.extract_strided_slice %transpose3A_163 {offsets = [57, 0], sizes = [1, 256], strides = [1, 1]} : vector<128x256xf32> to vector<1x256xf32>
    %slice3A_568 = vector.extract_strided_slice %get3A_156 {offsets = [0, 7], sizes = [1, 1], strides = [1, 1]} : vector<1x16xf32> to vector<1x1xf32>
    %squeeze3A_569 = vector.extract %slice3A_568[0, 0] : f32 from vector<1x1xf32>
    %mul3A_570 = vector.broadcast %squeeze3A_569 : f32 to vector<33x256xf32>
    %mul3A_571 = arith.mulf %mul3A_459, %mul3A_570 : vector<33x256xf32>
    %logistic3A_572 = arith.negf %mul3A_571 : vector<33x256xf32>
    %logistic3A_573 = math.exp %logistic3A_572 : vector<33x256xf32>
    %logistic3A_574 = arith.constant 1.000000e+00 : f32
    %logistic3A_575 = vector.broadcast %logistic3A_574 : f32 to vector<33x256xf32>
    %logistic3A_576 = arith.addf %logistic3A_575, %logistic3A_573 : vector<33x256xf32>
    %logistic3A_577 = arith.divf %logistic3A_575, %logistic3A_576 : vector<33x256xf32>
    %mul3A_578 = arith.mulf %mul3A_571, %logistic3A_577 : vector<33x256xf32>
    %mul3A_579 = vector.broadcast %slice3A_567 : vector<1x256xf32> to vector<33x256xf32>
    %mul3A_580 = arith.mulf %mul3A_579, %mul3A_578 : vector<33x256xf32>
    %add3A_581 = arith.addf %add3A_566, %mul3A_580 : vector<33x256xf32>
    %slice3A_582 = vector.extract_strided_slice %transpose3A_163 {offsets = [65, 0], sizes = [1, 256], strides = [1, 1]} : vector<128x256xf32> to vector<1x256xf32>
    %slice3A_583 = vector.extract_strided_slice %get3A_156 {offsets = [0, 8], sizes = [1, 1], strides = [1, 1]} : vector<1x16xf32> to vector<1x1xf32>
    %squeeze3A_584 = vector.extract %slice3A_583[0, 0] : f32 from vector<1x1xf32>
    %mul3A_585 = vector.broadcast %squeeze3A_584 : f32 to vector<33x256xf32>
    %mul3A_586 = arith.mulf %mul3A_459, %mul3A_585 : vector<33x256xf32>
    %logistic3A_587 = arith.negf %mul3A_586 : vector<33x256xf32>
    %logistic3A_588 = math.exp %logistic3A_587 : vector<33x256xf32>
    %logistic3A_589 = arith.constant 1.000000e+00 : f32
    %logistic3A_590 = vector.broadcast %logistic3A_589 : f32 to vector<33x256xf32>
    %logistic3A_591 = arith.addf %logistic3A_590, %logistic3A_588 : vector<33x256xf32>
    %logistic3A_592 = arith.divf %logistic3A_590, %logistic3A_591 : vector<33x256xf32>
    %mul3A_593 = arith.mulf %mul3A_586, %logistic3A_592 : vector<33x256xf32>
    %mul3A_594 = vector.broadcast %slice3A_582 : vector<1x256xf32> to vector<33x256xf32>
    %mul3A_595 = arith.mulf %mul3A_594, %mul3A_593 : vector<33x256xf32>
    %add3A_596 = arith.addf %add3A_581, %mul3A_595 : vector<33x256xf32>
    %slice3A_597 = vector.extract_strided_slice %transpose3A_163 {offsets = [73, 0], sizes = [1, 256], strides = [1, 1]} : vector<128x256xf32> to vector<1x256xf32>
    %slice3A_598 = vector.extract_strided_slice %get3A_156 {offsets = [0, 9], sizes = [1, 1], strides = [1, 1]} : vector<1x16xf32> to vector<1x1xf32>
    %squeeze3A_599 = vector.extract %slice3A_598[0, 0] : f32 from vector<1x1xf32>
    %mul3A_600 = vector.broadcast %squeeze3A_599 : f32 to vector<33x256xf32>
    %mul3A_601 = arith.mulf %mul3A_459, %mul3A_600 : vector<33x256xf32>
    %logistic3A_602 = arith.negf %mul3A_601 : vector<33x256xf32>
    %logistic3A_603 = math.exp %logistic3A_602 : vector<33x256xf32>
    %logistic3A_604 = arith.constant 1.000000e+00 : f32
    %logistic3A_605 = vector.broadcast %logistic3A_604 : f32 to vector<33x256xf32>
    %logistic3A_606 = arith.addf %logistic3A_605, %logistic3A_603 : vector<33x256xf32>
    %logistic3A_607 = arith.divf %logistic3A_605, %logistic3A_606 : vector<33x256xf32>
    %mul3A_608 = arith.mulf %mul3A_601, %logistic3A_607 : vector<33x256xf32>
    %mul3A_609 = vector.broadcast %slice3A_597 : vector<1x256xf32> to vector<33x256xf32>
    %mul3A_610 = arith.mulf %mul3A_609, %mul3A_608 : vector<33x256xf32>
    %add3A_611 = arith.addf %add3A_596, %mul3A_610 : vector<33x256xf32>
    %slice3A_612 = vector.extract_strided_slice %transpose3A_163 {offsets = [81, 0], sizes = [1, 256], strides = [1, 1]} : vector<128x256xf32> to vector<1x256xf32>
    %slice3A_613 = vector.extract_strided_slice %get3A_156 {offsets = [0, 10], sizes = [1, 1], strides = [1, 1]} : vector<1x16xf32> to vector<1x1xf32>
    %squeeze3A_614 = vector.extract %slice3A_613[0, 0] : f32 from vector<1x1xf32>
    %mul3A_615 = vector.broadcast %squeeze3A_614 : f32 to vector<33x256xf32>
    %mul3A_616 = arith.mulf %mul3A_459, %mul3A_615 : vector<33x256xf32>
    %logistic3A_617 = arith.negf %mul3A_616 : vector<33x256xf32>
    %logistic3A_618 = math.exp %logistic3A_617 : vector<33x256xf32>
    %logistic3A_619 = arith.constant 1.000000e+00 : f32
    %logistic3A_620 = vector.broadcast %logistic3A_619 : f32 to vector<33x256xf32>
    %logistic3A_621 = arith.addf %logistic3A_620, %logistic3A_618 : vector<33x256xf32>
    %logistic3A_622 = arith.divf %logistic3A_620, %logistic3A_621 : vector<33x256xf32>
    %mul3A_623 = arith.mulf %mul3A_616, %logistic3A_622 : vector<33x256xf32>
    %mul3A_624 = vector.broadcast %slice3A_612 : vector<1x256xf32> to vector<33x256xf32>
    %mul3A_625 = arith.mulf %mul3A_624, %mul3A_623 : vector<33x256xf32>
    %add3A_626 = arith.addf %add3A_611, %mul3A_625 : vector<33x256xf32>
    %slice3A_627 = vector.extract_strided_slice %transpose3A_163 {offsets = [89, 0], sizes = [1, 256], strides = [1, 1]} : vector<128x256xf32> to vector<1x256xf32>
    %slice3A_628 = vector.extract_strided_slice %get3A_156 {offsets = [0, 11], sizes = [1, 1], strides = [1, 1]} : vector<1x16xf32> to vector<1x1xf32>
    %squeeze3A_629 = vector.extract %slice3A_628[0, 0] : f32 from vector<1x1xf32>
    %mul3A_630 = vector.broadcast %squeeze3A_629 : f32 to vector<33x256xf32>
    %mul3A_631 = arith.mulf %mul3A_459, %mul3A_630 : vector<33x256xf32>
    %logistic3A_632 = arith.negf %mul3A_631 : vector<33x256xf32>
    %logistic3A_633 = math.exp %logistic3A_632 : vector<33x256xf32>
    %logistic3A_634 = arith.constant 1.000000e+00 : f32
    %logistic3A_635 = vector.broadcast %logistic3A_634 : f32 to vector<33x256xf32>
    %logistic3A_636 = arith.addf %logistic3A_635, %logistic3A_633 : vector<33x256xf32>
    %logistic3A_637 = arith.divf %logistic3A_635, %logistic3A_636 : vector<33x256xf32>
    %mul3A_638 = arith.mulf %mul3A_631, %logistic3A_637 : vector<33x256xf32>
    %mul3A_639 = vector.broadcast %slice3A_627 : vector<1x256xf32> to vector<33x256xf32>
    %mul3A_640 = arith.mulf %mul3A_639, %mul3A_638 : vector<33x256xf32>
    %add3A_641 = arith.addf %add3A_626, %mul3A_640 : vector<33x256xf32>
    %slice3A_642 = vector.extract_strided_slice %transpose3A_163 {offsets = [97, 0], sizes = [1, 256], strides = [1, 1]} : vector<128x256xf32> to vector<1x256xf32>
    %slice3A_643 = vector.extract_strided_slice %get3A_156 {offsets = [0, 12], sizes = [1, 1], strides = [1, 1]} : vector<1x16xf32> to vector<1x1xf32>
    %squeeze3A_644 = vector.extract %slice3A_643[0, 0] : f32 from vector<1x1xf32>
    %mul3A_645 = vector.broadcast %squeeze3A_644 : f32 to vector<33x256xf32>
    %mul3A_646 = arith.mulf %mul3A_459, %mul3A_645 : vector<33x256xf32>
    %logistic3A_647 = arith.negf %mul3A_646 : vector<33x256xf32>
    %logistic3A_648 = math.exp %logistic3A_647 : vector<33x256xf32>
    %logistic3A_649 = arith.constant 1.000000e+00 : f32
    %logistic3A_650 = vector.broadcast %logistic3A_649 : f32 to vector<33x256xf32>
    %logistic3A_651 = arith.addf %logistic3A_650, %logistic3A_648 : vector<33x256xf32>
    %logistic3A_652 = arith.divf %logistic3A_650, %logistic3A_651 : vector<33x256xf32>
    %mul3A_653 = arith.mulf %mul3A_646, %logistic3A_652 : vector<33x256xf32>
    %mul3A_654 = vector.broadcast %slice3A_642 : vector<1x256xf32> to vector<33x256xf32>
    %mul3A_655 = arith.mulf %mul3A_654, %mul3A_653 : vector<33x256xf32>
    %add3A_656 = arith.addf %add3A_641, %mul3A_655 : vector<33x256xf32>
    %slice3A_657 = vector.extract_strided_slice %transpose3A_163 {offsets = [105, 0], sizes = [1, 256], strides = [1, 1]} : vector<128x256xf32> to vector<1x256xf32>
    %slice3A_658 = vector.extract_strided_slice %get3A_156 {offsets = [0, 13], sizes = [1, 1], strides = [1, 1]} : vector<1x16xf32> to vector<1x1xf32>
    %squeeze3A_659 = vector.extract %slice3A_658[0, 0] : f32 from vector<1x1xf32>
    %mul3A_660 = vector.broadcast %squeeze3A_659 : f32 to vector<33x256xf32>
    %mul3A_661 = arith.mulf %mul3A_459, %mul3A_660 : vector<33x256xf32>
    %logistic3A_662 = arith.negf %mul3A_661 : vector<33x256xf32>
    %logistic3A_663 = math.exp %logistic3A_662 : vector<33x256xf32>
    %logistic3A_664 = arith.constant 1.000000e+00 : f32
    %logistic3A_665 = vector.broadcast %logistic3A_664 : f32 to vector<33x256xf32>
    %logistic3A_666 = arith.addf %logistic3A_665, %logistic3A_663 : vector<33x256xf32>
    %logistic3A_667 = arith.divf %logistic3A_665, %logistic3A_666 : vector<33x256xf32>
    %mul3A_668 = arith.mulf %mul3A_661, %logistic3A_667 : vector<33x256xf32>
    %mul3A_669 = vector.broadcast %slice3A_657 : vector<1x256xf32> to vector<33x256xf32>
    %mul3A_670 = arith.mulf %mul3A_669, %mul3A_668 : vector<33x256xf32>
    %add3A_671 = arith.addf %add3A_656, %mul3A_670 : vector<33x256xf32>
    %slice3A_672 = vector.extract_strided_slice %transpose3A_163 {offsets = [113, 0], sizes = [1, 256], strides = [1, 1]} : vector<128x256xf32> to vector<1x256xf32>
    %slice3A_673 = vector.extract_strided_slice %get3A_156 {offsets = [0, 14], sizes = [1, 1], strides = [1, 1]} : vector<1x16xf32> to vector<1x1xf32>
    %squeeze3A_674 = vector.extract %slice3A_673[0, 0] : f32 from vector<1x1xf32>
    %mul3A_675 = vector.broadcast %squeeze3A_674 : f32 to vector<33x256xf32>
    %mul3A_676 = arith.mulf %mul3A_459, %mul3A_675 : vector<33x256xf32>
    %logistic3A_677 = arith.negf %mul3A_676 : vector<33x256xf32>
    %logistic3A_678 = math.exp %logistic3A_677 : vector<33x256xf32>
    %logistic3A_679 = arith.constant 1.000000e+00 : f32
    %logistic3A_680 = vector.broadcast %logistic3A_679 : f32 to vector<33x256xf32>
    %logistic3A_681 = arith.addf %logistic3A_680, %logistic3A_678 : vector<33x256xf32>
    %logistic3A_682 = arith.divf %logistic3A_680, %logistic3A_681 : vector<33x256xf32>
    %mul3A_683 = arith.mulf %mul3A_676, %logistic3A_682 : vector<33x256xf32>
    %mul3A_684 = vector.broadcast %slice3A_672 : vector<1x256xf32> to vector<33x256xf32>
    %mul3A_685 = arith.mulf %mul3A_684, %mul3A_683 : vector<33x256xf32>
    %add3A_686 = arith.addf %add3A_671, %mul3A_685 : vector<33x256xf32>
    %slice3A_687 = vector.extract_strided_slice %transpose3A_163 {offsets = [121, 0], sizes = [1, 256], strides = [1, 1]} : vector<128x256xf32> to vector<1x256xf32>
    %slice3A_688 = vector.extract_strided_slice %get3A_156 {offsets = [0, 15], sizes = [1, 1], strides = [1, 1]} : vector<1x16xf32> to vector<1x1xf32>
    %squeeze3A_689 = vector.extract %slice3A_688[0, 0] : f32 from vector<1x1xf32>
    %mul3A_690 = vector.broadcast %squeeze3A_689 : f32 to vector<33x256xf32>
    %mul3A_691 = arith.mulf %mul3A_459, %mul3A_690 : vector<33x256xf32>
    %logistic3A_692 = arith.negf %mul3A_691 : vector<33x256xf32>
    %logistic3A_693 = math.exp %logistic3A_692 : vector<33x256xf32>
    %logistic3A_694 = arith.constant 1.000000e+00 : f32
    %logistic3A_695 = vector.broadcast %logistic3A_694 : f32 to vector<33x256xf32>
    %logistic3A_696 = arith.addf %logistic3A_695, %logistic3A_693 : vector<33x256xf32>
    %logistic3A_697 = arith.divf %logistic3A_695, %logistic3A_696 : vector<33x256xf32>
    %mul3A_698 = arith.mulf %mul3A_691, %logistic3A_697 : vector<33x256xf32>
    %mul3A_699 = vector.broadcast %slice3A_687 : vector<1x256xf32> to vector<33x256xf32>
    %mul3A_700 = arith.mulf %mul3A_699, %mul3A_698 : vector<33x256xf32>
    %add3A_701 = arith.addf %add3A_686, %mul3A_700 : vector<33x256xf32>
    %mul3A_702 = arith.constant 2.500000e-01 : f32
    %mul3A_703 = vector.broadcast %mul3A_702 : f32 to vector<33x256xf32>
    %mul3A_704 = arith.mulf %add3A_701, %mul3A_703 : vector<33x256xf32>
    %jit3A_705 = arith.constant 0xFF800000 : f32
    %broadcast_in_dim3A_706 = vector.broadcast %jit3A_705 : f32 to vector<33x256xf32>
    %select_n3A_707 = arith.select %transpose3A_164, %mul3A_704, %broadcast_in_dim3A_706 : vector<33x256xi1>, vector<33x256xf32>
    %reduce_max3A_708 = arith.constant dense<0xFF800000> : vector<256xf32>
    %reduce_max3A_709 = vector.multi_reduction <maximumf>, %select_n3A_707, %reduce_max3A_708 [0] : vector<33x256xf32> to vector<256xf32>
    %broadcast_in_dim3A_710 = vector.shape_cast %reduce_max3A_709 : vector<256xf32> to vector<1x256xf32>
    %sub3A_711 = vector.broadcast %broadcast_in_dim3A_710 : vector<1x256xf32> to vector<33x256xf32>
    %sub3A_712 = arith.subf %select_n3A_707, %sub3A_711 : vector<33x256xf32>
    %exp3A_713 = math.exp %sub3A_712 : vector<33x256xf32>
    %reduce_sum3A_714 = arith.constant dense<0.000000e+00> : vector<256xf32>
    %reduce_sum3A_715 = vector.multi_reduction <add>, %exp3A_713, %reduce_sum3A_714 [0] : vector<33x256xf32> to vector<256xf32>
    %broadcast_in_dim3A_716 = vector.shape_cast %reduce_sum3A_715 : vector<256xf32> to vector<1x256xf32>
    %div3A_717 = vector.broadcast %broadcast_in_dim3A_716 : vector<1x256xf32> to vector<33x256xf32>
    %div3A_718 = arith.divf %exp3A_713, %div3A_717 : vector<33x256xf32>
    %neg3A_719 = arith.constant 0.000000e+00 : f32
    %neg3A_720 = vector.broadcast %neg3A_719 : f32 to vector<33x256xf32>
    %neg3A_721 = arith.subf %neg3A_720, %mul3A_459 : vector<33x256xf32>
    %slice3A_722 = vector.extract_strided_slice %transpose3A_162 {offsets = [1, 0], sizes = [1, 256], strides = [1, 1]} : vector<8x256xf32> to vector<1x256xf32>
    %jit3A_723 = arith.constant 1.000000e-01 : f32
    %max3A_724 = vector.broadcast %jit3A_723 : f32 to vector<1x256xf32>
    %max3A_725 = arith.maximumf %max3A_724, %slice3A_722 : vector<1x256xf32>
    %div3A_726 = vector.broadcast %max3A_725 : vector<1x256xf32> to vector<33x256xf32>
    %div3A_727 = arith.divf %neg3A_721, %div3A_726 : vector<33x256xf32>
    %exp3A_728 = math.exp %div3A_727 : vector<33x256xf32>
    %mul3A_729 = arith.mulf %div3A_718, %exp3A_728 : vector<33x256xf32>
    %mul3A_730 = arith.mulf %mul3A_729, %convert_element_type3A_166 : vector<33x256xf32>
    %reduce_sum3A_731 = arith.constant dense<0.000000e+00> : vector<256xf32>
    %reduce_sum3A_732 = vector.multi_reduction <add>, %mul3A_730, %reduce_sum3A_731 [0] : vector<33x256xf32> to vector<256xf32>
    %broadcast_in_dim3A_733 = vector.shape_cast %reduce_sum3A_732 : vector<256xf32> to vector<1x256xf32>
    %add3A_734 = arith.constant 9.99999993E-9 : f32
    %add3A_735 = vector.broadcast %add3A_734 : f32 to vector<1x256xf32>
    %add3A_736 = arith.addf %broadcast_in_dim3A_733, %add3A_735 : vector<1x256xf32>
    %div3A_737 = vector.broadcast %add3A_736 : vector<1x256xf32> to vector<33x256xf32>
    %div3A_738 = arith.divf %mul3A_730, %div3A_737 : vector<33x256xf32>
    %transpose3A_739 = tpu.transpose %div3A_738, [1, 0] : vector<33x256xf32> -> vector<256x33xf32>
    %broadcast_in_dim3A_740 = arith.constant 0.000000e+00 : f32
    %broadcast_in_dim3A_741 = vector.broadcast %broadcast_in_dim3A_740 : f32 to vector<256x15xf32>
    %concatenate3A_742 = tpu.concatenate %transpose3A_739, %broadcast_in_dim3A_741 in 1 : vector<256x33xf32>, vector<256x15xf32> -> vector<256x48xf32>
    %swap3A_743 = arith.constant 1 : index
    %swap3A_744 = arith.constant 0 : index
    %swap3A_745 = arith.constant 0 : index
    %swap3A_746 = vector.load %arg7[%swap3A_743, %swap3A_744, %swap3A_745] : memref<8x256x48xf32, #tpu.memory_space<vmem>>, vector<1x256x48xf32>
    %swap3A_747 = vector.shape_cast %swap3A_746 : vector<1x256x48xf32> to vector<256x48xf32>
    %swap3A_748 = vector.shape_cast %concatenate3A_742 : vector<256x48xf32> to vector<1x256x48xf32>
    tpu.vector_store %arg7[%swap3A_743, %swap3A_744, %swap3A_745], %swap3A_748 {strides = array<i32>} : memref<8x256x48xf32, #tpu.memory_space<vmem>>, vector<1x256x48xf32>,
    %slice3A_749 = vector.extract_strided_slice %transpose3A {offsets = [2, 0], sizes = [1, 256], strides = [1, 1]} : vector<8x256xf32> to vector<1x256xf32>
    %mul3A_750 = vector.broadcast %abs3A : vector<33x1xf32> to vector<33x256xf32>
    %mul3A_751 = vector.broadcast %slice3A_749 : vector<1x256xf32> to vector<33x256xf32>
    %mul3A_752 = arith.mulf %mul3A_750, %mul3A_751 : vector<33x256xf32>
    %broadcast_in_dim3A_753 = arith.constant 0.000000e+00 : f32
    %broadcast_in_dim3A_754 = vector.broadcast %broadcast_in_dim3A_753 : f32 to vector<33x256xf32>
    %slice3A_755 = vector.extract_strided_slice %transpose3A_163 {offsets = [2, 0], sizes = [1, 256], strides = [1, 1]} : vector<128x256xf32> to vector<1x256xf32>
    %slice3A_756 = vector.extract_strided_slice %get3A_156 {offsets = [0, 0], sizes = [1, 1], strides = [1, 1]} : vector<1x16xf32> to vector<1x1xf32>
    %squeeze3A_757 = vector.extract %slice3A_756[0, 0] : f32 from vector<1x1xf32>
    %mul3A_758 = vector.broadcast %squeeze3A_757 : f32 to vector<33x256xf32>
    %mul3A_759 = arith.mulf %mul3A_752, %mul3A_758 : vector<33x256xf32>
    %logistic3A_760 = arith.negf %mul3A_759 : vector<33x256xf32>
    %logistic3A_761 = math.exp %logistic3A_760 : vector<33x256xf32>
    %logistic3A_762 = arith.constant 1.000000e+00 : f32
    %logistic3A_763 = vector.broadcast %logistic3A_762 : f32 to vector<33x256xf32>
    %logistic3A_764 = arith.addf %logistic3A_763, %logistic3A_761 : vector<33x256xf32>
    %logistic3A_765 = arith.divf %logistic3A_763, %logistic3A_764 : vector<33x256xf32>
    %mul3A_766 = arith.mulf %mul3A_759, %logistic3A_765 : vector<33x256xf32>
    %mul3A_767 = vector.broadcast %slice3A_755 : vector<1x256xf32> to vector<33x256xf32>
    %mul3A_768 = arith.mulf %mul3A_767, %mul3A_766 : vector<33x256xf32>
    %add3A_769 = arith.addf %broadcast_in_dim3A_754, %mul3A_768 : vector<33x256xf32>
    %slice3A_770 = vector.extract_strided_slice %transpose3A_163 {offsets = [10, 0], sizes = [1, 256], strides = [1, 1]} : vector<128x256xf32> to vector<1x256xf32>
    %slice3A_771 = vector.extract_strided_slice %get3A_156 {offsets = [0, 1], sizes = [1, 1], strides = [1, 1]} : vector<1x16xf32> to vector<1x1xf32>
    %squeeze3A_772 = vector.extract %slice3A_771[0, 0] : f32 from vector<1x1xf32>
    %mul3A_773 = vector.broadcast %squeeze3A_772 : f32 to vector<33x256xf32>
    %mul3A_774 = arith.mulf %mul3A_752, %mul3A_773 : vector<33x256xf32>
    %logistic3A_775 = arith.negf %mul3A_774 : vector<33x256xf32>
    %logistic3A_776 = math.exp %logistic3A_775 : vector<33x256xf32>
    %logistic3A_777 = arith.constant 1.000000e+00 : f32
    %logistic3A_778 = vector.broadcast %logistic3A_777 : f32 to vector<33x256xf32>
    %logistic3A_779 = arith.addf %logistic3A_778, %logistic3A_776 : vector<33x256xf32>
    %logistic3A_780 = arith.divf %logistic3A_778, %logistic3A_779 : vector<33x256xf32>
    %mul3A_781 = arith.mulf %mul3A_774, %logistic3A_780 : vector<33x256xf32>
    %mul3A_782 = vector.broadcast %slice3A_770 : vector<1x256xf32> to vector<33x256xf32>
    %mul3A_783 = arith.mulf %mul3A_782, %mul3A_781 : vector<33x256xf32>
    %add3A_784 = arith.addf %add3A_769, %mul3A_783 : vector<33x256xf32>
    %slice3A_785 = vector.extract_strided_slice %transpose3A_163 {offsets = [18, 0], sizes = [1, 256], strides = [1, 1]} : vector<128x256xf32> to vector<1x256xf32>
    %slice3A_786 = vector.extract_strided_slice %get3A_156 {offsets = [0, 2], sizes = [1, 1], strides = [1, 1]} : vector<1x16xf32> to vector<1x1xf32>
    %squeeze3A_787 = vector.extract %slice3A_786[0, 0] : f32 from vector<1x1xf32>
    %mul3A_788 = vector.broadcast %squeeze3A_787 : f32 to vector<33x256xf32>
    %mul3A_789 = arith.mulf %mul3A_752, %mul3A_788 : vector<33x256xf32>
    %logistic3A_790 = arith.negf %mul3A_789 : vector<33x256xf32>
    %logistic3A_791 = math.exp %logistic3A_790 : vector<33x256xf32>
    %logistic3A_792 = arith.constant 1.000000e+00 : f32
    %logistic3A_793 = vector.broadcast %logistic3A_792 : f32 to vector<33x256xf32>
    %logistic3A_794 = arith.addf %logistic3A_793, %logistic3A_791 : vector<33x256xf32>
    %logistic3A_795 = arith.divf %logistic3A_793, %logistic3A_794 : vector<33x256xf32>
    %mul3A_796 = arith.mulf %mul3A_789, %logistic3A_795 : vector<33x256xf32>
    %mul3A_797 = vector.broadcast %slice3A_785 : vector<1x256xf32> to vector<33x256xf32>
    %mul3A_798 = arith.mulf %mul3A_797, %mul3A_796 : vector<33x256xf32>
    %add3A_799 = arith.addf %add3A_784, %mul3A_798 : vector<33x256xf32>
    %slice3A_800 = vector.extract_strided_slice %transpose3A_163 {offsets = [26, 0], sizes = [1, 256], strides = [1, 1]} : vector<128x256xf32> to vector<1x256xf32>
    %slice3A_801 = vector.extract_strided_slice %get3A_156 {offsets = [0, 3], sizes = [1, 1], strides = [1, 1]} : vector<1x16xf32> to vector<1x1xf32>
    %squeeze3A_802 = vector.extract %slice3A_801[0, 0] : f32 from vector<1x1xf32>
    %mul3A_803 = vector.broadcast %squeeze3A_802 : f32 to vector<33x256xf32>
    %mul3A_804 = arith.mulf %mul3A_752, %mul3A_803 : vector<33x256xf32>
    %logistic3A_805 = arith.negf %mul3A_804 : vector<33x256xf32>
    %logistic3A_806 = math.exp %logistic3A_805 : vector<33x256xf32>
    %logistic3A_807 = arith.constant 1.000000e+00 : f32
    %logistic3A_808 = vector.broadcast %logistic3A_807 : f32 to vector<33x256xf32>
    %logistic3A_809 = arith.addf %logistic3A_808, %logistic3A_806 : vector<33x256xf32>
    %logistic3A_810 = arith.divf %logistic3A_808, %logistic3A_809 : vector<33x256xf32>
    %mul3A_811 = arith.mulf %mul3A_804, %logistic3A_810 : vector<33x256xf32>
    %mul3A_812 = vector.broadcast %slice3A_800 : vector<1x256xf32> to vector<33x256xf32>
    %mul3A_813 = arith.mulf %mul3A_812, %mul3A_811 : vector<33x256xf32>
    %add3A_814 = arith.addf %add3A_799, %mul3A_813 : vector<33x256xf32>
    %slice3A_815 = vector.extract_strided_slice %transpose3A_163 {offsets = [34, 0], sizes = [1, 256], strides = [1, 1]} : vector<128x256xf32> to vector<1x256xf32>
    %slice3A_816 = vector.extract_strided_slice %get3A_156 {offsets = [0, 4], sizes = [1, 1], strides = [1, 1]} : vector<1x16xf32> to vector<1x1xf32>
    %squeeze3A_817 = vector.extract %slice3A_816[0, 0] : f32 from vector<1x1xf32>
    %mul3A_818 = vector.broadcast %squeeze3A_817 : f32 to vector<33x256xf32>
    %mul3A_819 = arith.mulf %mul3A_752, %mul3A_818 : vector<33x256xf32>
    %logistic3A_820 = arith.negf %mul3A_819 : vector<33x256xf32>
    %logistic3A_821 = math.exp %logistic3A_820 : vector<33x256xf32>
    %logistic3A_822 = arith.constant 1.000000e+00 : f32
    %logistic3A_823 = vector.broadcast %logistic3A_822 : f32 to vector<33x256xf32>
    %logistic3A_824 = arith.addf %logistic3A_823, %logistic3A_821 : vector<33x256xf32>
    %logistic3A_825 = arith.divf %logistic3A_823, %logistic3A_824 : vector<33x256xf32>
    %mul3A_826 = arith.mulf %mul3A_819, %logistic3A_825 : vector<33x256xf32>
    %mul3A_827 = vector.broadcast %slice3A_815 : vector<1x256xf32> to vector<33x256xf32>
    %mul3A_828 = arith.mulf %mul3A_827, %mul3A_826 : vector<33x256xf32>
    %add3A_829 = arith.addf %add3A_814, %mul3A_828 : vector<33x256xf32>
    %slice3A_830 = vector.extract_strided_slice %transpose3A_163 {offsets = [42, 0], sizes = [1, 256], strides = [1, 1]} : vector<128x256xf32> to vector<1x256xf32>
    %slice3A_831 = vector.extract_strided_slice %get3A_156 {offsets = [0, 5], sizes = [1, 1], strides = [1, 1]} : vector<1x16xf32> to vector<1x1xf32>
    %squeeze3A_832 = vector.extract %slice3A_831[0, 0] : f32 from vector<1x1xf32>
    %mul3A_833 = vector.broadcast %squeeze3A_832 : f32 to vector<33x256xf32>
    %mul3A_834 = arith.mulf %mul3A_752, %mul3A_833 : vector<33x256xf32>
    %logistic3A_835 = arith.negf %mul3A_834 : vector<33x256xf32>
    %logistic3A_836 = math.exp %logistic3A_835 : vector<33x256xf32>
    %logistic3A_837 = arith.constant 1.000000e+00 : f32
    %logistic3A_838 = vector.broadcast %logistic3A_837 : f32 to vector<33x256xf32>
    %logistic3A_839 = arith.addf %logistic3A_838, %logistic3A_836 : vector<33x256xf32>
    %logistic3A_840 = arith.divf %logistic3A_838, %logistic3A_839 : vector<33x256xf32>
    %mul3A_841 = arith.mulf %mul3A_834, %logistic3A_840 : vector<33x256xf32>
    %mul3A_842 = vector.broadcast %slice3A_830 : vector<1x256xf32> to vector<33x256xf32>
    %mul3A_843 = arith.mulf %mul3A_842, %mul3A_841 : vector<33x256xf32>
    %add3A_844 = arith.addf %add3A_829, %mul3A_843 : vector<33x256xf32>
    %slice3A_845 = vector.extract_strided_slice %transpose3A_163 {offsets = [50, 0], sizes = [1, 256], strides = [1, 1]} : vector<128x256xf32> to vector<1x256xf32>
    %slice3A_846 = vector.extract_strided_slice %get3A_156 {offsets = [0, 6], sizes = [1, 1], strides = [1, 1]} : vector<1x16xf32> to vector<1x1xf32>
    %squeeze3A_847 = vector.extract %slice3A_846[0, 0] : f32 from vector<1x1xf32>
    %mul3A_848 = vector.broadcast %squeeze3A_847 : f32 to vector<33x256xf32>
    %mul3A_849 = arith.mulf %mul3A_752, %mul3A_848 : vector<33x256xf32>
    %logistic3A_850 = arith.negf %mul3A_849 : vector<33x256xf32>
    %logistic3A_851 = math.exp %logistic3A_850 : vector<33x256xf32>
    %logistic3A_852 = arith.constant 1.000000e+00 : f32
    %logistic3A_853 = vector.broadcast %logistic3A_852 : f32 to vector<33x256xf32>
    %logistic3A_854 = arith.addf %logistic3A_853, %logistic3A_851 : vector<33x256xf32>
    %logistic3A_855 = arith.divf %logistic3A_853, %logistic3A_854 : vector<33x256xf32>
    %mul3A_856 = arith.mulf %mul3A_849, %logistic3A_855 : vector<33x256xf32>
    %mul3A_857 = vector.broadcast %slice3A_845 : vector<1x256xf32> to vector<33x256xf32>
    %mul3A_858 = arith.mulf %mul3A_857, %mul3A_856 : vector<33x256xf32>
    %add3A_859 = arith.addf %add3A_844, %mul3A_858 : vector<33x256xf32>
    %slice3A_860 = vector.extract_strided_slice %transpose3A_163 {offsets = [58, 0], sizes = [1, 256], strides = [1, 1]} : vector<128x256xf32> to vector<1x256xf32>
    %slice3A_861 = vector.extract_strided_slice %get3A_156 {offsets = [0, 7], sizes = [1, 1], strides = [1, 1]} : vector<1x16xf32> to vector<1x1xf32>
    %squeeze3A_862 = vector.extract %slice3A_861[0, 0] : f32 from vector<1x1xf32>
    %mul3A_863 = vector.broadcast %squeeze3A_862 : f32 to vector<33x256xf32>
    %mul3A_864 = arith.mulf %mul3A_752, %mul3A_863 : vector<33x256xf32>
    %logistic3A_865 = arith.negf %mul3A_864 : vector<33x256xf32>
    %logistic3A_866 = math.exp %logistic3A_865 : vector<33x256xf32>
    %logistic3A_867 = arith.constant 1.000000e+00 : f32
    %logistic3A_868 = vector.broadcast %logistic3A_867 : f32 to vector<33x256xf32>
    %logistic3A_869 = arith.addf %logistic3A_868, %logistic3A_866 : vector<33x256xf32>
    %logistic3A_870 = arith.divf %logistic3A_868, %logistic3A_869 : vector<33x256xf32>
    %mul3A_871 = arith.mulf %mul3A_864, %logistic3A_870 : vector<33x256xf32>
    %mul3A_872 = vector.broadcast %slice3A_860 : vector<1x256xf32> to vector<33x256xf32>
    %mul3A_873 = arith.mulf %mul3A_872, %mul3A_871 : vector<33x256xf32>
    %add3A_874 = arith.addf %add3A_859, %mul3A_873 : vector<33x256xf32>
    %slice3A_875 = vector.extract_strided_slice %transpose3A_163 {offsets = [66, 0], sizes = [1, 256], strides = [1, 1]} : vector<128x256xf32> to vector<1x256xf32>
    %slice3A_876 = vector.extract_strided_slice %get3A_156 {offsets = [0, 8], sizes = [1, 1], strides = [1, 1]} : vector<1x16xf32> to vector<1x1xf32>
    %squeeze3A_877 = vector.extract %slice3A_876[0, 0] : f32 from vector<1x1xf32>
    %mul3A_878 = vector.broadcast %squeeze3A_877 : f32 to vector<33x256xf32>
    %mul3A_879 = arith.mulf %mul3A_752, %mul3A_878 : vector<33x256xf32>
    %logistic3A_880 = arith.negf %mul3A_879 : vector<33x256xf32>
    %logistic3A_881 = math.exp %logistic3A_880 : vector<33x256xf32>
    %logistic3A_882 = arith.constant 1.000000e+00 : f32
    %logistic3A_883 = vector.broadcast %logistic3A_882 : f32 to vector<33x256xf32>
    %logistic3A_884 = arith.addf %logistic3A_883, %logistic3A_881 : vector<33x256xf32>
    %logistic3A_885 = arith.divf %logistic3A_883, %logistic3A_884 : vector<33x256xf32>
    %mul3A_886 = arith.mulf %mul3A_879, %logistic3A_885 : vector<33x256xf32>
    %mul3A_887 = vector.broadcast %slice3A_875 : vector<1x256xf32> to vector<33x256xf32>
    %mul3A_888 = arith.mulf %mul3A_887, %mul3A_886 : vector<33x256xf32>
    %add3A_889 = arith.addf %add3A_874, %mul3A_888 : vector<33x256xf32>
    %slice3A_890 = vector.extract_strided_slice %transpose3A_163 {offsets = [74, 0], sizes = [1, 256], strides = [1, 1]} : vector<128x256xf32> to vector<1x256xf32>
    %slice3A_891 = vector.extract_strided_slice %get3A_156 {offsets = [0, 9], sizes = [1, 1], strides = [1, 1]} : vector<1x16xf32> to vector<1x1xf32>
    %squeeze3A_892 = vector.extract %slice3A_891[0, 0] : f32 from vector<1x1xf32>
    %mul3A_893 = vector.broadcast %squeeze3A_892 : f32 to vector<33x256xf32>
    %mul3A_894 = arith.mulf %mul3A_752, %mul3A_893 : vector<33x256xf32>
    %logistic3A_895 = arith.negf %mul3A_894 : vector<33x256xf32>
    %logistic3A_896 = math.exp %logistic3A_895 : vector<33x256xf32>
    %logistic3A_897 = arith.constant 1.000000e+00 : f32
    %logistic3A_898 = vector.broadcast %logistic3A_897 : f32 to vector<33x256xf32>
    %logistic3A_899 = arith.addf %logistic3A_898, %logistic3A_896 : vector<33x256xf32>
    %logistic3A_900 = arith.divf %logistic3A_898, %logistic3A_899 : vector<33x256xf32>
    %mul3A_901 = arith.mulf %mul3A_894, %logistic3A_900 : vector<33x256xf32>
    %mul3A_902 = vector.broadcast %slice3A_890 : vector<1x256xf32> to vector<33x256xf32>
    %mul3A_903 = arith.mulf %mul3A_902, %mul3A_901 : vector<33x256xf32>
    %add3A_904 = arith.addf %add3A_889, %mul3A_903 : vector<33x256xf32>
    %slice3A_905 = vector.extract_strided_slice %transpose3A_163 {offsets = [82, 0], sizes = [1, 256], strides = [1, 1]} : vector<128x256xf32> to vector<1x256xf32>
    %slice3A_906 = vector.extract_strided_slice %get3A_156 {offsets = [0, 10], sizes = [1, 1], strides = [1, 1]} : vector<1x16xf32> to vector<1x1xf32>
    %squeeze3A_907 = vector.extract %slice3A_906[0, 0] : f32 from vector<1x1xf32>
    %mul3A_908 = vector.broadcast %squeeze3A_907 : f32 to vector<33x256xf32>
    %mul3A_909 = arith.mulf %mul3A_752, %mul3A_908 : vector<33x256xf32>
    %logistic3A_910 = arith.negf %mul3A_909 : vector<33x256xf32>
    %logistic3A_911 = math.exp %logistic3A_910 : vector<33x256xf32>
    %logistic3A_912 = arith.constant 1.000000e+00 : f32
    %logistic3A_913 = vector.broadcast %logistic3A_912 : f32 to vector<33x256xf32>
    %logistic3A_914 = arith.addf %logistic3A_913, %logistic3A_911 : vector<33x256xf32>
    %logistic3A_915 = arith.divf %logistic3A_913, %logistic3A_914 : vector<33x256xf32>
    %mul3A_916 = arith.mulf %mul3A_909, %logistic3A_915 : vector<33x256xf32>
    %mul3A_917 = vector.broadcast %slice3A_905 : vector<1x256xf32> to vector<33x256xf32>
    %mul3A_918 = arith.mulf %mul3A_917, %mul3A_916 : vector<33x256xf32>
    %add3A_919 = arith.addf %add3A_904, %mul3A_918 : vector<33x256xf32>
    %slice3A_920 = vector.extract_strided_slice %transpose3A_163 {offsets = [90, 0], sizes = [1, 256], strides = [1, 1]} : vector<128x256xf32> to vector<1x256xf32>
    %slice3A_921 = vector.extract_strided_slice %get3A_156 {offsets = [0, 11], sizes = [1, 1], strides = [1, 1]} : vector<1x16xf32> to vector<1x1xf32>
    %squeeze3A_922 = vector.extract %slice3A_921[0, 0] : f32 from vector<1x1xf32>
    %mul3A_923 = vector.broadcast %squeeze3A_922 : f32 to vector<33x256xf32>
    %mul3A_924 = arith.mulf %mul3A_752, %mul3A_923 : vector<33x256xf32>
    %logistic3A_925 = arith.negf %mul3A_924 : vector<33x256xf32>
    %logistic3A_926 = math.exp %logistic3A_925 : vector<33x256xf32>
    %logistic3A_927 = arith.constant 1.000000e+00 : f32
    %logistic3A_928 = vector.broadcast %logistic3A_927 : f32 to vector<33x256xf32>
    %logistic3A_929 = arith.addf %logistic3A_928, %logistic3A_926 : vector<33x256xf32>
    %logistic3A_930 = arith.divf %logistic3A_928, %logistic3A_929 : vector<33x256xf32>
    %mul3A_931 = arith.mulf %mul3A_924, %logistic3A_930 : vector<33x256xf32>
    %mul3A_932 = vector.broadcast %slice3A_920 : vector<1x256xf32> to vector<33x256xf32>
    %mul3A_933 = arith.mulf %mul3A_932, %mul3A_931 : vector<33x256xf32>
    %add3A_934 = arith.addf %add3A_919, %mul3A_933 : vector<33x256xf32>
    %slice3A_935 = vector.extract_strided_slice %transpose3A_163 {offsets = [98, 0], sizes = [1, 256], strides = [1, 1]} : vector<128x256xf32> to vector<1x256xf32>
    %slice3A_936 = vector.extract_strided_slice %get3A_156 {offsets = [0, 12], sizes = [1, 1], strides = [1, 1]} : vector<1x16xf32> to vector<1x1xf32>
    %squeeze3A_937 = vector.extract %slice3A_936[0, 0] : f32 from vector<1x1xf32>
    %mul3A_938 = vector.broadcast %squeeze3A_937 : f32 to vector<33x256xf32>
    %mul3A_939 = arith.mulf %mul3A_752, %mul3A_938 : vector<33x256xf32>
    %logistic3A_940 = arith.negf %mul3A_939 : vector<33x256xf32>
    %logistic3A_941 = math.exp %logistic3A_940 : vector<33x256xf32>
    %logistic3A_942 = arith.constant 1.000000e+00 : f32
    %logistic3A_943 = vector.broadcast %logistic3A_942 : f32 to vector<33x256xf32>
    %logistic3A_944 = arith.addf %logistic3A_943, %logistic3A_941 : vector<33x256xf32>
    %logistic3A_945 = arith.divf %logistic3A_943, %logistic3A_944 : vector<33x256xf32>
    %mul3A_946 = arith.mulf %mul3A_939, %logistic3A_945 : vector<33x256xf32>
    %mul3A_947 = vector.broadcast %slice3A_935 : vector<1x256xf32> to vector<33x256xf32>
    %mul3A_948 = arith.mulf %mul3A_947, %mul3A_946 : vector<33x256xf32>
    %add3A_949 = arith.addf %add3A_934, %mul3A_948 : vector<33x256xf32>
    %slice3A_950 = vector.extract_strided_slice %transpose3A_163 {offsets = [106, 0], sizes = [1, 256], strides = [1, 1]} : vector<128x256xf32> to vector<1x256xf32>
    %slice3A_951 = vector.extract_strided_slice %get3A_156 {offsets = [0, 13], sizes = [1, 1], strides = [1, 1]} : vector<1x16xf32> to vector<1x1xf32>
    %squeeze3A_952 = vector.extract %slice3A_951[0, 0] : f32 from vector<1x1xf32>
    %mul3A_953 = vector.broadcast %squeeze3A_952 : f32 to vector<33x256xf32>
    %mul3A_954 = arith.mulf %mul3A_752, %mul3A_953 : vector<33x256xf32>
    %logistic3A_955 = arith.negf %mul3A_954 : vector<33x256xf32>
    %logistic3A_956 = math.exp %logistic3A_955 : vector<33x256xf32>
    %logistic3A_957 = arith.constant 1.000000e+00 : f32
    %logistic3A_958 = vector.broadcast %logistic3A_957 : f32 to vector<33x256xf32>
    %logistic3A_959 = arith.addf %logistic3A_958, %logistic3A_956 : vector<33x256xf32>
    %logistic3A_960 = arith.divf %logistic3A_958, %logistic3A_959 : vector<33x256xf32>
    %mul3A_961 = arith.mulf %mul3A_954, %logistic3A_960 : vector<33x256xf32>
    %mul3A_962 = vector.broadcast %slice3A_950 : vector<1x256xf32> to vector<33x256xf32>
    %mul3A_963 = arith.mulf %mul3A_962, %mul3A_961 : vector<33x256xf32>
    %add3A_964 = arith.addf %add3A_949, %mul3A_963 : vector<33x256xf32>
    %slice3A_965 = vector.extract_strided_slice %transpose3A_163 {offsets = [114, 0], sizes = [1, 256], strides = [1, 1]} : vector<128x256xf32> to vector<1x256xf32>
    %slice3A_966 = vector.extract_strided_slice %get3A_156 {offsets = [0, 14], sizes = [1, 1], strides = [1, 1]} : vector<1x16xf32> to vector<1x1xf32>
    %squeeze3A_967 = vector.extract %slice3A_966[0, 0] : f32 from vector<1x1xf32>
    %mul3A_968 = vector.broadcast %squeeze3A_967 : f32 to vector<33x256xf32>
    %mul3A_969 = arith.mulf %mul3A_752, %mul3A_968 : vector<33x256xf32>
    %logistic3A_970 = arith.negf %mul3A_969 : vector<33x256xf32>
    %logistic3A_971 = math.exp %logistic3A_970 : vector<33x256xf32>
    %logistic3A_972 = arith.constant 1.000000e+00 : f32
    %logistic3A_973 = vector.broadcast %logistic3A_972 : f32 to vector<33x256xf32>
    %logistic3A_974 = arith.addf %logistic3A_973, %logistic3A_971 : vector<33x256xf32>
    %logistic3A_975 = arith.divf %logistic3A_973, %logistic3A_974 : vector<33x256xf32>
    %mul3A_976 = arith.mulf %mul3A_969, %logistic3A_975 : vector<33x256xf32>
    %mul3A_977 = vector.broadcast %slice3A_965 : vector<1x256xf32> to vector<33x256xf32>
    %mul3A_978 = arith.mulf %mul3A_977, %mul3A_976 : vector<33x256xf32>
    %add3A_979 = arith.addf %add3A_964, %mul3A_978 : vector<33x256xf32>
    %slice3A_980 = vector.extract_strided_slice %transpose3A_163 {offsets = [122, 0], sizes = [1, 256], strides = [1, 1]} : vector<128x256xf32> to vector<1x256xf32>
    %slice3A_981 = vector.extract_strided_slice %get3A_156 {offsets = [0, 15], sizes = [1, 1], strides = [1, 1]} : vector<1x16xf32> to vector<1x1xf32>
    %squeeze3A_982 = vector.extract %slice3A_981[0, 0] : f32 from vector<1x1xf32>
    %mul3A_983 = vector.broadcast %squeeze3A_982 : f32 to vector<33x256xf32>
    %mul3A_984 = arith.mulf %mul3A_752, %mul3A_983 : vector<33x256xf32>
    %logistic3A_985 = arith.negf %mul3A_984 : vector<33x256xf32>
    %logistic3A_986 = math.exp %logistic3A_985 : vector<33x256xf32>
    %logistic3A_987 = arith.constant 1.000000e+00 : f32
    %logistic3A_988 = vector.broadcast %logistic3A_987 : f32 to vector<33x256xf32>
    %logistic3A_989 = arith.addf %logistic3A_988, %logistic3A_986 : vector<33x256xf32>
    %logistic3A_990 = arith.divf %logistic3A_988, %logistic3A_989 : vector<33x256xf32>
    %mul3A_991 = arith.mulf %mul3A_984, %logistic3A_990 : vector<33x256xf32>
    %mul3A_992 = vector.broadcast %slice3A_980 : vector<1x256xf32> to vector<33x256xf32>
    %mul3A_993 = arith.mulf %mul3A_992, %mul3A_991 : vector<33x256xf32>
    %add3A_994 = arith.addf %add3A_979, %mul3A_993 : vector<33x256xf32>
    %mul3A_995 = arith.constant 2.500000e-01 : f32
    %mul3A_996 = vector.broadcast %mul3A_995 : f32 to vector<33x256xf32>
    %mul3A_997 = arith.mulf %add3A_994, %mul3A_996 : vector<33x256xf32>
    %jit3A_998 = arith.constant 0xFF800000 : f32
    %broadcast_in_dim3A_999 = vector.broadcast %jit3A_998 : f32 to vector<33x256xf32>
    %select_n3A_1000 = arith.select %transpose3A_164, %mul3A_997, %broadcast_in_dim3A_999 : vector<33x256xi1>, vector<33x256xf32>
    %reduce_max3A_1001 = arith.constant dense<0xFF800000> : vector<256xf32>
    %reduce_max3A_1002 = vector.multi_reduction <maximumf>, %select_n3A_1000, %reduce_max3A_1001 [0] : vector<33x256xf32> to vector<256xf32>
    %broadcast_in_dim3A_1003 = vector.shape_cast %reduce_max3A_1002 : vector<256xf32> to vector<1x256xf32>
    %sub3A_1004 = vector.broadcast %broadcast_in_dim3A_1003 : vector<1x256xf32> to vector<33x256xf32>
    %sub3A_1005 = arith.subf %select_n3A_1000, %sub3A_1004 : vector<33x256xf32>
    %exp3A_1006 = math.exp %sub3A_1005 : vector<33x256xf32>
    %reduce_sum3A_1007 = arith.constant dense<0.000000e+00> : vector<256xf32>
    %reduce_sum3A_1008 = vector.multi_reduction <add>, %exp3A_1006, %reduce_sum3A_1007 [0] : vector<33x256xf32> to vector<256xf32>
    %broadcast_in_dim3A_1009 = vector.shape_cast %reduce_sum3A_1008 : vector<256xf32> to vector<1x256xf32>
    %div3A_1010 = vector.broadcast %broadcast_in_dim3A_1009 : vector<1x256xf32> to vector<33x256xf32>
    %div3A_1011 = arith.divf %exp3A_1006, %div3A_1010 : vector<33x256xf32>
    %neg3A_1012 = arith.constant 0.000000e+00 : f32
    %neg3A_1013 = vector.broadcast %neg3A_1012 : f32 to vector<33x256xf32>
    %neg3A_1014 = arith.subf %neg3A_1013, %mul3A_752 : vector<33x256xf32>
    %slice3A_1015 = vector.extract_strided_slice %transpose3A_162 {offsets = [2, 0], sizes = [1, 256], strides = [1, 1]} : vector<8x256xf32> to vector<1x256xf32>
    %jit3A_1016 = arith.constant 1.000000e-01 : f32
    %max3A_1017 = vector.broadcast %jit3A_1016 : f32 to vector<1x256xf32>
    %max3A_1018 = arith.maximumf %max3A_1017, %slice3A_1015 : vector<1x256xf32>
    %div3A_1019 = vector.broadcast %max3A_1018 : vector<1x256xf32> to vector<33x256xf32>
    %div3A_1020 = arith.divf %neg3A_1014, %div3A_1019 : vector<33x256xf32>
    %exp3A_1021 = math.exp %div3A_1020 : vector<33x256xf32>
    %mul3A_1022 = arith.mulf %div3A_1011, %exp3A_1021 : vector<33x256xf32>
    %mul3A_1023 = arith.mulf %mul3A_1022, %convert_element_type3A_166 : vector<33x256xf32>
    %reduce_sum3A_1024 = arith.constant dense<0.000000e+00> : vector<256xf32>
    %reduce_sum3A_1025 = vector.multi_reduction <add>, %mul3A_1023, %reduce_sum3A_1024 [0] : vector<33x256xf32> to vector<256xf32>
    %broadcast_in_dim3A_1026 = vector.shape_cast %reduce_sum3A_1025 : vector<256xf32> to vector<1x256xf32>
    %add3A_1027 = arith.constant 9.99999993E-9 : f32
    %add3A_1028 = vector.broadcast %add3A_1027 : f32 to vector<1x256xf32>
    %add3A_1029 = arith.addf %broadcast_in_dim3A_1026, %add3A_1028 : vector<1x256xf32>
    %div3A_1030 = vector.broadcast %add3A_1029 : vector<1x256xf32> to vector<33x256xf32>
    %div3A_1031 = arith.divf %mul3A_1023, %div3A_1030 : vector<33x256xf32>
    %transpose3A_1032 = tpu.transpose %div3A_1031, [1, 0] : vector<33x256xf32> -> vector<256x33xf32>
    %broadcast_in_dim3A_1033 = arith.constant 0.000000e+00 : f32
    %broadcast_in_dim3A_1034 = vector.broadcast %broadcast_in_dim3A_1033 : f32 to vector<256x15xf32>
    %concatenate3A_1035 = tpu.concatenate %transpose3A_1032, %broadcast_in_dim3A_1034 in 1 : vector<256x33xf32>, vector<256x15xf32> -> vector<256x48xf32>
    %swap3A_1036 = arith.constant 2 : index
    %swap3A_1037 = arith.constant 0 : index
    %swap3A_1038 = arith.constant 0 : index
    %swap3A_1039 = vector.load %arg7[%swap3A_1036, %swap3A_1037, %swap3A_1038] : memref<8x256x48xf32, #tpu.memory_space<vmem>>, vector<1x256x48xf32>
    %swap3A_1040 = vector.shape_cast %swap3A_1039 : vector<1x256x48xf32> to vector<256x48xf32>
    %swap3A_1041 = vector.shape_cast %concatenate3A_1035 : vector<256x48xf32> to vector<1x256x48xf32>
    tpu.vector_store %arg7[%swap3A_1036, %swap3A_1037, %swap3A_1038], %swap3A_1041 {strides = array<i32>} : memref<8x256x48xf32, #tpu.memory_space<vmem>>, vector<1x256x48xf32>,
    %slice3A_1042 = vector.extract_strided_slice %transpose3A {offsets = [3, 0], sizes = [1, 256], strides = [1, 1]} : vector<8x256xf32> to vector<1x256xf32>
    %mul3A_1043 = vector.broadcast %abs3A : vector<33x1xf32> to vector<33x256xf32>
    %mul3A_1044 = vector.broadcast %slice3A_1042 : vector<1x256xf32> to vector<33x256xf32>
    %mul3A_1045 = arith.mulf %mul3A_1043, %mul3A_1044 : vector<33x256xf32>
    %broadcast_in_dim3A_1046 = arith.constant 0.000000e+00 : f32
    %broadcast_in_dim3A_1047 = vector.broadcast %broadcast_in_dim3A_1046 : f32 to vector<33x256xf32>
    %slice3A_1048 = vector.extract_strided_slice %transpose3A_163 {offsets = [3, 0], sizes = [1, 256], strides = [1, 1]} : vector<128x256xf32> to vector<1x256xf32>
    %slice3A_1049 = vector.extract_strided_slice %get3A_156 {offsets = [0, 0], sizes = [1, 1], strides = [1, 1]} : vector<1x16xf32> to vector<1x1xf32>
    %squeeze3A_1050 = vector.extract %slice3A_1049[0, 0] : f32 from vector<1x1xf32>
    %mul3A_1051 = vector.broadcast %squeeze3A_1050 : f32 to vector<33x256xf32>
    %mul3A_1052 = arith.mulf %mul3A_1045, %mul3A_1051 : vector<33x256xf32>
    %logistic3A_1053 = arith.negf %mul3A_1052 : vector<33x256xf32>
    %logistic3A_1054 = math.exp %logistic3A_1053 : vector<33x256xf32>
    %logistic3A_1055 = arith.constant 1.000000e+00 : f32
    %logistic3A_1056 = vector.broadcast %logistic3A_1055 : f32 to vector<33x256xf32>
    %logistic3A_1057 = arith.addf %logistic3A_1056, %logistic3A_1054 : vector<33x256xf32>
    %logistic3A_1058 = arith.divf %logistic3A_1056, %logistic3A_1057 : vector<33x256xf32>
    %mul3A_1059 = arith.mulf %mul3A_1052, %logistic3A_1058 : vector<33x256xf32>
    %mul3A_1060 = vector.broadcast %slice3A_1048 : vector<1x256xf32> to vector<33x256xf32>
    %mul3A_1061 = arith.mulf %mul3A_1060, %mul3A_1059 : vector<33x256xf32>
    %add3A_1062 = arith.addf %broadcast_in_dim3A_1047, %mul3A_1061 : vector<33x256xf32>
    %slice3A_1063 = vector.extract_strided_slice %transpose3A_163 {offsets = [11, 0], sizes = [1, 256], strides = [1, 1]} : vector<128x256xf32> to vector<1x256xf32>
    %slice3A_1064 = vector.extract_strided_slice %get3A_156 {offsets = [0, 1], sizes = [1, 1], strides = [1, 1]} : vector<1x16xf32> to vector<1x1xf32>
    %squeeze3A_1065 = vector.extract %slice3A_1064[0, 0] : f32 from vector<1x1xf32>
    %mul3A_1066 = vector.broadcast %squeeze3A_1065 : f32 to vector<33x256xf32>
    %mul3A_1067 = arith.mulf %mul3A_1045, %mul3A_1066 : vector<33x256xf32>
    %logistic3A_1068 = arith.negf %mul3A_1067 : vector<33x256xf32>
    %logistic3A_1069 = math.exp %logistic3A_1068 : vector<33x256xf32>
    %logistic3A_1070 = arith.constant 1.000000e+00 : f32
    %logistic3A_1071 = vector.broadcast %logistic3A_1070 : f32 to vector<33x256xf32>
    %logistic3A_1072 = arith.addf %logistic3A_1071, %logistic3A_1069 : vector<33x256xf32>
    %logistic3A_1073 = arith.divf %logistic3A_1071, %logistic3A_1072 : vector<33x256xf32>
    %mul3A_1074 = arith.mulf %mul3A_1067, %logistic3A_1073 : vector<33x256xf32>
    %mul3A_1075 = vector.broadcast %slice3A_1063 : vector<1x256xf32> to vector<33x256xf32>
    %mul3A_1076 = arith.mulf %mul3A_1075, %mul3A_1074 : vector<33x256xf32>
    %add3A_1077 = arith.addf %add3A_1062, %mul3A_1076 : vector<33x256xf32>
    %slice3A_1078 = vector.extract_strided_slice %transpose3A_163 {offsets = [19, 0], sizes = [1, 256], strides = [1, 1]} : vector<128x256xf32> to vector<1x256xf32>
    %slice3A_1079 = vector.extract_strided_slice %get3A_156 {offsets = [0, 2], sizes = [1, 1], strides = [1, 1]} : vector<1x16xf32> to vector<1x1xf32>
    %squeeze3A_1080 = vector.extract %slice3A_1079[0, 0] : f32 from vector<1x1xf32>
    %mul3A_1081 = vector.broadcast %squeeze3A_1080 : f32 to vector<33x256xf32>
    %mul3A_1082 = arith.mulf %mul3A_1045, %mul3A_1081 : vector<33x256xf32>
    %logistic3A_1083 = arith.negf %mul3A_1082 : vector<33x256xf32>
    %logistic3A_1084 = math.exp %logistic3A_1083 : vector<33x256xf32>
    %logistic3A_1085 = arith.constant 1.000000e+00 : f32
    %logistic3A_1086 = vector.broadcast %logistic3A_1085 : f32 to vector<33x256xf32>
    %logistic3A_1087 = arith.addf %logistic3A_1086, %logistic3A_1084 : vector<33x256xf32>
    %logistic3A_1088 = arith.divf %logistic3A_1086, %logistic3A_1087 : vector<33x256xf32>
    %mul3A_1089 = arith.mulf %mul3A_1082, %logistic3A_1088 : vector<33x256xf32>
    %mul3A_1090 = vector.broadcast %slice3A_1078 : vector<1x256xf32> to vector<33x256xf32>
    %mul3A_1091 = arith.mulf %mul3A_1090, %mul3A_1089 : vector<33x256xf32>
    %add3A_1092 = arith.addf %add3A_1077, %mul3A_1091 : vector<33x256xf32>
    %slice3A_1093 = vector.extract_strided_slice %transpose3A_163 {offsets = [27, 0], sizes = [1, 256], strides = [1, 1]} : vector<128x256xf32> to vector<1x256xf32>
    %slice3A_1094 = vector.extract_strided_slice %get3A_156 {offsets = [0, 3], sizes = [1, 1], strides = [1, 1]} : vector<1x16xf32> to vector<1x1xf32>
    %squeeze3A_1095 = vector.extract %slice3A_1094[0, 0] : f32 from vector<1x1xf32>
    %mul3A_1096 = vector.broadcast %squeeze3A_1095 : f32 to vector<33x256xf32>
    %mul3A_1097 = arith.mulf %mul3A_1045, %mul3A_1096 : vector<33x256xf32>
    %logistic3A_1098 = arith.negf %mul3A_1097 : vector<33x256xf32>
    %logistic3A_1099 = math.exp %logistic3A_1098 : vector<33x256xf32>
    %logistic3A_1100 = arith.constant 1.000000e+00 : f32
    %logistic3A_1101 = vector.broadcast %logistic3A_1100 : f32 to vector<33x256xf32>
    %logistic3A_1102 = arith.addf %logistic3A_1101, %logistic3A_1099 : vector<33x256xf32>
    %logistic3A_1103 = arith.divf %logistic3A_1101, %logistic3A_1102 : vector<33x256xf32>
    %mul3A_1104 = arith.mulf %mul3A_1097, %logistic3A_1103 : vector<33x256xf32>
    %mul3A_1105 = vector.broadcast %slice3A_1093 : vector<1x256xf32> to vector<33x256xf32>
    %mul3A_1106 = arith.mulf %mul3A_1105, %mul3A_1104 : vector<33x256xf32>
    %add3A_1107 = arith.addf %add3A_1092, %mul3A_1106 : vector<33x256xf32>
    %slice3A_1108 = vector.extract_strided_slice %transpose3A_163 {offsets = [35, 0], sizes = [1, 256], strides = [1, 1]} : vector<128x256xf32> to vector<1x256xf32>
    %slice3A_1109 = vector.extract_strided_slice %get3A_156 {offsets = [0, 4], sizes = [1, 1], strides = [1, 1]} : vector<1x16xf32> to vector<1x1xf32>
    %squeeze3A_1110 = vector.extract %slice3A_1109[0, 0] : f32 from vector<1x1xf32>
    %mul3A_1111 = vector.broadcast %squeeze3A_1110 : f32 to vector<33x256xf32>
    %mul3A_1112 = arith.mulf %mul3A_1045, %mul3A_1111 : vector<33x256xf32>
    %logistic3A_1113 = arith.negf %mul3A_1112 : vector<33x256xf32>
    %logistic3A_1114 = math.exp %logistic3A_1113 : vector<33x256xf32>
    %logistic3A_1115 = arith.constant 1.000000e+00 : f32
    %logistic3A_1116 = vector.broadcast %logistic3A_1115 : f32 to vector<33x256xf32>
    %logistic3A_1117 = arith.addf %logistic3A_1116, %logistic3A_1114 : vector<33x256xf32>
    %logistic3A_1118 = arith.divf %logistic3A_1116, %logistic3A_1117 : vector<33x256xf32>
    %mul3A_1119 = arith.mulf %mul3A_1112, %logistic3A_1118 : vector<33x256xf32>
    %mul3A_1120 = vector.broadcast %slice3A_1108 : vector<1x256xf32> to vector<33x256xf32>
    %mul3A_1121 = arith.mulf %mul3A_1120, %mul3A_1119 : vector<33x256xf32>
    %add3A_1122 = arith.addf %add3A_1107, %mul3A_1121 : vector<33x256xf32>
    %slice3A_1123 = vector.extract_strided_slice %transpose3A_163 {offsets = [43, 0], sizes = [1, 256], strides = [1, 1]} : vector<128x256xf32> to vector<1x256xf32>
    %slice3A_1124 = vector.extract_strided_slice %get3A_156 {offsets = [0, 5], sizes = [1, 1], strides = [1, 1]} : vector<1x16xf32> to vector<1x1xf32>
    %squeeze3A_1125 = vector.extract %slice3A_1124[0, 0] : f32 from vector<1x1xf32>
    %mul3A_1126 = vector.broadcast %squeeze3A_1125 : f32 to vector<33x256xf32>
    %mul3A_1127 = arith.mulf %mul3A_1045, %mul3A_1126 : vector<33x256xf32>
    %logistic3A_1128 = arith.negf %mul3A_1127 : vector<33x256xf32>
    %logistic3A_1129 = math.exp %logistic3A_1128 : vector<33x256xf32>
    %logistic3A_1130 = arith.constant 1.000000e+00 : f32
    %logistic3A_1131 = vector.broadcast %logistic3A_1130 : f32 to vector<33x256xf32>
    %logistic3A_1132 = arith.addf %logistic3A_1131, %logistic3A_1129 : vector<33x256xf32>
    %logistic3A_1133 = arith.divf %logistic3A_1131, %logistic3A_1132 : vector<33x256xf32>
    %mul3A_1134 = arith.mulf %mul3A_1127, %logistic3A_1133 : vector<33x256xf32>
    %mul3A_1135 = vector.broadcast %slice3A_1123 : vector<1x256xf32> to vector<33x256xf32>
    %mul3A_1136 = arith.mulf %mul3A_1135, %mul3A_1134 : vector<33x256xf32>
    %add3A_1137 = arith.addf %add3A_1122, %mul3A_1136 : vector<33x256xf32>
    %slice3A_1138 = vector.extract_strided_slice %transpose3A_163 {offsets = [51, 0], sizes = [1, 256], strides = [1, 1]} : vector<128x256xf32> to vector<1x256xf32>
    %slice3A_1139 = vector.extract_strided_slice %get3A_156 {offsets = [0, 6], sizes = [1, 1], strides = [1, 1]} : vector<1x16xf32> to vector<1x1xf32>
    %squeeze3A_1140 = vector.extract %slice3A_1139[0, 0] : f32 from vector<1x1xf32>
    %mul3A_1141 = vector.broadcast %squeeze3A_1140 : f32 to vector<33x256xf32>
    %mul3A_1142 = arith.mulf %mul3A_1045, %mul3A_1141 : vector<33x256xf32>
    %logistic3A_1143 = arith.negf %mul3A_1142 : vector<33x256xf32>
    %logistic3A_1144 = math.exp %logistic3A_1143 : vector<33x256xf32>
    %logistic3A_1145 = arith.constant 1.000000e+00 : f32
    %logistic3A_1146 = vector.broadcast %logistic3A_1145 : f32 to vector<33x256xf32>
    %logistic3A_1147 = arith.addf %logistic3A_1146, %logistic3A_1144 : vector<33x256xf32>
    %logistic3A_1148 = arith.divf %logistic3A_1146, %logistic3A_1147 : vector<33x256xf32>
    %mul3A_1149 = arith.mulf %mul3A_1142, %logistic3A_1148 : vector<33x256xf32>
    %mul3A_1150 = vector.broadcast %slice3A_1138 : vector<1x256xf32> to vector<33x256xf32>
    %mul3A_1151 = arith.mulf %mul3A_1150, %mul3A_1149 : vector<33x256xf32>
    %add3A_1152 = arith.addf %add3A_1137, %mul3A_1151 : vector<33x256xf32>
    %slice3A_1153 = vector.extract_strided_slice %transpose3A_163 {offsets = [59, 0], sizes = [1, 256], strides = [1, 1]} : vector<128x256xf32> to vector<1x256xf32>
    %slice3A_1154 = vector.extract_strided_slice %get3A_156 {offsets = [0, 7], sizes = [1, 1], strides = [1, 1]} : vector<1x16xf32> to vector<1x1xf32>
    %squeeze3A_1155 = vector.extract %slice3A_1154[0, 0] : f32 from vector<1x1xf32>
    %mul3A_1156 = vector.broadcast %squeeze3A_1155 : f32 to vector<33x256xf32>
    %mul3A_1157 = arith.mulf %mul3A_1045, %mul3A_1156 : vector<33x256xf32>
    %logistic3A_1158 = arith.negf %mul3A_1157 : vector<33x256xf32>
    %logistic3A_1159 = math.exp %logistic3A_1158 : vector<33x256xf32>
    %logistic3A_1160 = arith.constant 1.000000e+00 : f32
    %logistic3A_1161 = vector.broadcast %logistic3A_1160 : f32 to vector<33x256xf32>
    %logistic3A_1162 = arith.addf %logistic3A_1161, %logistic3A_1159 : vector<33x256xf32>
    %logistic3A_1163 = arith.divf %logistic3A_1161, %logistic3A_1162 : vector<33x256xf32>
    %mul3A_1164 = arith.mulf %mul3A_1157, %logistic3A_1163 : vector<33x256xf32>
    %mul3A_1165 = vector.broadcast %slice3A_1153 : vector<1x256xf32> to vector<33x256xf32>
    %mul3A_1166 = arith.mulf %mul3A_1165, %mul3A_1164 : vector<33x256xf32>
    %add3A_1167 = arith.addf %add3A_1152, %mul3A_1166 : vector<33x256xf32>
    %slice3A_1168 = vector.extract_strided_slice %transpose3A_163 {offsets = [67, 0], sizes = [1, 256], strides = [1, 1]} : vector<128x256xf32> to vector<1x256xf32>
    %slice3A_1169 = vector.extract_strided_slice %get3A_156 {offsets = [0, 8], sizes = [1, 1], strides = [1, 1]} : vector<1x16xf32> to vector<1x1xf32>
    %squeeze3A_1170 = vector.extract %slice3A_1169[0, 0] : f32 from vector<1x1xf32>
    %mul3A_1171 = vector.broadcast %squeeze3A_1170 : f32 to vector<33x256xf32>
    %mul3A_1172 = arith.mulf %mul3A_1045, %mul3A_1171 : vector<33x256xf32>
    %logistic3A_1173 = arith.negf %mul3A_1172 : vector<33x256xf32>
    %logistic3A_1174 = math.exp %logistic3A_1173 : vector<33x256xf32>
    %logistic3A_1175 = arith.constant 1.000000e+00 : f32
    %logistic3A_1176 = vector.broadcast %logistic3A_1175 : f32 to vector<33x256xf32>
    %logistic3A_1177 = arith.addf %logistic3A_1176, %logistic3A_1174 : vector<33x256xf32>
    %logistic3A_1178 = arith.divf %logistic3A_1176, %logistic3A_1177 : vector<33x256xf32>
    %mul3A_1179 = arith.mulf %mul3A_1172, %logistic3A_1178 : vector<33x256xf32>
    %mul3A_1180 = vector.broadcast %slice3A_1168 : vector<1x256xf32> to vector<33x256xf32>
    %mul3A_1181 = arith.mulf %mul3A_1180, %mul3A_1179 : vector<33x256xf32>
    %add3A_1182 = arith.addf %add3A_1167, %mul3A_1181 : vector<33x256xf32>
    %slice3A_1183 = vector.extract_strided_slice %transpose3A_163 {offsets = [75, 0], sizes = [1, 256], strides = [1, 1]} : vector<128x256xf32> to vector<1x256xf32>
    %slice3A_1184 = vector.extract_strided_slice %get3A_156 {offsets = [0, 9], sizes = [1, 1], strides = [1, 1]} : vector<1x16xf32> to vector<1x1xf32>
    %squeeze3A_1185 = vector.extract %slice3A_1184[0, 0] : f32 from vector<1x1xf32>
    %mul3A_1186 = vector.broadcast %squeeze3A_1185 : f32 to vector<33x256xf32>
    %mul3A_1187 = arith.mulf %mul3A_1045, %mul3A_1186 : vector<33x256xf32>
    %logistic3A_1188 = arith.negf %mul3A_1187 : vector<33x256xf32>
    %logistic3A_1189 = math.exp %logistic3A_1188 : vector<33x256xf32>
    %logistic3A_1190 = arith.constant 1.000000e+00 : f32
    %logistic3A_1191 = vector.broadcast %logistic3A_1190 : f32 to vector<33x256xf32>
    %logistic3A_1192 = arith.addf %logistic3A_1191, %logistic3A_1189 : vector<33x256xf32>
    %logistic3A_1193 = arith.divf %logistic3A_1191, %logistic3A_1192 : vector<33x256xf32>
    %mul3A_1194 = arith.mulf %mul3A_1187, %logistic3A_1193 : vector<33x256xf32>
    %mul3A_1195 = vector.broadcast %slice3A_1183 : vector<1x256xf32> to vector<33x256xf32>
    %mul3A_1196 = arith.mulf %mul3A_1195, %mul3A_1194 : vector<33x256xf32>
    %add3A_1197 = arith.addf %add3A_1182, %mul3A_1196 : vector<33x256xf32>
    %slice3A_1198 = vector.extract_strided_slice %transpose3A_163 {offsets = [83, 0], sizes = [1, 256], strides = [1, 1]} : vector<128x256xf32> to vector<1x256xf32>
    %slice3A_1199 = vector.extract_strided_slice %get3A_156 {offsets = [0, 10], sizes = [1, 1], strides = [1, 1]} : vector<1x16xf32> to vector<1x1xf32>
    %squeeze3A_1200 = vector.extract %slice3A_1199[0, 0] : f32 from vector<1x1xf32>
    %mul3A_1201 = vector.broadcast %squeeze3A_1200 : f32 to vector<33x256xf32>
    %mul3A_1202 = arith.mulf %mul3A_1045, %mul3A_1201 : vector<33x256xf32>
    %logistic3A_1203 = arith.negf %mul3A_1202 : vector<33x256xf32>
    %logistic3A_1204 = math.exp %logistic3A_1203 : vector<33x256xf32>
    %logistic3A_1205 = arith.constant 1.000000e+00 : f32
    %logistic3A_1206 = vector.broadcast %logistic3A_1205 : f32 to vector<33x256xf32>
    %logistic3A_1207 = arith.addf %logistic3A_1206, %logistic3A_1204 : vector<33x256xf32>
    %logistic3A_1208 = arith.divf %logistic3A_1206, %logistic3A_1207 : vector<33x256xf32>
    %mul3A_1209 = arith.mulf %mul3A_1202, %logistic3A_1208 : vector<33x256xf32>
    %mul3A_1210 = vector.broadcast %slice3A_1198 : vector<1x256xf32> to vector<33x256xf32>
    %mul3A_1211 = arith.mulf %mul3A_1210, %mul3A_1209 : vector<33x256xf32>
    %add3A_1212 = arith.addf %add3A_1197, %mul3A_1211 : vector<33x256xf32>
    %slice3A_1213 = vector.extract_strided_slice %transpose3A_163 {offsets = [91, 0], sizes = [1, 256], strides = [1, 1]} : vector<128x256xf32> to vector<1x256xf32>
    %slice3A_1214 = vector.extract_strided_slice %get3A_156 {offsets = [0, 11], sizes = [1, 1], strides = [1, 1]} : vector<1x16xf32> to vector<1x1xf32>
    %squeeze3A_1215 = vector.extract %slice3A_1214[0, 0] : f32 from vector<1x1xf32>
    %mul3A_1216 = vector.broadcast %squeeze3A_1215 : f32 to vector<33x256xf32>
    %mul3A_1217 = arith.mulf %mul3A_1045, %mul3A_1216 : vector<33x256xf32>
    %logistic3A_1218 = arith.negf %mul3A_1217 : vector<33x256xf32>
    %logistic3A_1219 = math.exp %logistic3A_1218 : vector<33x256xf32>
    %logistic3A_1220 = arith.constant 1.000000e+00 : f32
    %logistic3A_1221 = vector.broadcast %logistic3A_1220 : f32 to vector<33x256xf32>
    %logistic3A_1222 = arith.addf %logistic3A_1221, %logistic3A_1219 : vector<33x256xf32>
    %logistic3A_1223 = arith.divf %logistic3A_1221, %logistic3A_1222 : vector<33x256xf32>
    %mul3A_1224 = arith.mulf %mul3A_1217, %logistic3A_1223 : vector<33x256xf32>
    %mul3A_1225 = vector.broadcast %slice3A_1213 : vector<1x256xf32> to vector<33x256xf32>
    %mul3A_1226 = arith.mulf %mul3A_1225, %mul3A_1224 : vector<33x256xf32>
    %add3A_1227 = arith.addf %add3A_1212, %mul3A_1226 : vector<33x256xf32>
    %slice3A_1228 = vector.extract_strided_slice %transpose3A_163 {offsets = [99, 0], sizes = [1, 256], strides = [1, 1]} : vector<128x256xf32> to vector<1x256xf32>
    %slice3A_1229 = vector.extract_strided_slice %get3A_156 {offsets = [0, 12], sizes = [1, 1], strides = [1, 1]} : vector<1x16xf32> to vector<1x1xf32>
    %squeeze3A_1230 = vector.extract %slice3A_1229[0, 0] : f32 from vector<1x1xf32>
    %mul3A_1231 = vector.broadcast %squeeze3A_1230 : f32 to vector<33x256xf32>
    %mul3A_1232 = arith.mulf %mul3A_1045, %mul3A_1231 : vector<33x256xf32>
    %logistic3A_1233 = arith.negf %mul3A_1232 : vector<33x256xf32>
    %logistic3A_1234 = math.exp %logistic3A_1233 : vector<33x256xf32>
    %logistic3A_1235 = arith.constant 1.000000e+00 : f32
    %logistic3A_1236 = vector.broadcast %logistic3A_1235 : f32 to vector<33x256xf32>
    %logistic3A_1237 = arith.addf %logistic3A_1236, %logistic3A_1234 : vector<33x256xf32>
    %logistic3A_1238 = arith.divf %logistic3A_1236, %logistic3A_1237 : vector<33x256xf32>
    %mul3A_1239 = arith.mulf %mul3A_1232, %logistic3A_1238 : vector<33x256xf32>
    %mul3A_1240 = vector.broadcast %slice3A_1228 : vector<1x256xf32> to vector<33x256xf32>
    %mul3A_1241 = arith.mulf %mul3A_1240, %mul3A_1239 : vector<33x256xf32>
    %add3A_1242 = arith.addf %add3A_1227, %mul3A_1241 : vector<33x256xf32>
    %slice3A_1243 = vector.extract_strided_slice %transpose3A_163 {offsets = [107, 0], sizes = [1, 256], strides = [1, 1]} : vector<128x256xf32> to vector<1x256xf32>
    %slice3A_1244 = vector.extract_strided_slice %get3A_156 {offsets = [0, 13], sizes = [1, 1], strides = [1, 1]} : vector<1x16xf32> to vector<1x1xf32>
    %squeeze3A_1245 = vector.extract %slice3A_1244[0, 0] : f32 from vector<1x1xf32>
    %mul3A_1246 = vector.broadcast %squeeze3A_1245 : f32 to vector<33x256xf32>
    %mul3A_1247 = arith.mulf %mul3A_1045, %mul3A_1246 : vector<33x256xf32>
    %logistic3A_1248 = arith.negf %mul3A_1247 : vector<33x256xf32>
    %logistic3A_1249 = math.exp %logistic3A_1248 : vector<33x256xf32>
    %logistic3A_1250 = arith.constant 1.000000e+00 : f32
    %logistic3A_1251 = vector.broadcast %logistic3A_1250 : f32 to vector<33x256xf32>
    %logistic3A_1252 = arith.addf %logistic3A_1251, %logistic3A_1249 : vector<33x256xf32>
    %logistic3A_1253 = arith.divf %logistic3A_1251, %logistic3A_1252 : vector<33x256xf32>
    %mul3A_1254 = arith.mulf %mul3A_1247, %logistic3A_1253 : vector<33x256xf32>
    %mul3A_1255 = vector.broadcast %slice3A_1243 : vector<1x256xf32> to vector<33x256xf32>
    %mul3A_1256 = arith.mulf %mul3A_1255, %mul3A_1254 : vector<33x256xf32>
    %add3A_1257 = arith.addf %add3A_1242, %mul3A_1256 : vector<33x256xf32>
    %slice3A_1258 = vector.extract_strided_slice %transpose3A_163 {offsets = [115, 0], sizes = [1, 256], strides = [1, 1]} : vector<128x256xf32> to vector<1x256xf32>
    %slice3A_1259 = vector.extract_strided_slice %get3A_156 {offsets = [0, 14], sizes = [1, 1], strides = [1, 1]} : vector<1x16xf32> to vector<1x1xf32>
    %squeeze3A_1260 = vector.extract %slice3A_1259[0, 0] : f32 from vector<1x1xf32>
    %mul3A_1261 = vector.broadcast %squeeze3A_1260 : f32 to vector<33x256xf32>
    %mul3A_1262 = arith.mulf %mul3A_1045, %mul3A_1261 : vector<33x256xf32>
    %logistic3A_1263 = arith.negf %mul3A_1262 : vector<33x256xf32>
    %logistic3A_1264 = math.exp %logistic3A_1263 : vector<33x256xf32>
    %logistic3A_1265 = arith.constant 1.000000e+00 : f32
    %logistic3A_1266 = vector.broadcast %logistic3A_1265 : f32 to vector<33x256xf32>
    %logistic3A_1267 = arith.addf %logistic3A_1266, %logistic3A_1264 : vector<33x256xf32>
    %logistic3A_1268 = arith.divf %logistic3A_1266, %logistic3A_1267 : vector<33x256xf32>
    %mul3A_1269 = arith.mulf %mul3A_1262, %logistic3A_1268 : vector<33x256xf32>
    %mul3A_1270 = vector.broadcast %slice3A_1258 : vector<1x256xf32> to vector<33x256xf32>
    %mul3A_1271 = arith.mulf %mul3A_1270, %mul3A_1269 : vector<33x256xf32>
    %add3A_1272 = arith.addf %add3A_1257, %mul3A_1271 : vector<33x256xf32>
    %slice3A_1273 = vector.extract_strided_slice %transpose3A_163 {offsets = [123, 0], sizes = [1, 256], strides = [1, 1]} : vector<128x256xf32> to vector<1x256xf32>
    %slice3A_1274 = vector.extract_strided_slice %get3A_156 {offsets = [0, 15], sizes = [1, 1], strides = [1, 1]} : vector<1x16xf32> to vector<1x1xf32>
    %squeeze3A_1275 = vector.extract %slice3A_1274[0, 0] : f32 from vector<1x1xf32>
    %mul3A_1276 = vector.broadcast %squeeze3A_1275 : f32 to vector<33x256xf32>
    %mul3A_1277 = arith.mulf %mul3A_1045, %mul3A_1276 : vector<33x256xf32>
    %logistic3A_1278 = arith.negf %mul3A_1277 : vector<33x256xf32>
    %logistic3A_1279 = math.exp %logistic3A_1278 : vector<33x256xf32>
    %logistic3A_1280 = arith.constant 1.000000e+00 : f32
    %logistic3A_1281 = vector.broadcast %logistic3A_1280 : f32 to vector<33x256xf32>
    %logistic3A_1282 = arith.addf %logistic3A_1281, %logistic3A_1279 : vector<33x256xf32>
    %logistic3A_1283 = arith.divf %logistic3A_1281, %logistic3A_1282 : vector<33x256xf32>
    %mul3A_1284 = arith.mulf %mul3A_1277, %logistic3A_1283 : vector<33x256xf32>
    %mul3A_1285 = vector.broadcast %slice3A_1273 : vector<1x256xf32> to vector<33x256xf32>
    %mul3A_1286 = arith.mulf %mul3A_1285, %mul3A_1284 : vector<33x256xf32>
    %add3A_1287 = arith.addf %add3A_1272, %mul3A_1286 : vector<33x256xf32>
    %mul3A_1288 = arith.constant 2.500000e-01 : f32
    %mul3A_1289 = vector.broadcast %mul3A_1288 : f32 to vector<33x256xf32>
    %mul3A_1290 = arith.mulf %add3A_1287, %mul3A_1289 : vector<33x256xf32>
    %jit3A_1291 = arith.constant 0xFF800000 : f32
    %broadcast_in_dim3A_1292 = vector.broadcast %jit3A_1291 : f32 to vector<33x256xf32>
    %select_n3A_1293 = arith.select %transpose3A_164, %mul3A_1290, %broadcast_in_dim3A_1292 : vector<33x256xi1>, vector<33x256xf32>
    %reduce_max3A_1294 = arith.constant dense<0xFF800000> : vector<256xf32>
    %reduce_max3A_1295 = vector.multi_reduction <maximumf>, %select_n3A_1293, %reduce_max3A_1294 [0] : vector<33x256xf32> to vector<256xf32>
    %broadcast_in_dim3A_1296 = vector.shape_cast %reduce_max3A_1295 : vector<256xf32> to vector<1x256xf32>
    %sub3A_1297 = vector.broadcast %broadcast_in_dim3A_1296 : vector<1x256xf32> to vector<33x256xf32>
    %sub3A_1298 = arith.subf %select_n3A_1293, %sub3A_1297 : vector<33x256xf32>
    %exp3A_1299 = math.exp %sub3A_1298 : vector<33x256xf32>
    %reduce_sum3A_1300 = arith.constant dense<0.000000e+00> : vector<256xf32>
    %reduce_sum3A_1301 = vector.multi_reduction <add>, %exp3A_1299, %reduce_sum3A_1300 [0] : vector<33x256xf32> to vector<256xf32>
    %broadcast_in_dim3A_1302 = vector.shape_cast %reduce_sum3A_1301 : vector<256xf32> to vector<1x256xf32>
    %div3A_1303 = vector.broadcast %broadcast_in_dim3A_1302 : vector<1x256xf32> to vector<33x256xf32>
    %div3A_1304 = arith.divf %exp3A_1299, %div3A_1303 : vector<33x256xf32>
    %neg3A_1305 = arith.constant 0.000000e+00 : f32
    %neg3A_1306 = vector.broadcast %neg3A_1305 : f32 to vector<33x256xf32>
    %neg3A_1307 = arith.subf %neg3A_1306, %mul3A_1045 : vector<33x256xf32>
    %slice3A_1308 = vector.extract_strided_slice %transpose3A_162 {offsets = [3, 0], sizes = [1, 256], strides = [1, 1]} : vector<8x256xf32> to vector<1x256xf32>
    %jit3A_1309 = arith.constant 1.000000e-01 : f32
    %max3A_1310 = vector.broadcast %jit3A_1309 : f32 to vector<1x256xf32>
    %max3A_1311 = arith.maximumf %max3A_1310, %slice3A_1308 : vector<1x256xf32>
    %div3A_1312 = vector.broadcast %max3A_1311 : vector<1x256xf32> to vector<33x256xf32>
    %div3A_1313 = arith.divf %neg3A_1307, %div3A_1312 : vector<33x256xf32>
    %exp3A_1314 = math.exp %div3A_1313 : vector<33x256xf32>
    %mul3A_1315 = arith.mulf %div3A_1304, %exp3A_1314 : vector<33x256xf32>
    %mul3A_1316 = arith.mulf %mul3A_1315, %convert_element_type3A_166 : vector<33x256xf32>
    %reduce_sum3A_1317 = arith.constant dense<0.000000e+00> : vector<256xf32>
    %reduce_sum3A_1318 = vector.multi_reduction <add>, %mul3A_1316, %reduce_sum3A_1317 [0] : vector<33x256xf32> to vector<256xf32>
    %broadcast_in_dim3A_1319 = vector.shape_cast %reduce_sum3A_1318 : vector<256xf32> to vector<1x256xf32>
    %add3A_1320 = arith.constant 9.99999993E-9 : f32
    %add3A_1321 = vector.broadcast %add3A_1320 : f32 to vector<1x256xf32>
    %add3A_1322 = arith.addf %broadcast_in_dim3A_1319, %add3A_1321 : vector<1x256xf32>
    %div3A_1323 = vector.broadcast %add3A_1322 : vector<1x256xf32> to vector<33x256xf32>
    %div3A_1324 = arith.divf %mul3A_1316, %div3A_1323 : vector<33x256xf32>
    %transpose3A_1325 = tpu.transpose %div3A_1324, [1, 0] : vector<33x256xf32> -> vector<256x33xf32>
    %broadcast_in_dim3A_1326 = arith.constant 0.000000e+00 : f32
    %broadcast_in_dim3A_1327 = vector.broadcast %broadcast_in_dim3A_1326 : f32 to vector<256x15xf32>
    %concatenate3A_1328 = tpu.concatenate %transpose3A_1325, %broadcast_in_dim3A_1327 in 1 : vector<256x33xf32>, vector<256x15xf32> -> vector<256x48xf32>
    %swap3A_1329 = arith.constant 3 : index
    %swap3A_1330 = arith.constant 0 : index
    %swap3A_1331 = arith.constant 0 : index
    %swap3A_1332 = vector.load %arg7[%swap3A_1329, %swap3A_1330, %swap3A_1331] : memref<8x256x48xf32, #tpu.memory_space<vmem>>, vector<1x256x48xf32>
    %swap3A_1333 = vector.shape_cast %swap3A_1332 : vector<1x256x48xf32> to vector<256x48xf32>
    %swap3A_1334 = vector.shape_cast %concatenate3A_1328 : vector<256x48xf32> to vector<1x256x48xf32>
    tpu.vector_store %arg7[%swap3A_1329, %swap3A_1330, %swap3A_1331], %swap3A_1334 {strides = array<i32>} : memref<8x256x48xf32, #tpu.memory_space<vmem>>, vector<1x256x48xf32>,
    %slice3A_1335 = vector.extract_strided_slice %transpose3A {offsets = [4, 0], sizes = [1, 256], strides = [1, 1]} : vector<8x256xf32> to vector<1x256xf32>
    %mul3A_1336 = vector.broadcast %abs3A : vector<33x1xf32> to vector<33x256xf32>
    %mul3A_1337 = vector.broadcast %slice3A_1335 : vector<1x256xf32> to vector<33x256xf32>
    %mul3A_1338 = arith.mulf %mul3A_1336, %mul3A_1337 : vector<33x256xf32>
    %broadcast_in_dim3A_1339 = arith.constant 0.000000e+00 : f32
    %broadcast_in_dim3A_1340 = vector.broadcast %broadcast_in_dim3A_1339 : f32 to vector<33x256xf32>
    %slice3A_1341 = vector.extract_strided_slice %transpose3A_163 {offsets = [4, 0], sizes = [1, 256], strides = [1, 1]} : vector<128x256xf32> to vector<1x256xf32>
    %slice3A_1342 = vector.extract_strided_slice %get3A_156 {offsets = [0, 0], sizes = [1, 1], strides = [1, 1]} : vector<1x16xf32> to vector<1x1xf32>
    %squeeze3A_1343 = vector.extract %slice3A_1342[0, 0] : f32 from vector<1x1xf32>
    %mul3A_1344 = vector.broadcast %squeeze3A_1343 : f32 to vector<33x256xf32>
    %mul3A_1345 = arith.mulf %mul3A_1338, %mul3A_1344 : vector<33x256xf32>
    %logistic3A_1346 = arith.negf %mul3A_1345 : vector<33x256xf32>
    %logistic3A_1347 = math.exp %logistic3A_1346 : vector<33x256xf32>
    %logistic3A_1348 = arith.constant 1.000000e+00 : f32
    %logistic3A_1349 = vector.broadcast %logistic3A_1348 : f32 to vector<33x256xf32>
    %logistic3A_1350 = arith.addf %logistic3A_1349, %logistic3A_1347 : vector<33x256xf32>
    %logistic3A_1351 = arith.divf %logistic3A_1349, %logistic3A_1350 : vector<33x256xf32>
    %mul3A_1352 = arith.mulf %mul3A_1345, %logistic3A_1351 : vector<33x256xf32>
    %mul3A_1353 = vector.broadcast %slice3A_1341 : vector<1x256xf32> to vector<33x256xf32>
    %mul3A_1354 = arith.mulf %mul3A_1353, %mul3A_1352 : vector<33x256xf32>
    %add3A_1355 = arith.addf %broadcast_in_dim3A_1340, %mul3A_1354 : vector<33x256xf32>
    %slice3A_1356 = vector.extract_strided_slice %transpose3A_163 {offsets = [12, 0], sizes = [1, 256], strides = [1, 1]} : vector<128x256xf32> to vector<1x256xf32>
    %slice3A_1357 = vector.extract_strided_slice %get3A_156 {offsets = [0, 1], sizes = [1, 1], strides = [1, 1]} : vector<1x16xf32> to vector<1x1xf32>
    %squeeze3A_1358 = vector.extract %slice3A_1357[0, 0] : f32 from vector<1x1xf32>
    %mul3A_1359 = vector.broadcast %squeeze3A_1358 : f32 to vector<33x256xf32>
    %mul3A_1360 = arith.mulf %mul3A_1338, %mul3A_1359 : vector<33x256xf32>
    %logistic3A_1361 = arith.negf %mul3A_1360 : vector<33x256xf32>
    %logistic3A_1362 = math.exp %logistic3A_1361 : vector<33x256xf32>
    %logistic3A_1363 = arith.constant 1.000000e+00 : f32
    %logistic3A_1364 = vector.broadcast %logistic3A_1363 : f32 to vector<33x256xf32>
    %logistic3A_1365 = arith.addf %logistic3A_1364, %logistic3A_1362 : vector<33x256xf32>
    %logistic3A_1366 = arith.divf %logistic3A_1364, %logistic3A_1365 : vector<33x256xf32>
    %mul3A_1367 = arith.mulf %mul3A_1360, %logistic3A_1366 : vector<33x256xf32>
    %mul3A_1368 = vector.broadcast %slice3A_1356 : vector<1x256xf32> to vector<33x256xf32>
    %mul3A_1369 = arith.mulf %mul3A_1368, %mul3A_1367 : vector<33x256xf32>
    %add3A_1370 = arith.addf %add3A_1355, %mul3A_1369 : vector<33x256xf32>
    %slice3A_1371 = vector.extract_strided_slice %transpose3A_163 {offsets = [20, 0], sizes = [1, 256], strides = [1, 1]} : vector<128x256xf32> to vector<1x256xf32>
    %slice3A_1372 = vector.extract_strided_slice %get3A_156 {offsets = [0, 2], sizes = [1, 1], strides = [1, 1]} : vector<1x16xf32> to vector<1x1xf32>
    %squeeze3A_1373 = vector.extract %slice3A_1372[0, 0] : f32 from vector<1x1xf32>
    %mul3A_1374 = vector.broadcast %squeeze3A_1373 : f32 to vector<33x256xf32>
    %mul3A_1375 = arith.mulf %mul3A_1338, %mul3A_1374 : vector<33x256xf32>
    %logistic3A_1376 = arith.negf %mul3A_1375 : vector<33x256xf32>
    %logistic3A_1377 = math.exp %logistic3A_1376 : vector<33x256xf32>
    %logistic3A_1378 = arith.constant 1.000000e+00 : f32
    %logistic3A_1379 = vector.broadcast %logistic3A_1378 : f32 to vector<33x256xf32>
    %logistic3A_1380 = arith.addf %logistic3A_1379, %logistic3A_1377 : vector<33x256xf32>
    %logistic3A_1381 = arith.divf %logistic3A_1379, %logistic3A_1380 : vector<33x256xf32>
    %mul3A_1382 = arith.mulf %mul3A_1375, %logistic3A_1381 : vector<33x256xf32>
    %mul3A_1383 = vector.broadcast %slice3A_1371 : vector<1x256xf32> to vector<33x256xf32>
    %mul3A_1384 = arith.mulf %mul3A_1383, %mul3A_1382 : vector<33x256xf32>
    %add3A_1385 = arith.addf %add3A_1370, %mul3A_1384 : vector<33x256xf32>
    %slice3A_1386 = vector.extract_strided_slice %transpose3A_163 {offsets = [28, 0], sizes = [1, 256], strides = [1, 1]} : vector<128x256xf32> to vector<1x256xf32>
    %slice3A_1387 = vector.extract_strided_slice %get3A_156 {offsets = [0, 3], sizes = [1, 1], strides = [1, 1]} : vector<1x16xf32> to vector<1x1xf32>
    %squeeze3A_1388 = vector.extract %slice3A_1387[0, 0] : f32 from vector<1x1xf32>
    %mul3A_1389 = vector.broadcast %squeeze3A_1388 : f32 to vector<33x256xf32>
    %mul3A_1390 = arith.mulf %mul3A_1338, %mul3A_1389 : vector<33x256xf32>
    %logistic3A_1391 = arith.negf %mul3A_1390 : vector<33x256xf32>
    %logistic3A_1392 = math.exp %logistic3A_1391 : vector<33x256xf32>
    %logistic3A_1393 = arith.constant 1.000000e+00 : f32
    %logistic3A_1394 = vector.broadcast %logistic3A_1393 : f32 to vector<33x256xf32>
    %logistic3A_1395 = arith.addf %logistic3A_1394, %logistic3A_1392 : vector<33x256xf32>
    %logistic3A_1396 = arith.divf %logistic3A_1394, %logistic3A_1395 : vector<33x256xf32>
    %mul3A_1397 = arith.mulf %mul3A_1390, %logistic3A_1396 : vector<33x256xf32>
    %mul3A_1398 = vector.broadcast %slice3A_1386 : vector<1x256xf32> to vector<33x256xf32>
    %mul3A_1399 = arith.mulf %mul3A_1398, %mul3A_1397 : vector<33x256xf32>
    %add3A_1400 = arith.addf %add3A_1385, %mul3A_1399 : vector<33x256xf32>
    %slice3A_1401 = vector.extract_strided_slice %transpose3A_163 {offsets = [36, 0], sizes = [1, 256], strides = [1, 1]} : vector<128x256xf32> to vector<1x256xf32>
    %slice3A_1402 = vector.extract_strided_slice %get3A_156 {offsets = [0, 4], sizes = [1, 1], strides = [1, 1]} : vector<1x16xf32> to vector<1x1xf32>
    %squeeze3A_1403 = vector.extract %slice3A_1402[0, 0] : f32 from vector<1x1xf32>
    %mul3A_1404 = vector.broadcast %squeeze3A_1403 : f32 to vector<33x256xf32>
    %mul3A_1405 = arith.mulf %mul3A_1338, %mul3A_1404 : vector<33x256xf32>
    %logistic3A_1406 = arith.negf %mul3A_1405 : vector<33x256xf32>
    %logistic3A_1407 = math.exp %logistic3A_1406 : vector<33x256xf32>
    %logistic3A_1408 = arith.constant 1.000000e+00 : f32
    %logistic3A_1409 = vector.broadcast %logistic3A_1408 : f32 to vector<33x256xf32>
    %logistic3A_1410 = arith.addf %logistic3A_1409, %logistic3A_1407 : vector<33x256xf32>
    %logistic3A_1411 = arith.divf %logistic3A_1409, %logistic3A_1410 : vector<33x256xf32>
    %mul3A_1412 = arith.mulf %mul3A_1405, %logistic3A_1411 : vector<33x256xf32>
    %mul3A_1413 = vector.broadcast %slice3A_1401 : vector<1x256xf32> to vector<33x256xf32>
    %mul3A_1414 = arith.mulf %mul3A_1413, %mul3A_1412 : vector<33x256xf32>
    %add3A_1415 = arith.addf %add3A_1400, %mul3A_1414 : vector<33x256xf32>
    %slice3A_1416 = vector.extract_strided_slice %transpose3A_163 {offsets = [44, 0], sizes = [1, 256], strides = [1, 1]} : vector<128x256xf32> to vector<1x256xf32>
    %slice3A_1417 = vector.extract_strided_slice %get3A_156 {offsets = [0, 5], sizes = [1, 1], strides = [1, 1]} : vector<1x16xf32> to vector<1x1xf32>
    %squeeze3A_1418 = vector.extract %slice3A_1417[0, 0] : f32 from vector<1x1xf32>
    %mul3A_1419 = vector.broadcast %squeeze3A_1418 : f32 to vector<33x256xf32>
    %mul3A_1420 = arith.mulf %mul3A_1338, %mul3A_1419 : vector<33x256xf32>
    %logistic3A_1421 = arith.negf %mul3A_1420 : vector<33x256xf32>
    %logistic3A_1422 = math.exp %logistic3A_1421 : vector<33x256xf32>
    %logistic3A_1423 = arith.constant 1.000000e+00 : f32
    %logistic3A_1424 = vector.broadcast %logistic3A_1423 : f32 to vector<33x256xf32>
    %logistic3A_1425 = arith.addf %logistic3A_1424, %logistic3A_1422 : vector<33x256xf32>
    %logistic3A_1426 = arith.divf %logistic3A_1424, %logistic3A_1425 : vector<33x256xf32>
    %mul3A_1427 = arith.mulf %mul3A_1420, %logistic3A_1426 : vector<33x256xf32>
    %mul3A_1428 = vector.broadcast %slice3A_1416 : vector<1x256xf32> to vector<33x256xf32>
    %mul3A_1429 = arith.mulf %mul3A_1428, %mul3A_1427 : vector<33x256xf32>
    %add3A_1430 = arith.addf %add3A_1415, %mul3A_1429 : vector<33x256xf32>
    %slice3A_1431 = vector.extract_strided_slice %transpose3A_163 {offsets = [52, 0], sizes = [1, 256], strides = [1, 1]} : vector<128x256xf32> to vector<1x256xf32>
    %slice3A_1432 = vector.extract_strided_slice %get3A_156 {offsets = [0, 6], sizes = [1, 1], strides = [1, 1]} : vector<1x16xf32> to vector<1x1xf32>
    %squeeze3A_1433 = vector.extract %slice3A_1432[0, 0] : f32 from vector<1x1xf32>
    %mul3A_1434 = vector.broadcast %squeeze3A_1433 : f32 to vector<33x256xf32>
    %mul3A_1435 = arith.mulf %mul3A_1338, %mul3A_1434 : vector<33x256xf32>
    %logistic3A_1436 = arith.negf %mul3A_1435 : vector<33x256xf32>
    %logistic3A_1437 = math.exp %logistic3A_1436 : vector<33x256xf32>
    %logistic3A_1438 = arith.constant 1.000000e+00 : f32
    %logistic3A_1439 = vector.broadcast %logistic3A_1438 : f32 to vector<33x256xf32>
    %logistic3A_1440 = arith.addf %logistic3A_1439, %logistic3A_1437 : vector<33x256xf32>
    %logistic3A_1441 = arith.divf %logistic3A_1439, %logistic3A_1440 : vector<33x256xf32>
    %mul3A_1442 = arith.mulf %mul3A_1435, %logistic3A_1441 : vector<33x256xf32>
    %mul3A_1443 = vector.broadcast %slice3A_1431 : vector<1x256xf32> to vector<33x256xf32>
    %mul3A_1444 = arith.mulf %mul3A_1443, %mul3A_1442 : vector<33x256xf32>
    %add3A_1445 = arith.addf %add3A_1430, %mul3A_1444 : vector<33x256xf32>
    %slice3A_1446 = vector.extract_strided_slice %transpose3A_163 {offsets = [60, 0], sizes = [1, 256], strides = [1, 1]} : vector<128x256xf32> to vector<1x256xf32>
    %slice3A_1447 = vector.extract_strided_slice %get3A_156 {offsets = [0, 7], sizes = [1, 1], strides = [1, 1]} : vector<1x16xf32> to vector<1x1xf32>
    %squeeze3A_1448 = vector.extract %slice3A_1447[0, 0] : f32 from vector<1x1xf32>
    %mul3A_1449 = vector.broadcast %squeeze3A_1448 : f32 to vector<33x256xf32>
    %mul3A_1450 = arith.mulf %mul3A_1338, %mul3A_1449 : vector<33x256xf32>
    %logistic3A_1451 = arith.negf %mul3A_1450 : vector<33x256xf32>
    %logistic3A_1452 = math.exp %logistic3A_1451 : vector<33x256xf32>
    %logistic3A_1453 = arith.constant 1.000000e+00 : f32
    %logistic3A_1454 = vector.broadcast %logistic3A_1453 : f32 to vector<33x256xf32>
    %logistic3A_1455 = arith.addf %logistic3A_1454, %logistic3A_1452 : vector<33x256xf32>
    %logistic3A_1456 = arith.divf %logistic3A_1454, %logistic3A_1455 : vector<33x256xf32>
    %mul3A_1457 = arith.mulf %mul3A_1450, %logistic3A_1456 : vector<33x256xf32>
    %mul3A_1458 = vector.broadcast %slice3A_1446 : vector<1x256xf32> to vector<33x256xf32>
    %mul3A_1459 = arith.mulf %mul3A_1458, %mul3A_1457 : vector<33x256xf32>
    %add3A_1460 = arith.addf %add3A_1445, %mul3A_1459 : vector<33x256xf32>
    %slice3A_1461 = vector.extract_strided_slice %transpose3A_163 {offsets = [68, 0], sizes = [1, 256], strides = [1, 1]} : vector<128x256xf32> to vector<1x256xf32>
    %slice3A_1462 = vector.extract_strided_slice %get3A_156 {offsets = [0, 8], sizes = [1, 1], strides = [1, 1]} : vector<1x16xf32> to vector<1x1xf32>
    %squeeze3A_1463 = vector.extract %slice3A_1462[0, 0] : f32 from vector<1x1xf32>
    %mul3A_1464 = vector.broadcast %squeeze3A_1463 : f32 to vector<33x256xf32>
    %mul3A_1465 = arith.mulf %mul3A_1338, %mul3A_1464 : vector<33x256xf32>
    %logistic3A_1466 = arith.negf %mul3A_1465 : vector<33x256xf32>
    %logistic3A_1467 = math.exp %logistic3A_1466 : vector<33x256xf32>
    %logistic3A_1468 = arith.constant 1.000000e+00 : f32
    %logistic3A_1469 = vector.broadcast %logistic3A_1468 : f32 to vector<33x256xf32>
    %logistic3A_1470 = arith.addf %logistic3A_1469, %logistic3A_1467 : vector<33x256xf32>
    %logistic3A_1471 = arith.divf %logistic3A_1469, %logistic3A_1470 : vector<33x256xf32>
    %mul3A_1472 = arith.mulf %mul3A_1465, %logistic3A_1471 : vector<33x256xf32>
    %mul3A_1473 = vector.broadcast %slice3A_1461 : vector<1x256xf32> to vector<33x256xf32>
    %mul3A_1474 = arith.mulf %mul3A_1473, %mul3A_1472 : vector<33x256xf32>
    %add3A_1475 = arith.addf %add3A_1460, %mul3A_1474 : vector<33x256xf32>
    %slice3A_1476 = vector.extract_strided_slice %transpose3A_163 {offsets = [76, 0], sizes = [1, 256], strides = [1, 1]} : vector<128x256xf32> to vector<1x256xf32>
    %slice3A_1477 = vector.extract_strided_slice %get3A_156 {offsets = [0, 9], sizes = [1, 1], strides = [1, 1]} : vector<1x16xf32> to vector<1x1xf32>
    %squeeze3A_1478 = vector.extract %slice3A_1477[0, 0] : f32 from vector<1x1xf32>
    %mul3A_1479 = vector.broadcast %squeeze3A_1478 : f32 to vector<33x256xf32>
    %mul3A_1480 = arith.mulf %mul3A_1338, %mul3A_1479 : vector<33x256xf32>
    %logistic3A_1481 = arith.negf %mul3A_1480 : vector<33x256xf32>
    %logistic3A_1482 = math.exp %logistic3A_1481 : vector<33x256xf32>
    %logistic3A_1483 = arith.constant 1.000000e+00 : f32
    %logistic3A_1484 = vector.broadcast %logistic3A_1483 : f32 to vector<33x256xf32>
    %logistic3A_1485 = arith.addf %logistic3A_1484, %logistic3A_1482 : vector<33x256xf32>
    %logistic3A_1486 = arith.divf %logistic3A_1484, %logistic3A_1485 : vector<33x256xf32>
    %mul3A_1487 = arith.mulf %mul3A_1480, %logistic3A_1486 : vector<33x256xf32>
    %mul3A_1488 = vector.broadcast %slice3A_1476 : vector<1x256xf32> to vector<33x256xf32>
    %mul3A_1489 = arith.mulf %mul3A_1488, %mul3A_1487 : vector<33x256xf32>
    %add3A_1490 = arith.addf %add3A_1475, %mul3A_1489 : vector<33x256xf32>
    %slice3A_1491 = vector.extract_strided_slice %transpose3A_163 {offsets = [84, 0], sizes = [1, 256], strides = [1, 1]} : vector<128x256xf32> to vector<1x256xf32>
    %slice3A_1492 = vector.extract_strided_slice %get3A_156 {offsets = [0, 10], sizes = [1, 1], strides = [1, 1]} : vector<1x16xf32> to vector<1x1xf32>
    %squeeze3A_1493 = vector.extract %slice3A_1492[0, 0] : f32 from vector<1x1xf32>
    %mul3A_1494 = vector.broadcast %squeeze3A_1493 : f32 to vector<33x256xf32>
    %mul3A_1495 = arith.mulf %mul3A_1338, %mul3A_1494 : vector<33x256xf32>
    %logistic3A_1496 = arith.negf %mul3A_1495 : vector<33x256xf32>
    %logistic3A_1497 = math.exp %logistic3A_1496 : vector<33x256xf32>
    %logistic3A_1498 = arith.constant 1.000000e+00 : f32
    %logistic3A_1499 = vector.broadcast %logistic3A_1498 : f32 to vector<33x256xf32>
    %logistic3A_1500 = arith.addf %logistic3A_1499, %logistic3A_1497 : vector<33x256xf32>
    %logistic3A_1501 = arith.divf %logistic3A_1499, %logistic3A_1500 : vector<33x256xf32>
    %mul3A_1502 = arith.mulf %mul3A_1495, %logistic3A_1501 : vector<33x256xf32>
    %mul3A_1503 = vector.broadcast %slice3A_1491 : vector<1x256xf32> to vector<33x256xf32>
    %mul3A_1504 = arith.mulf %mul3A_1503, %mul3A_1502 : vector<33x256xf32>
    %add3A_1505 = arith.addf %add3A_1490, %mul3A_1504 : vector<33x256xf32>
    %slice3A_1506 = vector.extract_strided_slice %transpose3A_163 {offsets = [92, 0], sizes = [1, 256], strides = [1, 1]} : vector<128x256xf32> to vector<1x256xf32>
    %slice3A_1507 = vector.extract_strided_slice %get3A_156 {offsets = [0, 11], sizes = [1, 1], strides = [1, 1]} : vector<1x16xf32> to vector<1x1xf32>
    %squeeze3A_1508 = vector.extract %slice3A_1507[0, 0] : f32 from vector<1x1xf32>
    %mul3A_1509 = vector.broadcast %squeeze3A_1508 : f32 to vector<33x256xf32>
    %mul3A_1510 = arith.mulf %mul3A_1338, %mul3A_1509 : vector<33x256xf32>
    %logistic3A_1511 = arith.negf %mul3A_1510 : vector<33x256xf32>
    %logistic3A_1512 = math.exp %logistic3A_1511 : vector<33x256xf32>
    %logistic3A_1513 = arith.constant 1.000000e+00 : f32
    %logistic3A_1514 = vector.broadcast %logistic3A_1513 : f32 to vector<33x256xf32>
    %logistic3A_1515 = arith.addf %logistic3A_1514, %logistic3A_1512 : vector<33x256xf32>
    %logistic3A_1516 = arith.divf %logistic3A_1514, %logistic3A_1515 : vector<33x256xf32>
    %mul3A_1517 = arith.mulf %mul3A_1510, %logistic3A_1516 : vector<33x256xf32>
    %mul3A_1518 = vector.broadcast %slice3A_1506 : vector<1x256xf32> to vector<33x256xf32>
    %mul3A_1519 = arith.mulf %mul3A_1518, %mul3A_1517 : vector<33x256xf32>
    %add3A_1520 = arith.addf %add3A_1505, %mul3A_1519 : vector<33x256xf32>
    %slice3A_1521 = vector.extract_strided_slice %transpose3A_163 {offsets = [100, 0], sizes = [1, 256], strides = [1, 1]} : vector<128x256xf32> to vector<1x256xf32>
    %slice3A_1522 = vector.extract_strided_slice %get3A_156 {offsets = [0, 12], sizes = [1, 1], strides = [1, 1]} : vector<1x16xf32> to vector<1x1xf32>
    %squeeze3A_1523 = vector.extract %slice3A_1522[0, 0] : f32 from vector<1x1xf32>
    %mul3A_1524 = vector.broadcast %squeeze3A_1523 : f32 to vector<33x256xf32>
    %mul3A_1525 = arith.mulf %mul3A_1338, %mul3A_1524 : vector<33x256xf32>
    %logistic3A_1526 = arith.negf %mul3A_1525 : vector<33x256xf32>
    %logistic3A_1527 = math.exp %logistic3A_1526 : vector<33x256xf32>
    %logistic3A_1528 = arith.constant 1.000000e+00 : f32
    %logistic3A_1529 = vector.broadcast %logistic3A_1528 : f32 to vector<33x256xf32>
    %logistic3A_1530 = arith.addf %logistic3A_1529, %logistic3A_1527 : vector<33x256xf32>
    %logistic3A_1531 = arith.divf %logistic3A_1529, %logistic3A_1530 : vector<33x256xf32>
    %mul3A_1532 = arith.mulf %mul3A_1525, %logistic3A_1531 : vector<33x256xf32>
    %mul3A_1533 = vector.broadcast %slice3A_1521 : vector<1x256xf32> to vector<33x256xf32>
    %mul3A_1534 = arith.mulf %mul3A_1533, %mul3A_1532 : vector<33x256xf32>
    %add3A_1535 = arith.addf %add3A_1520, %mul3A_1534 : vector<33x256xf32>
    %slice3A_1536 = vector.extract_strided_slice %transpose3A_163 {offsets = [108, 0], sizes = [1, 256], strides = [1, 1]} : vector<128x256xf32> to vector<1x256xf32>
    %slice3A_1537 = vector.extract_strided_slice %get3A_156 {offsets = [0, 13], sizes = [1, 1], strides = [1, 1]} : vector<1x16xf32> to vector<1x1xf32>
    %squeeze3A_1538 = vector.extract %slice3A_1537[0, 0] : f32 from vector<1x1xf32>
    %mul3A_1539 = vector.broadcast %squeeze3A_1538 : f32 to vector<33x256xf32>
    %mul3A_1540 = arith.mulf %mul3A_1338, %mul3A_1539 : vector<33x256xf32>
    %logistic3A_1541 = arith.negf %mul3A_1540 : vector<33x256xf32>
    %logistic3A_1542 = math.exp %logistic3A_1541 : vector<33x256xf32>
    %logistic3A_1543 = arith.constant 1.000000e+00 : f32
    %logistic3A_1544 = vector.broadcast %logistic3A_1543 : f32 to vector<33x256xf32>
    %logistic3A_1545 = arith.addf %logistic3A_1544, %logistic3A_1542 : vector<33x256xf32>
    %logistic3A_1546 = arith.divf %logistic3A_1544, %logistic3A_1545 : vector<33x256xf32>
    %mul3A_1547 = arith.mulf %mul3A_1540, %logistic3A_1546 : vector<33x256xf32>
    %mul3A_1548 = vector.broadcast %slice3A_1536 : vector<1x256xf32> to vector<33x256xf32>
    %mul3A_1549 = arith.mulf %mul3A_1548, %mul3A_1547 : vector<33x256xf32>
    %add3A_1550 = arith.addf %add3A_1535, %mul3A_1549 : vector<33x256xf32>
    %slice3A_1551 = vector.extract_strided_slice %transpose3A_163 {offsets = [116, 0], sizes = [1, 256], strides = [1, 1]} : vector<128x256xf32> to vector<1x256xf32>
    %slice3A_1552 = vector.extract_strided_slice %get3A_156 {offsets = [0, 14], sizes = [1, 1], strides = [1, 1]} : vector<1x16xf32> to vector<1x1xf32>
    %squeeze3A_1553 = vector.extract %slice3A_1552[0, 0] : f32 from vector<1x1xf32>
    %mul3A_1554 = vector.broadcast %squeeze3A_1553 : f32 to vector<33x256xf32>
    %mul3A_1555 = arith.mulf %mul3A_1338, %mul3A_1554 : vector<33x256xf32>
    %logistic3A_1556 = arith.negf %mul3A_1555 : vector<33x256xf32>
    %logistic3A_1557 = math.exp %logistic3A_1556 : vector<33x256xf32>
    %logistic3A_1558 = arith.constant 1.000000e+00 : f32
    %logistic3A_1559 = vector.broadcast %logistic3A_1558 : f32 to vector<33x256xf32>
    %logistic3A_1560 = arith.addf %logistic3A_1559, %logistic3A_1557 : vector<33x256xf32>
    %logistic3A_1561 = arith.divf %logistic3A_1559, %logistic3A_1560 : vector<33x256xf32>
    %mul3A_1562 = arith.mulf %mul3A_1555, %logistic3A_1561 : vector<33x256xf32>
    %mul3A_1563 = vector.broadcast %slice3A_1551 : vector<1x256xf32> to vector<33x256xf32>
    %mul3A_1564 = arith.mulf %mul3A_1563, %mul3A_1562 : vector<33x256xf32>
    %add3A_1565 = arith.addf %add3A_1550, %mul3A_1564 : vector<33x256xf32>
    %slice3A_1566 = vector.extract_strided_slice %transpose3A_163 {offsets = [124, 0], sizes = [1, 256], strides = [1, 1]} : vector<128x256xf32> to vector<1x256xf32>
    %slice3A_1567 = vector.extract_strided_slice %get3A_156 {offsets = [0, 15], sizes = [1, 1], strides = [1, 1]} : vector<1x16xf32> to vector<1x1xf32>
    %squeeze3A_1568 = vector.extract %slice3A_1567[0, 0] : f32 from vector<1x1xf32>
    %mul3A_1569 = vector.broadcast %squeeze3A_1568 : f32 to vector<33x256xf32>
    %mul3A_1570 = arith.mulf %mul3A_1338, %mul3A_1569 : vector<33x256xf32>
    %logistic3A_1571 = arith.negf %mul3A_1570 : vector<33x256xf32>
    %logistic3A_1572 = math.exp %logistic3A_1571 : vector<33x256xf32>
    %logistic3A_1573 = arith.constant 1.000000e+00 : f32
    %logistic3A_1574 = vector.broadcast %logistic3A_1573 : f32 to vector<33x256xf32>
    %logistic3A_1575 = arith.addf %logistic3A_1574, %logistic3A_1572 : vector<33x256xf32>
    %logistic3A_1576 = arith.divf %logistic3A_1574, %logistic3A_1575 : vector<33x256xf32>
    %mul3A_1577 = arith.mulf %mul3A_1570, %logistic3A_1576 : vector<33x256xf32>
    %mul3A_1578 = vector.broadcast %slice3A_1566 : vector<1x256xf32> to vector<33x256xf32>
    %mul3A_1579 = arith.mulf %mul3A_1578, %mul3A_1577 : vector<33x256xf32>
    %add3A_1580 = arith.addf %add3A_1565, %mul3A_1579 : vector<33x256xf32>
    %mul3A_1581 = arith.constant 2.500000e-01 : f32
    %mul3A_1582 = vector.broadcast %mul3A_1581 : f32 to vector<33x256xf32>
    %mul3A_1583 = arith.mulf %add3A_1580, %mul3A_1582 : vector<33x256xf32>
    %jit3A_1584 = arith.constant 0xFF800000 : f32
    %broadcast_in_dim3A_1585 = vector.broadcast %jit3A_1584 : f32 to vector<33x256xf32>
    %select_n3A_1586 = arith.select %transpose3A_164, %mul3A_1583, %broadcast_in_dim3A_1585 : vector<33x256xi1>, vector<33x256xf32>
    %reduce_max3A_1587 = arith.constant dense<0xFF800000> : vector<256xf32>
    %reduce_max3A_1588 = vector.multi_reduction <maximumf>, %select_n3A_1586, %reduce_max3A_1587 [0] : vector<33x256xf32> to vector<256xf32>
    %broadcast_in_dim3A_1589 = vector.shape_cast %reduce_max3A_1588 : vector<256xf32> to vector<1x256xf32>
    %sub3A_1590 = vector.broadcast %broadcast_in_dim3A_1589 : vector<1x256xf32> to vector<33x256xf32>
    %sub3A_1591 = arith.subf %select_n3A_1586, %sub3A_1590 : vector<33x256xf32>
    %exp3A_1592 = math.exp %sub3A_1591 : vector<33x256xf32>
    %reduce_sum3A_1593 = arith.constant dense<0.000000e+00> : vector<256xf32>
    %reduce_sum3A_1594 = vector.multi_reduction <add>, %exp3A_1592, %reduce_sum3A_1593 [0] : vector<33x256xf32> to vector<256xf32>
    %broadcast_in_dim3A_1595 = vector.shape_cast %reduce_sum3A_1594 : vector<256xf32> to vector<1x256xf32>
    %div3A_1596 = vector.broadcast %broadcast_in_dim3A_1595 : vector<1x256xf32> to vector<33x256xf32>
    %div3A_1597 = arith.divf %exp3A_1592, %div3A_1596 : vector<33x256xf32>
    %neg3A_1598 = arith.constant 0.000000e+00 : f32
    %neg3A_1599 = vector.broadcast %neg3A_1598 : f32 to vector<33x256xf32>
    %neg3A_1600 = arith.subf %neg3A_1599, %mul3A_1338 : vector<33x256xf32>
    %slice3A_1601 = vector.extract_strided_slice %transpose3A_162 {offsets = [4, 0], sizes = [1, 256], strides = [1, 1]} : vector<8x256xf32> to vector<1x256xf32>
    %jit3A_1602 = arith.constant 1.000000e-01 : f32
    %max3A_1603 = vector.broadcast %jit3A_1602 : f32 to vector<1x256xf32>
    %max3A_1604 = arith.maximumf %max3A_1603, %slice3A_1601 : vector<1x256xf32>
    %div3A_1605 = vector.broadcast %max3A_1604 : vector<1x256xf32> to vector<33x256xf32>
    %div3A_1606 = arith.divf %neg3A_1600, %div3A_1605 : vector<33x256xf32>
    %exp3A_1607 = math.exp %div3A_1606 : vector<33x256xf32>
    %mul3A_1608 = arith.mulf %div3A_1597, %exp3A_1607 : vector<33x256xf32>
    %mul3A_1609 = arith.mulf %mul3A_1608, %convert_element_type3A_166 : vector<33x256xf32>
    %reduce_sum3A_1610 = arith.constant dense<0.000000e+00> : vector<256xf32>
    %reduce_sum3A_1611 = vector.multi_reduction <add>, %mul3A_1609, %reduce_sum3A_1610 [0] : vector<33x256xf32> to vector<256xf32>
    %broadcast_in_dim3A_1612 = vector.shape_cast %reduce_sum3A_1611 : vector<256xf32> to vector<1x256xf32>
    %add3A_1613 = arith.constant 9.99999993E-9 : f32
    %add3A_1614 = vector.broadcast %add3A_1613 : f32 to vector<1x256xf32>
    %add3A_1615 = arith.addf %broadcast_in_dim3A_1612, %add3A_1614 : vector<1x256xf32>
    %div3A_1616 = vector.broadcast %add3A_1615 : vector<1x256xf32> to vector<33x256xf32>
    %div3A_1617 = arith.divf %mul3A_1609, %div3A_1616 : vector<33x256xf32>
    %transpose3A_1618 = tpu.transpose %div3A_1617, [1, 0] : vector<33x256xf32> -> vector<256x33xf32>
    %broadcast_in_dim3A_1619 = arith.constant 0.000000e+00 : f32
    %broadcast_in_dim3A_1620 = vector.broadcast %broadcast_in_dim3A_1619 : f32 to vector<256x15xf32>
    %concatenate3A_1621 = tpu.concatenate %transpose3A_1618, %broadcast_in_dim3A_1620 in 1 : vector<256x33xf32>, vector<256x15xf32> -> vector<256x48xf32>
    %swap3A_1622 = arith.constant 4 : index
    %swap3A_1623 = arith.constant 0 : index
    %swap3A_1624 = arith.constant 0 : index
    %swap3A_1625 = vector.load %arg7[%swap3A_1622, %swap3A_1623, %swap3A_1624] : memref<8x256x48xf32, #tpu.memory_space<vmem>>, vector<1x256x48xf32>
    %swap3A_1626 = vector.shape_cast %swap3A_1625 : vector<1x256x48xf32> to vector<256x48xf32>
    %swap3A_1627 = vector.shape_cast %concatenate3A_1621 : vector<256x48xf32> to vector<1x256x48xf32>
    tpu.vector_store %arg7[%swap3A_1622, %swap3A_1623, %swap3A_1624], %swap3A_1627 {strides = array<i32>} : memref<8x256x48xf32, #tpu.memory_space<vmem>>, vector<1x256x48xf32>,
    %slice3A_1628 = vector.extract_strided_slice %transpose3A {offsets = [5, 0], sizes = [1, 256], strides = [1, 1]} : vector<8x256xf32> to vector<1x256xf32>
    %mul3A_1629 = vector.broadcast %abs3A : vector<33x1xf32> to vector<33x256xf32>
    %mul3A_1630 = vector.broadcast %slice3A_1628 : vector<1x256xf32> to vector<33x256xf32>
    %mul3A_1631 = arith.mulf %mul3A_1629, %mul3A_1630 : vector<33x256xf32>
    %broadcast_in_dim3A_1632 = arith.constant 0.000000e+00 : f32
    %broadcast_in_dim3A_1633 = vector.broadcast %broadcast_in_dim3A_1632 : f32 to vector<33x256xf32>
    %slice3A_1634 = vector.extract_strided_slice %transpose3A_163 {offsets = [5, 0], sizes = [1, 256], strides = [1, 1]} : vector<128x256xf32> to vector<1x256xf32>
    %slice3A_1635 = vector.extract_strided_slice %get3A_156 {offsets = [0, 0], sizes = [1, 1], strides = [1, 1]} : vector<1x16xf32> to vector<1x1xf32>
    %squeeze3A_1636 = vector.extract %slice3A_1635[0, 0] : f32 from vector<1x1xf32>
    %mul3A_1637 = vector.broadcast %squeeze3A_1636 : f32 to vector<33x256xf32>
    %mul3A_1638 = arith.mulf %mul3A_1631, %mul3A_1637 : vector<33x256xf32>
    %logistic3A_1639 = arith.negf %mul3A_1638 : vector<33x256xf32>
    %logistic3A_1640 = math.exp %logistic3A_1639 : vector<33x256xf32>
    %logistic3A_1641 = arith.constant 1.000000e+00 : f32
    %logistic3A_1642 = vector.broadcast %logistic3A_1641 : f32 to vector<33x256xf32>
    %logistic3A_1643 = arith.addf %logistic3A_1642, %logistic3A_1640 : vector<33x256xf32>
    %logistic3A_1644 = arith.divf %logistic3A_1642, %logistic3A_1643 : vector<33x256xf32>
    %mul3A_1645 = arith.mulf %mul3A_1638, %logistic3A_1644 : vector<33x256xf32>
    %mul3A_1646 = vector.broadcast %slice3A_1634 : vector<1x256xf32> to vector<33x256xf32>
    %mul3A_1647 = arith.mulf %mul3A_1646, %mul3A_1645 : vector<33x256xf32>
    %add3A_1648 = arith.addf %broadcast_in_dim3A_1633, %mul3A_1647 : vector<33x256xf32>
    %slice3A_1649 = vector.extract_strided_slice %transpose3A_163 {offsets = [13, 0], sizes = [1, 256], strides = [1, 1]} : vector<128x256xf32> to vector<1x256xf32>
    %slice3A_1650 = vector.extract_strided_slice %get3A_156 {offsets = [0, 1], sizes = [1, 1], strides = [1, 1]} : vector<1x16xf32> to vector<1x1xf32>
    %squeeze3A_1651 = vector.extract %slice3A_1650[0, 0] : f32 from vector<1x1xf32>
    %mul3A_1652 = vector.broadcast %squeeze3A_1651 : f32 to vector<33x256xf32>
    %mul3A_1653 = arith.mulf %mul3A_1631, %mul3A_1652 : vector<33x256xf32>
    %logistic3A_1654 = arith.negf %mul3A_1653 : vector<33x256xf32>
    %logistic3A_1655 = math.exp %logistic3A_1654 : vector<33x256xf32>
    %logistic3A_1656 = arith.constant 1.000000e+00 : f32
    %logistic3A_1657 = vector.broadcast %logistic3A_1656 : f32 to vector<33x256xf32>
    %logistic3A_1658 = arith.addf %logistic3A_1657, %logistic3A_1655 : vector<33x256xf32>
    %logistic3A_1659 = arith.divf %logistic3A_1657, %logistic3A_1658 : vector<33x256xf32>
    %mul3A_1660 = arith.mulf %mul3A_1653, %logistic3A_1659 : vector<33x256xf32>
    %mul3A_1661 = vector.broadcast %slice3A_1649 : vector<1x256xf32> to vector<33x256xf32>
    %mul3A_1662 = arith.mulf %mul3A_1661, %mul3A_1660 : vector<33x256xf32>
    %add3A_1663 = arith.addf %add3A_1648, %mul3A_1662 : vector<33x256xf32>
    %slice3A_1664 = vector.extract_strided_slice %transpose3A_163 {offsets = [21, 0], sizes = [1, 256], strides = [1, 1]} : vector<128x256xf32> to vector<1x256xf32>
    %slice3A_1665 = vector.extract_strided_slice %get3A_156 {offsets = [0, 2], sizes = [1, 1], strides = [1, 1]} : vector<1x16xf32> to vector<1x1xf32>
    %squeeze3A_1666 = vector.extract %slice3A_1665[0, 0] : f32 from vector<1x1xf32>
    %mul3A_1667 = vector.broadcast %squeeze3A_1666 : f32 to vector<33x256xf32>
    %mul3A_1668 = arith.mulf %mul3A_1631, %mul3A_1667 : vector<33x256xf32>
    %logistic3A_1669 = arith.negf %mul3A_1668 : vector<33x256xf32>
    %logistic3A_1670 = math.exp %logistic3A_1669 : vector<33x256xf32>
    %logistic3A_1671 = arith.constant 1.000000e+00 : f32
    %logistic3A_1672 = vector.broadcast %logistic3A_1671 : f32 to vector<33x256xf32>
    %logistic3A_1673 = arith.addf %logistic3A_1672, %logistic3A_1670 : vector<33x256xf32>
    %logistic3A_1674 = arith.divf %logistic3A_1672, %logistic3A_1673 : vector<33x256xf32>
    %mul3A_1675 = arith.mulf %mul3A_1668, %logistic3A_1674 : vector<33x256xf32>
    %mul3A_1676 = vector.broadcast %slice3A_1664 : vector<1x256xf32> to vector<33x256xf32>
    %mul3A_1677 = arith.mulf %mul3A_1676, %mul3A_1675 : vector<33x256xf32>
    %add3A_1678 = arith.addf %add3A_1663, %mul3A_1677 : vector<33x256xf32>
    %slice3A_1679 = vector.extract_strided_slice %transpose3A_163 {offsets = [29, 0], sizes = [1, 256], strides = [1, 1]} : vector<128x256xf32> to vector<1x256xf32>
    %slice3A_1680 = vector.extract_strided_slice %get3A_156 {offsets = [0, 3], sizes = [1, 1], strides = [1, 1]} : vector<1x16xf32> to vector<1x1xf32>
    %squeeze3A_1681 = vector.extract %slice3A_1680[0, 0] : f32 from vector<1x1xf32>
    %mul3A_1682 = vector.broadcast %squeeze3A_1681 : f32 to vector<33x256xf32>
    %mul3A_1683 = arith.mulf %mul3A_1631, %mul3A_1682 : vector<33x256xf32>
    %logistic3A_1684 = arith.negf %mul3A_1683 : vector<33x256xf32>
    %logistic3A_1685 = math.exp %logistic3A_1684 : vector<33x256xf32>
    %logistic3A_1686 = arith.constant 1.000000e+00 : f32
    %logistic3A_1687 = vector.broadcast %logistic3A_1686 : f32 to vector<33x256xf32>
    %logistic3A_1688 = arith.addf %logistic3A_1687, %logistic3A_1685 : vector<33x256xf32>
    %logistic3A_1689 = arith.divf %logistic3A_1687, %logistic3A_1688 : vector<33x256xf32>
    %mul3A_1690 = arith.mulf %mul3A_1683, %logistic3A_1689 : vector<33x256xf32>
    %mul3A_1691 = vector.broadcast %slice3A_1679 : vector<1x256xf32> to vector<33x256xf32>
    %mul3A_1692 = arith.mulf %mul3A_1691, %mul3A_1690 : vector<33x256xf32>
    %add3A_1693 = arith.addf %add3A_1678, %mul3A_1692 : vector<33x256xf32>
    %slice3A_1694 = vector.extract_strided_slice %transpose3A_163 {offsets = [37, 0], sizes = [1, 256], strides = [1, 1]} : vector<128x256xf32> to vector<1x256xf32>
    %slice3A_1695 = vector.extract_strided_slice %get3A_156 {offsets = [0, 4], sizes = [1, 1], strides = [1, 1]} : vector<1x16xf32> to vector<1x1xf32>
    %squeeze3A_1696 = vector.extract %slice3A_1695[0, 0] : f32 from vector<1x1xf32>
    %mul3A_1697 = vector.broadcast %squeeze3A_1696 : f32 to vector<33x256xf32>
    %mul3A_1698 = arith.mulf %mul3A_1631, %mul3A_1697 : vector<33x256xf32>
    %logistic3A_1699 = arith.negf %mul3A_1698 : vector<33x256xf32>
    %logistic3A_1700 = math.exp %logistic3A_1699 : vector<33x256xf32>
    %logistic3A_1701 = arith.constant 1.000000e+00 : f32
    %logistic3A_1702 = vector.broadcast %logistic3A_1701 : f32 to vector<33x256xf32>
    %logistic3A_1703 = arith.addf %logistic3A_1702, %logistic3A_1700 : vector<33x256xf32>
    %logistic3A_1704 = arith.divf %logistic3A_1702, %logistic3A_1703 : vector<33x256xf32>
    %mul3A_1705 = arith.mulf %mul3A_1698, %logistic3A_1704 : vector<33x256xf32>
    %mul3A_1706 = vector.broadcast %slice3A_1694 : vector<1x256xf32> to vector<33x256xf32>
    %mul3A_1707 = arith.mulf %mul3A_1706, %mul3A_1705 : vector<33x256xf32>
    %add3A_1708 = arith.addf %add3A_1693, %mul3A_1707 : vector<33x256xf32>
    %slice3A_1709 = vector.extract_strided_slice %transpose3A_163 {offsets = [45, 0], sizes = [1, 256], strides = [1, 1]} : vector<128x256xf32> to vector<1x256xf32>
    %slice3A_1710 = vector.extract_strided_slice %get3A_156 {offsets = [0, 5], sizes = [1, 1], strides = [1, 1]} : vector<1x16xf32> to vector<1x1xf32>
    %squeeze3A_1711 = vector.extract %slice3A_1710[0, 0] : f32 from vector<1x1xf32>
    %mul3A_1712 = vector.broadcast %squeeze3A_1711 : f32 to vector<33x256xf32>
    %mul3A_1713 = arith.mulf %mul3A_1631, %mul3A_1712 : vector<33x256xf32>
    %logistic3A_1714 = arith.negf %mul3A_1713 : vector<33x256xf32>
    %logistic3A_1715 = math.exp %logistic3A_1714 : vector<33x256xf32>
    %logistic3A_1716 = arith.constant 1.000000e+00 : f32
    %logistic3A_1717 = vector.broadcast %logistic3A_1716 : f32 to vector<33x256xf32>
    %logistic3A_1718 = arith.addf %logistic3A_1717, %logistic3A_1715 : vector<33x256xf32>
    %logistic3A_1719 = arith.divf %logistic3A_1717, %logistic3A_1718 : vector<33x256xf32>
    %mul3A_1720 = arith.mulf %mul3A_1713, %logistic3A_1719 : vector<33x256xf32>
    %mul3A_1721 = vector.broadcast %slice3A_1709 : vector<1x256xf32> to vector<33x256xf32>
    %mul3A_1722 = arith.mulf %mul3A_1721, %mul3A_1720 : vector<33x256xf32>
    %add3A_1723 = arith.addf %add3A_1708, %mul3A_1722 : vector<33x256xf32>
    %slice3A_1724 = vector.extract_strided_slice %transpose3A_163 {offsets = [53, 0], sizes = [1, 256], strides = [1, 1]} : vector<128x256xf32> to vector<1x256xf32>
    %slice3A_1725 = vector.extract_strided_slice %get3A_156 {offsets = [0, 6], sizes = [1, 1], strides = [1, 1]} : vector<1x16xf32> to vector<1x1xf32>
    %squeeze3A_1726 = vector.extract %slice3A_1725[0, 0] : f32 from vector<1x1xf32>
    %mul3A_1727 = vector.broadcast %squeeze3A_1726 : f32 to vector<33x256xf32>
    %mul3A_1728 = arith.mulf %mul3A_1631, %mul3A_1727 : vector<33x256xf32>
    %logistic3A_1729 = arith.negf %mul3A_1728 : vector<33x256xf32>
    %logistic3A_1730 = math.exp %logistic3A_1729 : vector<33x256xf32>
    %logistic3A_1731 = arith.constant 1.000000e+00 : f32
    %logistic3A_1732 = vector.broadcast %logistic3A_1731 : f32 to vector<33x256xf32>
    %logistic3A_1733 = arith.addf %logistic3A_1732, %logistic3A_1730 : vector<33x256xf32>
    %logistic3A_1734 = arith.divf %logistic3A_1732, %logistic3A_1733 : vector<33x256xf32>
    %mul3A_1735 = arith.mulf %mul3A_1728, %logistic3A_1734 : vector<33x256xf32>
    %mul3A_1736 = vector.broadcast %slice3A_1724 : vector<1x256xf32> to vector<33x256xf32>
    %mul3A_1737 = arith.mulf %mul3A_1736, %mul3A_1735 : vector<33x256xf32>
    %add3A_1738 = arith.addf %add3A_1723, %mul3A_1737 : vector<33x256xf32>
    %slice3A_1739 = vector.extract_strided_slice %transpose3A_163 {offsets = [61, 0], sizes = [1, 256], strides = [1, 1]} : vector<128x256xf32> to vector<1x256xf32>
    %slice3A_1740 = vector.extract_strided_slice %get3A_156 {offsets = [0, 7], sizes = [1, 1], strides = [1, 1]} : vector<1x16xf32> to vector<1x1xf32>
    %squeeze3A_1741 = vector.extract %slice3A_1740[0, 0] : f32 from vector<1x1xf32>
    %mul3A_1742 = vector.broadcast %squeeze3A_1741 : f32 to vector<33x256xf32>
    %mul3A_1743 = arith.mulf %mul3A_1631, %mul3A_1742 : vector<33x256xf32>
    %logistic3A_1744 = arith.negf %mul3A_1743 : vector<33x256xf32>
    %logistic3A_1745 = math.exp %logistic3A_1744 : vector<33x256xf32>
    %logistic3A_1746 = arith.constant 1.000000e+00 : f32
    %logistic3A_1747 = vector.broadcast %logistic3A_1746 : f32 to vector<33x256xf32>
    %logistic3A_1748 = arith.addf %logistic3A_1747, %logistic3A_1745 : vector<33x256xf32>
    %logistic3A_1749 = arith.divf %logistic3A_1747, %logistic3A_1748 : vector<33x256xf32>
    %mul3A_1750 = arith.mulf %mul3A_1743, %logistic3A_1749 : vector<33x256xf32>
    %mul3A_1751 = vector.broadcast %slice3A_1739 : vector<1x256xf32> to vector<33x256xf32>
    %mul3A_1752 = arith.mulf %mul3A_1751, %mul3A_1750 : vector<33x256xf32>
    %add3A_1753 = arith.addf %add3A_1738, %mul3A_1752 : vector<33x256xf32>
    %slice3A_1754 = vector.extract_strided_slice %transpose3A_163 {offsets = [69, 0], sizes = [1, 256], strides = [1, 1]} : vector<128x256xf32> to vector<1x256xf32>
    %slice3A_1755 = vector.extract_strided_slice %get3A_156 {offsets = [0, 8], sizes = [1, 1], strides = [1, 1]} : vector<1x16xf32> to vector<1x1xf32>
    %squeeze3A_1756 = vector.extract %slice3A_1755[0, 0] : f32 from vector<1x1xf32>
    %mul3A_1757 = vector.broadcast %squeeze3A_1756 : f32 to vector<33x256xf32>
    %mul3A_1758 = arith.mulf %mul3A_1631, %mul3A_1757 : vector<33x256xf32>
    %logistic3A_1759 = arith.negf %mul3A_1758 : vector<33x256xf32>
    %logistic3A_1760 = math.exp %logistic3A_1759 : vector<33x256xf32>
    %logistic3A_1761 = arith.constant 1.000000e+00 : f32
    %logistic3A_1762 = vector.broadcast %logistic3A_1761 : f32 to vector<33x256xf32>
    %logistic3A_1763 = arith.addf %logistic3A_1762, %logistic3A_1760 : vector<33x256xf32>
    %logistic3A_1764 = arith.divf %logistic3A_1762, %logistic3A_1763 : vector<33x256xf32>
    %mul3A_1765 = arith.mulf %mul3A_1758, %logistic3A_1764 : vector<33x256xf32>
    %mul3A_1766 = vector.broadcast %slice3A_1754 : vector<1x256xf32> to vector<33x256xf32>
    %mul3A_1767 = arith.mulf %mul3A_1766, %mul3A_1765 : vector<33x256xf32>
    %add3A_1768 = arith.addf %add3A_1753, %mul3A_1767 : vector<33x256xf32>
    %slice3A_1769 = vector.extract_strided_slice %transpose3A_163 {offsets = [77, 0], sizes = [1, 256], strides = [1, 1]} : vector<128x256xf32> to vector<1x256xf32>
    %slice3A_1770 = vector.extract_strided_slice %get3A_156 {offsets = [0, 9], sizes = [1, 1], strides = [1, 1]} : vector<1x16xf32> to vector<1x1xf32>
    %squeeze3A_1771 = vector.extract %slice3A_1770[0, 0] : f32 from vector<1x1xf32>
    %mul3A_1772 = vector.broadcast %squeeze3A_1771 : f32 to vector<33x256xf32>
    %mul3A_1773 = arith.mulf %mul3A_1631, %mul3A_1772 : vector<33x256xf32>
    %logistic3A_1774 = arith.negf %mul3A_1773 : vector<33x256xf32>
    %logistic3A_1775 = math.exp %logistic3A_1774 : vector<33x256xf32>
    %logistic3A_1776 = arith.constant 1.000000e+00 : f32
    %logistic3A_1777 = vector.broadcast %logistic3A_1776 : f32 to vector<33x256xf32>
    %logistic3A_1778 = arith.addf %logistic3A_1777, %logistic3A_1775 : vector<33x256xf32>
    %logistic3A_1779 = arith.divf %logistic3A_1777, %logistic3A_1778 : vector<33x256xf32>
    %mul3A_1780 = arith.mulf %mul3A_1773, %logistic3A_1779 : vector<33x256xf32>
    %mul3A_1781 = vector.broadcast %slice3A_1769 : vector<1x256xf32> to vector<33x256xf32>
    %mul3A_1782 = arith.mulf %mul3A_1781, %mul3A_1780 : vector<33x256xf32>
    %add3A_1783 = arith.addf %add3A_1768, %mul3A_1782 : vector<33x256xf32>
    %slice3A_1784 = vector.extract_strided_slice %transpose3A_163 {offsets = [85, 0], sizes = [1, 256], strides = [1, 1]} : vector<128x256xf32> to vector<1x256xf32>
    %slice3A_1785 = vector.extract_strided_slice %get3A_156 {offsets = [0, 10], sizes = [1, 1], strides = [1, 1]} : vector<1x16xf32> to vector<1x1xf32>
    %squeeze3A_1786 = vector.extract %slice3A_1785[0, 0] : f32 from vector<1x1xf32>
    %mul3A_1787 = vector.broadcast %squeeze3A_1786 : f32 to vector<33x256xf32>
    %mul3A_1788 = arith.mulf %mul3A_1631, %mul3A_1787 : vector<33x256xf32>
    %logistic3A_1789 = arith.negf %mul3A_1788 : vector<33x256xf32>
    %logistic3A_1790 = math.exp %logistic3A_1789 : vector<33x256xf32>
    %logistic3A_1791 = arith.constant 1.000000e+00 : f32
    %logistic3A_1792 = vector.broadcast %logistic3A_1791 : f32 to vector<33x256xf32>
    %logistic3A_1793 = arith.addf %logistic3A_1792, %logistic3A_1790 : vector<33x256xf32>
    %logistic3A_1794 = arith.divf %logistic3A_1792, %logistic3A_1793 : vector<33x256xf32>
    %mul3A_1795 = arith.mulf %mul3A_1788, %logistic3A_1794 : vector<33x256xf32>
    %mul3A_1796 = vector.broadcast %slice3A_1784 : vector<1x256xf32> to vector<33x256xf32>
    %mul3A_1797 = arith.mulf %mul3A_1796, %mul3A_1795 : vector<33x256xf32>
    %add3A_1798 = arith.addf %add3A_1783, %mul3A_1797 : vector<33x256xf32>
    %slice3A_1799 = vector.extract_strided_slice %transpose3A_163 {offsets = [93, 0], sizes = [1, 256], strides = [1, 1]} : vector<128x256xf32> to vector<1x256xf32>
    %slice3A_1800 = vector.extract_strided_slice %get3A_156 {offsets = [0, 11], sizes = [1, 1], strides = [1, 1]} : vector<1x16xf32> to vector<1x1xf32>
    %squeeze3A_1801 = vector.extract %slice3A_1800[0, 0] : f32 from vector<1x1xf32>
    %mul3A_1802 = vector.broadcast %squeeze3A_1801 : f32 to vector<33x256xf32>
    %mul3A_1803 = arith.mulf %mul3A_1631, %mul3A_1802 : vector<33x256xf32>
    %logistic3A_1804 = arith.negf %mul3A_1803 : vector<33x256xf32>
    %logistic3A_1805 = math.exp %logistic3A_1804 : vector<33x256xf32>
    %logistic3A_1806 = arith.constant 1.000000e+00 : f32
    %logistic3A_1807 = vector.broadcast %logistic3A_1806 : f32 to vector<33x256xf32>
    %logistic3A_1808 = arith.addf %logistic3A_1807, %logistic3A_1805 : vector<33x256xf32>
    %logistic3A_1809 = arith.divf %logistic3A_1807, %logistic3A_1808 : vector<33x256xf32>
    %mul3A_1810 = arith.mulf %mul3A_1803, %logistic3A_1809 : vector<33x256xf32>
    %mul3A_1811 = vector.broadcast %slice3A_1799 : vector<1x256xf32> to vector<33x256xf32>
    %mul3A_1812 = arith.mulf %mul3A_1811, %mul3A_1810 : vector<33x256xf32>
    %add3A_1813 = arith.addf %add3A_1798, %mul3A_1812 : vector<33x256xf32>
    %slice3A_1814 = vector.extract_strided_slice %transpose3A_163 {offsets = [101, 0], sizes = [1, 256], strides = [1, 1]} : vector<128x256xf32> to vector<1x256xf32>
    %slice3A_1815 = vector.extract_strided_slice %get3A_156 {offsets = [0, 12], sizes = [1, 1], strides = [1, 1]} : vector<1x16xf32> to vector<1x1xf32>
    %squeeze3A_1816 = vector.extract %slice3A_1815[0, 0] : f32 from vector<1x1xf32>
    %mul3A_1817 = vector.broadcast %squeeze3A_1816 : f32 to vector<33x256xf32>
    %mul3A_1818 = arith.mulf %mul3A_1631, %mul3A_1817 : vector<33x256xf32>
    %logistic3A_1819 = arith.negf %mul3A_1818 : vector<33x256xf32>
    %logistic3A_1820 = math.exp %logistic3A_1819 : vector<33x256xf32>
    %logistic3A_1821 = arith.constant 1.000000e+00 : f32
    %logistic3A_1822 = vector.broadcast %logistic3A_1821 : f32 to vector<33x256xf32>
    %logistic3A_1823 = arith.addf %logistic3A_1822, %logistic3A_1820 : vector<33x256xf32>
    %logistic3A_1824 = arith.divf %logistic3A_1822, %logistic3A_1823 : vector<33x256xf32>
    %mul3A_1825 = arith.mulf %mul3A_1818, %logistic3A_1824 : vector<33x256xf32>
    %mul3A_1826 = vector.broadcast %slice3A_1814 : vector<1x256xf32> to vector<33x256xf32>
    %mul3A_1827 = arith.mulf %mul3A_1826, %mul3A_1825 : vector<33x256xf32>
    %add3A_1828 = arith.addf %add3A_1813, %mul3A_1827 : vector<33x256xf32>
    %slice3A_1829 = vector.extract_strided_slice %transpose3A_163 {offsets = [109, 0], sizes = [1, 256], strides = [1, 1]} : vector<128x256xf32> to vector<1x256xf32>
    %slice3A_1830 = vector.extract_strided_slice %get3A_156 {offsets = [0, 13], sizes = [1, 1], strides = [1, 1]} : vector<1x16xf32> to vector<1x1xf32>
    %squeeze3A_1831 = vector.extract %slice3A_1830[0, 0] : f32 from vector<1x1xf32>
    %mul3A_1832 = vector.broadcast %squeeze3A_1831 : f32 to vector<33x256xf32>
    %mul3A_1833 = arith.mulf %mul3A_1631, %mul3A_1832 : vector<33x256xf32>
    %logistic3A_1834 = arith.negf %mul3A_1833 : vector<33x256xf32>
    %logistic3A_1835 = math.exp %logistic3A_1834 : vector<33x256xf32>
    %logistic3A_1836 = arith.constant 1.000000e+00 : f32
    %logistic3A_1837 = vector.broadcast %logistic3A_1836 : f32 to vector<33x256xf32>
    %logistic3A_1838 = arith.addf %logistic3A_1837, %logistic3A_1835 : vector<33x256xf32>
    %logistic3A_1839 = arith.divf %logistic3A_1837, %logistic3A_1838 : vector<33x256xf32>
    %mul3A_1840 = arith.mulf %mul3A_1833, %logistic3A_1839 : vector<33x256xf32>
    %mul3A_1841 = vector.broadcast %slice3A_1829 : vector<1x256xf32> to vector<33x256xf32>
    %mul3A_1842 = arith.mulf %mul3A_1841, %mul3A_1840 : vector<33x256xf32>
    %add3A_1843 = arith.addf %add3A_1828, %mul3A_1842 : vector<33x256xf32>
    %slice3A_1844 = vector.extract_strided_slice %transpose3A_163 {offsets = [117, 0], sizes = [1, 256], strides = [1, 1]} : vector<128x256xf32> to vector<1x256xf32>
    %slice3A_1845 = vector.extract_strided_slice %get3A_156 {offsets = [0, 14], sizes = [1, 1], strides = [1, 1]} : vector<1x16xf32> to vector<1x1xf32>
    %squeeze3A_1846 = vector.extract %slice3A_1845[0, 0] : f32 from vector<1x1xf32>
    %mul3A_1847 = vector.broadcast %squeeze3A_1846 : f32 to vector<33x256xf32>
    %mul3A_1848 = arith.mulf %mul3A_1631, %mul3A_1847 : vector<33x256xf32>
    %logistic3A_1849 = arith.negf %mul3A_1848 : vector<33x256xf32>
    %logistic3A_1850 = math.exp %logistic3A_1849 : vector<33x256xf32>
    %logistic3A_1851 = arith.constant 1.000000e+00 : f32
    %logistic3A_1852 = vector.broadcast %logistic3A_1851 : f32 to vector<33x256xf32>
    %logistic3A_1853 = arith.addf %logistic3A_1852, %logistic3A_1850 : vector<33x256xf32>
    %logistic3A_1854 = arith.divf %logistic3A_1852, %logistic3A_1853 : vector<33x256xf32>
    %mul3A_1855 = arith.mulf %mul3A_1848, %logistic3A_1854 : vector<33x256xf32>
    %mul3A_1856 = vector.broadcast %slice3A_1844 : vector<1x256xf32> to vector<33x256xf32>
    %mul3A_1857 = arith.mulf %mul3A_1856, %mul3A_1855 : vector<33x256xf32>
    %add3A_1858 = arith.addf %add3A_1843, %mul3A_1857 : vector<33x256xf32>
    %slice3A_1859 = vector.extract_strided_slice %transpose3A_163 {offsets = [125, 0], sizes = [1, 256], strides = [1, 1]} : vector<128x256xf32> to vector<1x256xf32>
    %slice3A_1860 = vector.extract_strided_slice %get3A_156 {offsets = [0, 15], sizes = [1, 1], strides = [1, 1]} : vector<1x16xf32> to vector<1x1xf32>
    %squeeze3A_1861 = vector.extract %slice3A_1860[0, 0] : f32 from vector<1x1xf32>
    %mul3A_1862 = vector.broadcast %squeeze3A_1861 : f32 to vector<33x256xf32>
    %mul3A_1863 = arith.mulf %mul3A_1631, %mul3A_1862 : vector<33x256xf32>
    %logistic3A_1864 = arith.negf %mul3A_1863 : vector<33x256xf32>
    %logistic3A_1865 = math.exp %logistic3A_1864 : vector<33x256xf32>
    %logistic3A_1866 = arith.constant 1.000000e+00 : f32
    %logistic3A_1867 = vector.broadcast %logistic3A_1866 : f32 to vector<33x256xf32>
    %logistic3A_1868 = arith.addf %logistic3A_1867, %logistic3A_1865 : vector<33x256xf32>
    %logistic3A_1869 = arith.divf %logistic3A_1867, %logistic3A_1868 : vector<33x256xf32>
    %mul3A_1870 = arith.mulf %mul3A_1863, %logistic3A_1869 : vector<33x256xf32>
    %mul3A_1871 = vector.broadcast %slice3A_1859 : vector<1x256xf32> to vector<33x256xf32>
    %mul3A_1872 = arith.mulf %mul3A_1871, %mul3A_1870 : vector<33x256xf32>
    %add3A_1873 = arith.addf %add3A_1858, %mul3A_1872 : vector<33x256xf32>
    %mul3A_1874 = arith.constant 2.500000e-01 : f32
    %mul3A_1875 = vector.broadcast %mul3A_1874 : f32 to vector<33x256xf32>
    %mul3A_1876 = arith.mulf %add3A_1873, %mul3A_1875 : vector<33x256xf32>
    %jit3A_1877 = arith.constant 0xFF800000 : f32
    %broadcast_in_dim3A_1878 = vector.broadcast %jit3A_1877 : f32 to vector<33x256xf32>
    %select_n3A_1879 = arith.select %transpose3A_164, %mul3A_1876, %broadcast_in_dim3A_1878 : vector<33x256xi1>, vector<33x256xf32>
    %reduce_max3A_1880 = arith.constant dense<0xFF800000> : vector<256xf32>
    %reduce_max3A_1881 = vector.multi_reduction <maximumf>, %select_n3A_1879, %reduce_max3A_1880 [0] : vector<33x256xf32> to vector<256xf32>
    %broadcast_in_dim3A_1882 = vector.shape_cast %reduce_max3A_1881 : vector<256xf32> to vector<1x256xf32>
    %sub3A_1883 = vector.broadcast %broadcast_in_dim3A_1882 : vector<1x256xf32> to vector<33x256xf32>
    %sub3A_1884 = arith.subf %select_n3A_1879, %sub3A_1883 : vector<33x256xf32>
    %exp3A_1885 = math.exp %sub3A_1884 : vector<33x256xf32>
    %reduce_sum3A_1886 = arith.constant dense<0.000000e+00> : vector<256xf32>
    %reduce_sum3A_1887 = vector.multi_reduction <add>, %exp3A_1885, %reduce_sum3A_1886 [0] : vector<33x256xf32> to vector<256xf32>
    %broadcast_in_dim3A_1888 = vector.shape_cast %reduce_sum3A_1887 : vector<256xf32> to vector<1x256xf32>
    %div3A_1889 = vector.broadcast %broadcast_in_dim3A_1888 : vector<1x256xf32> to vector<33x256xf32>
    %div3A_1890 = arith.divf %exp3A_1885, %div3A_1889 : vector<33x256xf32>
    %neg3A_1891 = arith.constant 0.000000e+00 : f32
    %neg3A_1892 = vector.broadcast %neg3A_1891 : f32 to vector<33x256xf32>
    %neg3A_1893 = arith.subf %neg3A_1892, %mul3A_1631 : vector<33x256xf32>
    %slice3A_1894 = vector.extract_strided_slice %transpose3A_162 {offsets = [5, 0], sizes = [1, 256], strides = [1, 1]} : vector<8x256xf32> to vector<1x256xf32>
    %jit3A_1895 = arith.constant 1.000000e-01 : f32
    %max3A_1896 = vector.broadcast %jit3A_1895 : f32 to vector<1x256xf32>
    %max3A_1897 = arith.maximumf %max3A_1896, %slice3A_1894 : vector<1x256xf32>
    %div3A_1898 = vector.broadcast %max3A_1897 : vector<1x256xf32> to vector<33x256xf32>
    %div3A_1899 = arith.divf %neg3A_1893, %div3A_1898 : vector<33x256xf32>
    %exp3A_1900 = math.exp %div3A_1899 : vector<33x256xf32>
    %mul3A_1901 = arith.mulf %div3A_1890, %exp3A_1900 : vector<33x256xf32>
    %mul3A_1902 = arith.mulf %mul3A_1901, %convert_element_type3A_166 : vector<33x256xf32>
    %reduce_sum3A_1903 = arith.constant dense<0.000000e+00> : vector<256xf32>
    %reduce_sum3A_1904 = vector.multi_reduction <add>, %mul3A_1902, %reduce_sum3A_1903 [0] : vector<33x256xf32> to vector<256xf32>
    %broadcast_in_dim3A_1905 = vector.shape_cast %reduce_sum3A_1904 : vector<256xf32> to vector<1x256xf32>
    %add3A_1906 = arith.constant 9.99999993E-9 : f32
    %add3A_1907 = vector.broadcast %add3A_1906 : f32 to vector<1x256xf32>
    %add3A_1908 = arith.addf %broadcast_in_dim3A_1905, %add3A_1907 : vector<1x256xf32>
    %div3A_1909 = vector.broadcast %add3A_1908 : vector<1x256xf32> to vector<33x256xf32>
    %div3A_1910 = arith.divf %mul3A_1902, %div3A_1909 : vector<33x256xf32>
    %transpose3A_1911 = tpu.transpose %div3A_1910, [1, 0] : vector<33x256xf32> -> vector<256x33xf32>
    %broadcast_in_dim3A_1912 = arith.constant 0.000000e+00 : f32
    %broadcast_in_dim3A_1913 = vector.broadcast %broadcast_in_dim3A_1912 : f32 to vector<256x15xf32>
    %concatenate3A_1914 = tpu.concatenate %transpose3A_1911, %broadcast_in_dim3A_1913 in 1 : vector<256x33xf32>, vector<256x15xf32> -> vector<256x48xf32>
    %swap3A_1915 = arith.constant 5 : index
    %swap3A_1916 = arith.constant 0 : index
    %swap3A_1917 = arith.constant 0 : index
    %swap3A_1918 = vector.load %arg7[%swap3A_1915, %swap3A_1916, %swap3A_1917] : memref<8x256x48xf32, #tpu.memory_space<vmem>>, vector<1x256x48xf32>
    %swap3A_1919 = vector.shape_cast %swap3A_1918 : vector<1x256x48xf32> to vector<256x48xf32>
    %swap3A_1920 = vector.shape_cast %concatenate3A_1914 : vector<256x48xf32> to vector<1x256x48xf32>
    tpu.vector_store %arg7[%swap3A_1915, %swap3A_1916, %swap3A_1917], %swap3A_1920 {strides = array<i32>} : memref<8x256x48xf32, #tpu.memory_space<vmem>>, vector<1x256x48xf32>,
    %slice3A_1921 = vector.extract_strided_slice %transpose3A {offsets = [6, 0], sizes = [1, 256], strides = [1, 1]} : vector<8x256xf32> to vector<1x256xf32>
    %mul3A_1922 = vector.broadcast %abs3A : vector<33x1xf32> to vector<33x256xf32>
    %mul3A_1923 = vector.broadcast %slice3A_1921 : vector<1x256xf32> to vector<33x256xf32>
    %mul3A_1924 = arith.mulf %mul3A_1922, %mul3A_1923 : vector<33x256xf32>
    %broadcast_in_dim3A_1925 = arith.constant 0.000000e+00 : f32
    %broadcast_in_dim3A_1926 = vector.broadcast %broadcast_in_dim3A_1925 : f32 to vector<33x256xf32>
    %slice3A_1927 = vector.extract_strided_slice %transpose3A_163 {offsets = [6, 0], sizes = [1, 256], strides = [1, 1]} : vector<128x256xf32> to vector<1x256xf32>
    %slice3A_1928 = vector.extract_strided_slice %get3A_156 {offsets = [0, 0], sizes = [1, 1], strides = [1, 1]} : vector<1x16xf32> to vector<1x1xf32>
    %squeeze3A_1929 = vector.extract %slice3A_1928[0, 0] : f32 from vector<1x1xf32>
    %mul3A_1930 = vector.broadcast %squeeze3A_1929 : f32 to vector<33x256xf32>
    %mul3A_1931 = arith.mulf %mul3A_1924, %mul3A_1930 : vector<33x256xf32>
    %logistic3A_1932 = arith.negf %mul3A_1931 : vector<33x256xf32>
    %logistic3A_1933 = math.exp %logistic3A_1932 : vector<33x256xf32>
    %logistic3A_1934 = arith.constant 1.000000e+00 : f32
    %logistic3A_1935 = vector.broadcast %logistic3A_1934 : f32 to vector<33x256xf32>
    %logistic3A_1936 = arith.addf %logistic3A_1935, %logistic3A_1933 : vector<33x256xf32>
    %logistic3A_1937 = arith.divf %logistic3A_1935, %logistic3A_1936 : vector<33x256xf32>
    %mul3A_1938 = arith.mulf %mul3A_1931, %logistic3A_1937 : vector<33x256xf32>
    %mul3A_1939 = vector.broadcast %slice3A_1927 : vector<1x256xf32> to vector<33x256xf32>
    %mul3A_1940 = arith.mulf %mul3A_1939, %mul3A_1938 : vector<33x256xf32>
    %add3A_1941 = arith.addf %broadcast_in_dim3A_1926, %mul3A_1940 : vector<33x256xf32>
    %slice3A_1942 = vector.extract_strided_slice %transpose3A_163 {offsets = [14, 0], sizes = [1, 256], strides = [1, 1]} : vector<128x256xf32> to vector<1x256xf32>
    %slice3A_1943 = vector.extract_strided_slice %get3A_156 {offsets = [0, 1], sizes = [1, 1], strides = [1, 1]} : vector<1x16xf32> to vector<1x1xf32>
    %squeeze3A_1944 = vector.extract %slice3A_1943[0, 0] : f32 from vector<1x1xf32>
    %mul3A_1945 = vector.broadcast %squeeze3A_1944 : f32 to vector<33x256xf32>
    %mul3A_1946 = arith.mulf %mul3A_1924, %mul3A_1945 : vector<33x256xf32>
    %logistic3A_1947 = arith.negf %mul3A_1946 : vector<33x256xf32>
    %logistic3A_1948 = math.exp %logistic3A_1947 : vector<33x256xf32>
    %logistic3A_1949 = arith.constant 1.000000e+00 : f32
    %logistic3A_1950 = vector.broadcast %logistic3A_1949 : f32 to vector<33x256xf32>
    %logistic3A_1951 = arith.addf %logistic3A_1950, %logistic3A_1948 : vector<33x256xf32>
    %logistic3A_1952 = arith.divf %logistic3A_1950, %logistic3A_1951 : vector<33x256xf32>
    %mul3A_1953 = arith.mulf %mul3A_1946, %logistic3A_1952 : vector<33x256xf32>
    %mul3A_1954 = vector.broadcast %slice3A_1942 : vector<1x256xf32> to vector<33x256xf32>
    %mul3A_1955 = arith.mulf %mul3A_1954, %mul3A_1953 : vector<33x256xf32>
    %add3A_1956 = arith.addf %add3A_1941, %mul3A_1955 : vector<33x256xf32>
    %slice3A_1957 = vector.extract_strided_slice %transpose3A_163 {offsets = [22, 0], sizes = [1, 256], strides = [1, 1]} : vector<128x256xf32> to vector<1x256xf32>
    %slice3A_1958 = vector.extract_strided_slice %get3A_156 {offsets = [0, 2], sizes = [1, 1], strides = [1, 1]} : vector<1x16xf32> to vector<1x1xf32>
    %squeeze3A_1959 = vector.extract %slice3A_1958[0, 0] : f32 from vector<1x1xf32>
    %mul3A_1960 = vector.broadcast %squeeze3A_1959 : f32 to vector<33x256xf32>
    %mul3A_1961 = arith.mulf %mul3A_1924, %mul3A_1960 : vector<33x256xf32>
    %logistic3A_1962 = arith.negf %mul3A_1961 : vector<33x256xf32>
    %logistic3A_1963 = math.exp %logistic3A_1962 : vector<33x256xf32>
    %logistic3A_1964 = arith.constant 1.000000e+00 : f32
    %logistic3A_1965 = vector.broadcast %logistic3A_1964 : f32 to vector<33x256xf32>
    %logistic3A_1966 = arith.addf %logistic3A_1965, %logistic3A_1963 : vector<33x256xf32>
    %logistic3A_1967 = arith.divf %logistic3A_1965, %logistic3A_1966 : vector<33x256xf32>
    %mul3A_1968 = arith.mulf %mul3A_1961, %logistic3A_1967 : vector<33x256xf32>
    %mul3A_1969 = vector.broadcast %slice3A_1957 : vector<1x256xf32> to vector<33x256xf32>
    %mul3A_1970 = arith.mulf %mul3A_1969, %mul3A_1968 : vector<33x256xf32>
    %add3A_1971 = arith.addf %add3A_1956, %mul3A_1970 : vector<33x256xf32>
    %slice3A_1972 = vector.extract_strided_slice %transpose3A_163 {offsets = [30, 0], sizes = [1, 256], strides = [1, 1]} : vector<128x256xf32> to vector<1x256xf32>
    %slice3A_1973 = vector.extract_strided_slice %get3A_156 {offsets = [0, 3], sizes = [1, 1], strides = [1, 1]} : vector<1x16xf32> to vector<1x1xf32>
    %squeeze3A_1974 = vector.extract %slice3A_1973[0, 0] : f32 from vector<1x1xf32>
    %mul3A_1975 = vector.broadcast %squeeze3A_1974 : f32 to vector<33x256xf32>
    %mul3A_1976 = arith.mulf %mul3A_1924, %mul3A_1975 : vector<33x256xf32>
    %logistic3A_1977 = arith.negf %mul3A_1976 : vector<33x256xf32>
    %logistic3A_1978 = math.exp %logistic3A_1977 : vector<33x256xf32>
    %logistic3A_1979 = arith.constant 1.000000e+00 : f32
    %logistic3A_1980 = vector.broadcast %logistic3A_1979 : f32 to vector<33x256xf32>
    %logistic3A_1981 = arith.addf %logistic3A_1980, %logistic3A_1978 : vector<33x256xf32>
    %logistic3A_1982 = arith.divf %logistic3A_1980, %logistic3A_1981 : vector<33x256xf32>
    %mul3A_1983 = arith.mulf %mul3A_1976, %logistic3A_1982 : vector<33x256xf32>
    %mul3A_1984 = vector.broadcast %slice3A_1972 : vector<1x256xf32> to vector<33x256xf32>
    %mul3A_1985 = arith.mulf %mul3A_1984, %mul3A_1983 : vector<33x256xf32>
    %add3A_1986 = arith.addf %add3A_1971, %mul3A_1985 : vector<33x256xf32>
    %slice3A_1987 = vector.extract_strided_slice %transpose3A_163 {offsets = [38, 0], sizes = [1, 256], strides = [1, 1]} : vector<128x256xf32> to vector<1x256xf32>
    %slice3A_1988 = vector.extract_strided_slice %get3A_156 {offsets = [0, 4], sizes = [1, 1], strides = [1, 1]} : vector<1x16xf32> to vector<1x1xf32>
    %squeeze3A_1989 = vector.extract %slice3A_1988[0, 0] : f32 from vector<1x1xf32>
    %mul3A_1990 = vector.broadcast %squeeze3A_1989 : f32 to vector<33x256xf32>
    %mul3A_1991 = arith.mulf %mul3A_1924, %mul3A_1990 : vector<33x256xf32>
    %logistic3A_1992 = arith.negf %mul3A_1991 : vector<33x256xf32>
    %logistic3A_1993 = math.exp %logistic3A_1992 : vector<33x256xf32>
    %logistic3A_1994 = arith.constant 1.000000e+00 : f32
    %logistic3A_1995 = vector.broadcast %logistic3A_1994 : f32 to vector<33x256xf32>
    %logistic3A_1996 = arith.addf %logistic3A_1995, %logistic3A_1993 : vector<33x256xf32>
    %logistic3A_1997 = arith.divf %logistic3A_1995, %logistic3A_1996 : vector<33x256xf32>
    %mul3A_1998 = arith.mulf %mul3A_1991, %logistic3A_1997 : vector<33x256xf32>
    %mul3A_1999 = vector.broadcast %slice3A_1987 : vector<1x256xf32> to vector<33x256xf32>
    %mul3A_2000 = arith.mulf %mul3A_1999, %mul3A_1998 : vector<33x256xf32>
    %add3A_2001 = arith.addf %add3A_1986, %mul3A_2000 : vector<33x256xf32>
    %slice3A_2002 = vector.extract_strided_slice %transpose3A_163 {offsets = [46, 0], sizes = [1, 256], strides = [1, 1]} : vector<128x256xf32> to vector<1x256xf32>
    %slice3A_2003 = vector.extract_strided_slice %get3A_156 {offsets = [0, 5], sizes = [1, 1], strides = [1, 1]} : vector<1x16xf32> to vector<1x1xf32>
    %squeeze3A_2004 = vector.extract %slice3A_2003[0, 0] : f32 from vector<1x1xf32>
    %mul3A_2005 = vector.broadcast %squeeze3A_2004 : f32 to vector<33x256xf32>
    %mul3A_2006 = arith.mulf %mul3A_1924, %mul3A_2005 : vector<33x256xf32>
    %logistic3A_2007 = arith.negf %mul3A_2006 : vector<33x256xf32>
    %logistic3A_2008 = math.exp %logistic3A_2007 : vector<33x256xf32>
    %logistic3A_2009 = arith.constant 1.000000e+00 : f32
    %logistic3A_2010 = vector.broadcast %logistic3A_2009 : f32 to vector<33x256xf32>
    %logistic3A_2011 = arith.addf %logistic3A_2010, %logistic3A_2008 : vector<33x256xf32>
    %logistic3A_2012 = arith.divf %logistic3A_2010, %logistic3A_2011 : vector<33x256xf32>
    %mul3A_2013 = arith.mulf %mul3A_2006, %logistic3A_2012 : vector<33x256xf32>
    %mul3A_2014 = vector.broadcast %slice3A_2002 : vector<1x256xf32> to vector<33x256xf32>
    %mul3A_2015 = arith.mulf %mul3A_2014, %mul3A_2013 : vector<33x256xf32>
    %add3A_2016 = arith.addf %add3A_2001, %mul3A_2015 : vector<33x256xf32>
    %slice3A_2017 = vector.extract_strided_slice %transpose3A_163 {offsets = [54, 0], sizes = [1, 256], strides = [1, 1]} : vector<128x256xf32> to vector<1x256xf32>
    %slice3A_2018 = vector.extract_strided_slice %get3A_156 {offsets = [0, 6], sizes = [1, 1], strides = [1, 1]} : vector<1x16xf32> to vector<1x1xf32>
    %squeeze3A_2019 = vector.extract %slice3A_2018[0, 0] : f32 from vector<1x1xf32>
    %mul3A_2020 = vector.broadcast %squeeze3A_2019 : f32 to vector<33x256xf32>
    %mul3A_2021 = arith.mulf %mul3A_1924, %mul3A_2020 : vector<33x256xf32>
    %logistic3A_2022 = arith.negf %mul3A_2021 : vector<33x256xf32>
    %logistic3A_2023 = math.exp %logistic3A_2022 : vector<33x256xf32>
    %logistic3A_2024 = arith.constant 1.000000e+00 : f32
    %logistic3A_2025 = vector.broadcast %logistic3A_2024 : f32 to vector<33x256xf32>
    %logistic3A_2026 = arith.addf %logistic3A_2025, %logistic3A_2023 : vector<33x256xf32>
    %logistic3A_2027 = arith.divf %logistic3A_2025, %logistic3A_2026 : vector<33x256xf32>
    %mul3A_2028 = arith.mulf %mul3A_2021, %logistic3A_2027 : vector<33x256xf32>
    %mul3A_2029 = vector.broadcast %slice3A_2017 : vector<1x256xf32> to vector<33x256xf32>
    %mul3A_2030 = arith.mulf %mul3A_2029, %mul3A_2028 : vector<33x256xf32>
    %add3A_2031 = arith.addf %add3A_2016, %mul3A_2030 : vector<33x256xf32>
    %slice3A_2032 = vector.extract_strided_slice %transpose3A_163 {offsets = [62, 0], sizes = [1, 256], strides = [1, 1]} : vector<128x256xf32> to vector<1x256xf32>
    %slice3A_2033 = vector.extract_strided_slice %get3A_156 {offsets = [0, 7], sizes = [1, 1], strides = [1, 1]} : vector<1x16xf32> to vector<1x1xf32>
    %squeeze3A_2034 = vector.extract %slice3A_2033[0, 0] : f32 from vector<1x1xf32>
    %mul3A_2035 = vector.broadcast %squeeze3A_2034 : f32 to vector<33x256xf32>
    %mul3A_2036 = arith.mulf %mul3A_1924, %mul3A_2035 : vector<33x256xf32>
    %logistic3A_2037 = arith.negf %mul3A_2036 : vector<33x256xf32>
    %logistic3A_2038 = math.exp %logistic3A_2037 : vector<33x256xf32>
    %logistic3A_2039 = arith.constant 1.000000e+00 : f32
    %logistic3A_2040 = vector.broadcast %logistic3A_2039 : f32 to vector<33x256xf32>
    %logistic3A_2041 = arith.addf %logistic3A_2040, %logistic3A_2038 : vector<33x256xf32>
    %logistic3A_2042 = arith.divf %logistic3A_2040, %logistic3A_2041 : vector<33x256xf32>
    %mul3A_2043 = arith.mulf %mul3A_2036, %logistic3A_2042 : vector<33x256xf32>
    %mul3A_2044 = vector.broadcast %slice3A_2032 : vector<1x256xf32> to vector<33x256xf32>
    %mul3A_2045 = arith.mulf %mul3A_2044, %mul3A_2043 : vector<33x256xf32>
    %add3A_2046 = arith.addf %add3A_2031, %mul3A_2045 : vector<33x256xf32>
    %slice3A_2047 = vector.extract_strided_slice %transpose3A_163 {offsets = [70, 0], sizes = [1, 256], strides = [1, 1]} : vector<128x256xf32> to vector<1x256xf32>
    %slice3A_2048 = vector.extract_strided_slice %get3A_156 {offsets = [0, 8], sizes = [1, 1], strides = [1, 1]} : vector<1x16xf32> to vector<1x1xf32>
    %squeeze3A_2049 = vector.extract %slice3A_2048[0, 0] : f32 from vector<1x1xf32>
    %mul3A_2050 = vector.broadcast %squeeze3A_2049 : f32 to vector<33x256xf32>
    %mul3A_2051 = arith.mulf %mul3A_1924, %mul3A_2050 : vector<33x256xf32>
    %logistic3A_2052 = arith.negf %mul3A_2051 : vector<33x256xf32>
    %logistic3A_2053 = math.exp %logistic3A_2052 : vector<33x256xf32>
    %logistic3A_2054 = arith.constant 1.000000e+00 : f32
    %logistic3A_2055 = vector.broadcast %logistic3A_2054 : f32 to vector<33x256xf32>
    %logistic3A_2056 = arith.addf %logistic3A_2055, %logistic3A_2053 : vector<33x256xf32>
    %logistic3A_2057 = arith.divf %logistic3A_2055, %logistic3A_2056 : vector<33x256xf32>
    %mul3A_2058 = arith.mulf %mul3A_2051, %logistic3A_2057 : vector<33x256xf32>
    %mul3A_2059 = vector.broadcast %slice3A_2047 : vector<1x256xf32> to vector<33x256xf32>
    %mul3A_2060 = arith.mulf %mul3A_2059, %mul3A_2058 : vector<33x256xf32>
    %add3A_2061 = arith.addf %add3A_2046, %mul3A_2060 : vector<33x256xf32>
    %slice3A_2062 = vector.extract_strided_slice %transpose3A_163 {offsets = [78, 0], sizes = [1, 256], strides = [1, 1]} : vector<128x256xf32> to vector<1x256xf32>
    %slice3A_2063 = vector.extract_strided_slice %get3A_156 {offsets = [0, 9], sizes = [1, 1], strides = [1, 1]} : vector<1x16xf32> to vector<1x1xf32>
    %squeeze3A_2064 = vector.extract %slice3A_2063[0, 0] : f32 from vector<1x1xf32>
    %mul3A_2065 = vector.broadcast %squeeze3A_2064 : f32 to vector<33x256xf32>
    %mul3A_2066 = arith.mulf %mul3A_1924, %mul3A_2065 : vector<33x256xf32>
    %logistic3A_2067 = arith.negf %mul3A_2066 : vector<33x256xf32>
    %logistic3A_2068 = math.exp %logistic3A_2067 : vector<33x256xf32>
    %logistic3A_2069 = arith.constant 1.000000e+00 : f32
    %logistic3A_2070 = vector.broadcast %logistic3A_2069 : f32 to vector<33x256xf32>
    %logistic3A_2071 = arith.addf %logistic3A_2070, %logistic3A_2068 : vector<33x256xf32>
    %logistic3A_2072 = arith.divf %logistic3A_2070, %logistic3A_2071 : vector<33x256xf32>
    %mul3A_2073 = arith.mulf %mul3A_2066, %logistic3A_2072 : vector<33x256xf32>
    %mul3A_2074 = vector.broadcast %slice3A_2062 : vector<1x256xf32> to vector<33x256xf32>
    %mul3A_2075 = arith.mulf %mul3A_2074, %mul3A_2073 : vector<33x256xf32>
    %add3A_2076 = arith.addf %add3A_2061, %mul3A_2075 : vector<33x256xf32>
    %slice3A_2077 = vector.extract_strided_slice %transpose3A_163 {offsets = [86, 0], sizes = [1, 256], strides = [1, 1]} : vector<128x256xf32> to vector<1x256xf32>
    %slice3A_2078 = vector.extract_strided_slice %get3A_156 {offsets = [0, 10], sizes = [1, 1], strides = [1, 1]} : vector<1x16xf32> to vector<1x1xf32>
    %squeeze3A_2079 = vector.extract %slice3A_2078[0, 0] : f32 from vector<1x1xf32>
    %mul3A_2080 = vector.broadcast %squeeze3A_2079 : f32 to vector<33x256xf32>
    %mul3A_2081 = arith.mulf %mul3A_1924, %mul3A_2080 : vector<33x256xf32>
    %logistic3A_2082 = arith.negf %mul3A_2081 : vector<33x256xf32>
    %logistic3A_2083 = math.exp %logistic3A_2082 : vector<33x256xf32>
    %logistic3A_2084 = arith.constant 1.000000e+00 : f32
    %logistic3A_2085 = vector.broadcast %logistic3A_2084 : f32 to vector<33x256xf32>
    %logistic3A_2086 = arith.addf %logistic3A_2085, %logistic3A_2083 : vector<33x256xf32>
    %logistic3A_2087 = arith.divf %logistic3A_2085, %logistic3A_2086 : vector<33x256xf32>
    %mul3A_2088 = arith.mulf %mul3A_2081, %logistic3A_2087 : vector<33x256xf32>
    %mul3A_2089 = vector.broadcast %slice3A_2077 : vector<1x256xf32> to vector<33x256xf32>
    %mul3A_2090 = arith.mulf %mul3A_2089, %mul3A_2088 : vector<33x256xf32>
    %add3A_2091 = arith.addf %add3A_2076, %mul3A_2090 : vector<33x256xf32>
    %slice3A_2092 = vector.extract_strided_slice %transpose3A_163 {offsets = [94, 0], sizes = [1, 256], strides = [1, 1]} : vector<128x256xf32> to vector<1x256xf32>
    %slice3A_2093 = vector.extract_strided_slice %get3A_156 {offsets = [0, 11], sizes = [1, 1], strides = [1, 1]} : vector<1x16xf32> to vector<1x1xf32>
    %squeeze3A_2094 = vector.extract %slice3A_2093[0, 0] : f32 from vector<1x1xf32>
    %mul3A_2095 = vector.broadcast %squeeze3A_2094 : f32 to vector<33x256xf32>
    %mul3A_2096 = arith.mulf %mul3A_1924, %mul3A_2095 : vector<33x256xf32>
    %logistic3A_2097 = arith.negf %mul3A_2096 : vector<33x256xf32>
    %logistic3A_2098 = math.exp %logistic3A_2097 : vector<33x256xf32>
    %logistic3A_2099 = arith.constant 1.000000e+00 : f32
    %logistic3A_2100 = vector.broadcast %logistic3A_2099 : f32 to vector<33x256xf32>
    %logistic3A_2101 = arith.addf %logistic3A_2100, %logistic3A_2098 : vector<33x256xf32>
    %logistic3A_2102 = arith.divf %logistic3A_2100, %logistic3A_2101 : vector<33x256xf32>
    %mul3A_2103 = arith.mulf %mul3A_2096, %logistic3A_2102 : vector<33x256xf32>
    %mul3A_2104 = vector.broadcast %slice3A_2092 : vector<1x256xf32> to vector<33x256xf32>
    %mul3A_2105 = arith.mulf %mul3A_2104, %mul3A_2103 : vector<33x256xf32>
    %add3A_2106 = arith.addf %add3A_2091, %mul3A_2105 : vector<33x256xf32>
    %slice3A_2107 = vector.extract_strided_slice %transpose3A_163 {offsets = [102, 0], sizes = [1, 256], strides = [1, 1]} : vector<128x256xf32> to vector<1x256xf32>
    %slice3A_2108 = vector.extract_strided_slice %get3A_156 {offsets = [0, 12], sizes = [1, 1], strides = [1, 1]} : vector<1x16xf32> to vector<1x1xf32>
    %squeeze3A_2109 = vector.extract %slice3A_2108[0, 0] : f32 from vector<1x1xf32>
    %mul3A_2110 = vector.broadcast %squeeze3A_2109 : f32 to vector<33x256xf32>
    %mul3A_2111 = arith.mulf %mul3A_1924, %mul3A_2110 : vector<33x256xf32>
    %logistic3A_2112 = arith.negf %mul3A_2111 : vector<33x256xf32>
    %logistic3A_2113 = math.exp %logistic3A_2112 : vector<33x256xf32>
    %logistic3A_2114 = arith.constant 1.000000e+00 : f32
    %logistic3A_2115 = vector.broadcast %logistic3A_2114 : f32 to vector<33x256xf32>
    %logistic3A_2116 = arith.addf %logistic3A_2115, %logistic3A_2113 : vector<33x256xf32>
    %logistic3A_2117 = arith.divf %logistic3A_2115, %logistic3A_2116 : vector<33x256xf32>
    %mul3A_2118 = arith.mulf %mul3A_2111, %logistic3A_2117 : vector<33x256xf32>
    %mul3A_2119 = vector.broadcast %slice3A_2107 : vector<1x256xf32> to vector<33x256xf32>
    %mul3A_2120 = arith.mulf %mul3A_2119, %mul3A_2118 : vector<33x256xf32>
    %add3A_2121 = arith.addf %add3A_2106, %mul3A_2120 : vector<33x256xf32>
    %slice3A_2122 = vector.extract_strided_slice %transpose3A_163 {offsets = [110, 0], sizes = [1, 256], strides = [1, 1]} : vector<128x256xf32> to vector<1x256xf32>
    %slice3A_2123 = vector.extract_strided_slice %get3A_156 {offsets = [0, 13], sizes = [1, 1], strides = [1, 1]} : vector<1x16xf32> to vector<1x1xf32>
    %squeeze3A_2124 = vector.extract %slice3A_2123[0, 0] : f32 from vector<1x1xf32>
    %mul3A_2125 = vector.broadcast %squeeze3A_2124 : f32 to vector<33x256xf32>
    %mul3A_2126 = arith.mulf %mul3A_1924, %mul3A_2125 : vector<33x256xf32>
    %logistic3A_2127 = arith.negf %mul3A_2126 : vector<33x256xf32>
    %logistic3A_2128 = math.exp %logistic3A_2127 : vector<33x256xf32>
    %logistic3A_2129 = arith.constant 1.000000e+00 : f32
    %logistic3A_2130 = vector.broadcast %logistic3A_2129 : f32 to vector<33x256xf32>
    %logistic3A_2131 = arith.addf %logistic3A_2130, %logistic3A_2128 : vector<33x256xf32>
    %logistic3A_2132 = arith.divf %logistic3A_2130, %logistic3A_2131 : vector<33x256xf32>
    %mul3A_2133 = arith.mulf %mul3A_2126, %logistic3A_2132 : vector<33x256xf32>
    %mul3A_2134 = vector.broadcast %slice3A_2122 : vector<1x256xf32> to vector<33x256xf32>
    %mul3A_2135 = arith.mulf %mul3A_2134, %mul3A_2133 : vector<33x256xf32>
    %add3A_2136 = arith.addf %add3A_2121, %mul3A_2135 : vector<33x256xf32>
    %slice3A_2137 = vector.extract_strided_slice %transpose3A_163 {offsets = [118, 0], sizes = [1, 256], strides = [1, 1]} : vector<128x256xf32> to vector<1x256xf32>
    %slice3A_2138 = vector.extract_strided_slice %get3A_156 {offsets = [0, 14], sizes = [1, 1], strides = [1, 1]} : vector<1x16xf32> to vector<1x1xf32>
    %squeeze3A_2139 = vector.extract %slice3A_2138[0, 0] : f32 from vector<1x1xf32>
    %mul3A_2140 = vector.broadcast %squeeze3A_2139 : f32 to vector<33x256xf32>
    %mul3A_2141 = arith.mulf %mul3A_1924, %mul3A_2140 : vector<33x256xf32>
    %logistic3A_2142 = arith.negf %mul3A_2141 : vector<33x256xf32>
    %logistic3A_2143 = math.exp %logistic3A_2142 : vector<33x256xf32>
    %logistic3A_2144 = arith.constant 1.000000e+00 : f32
    %logistic3A_2145 = vector.broadcast %logistic3A_2144 : f32 to vector<33x256xf32>
    %logistic3A_2146 = arith.addf %logistic3A_2145, %logistic3A_2143 : vector<33x256xf32>
    %logistic3A_2147 = arith.divf %logistic3A_2145, %logistic3A_2146 : vector<33x256xf32>
    %mul3A_2148 = arith.mulf %mul3A_2141, %logistic3A_2147 : vector<33x256xf32>
    %mul3A_2149 = vector.broadcast %slice3A_2137 : vector<1x256xf32> to vector<33x256xf32>
    %mul3A_2150 = arith.mulf %mul3A_2149, %mul3A_2148 : vector<33x256xf32>
    %add3A_2151 = arith.addf %add3A_2136, %mul3A_2150 : vector<33x256xf32>
    %slice3A_2152 = vector.extract_strided_slice %transpose3A_163 {offsets = [126, 0], sizes = [1, 256], strides = [1, 1]} : vector<128x256xf32> to vector<1x256xf32>
    %slice3A_2153 = vector.extract_strided_slice %get3A_156 {offsets = [0, 15], sizes = [1, 1], strides = [1, 1]} : vector<1x16xf32> to vector<1x1xf32>
    %squeeze3A_2154 = vector.extract %slice3A_2153[0, 0] : f32 from vector<1x1xf32>
    %mul3A_2155 = vector.broadcast %squeeze3A_2154 : f32 to vector<33x256xf32>
    %mul3A_2156 = arith.mulf %mul3A_1924, %mul3A_2155 : vector<33x256xf32>
    %logistic3A_2157 = arith.negf %mul3A_2156 : vector<33x256xf32>
    %logistic3A_2158 = math.exp %logistic3A_2157 : vector<33x256xf32>
    %logistic3A_2159 = arith.constant 1.000000e+00 : f32
    %logistic3A_2160 = vector.broadcast %logistic3A_2159 : f32 to vector<33x256xf32>
    %logistic3A_2161 = arith.addf %logistic3A_2160, %logistic3A_2158 : vector<33x256xf32>
    %logistic3A_2162 = arith.divf %logistic3A_2160, %logistic3A_2161 : vector<33x256xf32>
    %mul3A_2163 = arith.mulf %mul3A_2156, %logistic3A_2162 : vector<33x256xf32>
    %mul3A_2164 = vector.broadcast %slice3A_2152 : vector<1x256xf32> to vector<33x256xf32>
    %mul3A_2165 = arith.mulf %mul3A_2164, %mul3A_2163 : vector<33x256xf32>
    %add3A_2166 = arith.addf %add3A_2151, %mul3A_2165 : vector<33x256xf32>
    %mul3A_2167 = arith.constant 2.500000e-01 : f32
    %mul3A_2168 = vector.broadcast %mul3A_2167 : f32 to vector<33x256xf32>
    %mul3A_2169 = arith.mulf %add3A_2166, %mul3A_2168 : vector<33x256xf32>
    %jit3A_2170 = arith.constant 0xFF800000 : f32
    %broadcast_in_dim3A_2171 = vector.broadcast %jit3A_2170 : f32 to vector<33x256xf32>
    %select_n3A_2172 = arith.select %transpose3A_164, %mul3A_2169, %broadcast_in_dim3A_2171 : vector<33x256xi1>, vector<33x256xf32>
    %reduce_max3A_2173 = arith.constant dense<0xFF800000> : vector<256xf32>
    %reduce_max3A_2174 = vector.multi_reduction <maximumf>, %select_n3A_2172, %reduce_max3A_2173 [0] : vector<33x256xf32> to vector<256xf32>
    %broadcast_in_dim3A_2175 = vector.shape_cast %reduce_max3A_2174 : vector<256xf32> to vector<1x256xf32>
    %sub3A_2176 = vector.broadcast %broadcast_in_dim3A_2175 : vector<1x256xf32> to vector<33x256xf32>
    %sub3A_2177 = arith.subf %select_n3A_2172, %sub3A_2176 : vector<33x256xf32>
    %exp3A_2178 = math.exp %sub3A_2177 : vector<33x256xf32>
    %reduce_sum3A_2179 = arith.constant dense<0.000000e+00> : vector<256xf32>
    %reduce_sum3A_2180 = vector.multi_reduction <add>, %exp3A_2178, %reduce_sum3A_2179 [0] : vector<33x256xf32> to vector<256xf32>
    %broadcast_in_dim3A_2181 = vector.shape_cast %reduce_sum3A_2180 : vector<256xf32> to vector<1x256xf32>
    %div3A_2182 = vector.broadcast %broadcast_in_dim3A_2181 : vector<1x256xf32> to vector<33x256xf32>
    %div3A_2183 = arith.divf %exp3A_2178, %div3A_2182 : vector<33x256xf32>
    %neg3A_2184 = arith.constant 0.000000e+00 : f32
    %neg3A_2185 = vector.broadcast %neg3A_2184 : f32 to vector<33x256xf32>
    %neg3A_2186 = arith.subf %neg3A_2185, %mul3A_1924 : vector<33x256xf32>
    %slice3A_2187 = vector.extract_strided_slice %transpose3A_162 {offsets = [6, 0], sizes = [1, 256], strides = [1, 1]} : vector<8x256xf32> to vector<1x256xf32>
    %jit3A_2188 = arith.constant 1.000000e-01 : f32
    %max3A_2189 = vector.broadcast %jit3A_2188 : f32 to vector<1x256xf32>
    %max3A_2190 = arith.maximumf %max3A_2189, %slice3A_2187 : vector<1x256xf32>
    %div3A_2191 = vector.broadcast %max3A_2190 : vector<1x256xf32> to vector<33x256xf32>
    %div3A_2192 = arith.divf %neg3A_2186, %div3A_2191 : vector<33x256xf32>
    %exp3A_2193 = math.exp %div3A_2192 : vector<33x256xf32>
    %mul3A_2194 = arith.mulf %div3A_2183, %exp3A_2193 : vector<33x256xf32>
    %mul3A_2195 = arith.mulf %mul3A_2194, %convert_element_type3A_166 : vector<33x256xf32>
    %reduce_sum3A_2196 = arith.constant dense<0.000000e+00> : vector<256xf32>
    %reduce_sum3A_2197 = vector.multi_reduction <add>, %mul3A_2195, %reduce_sum3A_2196 [0] : vector<33x256xf32> to vector<256xf32>
    %broadcast_in_dim3A_2198 = vector.shape_cast %reduce_sum3A_2197 : vector<256xf32> to vector<1x256xf32>
    %add3A_2199 = arith.constant 9.99999993E-9 : f32
    %add3A_2200 = vector.broadcast %add3A_2199 : f32 to vector<1x256xf32>
    %add3A_2201 = arith.addf %broadcast_in_dim3A_2198, %add3A_2200 : vector<1x256xf32>
    %div3A_2202 = vector.broadcast %add3A_2201 : vector<1x256xf32> to vector<33x256xf32>
    %div3A_2203 = arith.divf %mul3A_2195, %div3A_2202 : vector<33x256xf32>
    %transpose3A_2204 = tpu.transpose %div3A_2203, [1, 0] : vector<33x256xf32> -> vector<256x33xf32>
    %broadcast_in_dim3A_2205 = arith.constant 0.000000e+00 : f32
    %broadcast_in_dim3A_2206 = vector.broadcast %broadcast_in_dim3A_2205 : f32 to vector<256x15xf32>
    %concatenate3A_2207 = tpu.concatenate %transpose3A_2204, %broadcast_in_dim3A_2206 in 1 : vector<256x33xf32>, vector<256x15xf32> -> vector<256x48xf32>
    %swap3A_2208 = arith.constant 6 : index
    %swap3A_2209 = arith.constant 0 : index
    %swap3A_2210 = arith.constant 0 : index
    %swap3A_2211 = vector.load %arg7[%swap3A_2208, %swap3A_2209, %swap3A_2210] : memref<8x256x48xf32, #tpu.memory_space<vmem>>, vector<1x256x48xf32>
    %swap3A_2212 = vector.shape_cast %swap3A_2211 : vector<1x256x48xf32> to vector<256x48xf32>
    %swap3A_2213 = vector.shape_cast %concatenate3A_2207 : vector<256x48xf32> to vector<1x256x48xf32>
    tpu.vector_store %arg7[%swap3A_2208, %swap3A_2209, %swap3A_2210], %swap3A_2213 {strides = array<i32>} : memref<8x256x48xf32, #tpu.memory_space<vmem>>, vector<1x256x48xf32>,
    %slice3A_2214 = vector.extract_strided_slice %transpose3A {offsets = [7, 0], sizes = [1, 256], strides = [1, 1]} : vector<8x256xf32> to vector<1x256xf32>
    %mul3A_2215 = vector.broadcast %abs3A : vector<33x1xf32> to vector<33x256xf32>
    %mul3A_2216 = vector.broadcast %slice3A_2214 : vector<1x256xf32> to vector<33x256xf32>
    %mul3A_2217 = arith.mulf %mul3A_2215, %mul3A_2216 : vector<33x256xf32>
    %broadcast_in_dim3A_2218 = arith.constant 0.000000e+00 : f32
    %broadcast_in_dim3A_2219 = vector.broadcast %broadcast_in_dim3A_2218 : f32 to vector<33x256xf32>
    %slice3A_2220 = vector.extract_strided_slice %transpose3A_163 {offsets = [7, 0], sizes = [1, 256], strides = [1, 1]} : vector<128x256xf32> to vector<1x256xf32>
    %slice3A_2221 = vector.extract_strided_slice %get3A_156 {offsets = [0, 0], sizes = [1, 1], strides = [1, 1]} : vector<1x16xf32> to vector<1x1xf32>
    %squeeze3A_2222 = vector.extract %slice3A_2221[0, 0] : f32 from vector<1x1xf32>
    %mul3A_2223 = vector.broadcast %squeeze3A_2222 : f32 to vector<33x256xf32>
    %mul3A_2224 = arith.mulf %mul3A_2217, %mul3A_2223 : vector<33x256xf32>
    %logistic3A_2225 = arith.negf %mul3A_2224 : vector<33x256xf32>
    %logistic3A_2226 = math.exp %logistic3A_2225 : vector<33x256xf32>
    %logistic3A_2227 = arith.constant 1.000000e+00 : f32
    %logistic3A_2228 = vector.broadcast %logistic3A_2227 : f32 to vector<33x256xf32>
    %logistic3A_2229 = arith.addf %logistic3A_2228, %logistic3A_2226 : vector<33x256xf32>
    %logistic3A_2230 = arith.divf %logistic3A_2228, %logistic3A_2229 : vector<33x256xf32>
    %mul3A_2231 = arith.mulf %mul3A_2224, %logistic3A_2230 : vector<33x256xf32>
    %mul3A_2232 = vector.broadcast %slice3A_2220 : vector<1x256xf32> to vector<33x256xf32>
    %mul3A_2233 = arith.mulf %mul3A_2232, %mul3A_2231 : vector<33x256xf32>
    %add3A_2234 = arith.addf %broadcast_in_dim3A_2219, %mul3A_2233 : vector<33x256xf32>
    %slice3A_2235 = vector.extract_strided_slice %transpose3A_163 {offsets = [15, 0], sizes = [1, 256], strides = [1, 1]} : vector<128x256xf32> to vector<1x256xf32>
    %slice3A_2236 = vector.extract_strided_slice %get3A_156 {offsets = [0, 1], sizes = [1, 1], strides = [1, 1]} : vector<1x16xf32> to vector<1x1xf32>
    %squeeze3A_2237 = vector.extract %slice3A_2236[0, 0] : f32 from vector<1x1xf32>
    %mul3A_2238 = vector.broadcast %squeeze3A_2237 : f32 to vector<33x256xf32>
    %mul3A_2239 = arith.mulf %mul3A_2217, %mul3A_2238 : vector<33x256xf32>
    %logistic3A_2240 = arith.negf %mul3A_2239 : vector<33x256xf32>
    %logistic3A_2241 = math.exp %logistic3A_2240 : vector<33x256xf32>
    %logistic3A_2242 = arith.constant 1.000000e+00 : f32
    %logistic3A_2243 = vector.broadcast %logistic3A_2242 : f32 to vector<33x256xf32>
    %logistic3A_2244 = arith.addf %logistic3A_2243, %logistic3A_2241 : vector<33x256xf32>
    %logistic3A_2245 = arith.divf %logistic3A_2243, %logistic3A_2244 : vector<33x256xf32>
    %mul3A_2246 = arith.mulf %mul3A_2239, %logistic3A_2245 : vector<33x256xf32>
    %mul3A_2247 = vector.broadcast %slice3A_2235 : vector<1x256xf32> to vector<33x256xf32>
    %mul3A_2248 = arith.mulf %mul3A_2247, %mul3A_2246 : vector<33x256xf32>
    %add3A_2249 = arith.addf %add3A_2234, %mul3A_2248 : vector<33x256xf32>
    %slice3A_2250 = vector.extract_strided_slice %transpose3A_163 {offsets = [23, 0], sizes = [1, 256], strides = [1, 1]} : vector<128x256xf32> to vector<1x256xf32>
    %slice3A_2251 = vector.extract_strided_slice %get3A_156 {offsets = [0, 2], sizes = [1, 1], strides = [1, 1]} : vector<1x16xf32> to vector<1x1xf32>
    %squeeze3A_2252 = vector.extract %slice3A_2251[0, 0] : f32 from vector<1x1xf32>
    %mul3A_2253 = vector.broadcast %squeeze3A_2252 : f32 to vector<33x256xf32>
    %mul3A_2254 = arith.mulf %mul3A_2217, %mul3A_2253 : vector<33x256xf32>
    %logistic3A_2255 = arith.negf %mul3A_2254 : vector<33x256xf32>
    %logistic3A_2256 = math.exp %logistic3A_2255 : vector<33x256xf32>
    %logistic3A_2257 = arith.constant 1.000000e+00 : f32
    %logistic3A_2258 = vector.broadcast %logistic3A_2257 : f32 to vector<33x256xf32>
    %logistic3A_2259 = arith.addf %logistic3A_2258, %logistic3A_2256 : vector<33x256xf32>
    %logistic3A_2260 = arith.divf %logistic3A_2258, %logistic3A_2259 : vector<33x256xf32>
    %mul3A_2261 = arith.mulf %mul3A_2254, %logistic3A_2260 : vector<33x256xf32>
    %mul3A_2262 = vector.broadcast %slice3A_2250 : vector<1x256xf32> to vector<33x256xf32>
    %mul3A_2263 = arith.mulf %mul3A_2262, %mul3A_2261 : vector<33x256xf32>
    %add3A_2264 = arith.addf %add3A_2249, %mul3A_2263 : vector<33x256xf32>
    %slice3A_2265 = vector.extract_strided_slice %transpose3A_163 {offsets = [31, 0], sizes = [1, 256], strides = [1, 1]} : vector<128x256xf32> to vector<1x256xf32>
    %slice3A_2266 = vector.extract_strided_slice %get3A_156 {offsets = [0, 3], sizes = [1, 1], strides = [1, 1]} : vector<1x16xf32> to vector<1x1xf32>
    %squeeze3A_2267 = vector.extract %slice3A_2266[0, 0] : f32 from vector<1x1xf32>
    %mul3A_2268 = vector.broadcast %squeeze3A_2267 : f32 to vector<33x256xf32>
    %mul3A_2269 = arith.mulf %mul3A_2217, %mul3A_2268 : vector<33x256xf32>
    %logistic3A_2270 = arith.negf %mul3A_2269 : vector<33x256xf32>
    %logistic3A_2271 = math.exp %logistic3A_2270 : vector<33x256xf32>
    %logistic3A_2272 = arith.constant 1.000000e+00 : f32
    %logistic3A_2273 = vector.broadcast %logistic3A_2272 : f32 to vector<33x256xf32>
    %logistic3A_2274 = arith.addf %logistic3A_2273, %logistic3A_2271 : vector<33x256xf32>
    %logistic3A_2275 = arith.divf %logistic3A_2273, %logistic3A_2274 : vector<33x256xf32>
    %mul3A_2276 = arith.mulf %mul3A_2269, %logistic3A_2275 : vector<33x256xf32>
    %mul3A_2277 = vector.broadcast %slice3A_2265 : vector<1x256xf32> to vector<33x256xf32>
    %mul3A_2278 = arith.mulf %mul3A_2277, %mul3A_2276 : vector<33x256xf32>
    %add3A_2279 = arith.addf %add3A_2264, %mul3A_2278 : vector<33x256xf32>
    %slice3A_2280 = vector.extract_strided_slice %transpose3A_163 {offsets = [39, 0], sizes = [1, 256], strides = [1, 1]} : vector<128x256xf32> to vector<1x256xf32>
    %slice3A_2281 = vector.extract_strided_slice %get3A_156 {offsets = [0, 4], sizes = [1, 1], strides = [1, 1]} : vector<1x16xf32> to vector<1x1xf32>
    %squeeze3A_2282 = vector.extract %slice3A_2281[0, 0] : f32 from vector<1x1xf32>
    %mul3A_2283 = vector.broadcast %squeeze3A_2282 : f32 to vector<33x256xf32>
    %mul3A_2284 = arith.mulf %mul3A_2217, %mul3A_2283 : vector<33x256xf32>
    %logistic3A_2285 = arith.negf %mul3A_2284 : vector<33x256xf32>
    %logistic3A_2286 = math.exp %logistic3A_2285 : vector<33x256xf32>
    %logistic3A_2287 = arith.constant 1.000000e+00 : f32
    %logistic3A_2288 = vector.broadcast %logistic3A_2287 : f32 to vector<33x256xf32>
    %logistic3A_2289 = arith.addf %logistic3A_2288, %logistic3A_2286 : vector<33x256xf32>
    %logistic3A_2290 = arith.divf %logistic3A_2288, %logistic3A_2289 : vector<33x256xf32>
    %mul3A_2291 = arith.mulf %mul3A_2284, %logistic3A_2290 : vector<33x256xf32>
    %mul3A_2292 = vector.broadcast %slice3A_2280 : vector<1x256xf32> to vector<33x256xf32>
    %mul3A_2293 = arith.mulf %mul3A_2292, %mul3A_2291 : vector<33x256xf32>
    %add3A_2294 = arith.addf %add3A_2279, %mul3A_2293 : vector<33x256xf32>
    %slice3A_2295 = vector.extract_strided_slice %transpose3A_163 {offsets = [47, 0], sizes = [1, 256], strides = [1, 1]} : vector<128x256xf32> to vector<1x256xf32>
    %slice3A_2296 = vector.extract_strided_slice %get3A_156 {offsets = [0, 5], sizes = [1, 1], strides = [1, 1]} : vector<1x16xf32> to vector<1x1xf32>
    %squeeze3A_2297 = vector.extract %slice3A_2296[0, 0] : f32 from vector<1x1xf32>
    %mul3A_2298 = vector.broadcast %squeeze3A_2297 : f32 to vector<33x256xf32>
    %mul3A_2299 = arith.mulf %mul3A_2217, %mul3A_2298 : vector<33x256xf32>
    %logistic3A_2300 = arith.negf %mul3A_2299 : vector<33x256xf32>
    %logistic3A_2301 = math.exp %logistic3A_2300 : vector<33x256xf32>
    %logistic3A_2302 = arith.constant 1.000000e+00 : f32
    %logistic3A_2303 = vector.broadcast %logistic3A_2302 : f32 to vector<33x256xf32>
    %logistic3A_2304 = arith.addf %logistic3A_2303, %logistic3A_2301 : vector<33x256xf32>
    %logistic3A_2305 = arith.divf %logistic3A_2303, %logistic3A_2304 : vector<33x256xf32>
    %mul3A_2306 = arith.mulf %mul3A_2299, %logistic3A_2305 : vector<33x256xf32>
    %mul3A_2307 = vector.broadcast %slice3A_2295 : vector<1x256xf32> to vector<33x256xf32>
    %mul3A_2308 = arith.mulf %mul3A_2307, %mul3A_2306 : vector<33x256xf32>
    %add3A_2309 = arith.addf %add3A_2294, %mul3A_2308 : vector<33x256xf32>
    %slice3A_2310 = vector.extract_strided_slice %transpose3A_163 {offsets = [55, 0], sizes = [1, 256], strides = [1, 1]} : vector<128x256xf32> to vector<1x256xf32>
    %slice3A_2311 = vector.extract_strided_slice %get3A_156 {offsets = [0, 6], sizes = [1, 1], strides = [1, 1]} : vector<1x16xf32> to vector<1x1xf32>
    %squeeze3A_2312 = vector.extract %slice3A_2311[0, 0] : f32 from vector<1x1xf32>
    %mul3A_2313 = vector.broadcast %squeeze3A_2312 : f32 to vector<33x256xf32>
    %mul3A_2314 = arith.mulf %mul3A_2217, %mul3A_2313 : vector<33x256xf32>
    %logistic3A_2315 = arith.negf %mul3A_2314 : vector<33x256xf32>
    %logistic3A_2316 = math.exp %logistic3A_2315 : vector<33x256xf32>
    %logistic3A_2317 = arith.constant 1.000000e+00 : f32
    %logistic3A_2318 = vector.broadcast %logistic3A_2317 : f32 to vector<33x256xf32>
    %logistic3A_2319 = arith.addf %logistic3A_2318, %logistic3A_2316 : vector<33x256xf32>
    %logistic3A_2320 = arith.divf %logistic3A_2318, %logistic3A_2319 : vector<33x256xf32>
    %mul3A_2321 = arith.mulf %mul3A_2314, %logistic3A_2320 : vector<33x256xf32>
    %mul3A_2322 = vector.broadcast %slice3A_2310 : vector<1x256xf32> to vector<33x256xf32>
    %mul3A_2323 = arith.mulf %mul3A_2322, %mul3A_2321 : vector<33x256xf32>
    %add3A_2324 = arith.addf %add3A_2309, %mul3A_2323 : vector<33x256xf32>
    %slice3A_2325 = vector.extract_strided_slice %transpose3A_163 {offsets = [63, 0], sizes = [1, 256], strides = [1, 1]} : vector<128x256xf32> to vector<1x256xf32>
    %slice3A_2326 = vector.extract_strided_slice %get3A_156 {offsets = [0, 7], sizes = [1, 1], strides = [1, 1]} : vector<1x16xf32> to vector<1x1xf32>
    %squeeze3A_2327 = vector.extract %slice3A_2326[0, 0] : f32 from vector<1x1xf32>
    %mul3A_2328 = vector.broadcast %squeeze3A_2327 : f32 to vector<33x256xf32>
    %mul3A_2329 = arith.mulf %mul3A_2217, %mul3A_2328 : vector<33x256xf32>
    %logistic3A_2330 = arith.negf %mul3A_2329 : vector<33x256xf32>
    %logistic3A_2331 = math.exp %logistic3A_2330 : vector<33x256xf32>
    %logistic3A_2332 = arith.constant 1.000000e+00 : f32
    %logistic3A_2333 = vector.broadcast %logistic3A_2332 : f32 to vector<33x256xf32>
    %logistic3A_2334 = arith.addf %logistic3A_2333, %logistic3A_2331 : vector<33x256xf32>
    %logistic3A_2335 = arith.divf %logistic3A_2333, %logistic3A_2334 : vector<33x256xf32>
    %mul3A_2336 = arith.mulf %mul3A_2329, %logistic3A_2335 : vector<33x256xf32>
    %mul3A_2337 = vector.broadcast %slice3A_2325 : vector<1x256xf32> to vector<33x256xf32>
    %mul3A_2338 = arith.mulf %mul3A_2337, %mul3A_2336 : vector<33x256xf32>
    %add3A_2339 = arith.addf %add3A_2324, %mul3A_2338 : vector<33x256xf32>
    %slice3A_2340 = vector.extract_strided_slice %transpose3A_163 {offsets = [71, 0], sizes = [1, 256], strides = [1, 1]} : vector<128x256xf32> to vector<1x256xf32>
    %slice3A_2341 = vector.extract_strided_slice %get3A_156 {offsets = [0, 8], sizes = [1, 1], strides = [1, 1]} : vector<1x16xf32> to vector<1x1xf32>
    %squeeze3A_2342 = vector.extract %slice3A_2341[0, 0] : f32 from vector<1x1xf32>
    %mul3A_2343 = vector.broadcast %squeeze3A_2342 : f32 to vector<33x256xf32>
    %mul3A_2344 = arith.mulf %mul3A_2217, %mul3A_2343 : vector<33x256xf32>
    %logistic3A_2345 = arith.negf %mul3A_2344 : vector<33x256xf32>
    %logistic3A_2346 = math.exp %logistic3A_2345 : vector<33x256xf32>
    %logistic3A_2347 = arith.constant 1.000000e+00 : f32
    %logistic3A_2348 = vector.broadcast %logistic3A_2347 : f32 to vector<33x256xf32>
    %logistic3A_2349 = arith.addf %logistic3A_2348, %logistic3A_2346 : vector<33x256xf32>
    %logistic3A_2350 = arith.divf %logistic3A_2348, %logistic3A_2349 : vector<33x256xf32>
    %mul3A_2351 = arith.mulf %mul3A_2344, %logistic3A_2350 : vector<33x256xf32>
    %mul3A_2352 = vector.broadcast %slice3A_2340 : vector<1x256xf32> to vector<33x256xf32>
    %mul3A_2353 = arith.mulf %mul3A_2352, %mul3A_2351 : vector<33x256xf32>
    %add3A_2354 = arith.addf %add3A_2339, %mul3A_2353 : vector<33x256xf32>
    %slice3A_2355 = vector.extract_strided_slice %transpose3A_163 {offsets = [79, 0], sizes = [1, 256], strides = [1, 1]} : vector<128x256xf32> to vector<1x256xf32>
    %slice3A_2356 = vector.extract_strided_slice %get3A_156 {offsets = [0, 9], sizes = [1, 1], strides = [1, 1]} : vector<1x16xf32> to vector<1x1xf32>
    %squeeze3A_2357 = vector.extract %slice3A_2356[0, 0] : f32 from vector<1x1xf32>
    %mul3A_2358 = vector.broadcast %squeeze3A_2357 : f32 to vector<33x256xf32>
    %mul3A_2359 = arith.mulf %mul3A_2217, %mul3A_2358 : vector<33x256xf32>
    %logistic3A_2360 = arith.negf %mul3A_2359 : vector<33x256xf32>
    %logistic3A_2361 = math.exp %logistic3A_2360 : vector<33x256xf32>
    %logistic3A_2362 = arith.constant 1.000000e+00 : f32
    %logistic3A_2363 = vector.broadcast %logistic3A_2362 : f32 to vector<33x256xf32>
    %logistic3A_2364 = arith.addf %logistic3A_2363, %logistic3A_2361 : vector<33x256xf32>
    %logistic3A_2365 = arith.divf %logistic3A_2363, %logistic3A_2364 : vector<33x256xf32>
    %mul3A_2366 = arith.mulf %mul3A_2359, %logistic3A_2365 : vector<33x256xf32>
    %mul3A_2367 = vector.broadcast %slice3A_2355 : vector<1x256xf32> to vector<33x256xf32>
    %mul3A_2368 = arith.mulf %mul3A_2367, %mul3A_2366 : vector<33x256xf32>
    %add3A_2369 = arith.addf %add3A_2354, %mul3A_2368 : vector<33x256xf32>
    %slice3A_2370 = vector.extract_strided_slice %transpose3A_163 {offsets = [87, 0], sizes = [1, 256], strides = [1, 1]} : vector<128x256xf32> to vector<1x256xf32>
    %slice3A_2371 = vector.extract_strided_slice %get3A_156 {offsets = [0, 10], sizes = [1, 1], strides = [1, 1]} : vector<1x16xf32> to vector<1x1xf32>
    %squeeze3A_2372 = vector.extract %slice3A_2371[0, 0] : f32 from vector<1x1xf32>
    %mul3A_2373 = vector.broadcast %squeeze3A_2372 : f32 to vector<33x256xf32>
    %mul3A_2374 = arith.mulf %mul3A_2217, %mul3A_2373 : vector<33x256xf32>
    %logistic3A_2375 = arith.negf %mul3A_2374 : vector<33x256xf32>
    %logistic3A_2376 = math.exp %logistic3A_2375 : vector<33x256xf32>
    %logistic3A_2377 = arith.constant 1.000000e+00 : f32
    %logistic3A_2378 = vector.broadcast %logistic3A_2377 : f32 to vector<33x256xf32>
    %logistic3A_2379 = arith.addf %logistic3A_2378, %logistic3A_2376 : vector<33x256xf32>
    %logistic3A_2380 = arith.divf %logistic3A_2378, %logistic3A_2379 : vector<33x256xf32>
    %mul3A_2381 = arith.mulf %mul3A_2374, %logistic3A_2380 : vector<33x256xf32>
    %mul3A_2382 = vector.broadcast %slice3A_2370 : vector<1x256xf32> to vector<33x256xf32>
    %mul3A_2383 = arith.mulf %mul3A_2382, %mul3A_2381 : vector<33x256xf32>
    %add3A_2384 = arith.addf %add3A_2369, %mul3A_2383 : vector<33x256xf32>
    %slice3A_2385 = vector.extract_strided_slice %transpose3A_163 {offsets = [95, 0], sizes = [1, 256], strides = [1, 1]} : vector<128x256xf32> to vector<1x256xf32>
    %slice3A_2386 = vector.extract_strided_slice %get3A_156 {offsets = [0, 11], sizes = [1, 1], strides = [1, 1]} : vector<1x16xf32> to vector<1x1xf32>
    %squeeze3A_2387 = vector.extract %slice3A_2386[0, 0] : f32 from vector<1x1xf32>
    %mul3A_2388 = vector.broadcast %squeeze3A_2387 : f32 to vector<33x256xf32>
    %mul3A_2389 = arith.mulf %mul3A_2217, %mul3A_2388 : vector<33x256xf32>
    %logistic3A_2390 = arith.negf %mul3A_2389 : vector<33x256xf32>
    %logistic3A_2391 = math.exp %logistic3A_2390 : vector<33x256xf32>
    %logistic3A_2392 = arith.constant 1.000000e+00 : f32
    %logistic3A_2393 = vector.broadcast %logistic3A_2392 : f32 to vector<33x256xf32>
    %logistic3A_2394 = arith.addf %logistic3A_2393, %logistic3A_2391 : vector<33x256xf32>
    %logistic3A_2395 = arith.divf %logistic3A_2393, %logistic3A_2394 : vector<33x256xf32>
    %mul3A_2396 = arith.mulf %mul3A_2389, %logistic3A_2395 : vector<33x256xf32>
    %mul3A_2397 = vector.broadcast %slice3A_2385 : vector<1x256xf32> to vector<33x256xf32>
    %mul3A_2398 = arith.mulf %mul3A_2397, %mul3A_2396 : vector<33x256xf32>
    %add3A_2399 = arith.addf %add3A_2384, %mul3A_2398 : vector<33x256xf32>
    %slice3A_2400 = vector.extract_strided_slice %transpose3A_163 {offsets = [103, 0], sizes = [1, 256], strides = [1, 1]} : vector<128x256xf32> to vector<1x256xf32>
    %slice3A_2401 = vector.extract_strided_slice %get3A_156 {offsets = [0, 12], sizes = [1, 1], strides = [1, 1]} : vector<1x16xf32> to vector<1x1xf32>
    %squeeze3A_2402 = vector.extract %slice3A_2401[0, 0] : f32 from vector<1x1xf32>
    %mul3A_2403 = vector.broadcast %squeeze3A_2402 : f32 to vector<33x256xf32>
    %mul3A_2404 = arith.mulf %mul3A_2217, %mul3A_2403 : vector<33x256xf32>
    %logistic3A_2405 = arith.negf %mul3A_2404 : vector<33x256xf32>
    %logistic3A_2406 = math.exp %logistic3A_2405 : vector<33x256xf32>
    %logistic3A_2407 = arith.constant 1.000000e+00 : f32
    %logistic3A_2408 = vector.broadcast %logistic3A_2407 : f32 to vector<33x256xf32>
    %logistic3A_2409 = arith.addf %logistic3A_2408, %logistic3A_2406 : vector<33x256xf32>
    %logistic3A_2410 = arith.divf %logistic3A_2408, %logistic3A_2409 : vector<33x256xf32>
    %mul3A_2411 = arith.mulf %mul3A_2404, %logistic3A_2410 : vector<33x256xf32>
    %mul3A_2412 = vector.broadcast %slice3A_2400 : vector<1x256xf32> to vector<33x256xf32>
    %mul3A_2413 = arith.mulf %mul3A_2412, %mul3A_2411 : vector<33x256xf32>
    %add3A_2414 = arith.addf %add3A_2399, %mul3A_2413 : vector<33x256xf32>
    %slice3A_2415 = vector.extract_strided_slice %transpose3A_163 {offsets = [111, 0], sizes = [1, 256], strides = [1, 1]} : vector<128x256xf32> to vector<1x256xf32>
    %slice3A_2416 = vector.extract_strided_slice %get3A_156 {offsets = [0, 13], sizes = [1, 1], strides = [1, 1]} : vector<1x16xf32> to vector<1x1xf32>
    %squeeze3A_2417 = vector.extract %slice3A_2416[0, 0] : f32 from vector<1x1xf32>
    %mul3A_2418 = vector.broadcast %squeeze3A_2417 : f32 to vector<33x256xf32>
    %mul3A_2419 = arith.mulf %mul3A_2217, %mul3A_2418 : vector<33x256xf32>
    %logistic3A_2420 = arith.negf %mul3A_2419 : vector<33x256xf32>
    %logistic3A_2421 = math.exp %logistic3A_2420 : vector<33x256xf32>
    %logistic3A_2422 = arith.constant 1.000000e+00 : f32
    %logistic3A_2423 = vector.broadcast %logistic3A_2422 : f32 to vector<33x256xf32>
    %logistic3A_2424 = arith.addf %logistic3A_2423, %logistic3A_2421 : vector<33x256xf32>
    %logistic3A_2425 = arith.divf %logistic3A_2423, %logistic3A_2424 : vector<33x256xf32>
    %mul3A_2426 = arith.mulf %mul3A_2419, %logistic3A_2425 : vector<33x256xf32>
    %mul3A_2427 = vector.broadcast %slice3A_2415 : vector<1x256xf32> to vector<33x256xf32>
    %mul3A_2428 = arith.mulf %mul3A_2427, %mul3A_2426 : vector<33x256xf32>
    %add3A_2429 = arith.addf %add3A_2414, %mul3A_2428 : vector<33x256xf32>
    %slice3A_2430 = vector.extract_strided_slice %transpose3A_163 {offsets = [119, 0], sizes = [1, 256], strides = [1, 1]} : vector<128x256xf32> to vector<1x256xf32>
    %slice3A_2431 = vector.extract_strided_slice %get3A_156 {offsets = [0, 14], sizes = [1, 1], strides = [1, 1]} : vector<1x16xf32> to vector<1x1xf32>
    %squeeze3A_2432 = vector.extract %slice3A_2431[0, 0] : f32 from vector<1x1xf32>
    %mul3A_2433 = vector.broadcast %squeeze3A_2432 : f32 to vector<33x256xf32>
    %mul3A_2434 = arith.mulf %mul3A_2217, %mul3A_2433 : vector<33x256xf32>
    %logistic3A_2435 = arith.negf %mul3A_2434 : vector<33x256xf32>
    %logistic3A_2436 = math.exp %logistic3A_2435 : vector<33x256xf32>
    %logistic3A_2437 = arith.constant 1.000000e+00 : f32
    %logistic3A_2438 = vector.broadcast %logistic3A_2437 : f32 to vector<33x256xf32>
    %logistic3A_2439 = arith.addf %logistic3A_2438, %logistic3A_2436 : vector<33x256xf32>
    %logistic3A_2440 = arith.divf %logistic3A_2438, %logistic3A_2439 : vector<33x256xf32>
    %mul3A_2441 = arith.mulf %mul3A_2434, %logistic3A_2440 : vector<33x256xf32>
    %mul3A_2442 = vector.broadcast %slice3A_2430 : vector<1x256xf32> to vector<33x256xf32>
    %mul3A_2443 = arith.mulf %mul3A_2442, %mul3A_2441 : vector<33x256xf32>
    %add3A_2444 = arith.addf %add3A_2429, %mul3A_2443 : vector<33x256xf32>
    %slice3A_2445 = vector.extract_strided_slice %transpose3A_163 {offsets = [127, 0], sizes = [1, 256], strides = [1, 1]} : vector<128x256xf32> to vector<1x256xf32>
    %slice3A_2446 = vector.extract_strided_slice %get3A_156 {offsets = [0, 15], sizes = [1, 1], strides = [1, 1]} : vector<1x16xf32> to vector<1x1xf32>
    %squeeze3A_2447 = vector.extract %slice3A_2446[0, 0] : f32 from vector<1x1xf32>
    %mul3A_2448 = vector.broadcast %squeeze3A_2447 : f32 to vector<33x256xf32>
    %mul3A_2449 = arith.mulf %mul3A_2217, %mul3A_2448 : vector<33x256xf32>
    %logistic3A_2450 = arith.negf %mul3A_2449 : vector<33x256xf32>
    %logistic3A_2451 = math.exp %logistic3A_2450 : vector<33x256xf32>
    %logistic3A_2452 = arith.constant 1.000000e+00 : f32
    %logistic3A_2453 = vector.broadcast %logistic3A_2452 : f32 to vector<33x256xf32>
    %logistic3A_2454 = arith.addf %logistic3A_2453, %logistic3A_2451 : vector<33x256xf32>
    %logistic3A_2455 = arith.divf %logistic3A_2453, %logistic3A_2454 : vector<33x256xf32>
    %mul3A_2456 = arith.mulf %mul3A_2449, %logistic3A_2455 : vector<33x256xf32>
    %mul3A_2457 = vector.broadcast %slice3A_2445 : vector<1x256xf32> to vector<33x256xf32>
    %mul3A_2458 = arith.mulf %mul3A_2457, %mul3A_2456 : vector<33x256xf32>
    %add3A_2459 = arith.addf %add3A_2444, %mul3A_2458 : vector<33x256xf32>
    %mul3A_2460 = arith.constant 2.500000e-01 : f32
    %mul3A_2461 = vector.broadcast %mul3A_2460 : f32 to vector<33x256xf32>
    %mul3A_2462 = arith.mulf %add3A_2459, %mul3A_2461 : vector<33x256xf32>
    %jit3A_2463 = arith.constant 0xFF800000 : f32
    %broadcast_in_dim3A_2464 = vector.broadcast %jit3A_2463 : f32 to vector<33x256xf32>
    %select_n3A_2465 = arith.select %transpose3A_164, %mul3A_2462, %broadcast_in_dim3A_2464 : vector<33x256xi1>, vector<33x256xf32>
    %reduce_max3A_2466 = arith.constant dense<0xFF800000> : vector<256xf32>
    %reduce_max3A_2467 = vector.multi_reduction <maximumf>, %select_n3A_2465, %reduce_max3A_2466 [0] : vector<33x256xf32> to vector<256xf32>
    %broadcast_in_dim3A_2468 = vector.shape_cast %reduce_max3A_2467 : vector<256xf32> to vector<1x256xf32>
    %sub3A_2469 = vector.broadcast %broadcast_in_dim3A_2468 : vector<1x256xf32> to vector<33x256xf32>
    %sub3A_2470 = arith.subf %select_n3A_2465, %sub3A_2469 : vector<33x256xf32>
    %exp3A_2471 = math.exp %sub3A_2470 : vector<33x256xf32>
    %reduce_sum3A_2472 = arith.constant dense<0.000000e+00> : vector<256xf32>
    %reduce_sum3A_2473 = vector.multi_reduction <add>, %exp3A_2471, %reduce_sum3A_2472 [0] : vector<33x256xf32> to vector<256xf32>
    %broadcast_in_dim3A_2474 = vector.shape_cast %reduce_sum3A_2473 : vector<256xf32> to vector<1x256xf32>
    %div3A_2475 = vector.broadcast %broadcast_in_dim3A_2474 : vector<1x256xf32> to vector<33x256xf32>
    %div3A_2476 = arith.divf %exp3A_2471, %div3A_2475 : vector<33x256xf32>
    %neg3A_2477 = arith.constant 0.000000e+00 : f32
    %neg3A_2478 = vector.broadcast %neg3A_2477 : f32 to vector<33x256xf32>
    %neg3A_2479 = arith.subf %neg3A_2478, %mul3A_2217 : vector<33x256xf32>
    %slice3A_2480 = vector.extract_strided_slice %transpose3A_162 {offsets = [7, 0], sizes = [1, 256], strides = [1, 1]} : vector<8x256xf32> to vector<1x256xf32>
    %jit3A_2481 = arith.constant 1.000000e-01 : f32
    %max3A_2482 = vector.broadcast %jit3A_2481 : f32 to vector<1x256xf32>
    %max3A_2483 = arith.maximumf %max3A_2482, %slice3A_2480 : vector<1x256xf32>
    %div3A_2484 = vector.broadcast %max3A_2483 : vector<1x256xf32> to vector<33x256xf32>
    %div3A_2485 = arith.divf %neg3A_2479, %div3A_2484 : vector<33x256xf32>
    %exp3A_2486 = math.exp %div3A_2485 : vector<33x256xf32>
    %mul3A_2487 = arith.mulf %div3A_2476, %exp3A_2486 : vector<33x256xf32>
    %mul3A_2488 = arith.mulf %mul3A_2487, %convert_element_type3A_166 : vector<33x256xf32>
    %reduce_sum3A_2489 = arith.constant dense<0.000000e+00> : vector<256xf32>
    %reduce_sum3A_2490 = vector.multi_reduction <add>, %mul3A_2488, %reduce_sum3A_2489 [0] : vector<33x256xf32> to vector<256xf32>
    %broadcast_in_dim3A_2491 = vector.shape_cast %reduce_sum3A_2490 : vector<256xf32> to vector<1x256xf32>
    %add3A_2492 = arith.constant 9.99999993E-9 : f32
    %add3A_2493 = vector.broadcast %add3A_2492 : f32 to vector<1x256xf32>
    %add3A_2494 = arith.addf %broadcast_in_dim3A_2491, %add3A_2493 : vector<1x256xf32>
    %div3A_2495 = vector.broadcast %add3A_2494 : vector<1x256xf32> to vector<33x256xf32>
    %div3A_2496 = arith.divf %mul3A_2488, %div3A_2495 : vector<33x256xf32>
    %transpose3A_2497 = tpu.transpose %div3A_2496, [1, 0] : vector<33x256xf32> -> vector<256x33xf32>
    %broadcast_in_dim3A_2498 = arith.constant 0.000000e+00 : f32
    %broadcast_in_dim3A_2499 = vector.broadcast %broadcast_in_dim3A_2498 : f32 to vector<256x15xf32>
    %concatenate3A_2500 = tpu.concatenate %transpose3A_2497, %broadcast_in_dim3A_2499 in 1 : vector<256x33xf32>, vector<256x15xf32> -> vector<256x48xf32>
    %swap3A_2501 = arith.constant 7 : index
    %swap3A_2502 = arith.constant 0 : index
    %swap3A_2503 = arith.constant 0 : index
    %swap3A_2504 = vector.load %arg7[%swap3A_2501, %swap3A_2502, %swap3A_2503] : memref<8x256x48xf32, #tpu.memory_space<vmem>>, vector<1x256x48xf32>
    %swap3A_2505 = vector.shape_cast %swap3A_2504 : vector<1x256x48xf32> to vector<256x48xf32>
    %swap3A_2506 = vector.shape_cast %concatenate3A_2500 : vector<256x48xf32> to vector<1x256x48xf32>
    tpu.vector_store %arg7[%swap3A_2501, %swap3A_2502, %swap3A_2503], %swap3A_2506 {strides = array<i32>} : memref<8x256x48xf32, #tpu.memory_space<vmem>>, vector<1x256x48xf32>,
    return
  }
  func.func @transform_0(%arg0: i32) -> (i32, i32) {
    %c0_i32 = arith.constant 0 : i32
    %c0_i32_0 = arith.constant 0 : i32
    return %arg0, %c0_i32 : i32, i32
  }
  func.func @transform_1(%arg0: i32) -> (i32, i32) {
    %c0_i32 = arith.constant 0 : i32
    %c0_i32_0 = arith.constant 0 : i32
    %c0_i32_1 = arith.constant 0 : i32
    return %c0_i32, %c0_i32_0 : i32, i32
  }
  func.func @transform_2(%arg0: i32) -> (i32, i32) {
    %c0_i32 = arith.constant 0 : i32
    %c0_i32_0 = arith.constant 0 : i32
    %c0_i32_1 = arith.constant 0 : i32
    return %c0_i32, %c0_i32_0 : i32, i32
  }
  func.func @transform_3(%arg0: i32) -> (i32, i32) {
    %c0_i32 = arith.constant 0 : i32
    %c0_i32_0 = arith.constant 0 : i32
    %c0_i32_1 = arith.constant 0 : i32
    return %c0_i32, %c0_i32_0 : i32, i32
  }
  func.func @transform_4(%arg0: i32) -> (i32, i32) {
    %c0_i32 = arith.constant 0 : i32
    %c0_i32_0 = arith.constant 0 : i32
    %c0_i32_1 = arith.constant 0 : i32
    return %c0_i32, %c0_i32_0 : i32, i32
  }
  func.func @transform_5(%arg0: i32) -> (i32, i32) {
    %c0_i32 = arith.constant 0 : i32
    %c0_i32_0 = arith.constant 0 : i32
    %c0_i32_1 = arith.constant 0 : i32
    return %c0_i32, %c0_i32_0 : i32, i32
  }
  func.func @transform_6(%arg0: i32) -> (i32, i32, i32) {
    %c0_i32 = arith.constant 0 : i32
    %c0_i32_0 = arith.constant 0 : i32
    %c0_i32_1 = arith.constant 0 : i32
    return %c0_i32, %arg0, %c0_i32_0 : i32, i32, i32
  }
  func.func @transform_7(%arg0: i32) -> (i32, i32) {
    %c0_i32 = arith.constant 0 : i32
    %c0_i32_0 = arith.constant 0 : i32
    return %arg0, %c0_i32 : i32, i32
  }
}

module attributes {stable_mosaic.version = 14 : i64} {
  func.func @_tc2_body(%arg0: i32, %arg1: memref<512x768xf32, #tpu.memory_space<vmem>>, %arg2: memref<768x192xf32, #tpu.memory_space<vmem>>, %arg3: memref<1x192xf32, #tpu.memory_space<vmem>>, %arg4: memref<192x768xf32, #tpu.memory_space<vmem>>, %arg5: memref<1x768xf32, #tpu.memory_space<vmem>>, %arg6: memref<768x768xf32, #tpu.memory_space<vmem>>, %arg7: memref<512x768xf32, #tpu.memory_space<vmem>>) attributes {dimension_semantics = [#tpu.dimension_semantics<arbitrary>], iteration_bounds = array<i64: 16>, scalar_prefetch = 0 : i64, scratch_operands = 0 : i64, tpu.core_type = #tpu.core_type<tc>, window_params = [{transform_indices = @transform_0, window_bounds = array<i64: 512, 768>}, {pipeline_mode = #tpu.pipeline_mode<synchronous>, transform_indices = @transform_1, window_bounds = array<i64: 768, 192>}, {pipeline_mode = #tpu.pipeline_mode<synchronous>, transform_indices = @transform_2, window_bounds = array<i64: 1, 192>}, {pipeline_mode = #tpu.pipeline_mode<synchronous>, transform_indices = @transform_3, window_bounds = array<i64: 192, 768>}, {pipeline_mode = #tpu.pipeline_mode<synchronous>, transform_indices = @transform_4, window_bounds = array<i64: 1, 768>}, {pipeline_mode = #tpu.pipeline_mode<synchronous>, transform_indices = @transform_5, window_bounds = array<i64: 768, 768>}, {transform_indices = @transform_6, window_bounds = array<i64: 512, 768>}]} {
    %get3A = arith.constant 0 : index
    %get3A_0 = arith.constant 0 : index
    %get3A_1 = vector.load %arg1[%get3A, %get3A_0] : memref<512x768xf32, #tpu.memory_space<vmem>>, vector<512x768xf32>
    %get3A_2 = arith.constant 0 : index
    %get3A_3 = arith.constant 0 : index
    %get3A_4 = vector.load %arg2[%get3A_2, %get3A_3] : memref<768x192xf32, #tpu.memory_space<vmem>>, vector<768x192xf32>
    %dot_general3A = arith.constant dense<0.000000e+00> : vector<512x192xf32>
    %dot_general3A_5 = tpu.matmul %get3A_1, %get3A_4, %dot_general3A {dimension_numbers = #tpu.dot_dimension_numbers<[1], [0], [0], [1], [0, 0, 1, 1], [], []>, transpose_lhs_hint = false} : vector<512x768xf32>, vector<768x192xf32>, vector<512x192xf32> -> vector<512x192xf32>
    %get3A_6 = arith.constant 0 : index
    %get3A_7 = arith.constant 0 : index
    %get3A_8 = vector.load %arg3[%get3A_6, %get3A_7] : memref<1x192xf32, #tpu.memory_space<vmem>>, vector<1x192xf32>
    %add3A = vector.broadcast %get3A_8 : vector<1x192xf32> to vector<512x192xf32>
    %add3A_9 = arith.addf %dot_general3A_5, %add3A : vector<512x192xf32>
    %logistic3A = arith.negf %add3A_9 : vector<512x192xf32>
    %logistic3A_10 = math.exp %logistic3A : vector<512x192xf32>
    %logistic3A_11 = arith.constant 1.000000e+00 : f32
    %logistic3A_12 = vector.broadcast %logistic3A_11 : f32 to vector<512x192xf32>
    %logistic3A_13 = arith.addf %logistic3A_12, %logistic3A_10 : vector<512x192xf32>
    %logistic3A_14 = arith.divf %logistic3A_12, %logistic3A_13 : vector<512x192xf32>
    %mul3A = arith.mulf %add3A_9, %logistic3A_14 : vector<512x192xf32>
    %get3A_15 = arith.constant 0 : index
    %get3A_16 = arith.constant 0 : index
    %get3A_17 = vector.load %arg4[%get3A_15, %get3A_16] : memref<192x768xf32, #tpu.memory_space<vmem>>, vector<192x768xf32>
    %dot_general3A_18 = arith.constant dense<0.000000e+00> : vector<512x768xf32>
    %dot_general3A_19 = tpu.matmul %mul3A, %get3A_17, %dot_general3A_18 {dimension_numbers = #tpu.dot_dimension_numbers<[1], [0], [0], [1], [0, 0, 1, 1], [], []>, transpose_lhs_hint = false} : vector<512x192xf32>, vector<192x768xf32>, vector<512x768xf32> -> vector<512x768xf32>
    %get3A_20 = arith.constant 0 : index
    %get3A_21 = arith.constant 0 : index
    %get3A_22 = vector.load %arg5[%get3A_20, %get3A_21] : memref<1x768xf32, #tpu.memory_space<vmem>>, vector<1x768xf32>
    %add3A_23 = vector.broadcast %get3A_22 : vector<1x768xf32> to vector<512x768xf32>
    %add3A_24 = arith.addf %dot_general3A_19, %add3A_23 : vector<512x768xf32>
    %logistic3A_25 = arith.negf %add3A_24 : vector<512x768xf32>
    %logistic3A_26 = math.exp %logistic3A_25 : vector<512x768xf32>
    %logistic3A_27 = arith.constant 1.000000e+00 : f32
    %logistic3A_28 = vector.broadcast %logistic3A_27 : f32 to vector<512x768xf32>
    %logistic3A_29 = arith.addf %logistic3A_28, %logistic3A_26 : vector<512x768xf32>
    %logistic3A_30 = arith.divf %logistic3A_28, %logistic3A_29 : vector<512x768xf32>
    %mul3A_31 = arith.mulf %get3A_1, %logistic3A_30 : vector<512x768xf32>
    %get3A_32 = arith.constant 0 : index
    %get3A_33 = arith.constant 0 : index
    %get3A_34 = vector.load %arg6[%get3A_32, %get3A_33] : memref<768x768xf32, #tpu.memory_space<vmem>>, vector<768x768xf32>
    %dot_general3A_35 = arith.constant dense<0.000000e+00> : vector<512x768xf32>
    %dot_general3A_36 = tpu.matmul %mul3A_31, %get3A_34, %dot_general3A_35 {dimension_numbers = #tpu.dot_dimension_numbers<[1], [0], [0], [1], [0, 0, 1, 1], [], []>, transpose_lhs_hint = false} : vector<512x768xf32>, vector<768x768xf32>, vector<512x768xf32> -> vector<512x768xf32>
    %logistic3A_37 = arith.negf %dot_general3A_36 : vector<512x768xf32>
    %logistic3A_38 = math.exp %logistic3A_37 : vector<512x768xf32>
    %logistic3A_39 = arith.constant 1.000000e+00 : f32
    %logistic3A_40 = vector.broadcast %logistic3A_39 : f32 to vector<512x768xf32>
    %logistic3A_41 = arith.addf %logistic3A_40, %logistic3A_38 : vector<512x768xf32>
    %logistic3A_42 = arith.divf %logistic3A_40, %logistic3A_41 : vector<512x768xf32>
    %mul3A_43 = arith.mulf %dot_general3A_36, %logistic3A_42 : vector<512x768xf32>
    %swap3A = arith.constant 0 : index
    %swap3A_44 = arith.constant 0 : index
    %swap3A_45 = vector.load %arg7[%swap3A, %swap3A_44] : memref<512x768xf32, #tpu.memory_space<vmem>>, vector<512x768xf32>
    tpu.vector_store %arg7[%swap3A, %swap3A_44], %mul3A_43 {strides = array<i32>} : memref<512x768xf32, #tpu.memory_space<vmem>>, vector<512x768xf32>,
    return
  }
  func.func @transform_0(%arg0: i32) -> (i32, i32) {
    %c0_i32 = arith.constant 0 : i32
    %c0_i32_0 = arith.constant 0 : i32
    return %arg0, %c0_i32 : i32, i32
  }
  func.func @transform_1(%arg0: i32) -> (i32, i32) {
    %c0_i32 = arith.constant 0 : i32
    %c0_i32_0 = arith.constant 0 : i32
    %c0_i32_1 = arith.constant 0 : i32
    return %c0_i32, %c0_i32_0 : i32, i32
  }
  func.func @transform_2(%arg0: i32) -> (i32, i32) {
    %c0_i32 = arith.constant 0 : i32
    %c0_i32_0 = arith.constant 0 : i32
    %c0_i32_1 = arith.constant 0 : i32
    return %c0_i32, %c0_i32_0 : i32, i32
  }
  func.func @transform_3(%arg0: i32) -> (i32, i32) {
    %c0_i32 = arith.constant 0 : i32
    %c0_i32_0 = arith.constant 0 : i32
    %c0_i32_1 = arith.constant 0 : i32
    return %c0_i32, %c0_i32_0 : i32, i32
  }
  func.func @transform_4(%arg0: i32) -> (i32, i32) {
    %c0_i32 = arith.constant 0 : i32
    %c0_i32_0 = arith.constant 0 : i32
    %c0_i32_1 = arith.constant 0 : i32
    return %c0_i32, %c0_i32_0 : i32, i32
  }
  func.func @transform_5(%arg0: i32) -> (i32, i32) {
    %c0_i32 = arith.constant 0 : i32
    %c0_i32_0 = arith.constant 0 : i32
    %c0_i32_1 = arith.constant 0 : i32
    return %c0_i32, %c0_i32_0 : i32, i32
  }
  func.func @transform_6(%arg0: i32) -> (i32, i32) {
    %c0_i32 = arith.constant 0 : i32
    %c0_i32_0 = arith.constant 0 : i32
    return %arg0, %c0_i32 : i32, i32
  }
}

</mosaic_0001>

<sc_bundles>
// kernel: kernel.5.cloned.1.call-start
scs
__scs_entry_jumppad:
0x0: {  	(pc) =	sbr.rel $0x88, $3  }
0x1: {  	(tag) =	ssettag $0x0;
	lr =	simm.s32 $0x1  }
0x2: {  	[smem:$0x3F96] =	sst lr;
	_ =	strace $0xD0000000  }
0x3: {  	_ = 	snop  }
0x4: {  	_ = 	snop  }
0x5: {  	_ = 	snop  }
0x6: {  	_ = 	snop  }
0x7: {  	_ = 	snop  }
__scs_overlays_trampoline_lowered:
0x8: {  	[smem:$0x3FA5] =	sst s0  }
0x9: {  	[smem:$0x3FA6] =	sst s1  }
0xa: {  	[smem:$0x3FA7] =	sst s2  }
0xb: {  	[smem:$0x3FA8] =	sst s3  }
0xc: {  	[smem:$0x3FA9] =	sst s4  }
0xd: {  	[smem:$0x3FAA] =	sst s5  }
0xe: {  	[smem:$0x3FAB] =	sst s6  }
0xf: {  	[smem:$0x3FAC] =	sst s7  }
0x10: {  	[smem:$0x3FAD] =	sst s8  }
0x11: {  	[smem:$0x3FAE] =	sst s9;
	s0 =	simm.s32 @!p0 $0x0  }
0x12: {  	s1 =	sld [smem:$0x3F94];
	s0 =	simm.s32 @p0 $0x1  }
0x13: {  	[smem:$0x3FAF] =	sst s0;
	s0 =	simm.s32 @!p1 $0x0  }
0x14: {  	s2 =	sld [smem:$0x3F93];
	s0 =	simm.s32 @p1 $0x1  }
0x15: {  	[smem:$0x3FB0] =	sst s0;
	s0 =	simm.s32 @!p2 $0x0  }
0x16: {  	s3 =	sld [smem:$0x3FDB];
	s0 =	simm.s32 @p2 $0x1  }
0x17: {  	s4 =	simm.s32 $0x1BF5;
	[smem:$0x3FB2] =	sst s0  }
0x18: {  	s0 =	sld [smem:$0x3F95];
	_ =	swait.ge [sflag:s4], $0x0  }
0x19: {  	s7 =	sld [smem:$0x3F96]  }
0x1a: {  	s8 =	sadd.s32 $0xFFFFE003, lr  }
0x1b: {  	s9 =	sadd.s32 $0xFFFFFEF7, lr;
	s5 =	simm.s32 $0xFFFFFFFF;
	p2 =	slt.u32 s8, $0xFFFFF086  }
0x1c: {  	p1 =	slt.u32 s9, $0xF7A;
	s5 =	simm.s32 @!p2 $0x0  }
0x1d: {  	s5 =	simm.s32 @p1 $0x1;
	p0 =	seq.s32 s7, s2  }
0x1e: {  	s7 =	smul.u32 @!p0 $0xF7A, s2;
	p2 =	seq.s32 @!p0 s5, $0x0  }
0x1f: {  	s9 =	smul.u32 $0xF7A, s1;
	s8 =	simm.s32 @!p0 $0x1BF5;
	p2 =	por !p2, p0  }
0x20: {  	[sflag:s8] =	ssyncset.s32 @!p0 $0xFFFFF086;
	s6 =	sadd.s32 @!p0 s3, s7;
	s7 =	simm.s32 @!p0 $0x108  }
0x21: {  	s3 =	sadd.s32 s3, s9;
	s6 =	sadd.s32 @!p0 $0x88, s6;
	s7 =	simm.s32 @p2 $0x1082  }
0x22: {  	[simem:s7], [sflag:s8] =	dma.local @!p0 [hbm:s6], $0xF7A  }
0x23: {  	s9 =	sor.u32 $0xD0000000, s2;
	s6 =	simm.s32 $0x108;
	_ =	swait.ge @!p0 [sflag:s8], $0x0  }
0x24: {  	s3 =	sadd.s32 $0x88, s3;
	s6 =	simm.s32 @!p1 $0x1082;
	[sflag:s4] =	ssyncset.s32 $0xFFFFF086  }
0x25: {  	[simem:s6], [sflag:s4] =	dma.local [hbm:s3], $0xF7A  }
0x26: {  	[smem:$0x3F96] =	sst s1;
	(tag) =	ssettag s2;
	_ =	strace s9  }
0x27: {  	s1 =	sld [smem:$0x3FA6]  }
0x28: {  	s2 =	sld [smem:$0x3FA7]  }
0x29: {  	s4 =	sld [smem:$0x3FA9]  }
0x2a: {  	p0 =	seq.s32 s5, $0x0;
	s5 =	sld [smem:$0x3FAA]  }
0x2b: {  	s6 =	sld [smem:$0x3FAB]  }
0x2c: {  	s7 =	sld [smem:$0x3FAC]  }
0x2d: {  	s3 =	simm.s32 $0x108;
	s8 =	sld [smem:$0x3FAD]  }
0x2e: {  	s3 =	simm.s32 @!p0 $0x1082;
	s9 =	sld [smem:$0x3FAE]  }
0x2f: {  	lr =	sadd.s32 s0, s3;
	s0 =	sld [smem:$0x3FA5]  }
0x30: {  	s3 =	sld [smem:$0x3FA8]  }
0x31: {  	[smem:$0x3FB1] =	sst s10  }
0x32: {  	s10 =	sld [smem:$0x3FAF];
	_ =	sdelay $0x3  }
0x33: {  	p0 =	seq.s32 s10, $0x1;
	s10 =	sld [smem:$0x3FB1];
	_ =	sdelay $0x3  }
0x34: {  	[smem:$0x3FB1] =	sst s10  }
0x35: {  	s10 =	sld [smem:$0x3FB0];
	_ =	sdelay $0x3  }
0x36: {  	p1 =	seq.s32 s10, $0x1;
	s10 =	sld [smem:$0x3FB1];
	_ =	sdelay $0x3  }
0x37: {  	[smem:$0x3FB1] =	sst s10  }
0x38: {  	s10 =	sld [smem:$0x3FB2]  }
0x39: {  	_ = 	snop;
	(pc) =	sbr.ind lr, $3  }
0x3a: {  	_ = 	snop  }
0x3b: {  	_ = 	snop  }
0x3c: {  	p2 =	seq.s32 s10, $0x1;
	s10 =	sld [smem:$0x3FB1]  }
0x3d: {  	_ =	shalt  }
0x3e: {  	_ =	shalt  }
0x3f: {  	_ =	shalt  }
0x40: {  	_ =	shalt  }
0x41: {  	_ =	shalt  }
0x42: {  	_ =	shalt  }
0x43: {  	_ =	shalt  }
0x44: {  	_ =	shalt  }
0x45: {  	_ =	shalt  }
0x46: {  	_ =	shalt  }
0x47: {  	_ =	shalt  }
0x48: {  	_ =	shalt  }
0x49: {  	_ =	shalt  }
0x4a: {  	_ =	shalt  }
0x4b: {  	_ =	shalt  }
0x4c: {  	_ =	shalt  }
0x4d: {  	_ =	shalt  }
0x4e: {  	_ =	shalt  }
0x4f: {  	_ =	shalt  }
0x50: {  	_ =	shalt  }
0x51: {  	_ =	shalt  }
0x52: {  	_ =	shalt  }
0x53: {  	_ =	shalt  }
0x54: {  	_ =	shalt  }
0x55: {  	_ =	shalt  }
0x56: {  	_ =	shalt  }
0x57: {  	_ =	shalt  }
0x58: {  	_ =	shalt  }
0x59: {  	_ =	shalt  }
0x5a: {  	_ =	shalt  }
0x5b: {  	_ =	shalt  }
0x5c: {  	_ =	shalt  }
0x5d: {  	_ =	shalt  }
0x5e: {  	_ =	shalt  }
0x5f: {  	_ =	shalt  }
0x60: {  	_ =	shalt  }
0x61: {  	_ =	shalt  }
0x62: {  	_ =	shalt  }
0x63: {  	_ =	shalt  }
0x64: {  	_ =	shalt  }
0x65: {  	_ =	shalt  }
0x66: {  	_ =	shalt  }
0x67: {  	_ =	shalt  }
0x68: {  	_ =	shalt  }
0x69: {  	_ =	shalt  }
0x6a: {  	_ =	shalt  }
0x6b: {  	_ =	shalt  }
0x6c: {  	_ =	shalt  }
0x6d: {  	_ =	shalt  }
0x6e: {  	_ =	shalt  }
0x6f: {  	_ =	shalt  }
0x70: {  	_ =	shalt  }
0x71: {  	_ =	shalt  }
0x72: {  	_ =	shalt  }
0x73: {  	_ =	shalt  }
0x74: {  	_ =	shalt  }
0x75: {  	_ =	shalt  }
0x76: {  	_ =	shalt  }
0x77: {  	_ =	shalt  }
0x78: {  	_ =	shalt  }
0x79: {  	_ =	shalt  }
0x7a: {  	_ =	shalt  }
0x7b: {  	_ =	shalt  }
0x7c: {  	_ =	shalt  }
0x7d: {  	_ =	shalt  }
0x7e: {  	_ =	shalt  }
0x7f: {  	_ =	shalt  }
0x80: {  	_ =	shalt  }
0x81: {  	_ =	shalt  }
0x82: {  	_ =	shalt  }
0x83: {  	_ =	shalt  }
0x84: {  	_ =	shalt  }
0x85: {  	_ =	shalt  }
0x86: {  	_ =	shalt  }
0x87: {  	_ =	shalt  }
.Lfunc_end0:
.L_simem_size_0:
called_computation_lowered:
.L_overlay_start_0:
0x88: {  	s2 =	sld [smem:$0x3FD9]  }
0x89: {  	s3 =	sld [smem:$0x3FFE];
	_ =	sdelay $0x1  }
0x8a: {  	s1 =	srdreg.scid  }
0x8b: {  	s0 =	sand.u32 $0x1, s1  }
0x8c: {  	s17 =	sshll.u32 s0, $0xA;
	s2 =	sadd.s32 s3, s2  }
0x8d: {  	s2 =	sadd.s32 s2, s17  }
0x8e: {  	[smem:$0x3FBD] =	sst s2  }
0x8f: {  	_ = 	snop  }
0x90: {  	s2 =	sld [smem:$0x3FD0];
	(tm) =	ssettm $0x1  }
0x91: {  	s18 =	sld [smem:$0x3FFB];
	_ =	sdelay $0x3  }
0x92: {  	_ =	strace s18  }
0x93: {  	s3 =	sld [smem:$0x3FFC];
	_ =	sdelay $0x3  }
0x94: {  	_ =	strace s3  }
0x95: {  	s3 =	sld [smem:$0x3FFD];
	_ =	sdelay $0x3  }
0x96: {  	_ =	strace s3  }
0x97: {  	_ =	strace $0x8FFFFFFF  }
0x98: {  	s19 =	sld [smem:$0x3FDB];
	_ =	sdelay $0x1  }
0x99: {  	s4 =	simm.s32 $_scs_section_size  }
0x9a: {  	s5 =	simm.s32 $_size__tile_overlayer_lowered;
	s6 =	simm.s32 $_tile_overlayer_lowered  }
0x9b: {  	s22 =	simm.s32 $0x1BFF;
	s21 =	sshll.u32 s6, $0x1;
	s3 =	sadd.s32 s4, s19  }
0x9c: {  	s7 =	simm.s32 $0x0;
	s20 =	sshll.u32 s5, $0x1;
	s5 =	sadd.s32 s21, s3  }
0x9d: {  	[timem:s7], [sflag:s22] =	dma.local [hbm:s5], s20  }
0x9e: {  	_ =	swait.ge [sflag:s22], s20  }
0x9f: {  	s4 =	ssub.s32 $0x0, s20;
	[sflag:s22] =	ssyncset.done $0x0  }
0xa0: {  	[sflag:s22] =	ssyncadd.s32 s4;
	_ =	sdelay $0x1  }
0xa1: {  	s23 =	simm.s32 $0x1B8B  }
0xa2: {  	_ =	swait.ge [sflag:s23], $0x1  }
0xa3: {  	[sflag:s23] =	ssyncset.done $0x0  }
0xa4: {  	s25 =	simm.s32 $0x1B8E;
	s24 =	sld [smem:$0x3FFE];
	[sflag:s23] =	ssyncadd.s32 $0xFFFFFFFF  }
0xa5: {  	s26 =	simm.s32 $execute0_lowered;
	[smem:$0x3FD2] =	sst s25  }
0xa6: {  	s5 =	sshll.u32 s26, $0x1;
	_ =	strace $0x80000046;
	[dreg:$0x1] =	wrdreg $0xFFFFFFFF  }
0xa7: {  	s28 =	simm.s32 $_size_execute0_lowered;
	s3 =	sadd.s32 s3, s5;
	[dreg:$0x0] =	wrdreg $0x0  }
0xa8: {  	s5 =	sshll.u32 s28, $0x1;
	[dreg:$0x2] =	wrdreg s3  }
0xa9: {  	[dreg:$0x3] =	wrdreg s5  }
0xaa: {  	[dreg:$0x4] =	wrdreg $0xC0  }
0xab: {  	_ =	task [dreg:s7], $0x5FFFF  }
0xac: {  	[dreg:$0x1] =	wrdreg $0xFFFFFFFF  }
0xad: {  	[dreg:$0x0] =	wrdreg $0x60  }
0xae: {  	[dreg:$0x2] =	wrdreg s24  }
0xaf: {  	[dreg:$0x3] =	wrdreg s2  }
0xb0: {  	[dreg:$0x4] =	wrdreg $0x9  }
0xb1: {  	_ =	task.clear_ibuf [dreg:s7], $0x5FFFF;
	_ =	strace $0x90000046  }
0xb2: {  	s29 =	simm.s32 $0x9;
	_ =	strace $0x80000048  }
0xb3: {  	_ =	swait.ge [sflag:s29], $0x1  }
0xb4: {  	[sflag:s29] =	ssyncadd.s32 $0xFFFFFFFF  }
0xb5: {  	_ =	strace $0x90000048  }
0xb6: {  	_ =	sfence  }
0xb7: {  	s30 =	sld [smem:$0x0];
	_ =	sdelay $0x2  }
0xb8: {  	s31 =	sshll.u32 s1, $0xD;
	s1 =	sshrl.u32 s1, $0x2  }
0xb9: {  	s3 =	sand.u32 $0x4000, s31;
	s1 =	sadd.s32 s1, s30  }
0xba: {  	s0 =	sor.u32 s3, s0;
	s1 =	sshll.u32 s1, $0x11  }
0xbb: {  	s0 =	sor.u32 s1, s0  }
0xbc: {  	s0 =	sadd.s32 $0x8F2B, s0  }
0xbd: {  	[sflag:s0] =	ssyncadd.remote.s32 $0x1  }
0xbe: {  	_ =	sfence.sel $0xFFFF  }
0xbf: {  	[dreg:$0x0] =	wrdreg $0xFFFFFFFF;
	(pc) =	sbr.abs _section_cstart, $3  }
0xc0: {  	[dreg:$0x1] =	wrdreg $0xFFFFFFFF  }
0xc1: {  	_ =	task.clear_ibuf [dreg:s7], $0x2FFFF;
	_ =	strace $0x9FFFFFFF  }
0xc2: {  	(tm) =	ssettm $0x7FFFFFFF  }
0xc3: {  	_ =	shalt  }
tec
execute0_lowered:
.L_overlay_start_1:
0x0: {  	(tag) =	ssettag $0x1  }
0x1: {  	s7 =	rddreg [dreg:$0x0]  }
0x2: {  	s2 =	rddreg [dreg:$0x1];
	s3 =	srdreg.scid  }
0x3: {  	s0 =	rddreg [dreg:$0x2];
	s1 =	stileid.u32  }
0x4: {  	s13 =	simm.s32 $0xDF00;
	s14 =	simm.s32 $0x10F00;
	s15 =	simm.s32 $0x0  }
0x5: {  	s6 =	sand.u32 $0x1, s3;
	s3 =	simm.s32 $0x0;
	s4 =	sshll.u32 s1, $0x9  }
0x6: {  	s5 =	sshll.u32 s6, $0x8;
	[smem:$0x7FF] =	sst s3;
	s10 =	ssub.s32 $0x2, s6  }
0x7: {  	s6 =	sadd.s32 $0x161600, s7;
	s9 =	sor.u32 s5, s4;
	_ =	strace $0x80000047  }
0x8: {  	v0 =	vlaneseq.u32;
	s5 =	sadd.s32 $0x1600, s7;
	s4 =	smul.u32 $0x30, s9;
	s8 =	smax.u32 s9, $0x110  }
0x9: {  	v1 =	vmul.u32 $0x2, v0;
	s11 =	sshrl.u32 s10, $0x1;
	s9 =	smul.u32 $0x300, s9;
	s30 =	smin.u32 s8, $0x1DF0  }
0xa: {  	v2 =	vor.u32 $0x10, v0;
	s10 =	ssub.s32 s10, s11;
	s31 =	sshrl.u32 s4, $0x3;
	s12 =	smul.u32 $0x180, s30  }
0xb: {  	v3 =	vor.u32 $0x20, v0;
	v4 =	vor.u32 $0x1, v1;
	v5 =	vor.u32 $0x20, v1;
	s11 =	simm.s32 $0xAF00;
	s10 =	smax.u32 s10, $0x1;
	s7 =	sadd.s32 s31, s7  }
0xc: {  	v6 =	vor.u32 $0x21, v1;
	v7 =	vor.u32 $0x40, v1;
	v8 =	vor.u32 $0x41, v1;
	s7 =	sadd.s32 $0x61600, s7;
	s8 =	sadd.s32 $0xFFFE6800, s12;
	s12 =	simm.s32 $0x1  }
.LBB2_1:
0xd: {  	[tilespmem:s11], [sflag:$0x1] =	stream.linear.gather [hbm4b:s7+s3], $0x3000, $0x38;
	[tilespmem:$0x17700] =	vst v63  }
0xe: {  	_ =	swait.ge [sflag:s12], $0x3000  }
0xf: {  	[sflag:s12] =	ssyncset.done $0x0  }
0x10: {  	s16 =	simm.s32 $0x0;
	[sflag:s12] =	ssyncadd.s32 $0xFFFFD000  }
.LBB2_2:
0x11: {  	s17 =	smul.u32 $0x60000, s16;
	_ =	sdelay $0x1  }
0x12: {  	s19 =	smul.u32 $0x30, s16;
	s17 =	sadd.s32 s4, s17  }
0x13: {  	s17 =	sshrl.u32 s17, $0x3  }
0x14: {  	s31 =	sadd.s32 s8, s19;
	s18 =	sadd.s32 s6, s17;
	s17 =	simm.s32 $0x0  }
0x15: {  	[tilespmem:s13], [sflag:$0x1] =	stream.linear.gather [hbm4b:s18+s17], $0x3000, $0x38;
	[tilespmem:$0x17700] =	vst v63  }
0x16: {  	s18 =	sshrl.u32 s31, $0x3;
	_ =	swait.ge [sflag:s12], $0x3000  }
0x17: {  	s20 =	simm.s32 $0x38;
	s18 =	sadd.s32 s5, s18;
	[sflag:s12] =	ssyncset.done $0x0  }
0x18: {  	s19 =	simm.s32 $0x30;
	s21 =	sadd.s32 $0x0, s18;
	[sflag:s12] =	ssyncadd.s32 $0xFFFFD000  }
.LBB2_3:
0x19: {  	[tilespmem:s17], [sflag:$0x1] =	stream.linear.gather [hbm4b:s21+s3], $0x30, $0x38;
	[tilespmem:$0x17700] =	vst v63  }
0x1a: {  	s21 =	smov.u32 s19;
	s17 =	smov.u32 s20;
	p0 =	sne.s32 s19, $0x95D0  }
.Ltmp0:
0x1b: {  	s19 =	sadd.s32 $0x30, s19;
	(pc) =	sbr.rel @p0 .LBB2_3-.Ltmp0, $2  }
0x1c: {  	_ =	sdelay $0x2  }
0x1d: {  	s20 =	sadd.s32 $0x38, s20;
	s21 =	sadd.s32 s21, s18  }
0x1e: {  	[tilespmem:s17], [sflag:$0x1] =	stream.linear.gather [hbm4b:s21+s3], $0x30, $0x38;
	[tilespmem:$0x17700] =	vst v63  }
0x1f: {  	_ =	swait.ge [sflag:s12], $0x9600  }
0x20: {  	s17 =	simm.s32 $0x0;
	[sflag:s12] =	ssyncset.done $0x0  }
0x21: {  	s18 =	simm.s32 $0xAF10;
	s19 =	simm.s32 $0xDF20;
	[sflag:s12] =	ssyncadd.s32 $0xFFFF6A00  }
.LBB2_5:
0x22: {  	v9 =	vld [tilespmem:s18+$0xFFFFFFF0];
	_ =	sdelay $0x4  }
0x23: {  	v10 =	vmul.u32 $0x38, v9;
	_ =	sdelay $0x1  }
0x24: {  	v11 =	vbroadcast v10, $0x0;
	_ =	sdelay $0x1  }
0x25: {  	v12 =	vadd.s32 v0, v11  }
0x26: {  	v14 =	vbroadcast v10, $0x1;
	v13 =	vadd.s32 v2, v11  }
0x27: {  	v11 =	vadd.s32 v3, v11  }
0x28: {  	v15 =	vadd.s32 v0, v14  }
0x29: {  	v9 =	vld [tilespmem:s19+$0xFFFFFFE0];
	v20 =	vbroadcast v10, $0x2;
	v18 =	vadd.s32 v2, v14  }
0x2a: {  	v14 =	vadd.s32 v3, v14;
	v12 =	vld.idx.msk [tilespmem:v12+s3+$0x0], $0xffff  }
0x2b: {  	v25 =	vbroadcast v10, $0x3;
	v23 =	vadd.s32 v0, v20;
	v13 =	vld.idx.msk [tilespmem:v13+s3+$0x0], $0xffff  }
0x2c: {  	v27 =	vbroadcast v10, $0x4;
	v24 =	vadd.s32 v2, v20;
	v11 =	vld.idx.msk [tilespmem:v11+s3+$0x0], $0xffff  }
0x2d: {  	v40 =	vadd.s32 v0, v25;
	v44 =	vadd.s32 v2, v25;
	v25 =	vadd.s32 v3, v25;
	v15 =	vld.idx.msk [tilespmem:v15+s3+$0x0], $0xffff  }
0x2e: {  	v59 =	vbroadcast v10, $0x5;
	v20 =	vadd.s32 v3, v20;
	v18 =	vld.idx.msk [tilespmem:v18+s3+$0x0], $0xffff  }
0x2f: {  	v47 =	vadd.s32 v0, v27;
	v53 =	vadd.s32 v2, v27;
	v57 =	vadd.s32 v3, v27;
	v14 =	vld.idx.msk [tilespmem:v14+s3+$0x0], $0xffff  }
0x30: {  	v62 =	vadd.s32 v0, v59;
	v16 =	vbroadcast v9, $0x0;
	v22 =	vbroadcast v9, $0x1;
	v23 =	vld.idx.msk [tilespmem:v23+s3+$0x0], $0xffff  }
0x31: {  	v28 =	vadd.s32 v2, v59;
	v41 =	vbroadcast v9, $0x2;
	v50 =	vbroadcast v9, $0x3;
	v24 =	vld.idx.msk [tilespmem:v24+s3+$0x0], $0xffff  }
0x32: {  	v63 =	vbroadcast v9, $0x4;
	v52 =	vld.idx.msk [tilespmem:v25+s3+$0x0], $0xffff;
	v25 =	vadd.s32 v3, v59;
	v17 =	vunpack.i.u.bf16.f32 v12  }
0x33: {  	v20 =	vld.idx.msk [tilespmem:v20+s3+$0x0], $0xffff;
	v12 =	vunpack.i.l.bf16.f32 v12;
	v19 =	vunpack.i.l.bf16.f32 v13;
	v13 =	vunpack.i.u.bf16.f32 v13  }
0x34: {  	v49 =	vld.idx.msk [tilespmem:v44+s3+$0x0], $0xffff;
	v21 =	vunpack.i.u.bf16.f32 v11;
	v11 =	vunpack.i.l.bf16.f32 v11;
	v37 =	vunpack.i.l.bf16.f32 v15  }
0x35: {  	v15 =	vunpack.i.u.bf16.f32 v15;
	v38 =	vunpack.i.u.bf16.f32 v18;
	v18 =	vunpack.i.l.bf16.f32 v18  }
0x36: {  	v26 =	vunpack.i.l.bf16.f32 v14;
	v14 =	vunpack.i.u.bf16.f32 v14;
	v42 =	vunpack.i.u.bf16.f32 v23  }
0x37: {  	v56 =	vld.idx.msk [tilespmem:v47+s3+$0x0], $0xffff;
	v43 =	vunpack.i.l.bf16.f32 v23;
	v45 =	vunpack.i.u.bf16.f32 v24;
	v24 =	vunpack.i.l.bf16.f32 v24  }
0x38: {  	v36 =	vld.idx.msk [tilespmem:v62+s3+$0x0], $0xffff;
	v48 =	vunpack.i.l.bf16.f32 v20;
	v20 =	vunpack.i.u.bf16.f32 v20;
	v12 =	vmul.f32 v12, v16  }
0x39: {  	v58 =	vunpack.i.l.bf16.f32 v49;
	v17 =	vmul.f32 v17, v16;
	v19 =	vmul.f32 v19, v16  }
0x3a: {  	v60 =	vunpack.i.u.bf16.f32 v49;
	v13 =	vmul.f32 v13, v16;
	v11 =	vmul.f32 v11, v16  }
0x3b: {  	v61 =	vunpack.i.l.bf16.f32 v52;
	v16 =	vmul.f32 v21, v16;
	v21 =	vmul.f32 v37, v22  }
0x3c: {  	v32 =	vunpack.i.l.bf16.f32 v56;
	v15 =	vmul.f32 v15, v22;
	v18 =	vmul.f32 v18, v22  }
0x3d: {  	v44 =	vunpack.i.l.bf16.f32 v36;
	v39 =	vmul.f32 v26, v22;
	v14 =	vmul.f32 v14, v22  }
0x3e: {  	v26 =	vld.idx.msk [tilespmem:v40+s3+$0x0], $0xffff;
	v46 =	vmul.f32 v24, v41;
	v12 =	vadd.f32 $0.0e+00, v12;
	v17 =	vadd.f32 $0.0e+00, v17  }
0x3f: {  	v23 =	vmul.f32 v45, v41;
	v24 =	vld.idx.msk [tilespmem:v53+s3+$0x0], $0xffff;
	v19 =	vadd.f32 $0.0e+00, v19;
	v13 =	vadd.f32 $0.0e+00, v13  }
0x40: {  	v33 =	vmul.f32 v32, v63;
	v40 =	vld.idx.msk [tilespmem:v28+s3+$0x0], $0xffff;
	v11 =	vadd.f32 $0.0e+00, v11;
	v16 =	vadd.f32 $0.0e+00, v16  }
0x41: {  	v12 =	vadd.f32 v21, v12;
	v21 =	vmul.f32 v38, v22;
	v15 =	vadd.f32 v15, v17  }
0x42: {  	v18 =	vadd.f32 v18, v19;
	v11 =	vadd.f32 v39, v11;
	v19 =	vmul.f32 v42, v41  }
0x43: {  	v14 =	vadd.f32 v14, v16;
	v17 =	vmul.f32 v20, v41;
	v38 =	vbroadcast v10, $0x6  }
0x44: {  	v51 =	vunpack.i.l.bf16.f32 v26;
	v54 =	vunpack.i.u.bf16.f32 v26;
	v35 =	vunpack.i.l.bf16.f32 v24  }
0x45: {  	v37 =	vunpack.i.u.bf16.f32 v24;
	v45 =	vunpack.i.l.bf16.f32 v40;
	v24 =	vunpack.i.u.bf16.f32 v40  }
0x46: {  	v25 =	vld.idx.msk [tilespmem:v25+s3+$0x0], $0xffff;
	v13 =	vadd.f32 v21, v13;
	v21 =	vmul.f32 v43, v41;
	v15 =	vadd.f32 v19, v15  }
0x47: {  	v16 =	vadd.f32 v46, v18;
	v18 =	vmul.f32 v48, v41;
	v20 =	vmul.f32 v51, v50  }
0x48: {  	v14 =	vadd.f32 v17, v14;
	v55 =	vmul.f32 v54, v50;
	v17 =	vmul.f32 v60, v50  }
0x49: {  	v42 =	vadd.s32 v0, v38;
	v43 =	vbroadcast v9, $0x5;
	v46 =	vadd.s32 v2, v38  }
0x4a: {  	v48 =	vbroadcast v10, $0x7;
	v12 =	vadd.f32 v21, v12;
	v13 =	vadd.f32 v23, v13  }
0x4b: {  	v51 =	vunpack.i.l.bf16.f32 v25;
	v11 =	vadd.f32 v18, v11;
	v15 =	vadd.f32 v55, v15  }
0x4c: {  	v23 =	vunpack.i.u.bf16.f32 v52;
	v21 =	vmul.f32 v61, v50;
	v18 =	vunpack.i.u.bf16.f32 v56  }
0x4d: {  	v19 =	vld.idx.msk [tilespmem:v57+s3+$0x0], $0xffff;
	v47 =	vmul.f32 v24, v43;
	v49 =	vadd.s32 v0, v48;
	v52 =	vbroadcast v9, $0x6  }
0x4e: {  	v55 =	vadd.s32 v2, v48;
	v57 =	vadd.s32 v3, v48;
	v22 =	vmul.f32 v23, v50  }
0x4f: {  	v34 =	vmul.f32 v18, v63;
	v18 =	vmul.f32 v35, v63;
	v12 =	vadd.f32 v20, v12  }
0x50: {  	v20 =	vmul.f32 v58, v50;
	v13 =	vadd.f32 v17, v13;
	v11 =	vadd.f32 v21, v11  }
0x51: {  	v21 =	vmul.f32 v37, v63;
	v17 =	vmul.f32 v44, v43;
	v50 =	vunpack.i.u.bf16.f32 v25  }
0x52: {  	v58 =	vbroadcast v10, $0x8;
	v14 =	vadd.f32 v22, v14;
	v39 =	vunpack.i.l.bf16.f32 v19  }
0x53: {  	v15 =	vadd.f32 v34, v15;
	v19 =	vunpack.i.u.bf16.f32 v19;
	v22 =	vadd.s32 v3, v38  }
0x54: {  	v16 =	vadd.f32 v20, v16;
	v12 =	vadd.f32 v33, v12;
	v41 =	vmul.f32 v39, v63  }
0x55: {  	v13 =	vadd.f32 v21, v13;
	v19 =	vmul.f32 v19, v63;
	v20 =	vunpack.i.u.bf16.f32 v36  }
0x56: {  	v21 =	vmul.f32 v45, v43;
	v62 =	vadd.s32 v0, v58;
	v63 =	vbroadcast v9, $0x7  }
0x57: {  	v23 =	vld.idx.msk [tilespmem:v42+s3+$0x0], $0xffff;
	v31 =	vadd.s32 v2, v58;
	v36 =	vbroadcast v10, $0x9;
	v16 =	vadd.f32 v18, v16  }
0x58: {  	v53 =	vld.idx.msk [tilespmem:v46+s3+$0x0], $0xffff;
	v39 =	vbroadcast v9, $0x8;
	v11 =	vadd.f32 v41, v11;
	v14 =	vadd.f32 v19, v14  }
0x59: {  	v20 =	vmul.f32 v20, v43;
	v12 =	vadd.f32 v17, v12;
	v13 =	vadd.f32 v47, v13  }
0x5a: {  	v26 =	vld.idx.msk [tilespmem:v55+s3+$0x0], $0xffff;
	v18 =	vmul.f32 v50, v43;
	v40 =	vadd.s32 v0, v36;
	v42 =	vadd.s32 v2, v36  }
0x5b: {  	v17 =	vld.idx.msk [tilespmem:v49+s3+$0x0], $0xffff;
	v49 =	vadd.s32 v3, v36;
	v50 =	vbroadcast v10, $0xA;
	v15 =	vadd.f32 v20, v15  }
0x5c: {  	v20 =	vmul.f32 v51, v43;
	v16 =	vadd.f32 v21, v16;
	v54 =	vunpack.i.l.bf16.f32 v23  }
0x5d: {  	v23 =	vunpack.i.u.bf16.f32 v23;
	v14 =	vadd.f32 v18, v14;
	v59 =	vunpack.i.u.bf16.f32 v53  }
0x5e: {  	v60 =	vunpack.i.l.bf16.f32 v53;
	v19 =	vmul.f32 v54, v52;
	v56 =	vmul.f32 v23, v52  }
0x5f: {  	v11 =	vadd.f32 v20, v11;
	v23 =	vmul.f32 v60, v52;
	v18 =	vmul.f32 v59, v52  }
0x60: {  	v22 =	vld.idx.msk [tilespmem:v22+s3+$0x0], $0xffff;
	v20 =	vadd.s32 v3, v58;
	v54 =	vadd.s32 v0, v50;
	v34 =	vunpack.i.l.bf16.f32 v26  }
0x61: {  	v33 =	vld.idx.msk [tilespmem:v62+s3+$0x0], $0xffff;
	v35 =	vunpack.i.u.bf16.f32 v26;
	v12 =	vadd.f32 v19, v12;
	v15 =	vadd.f32 v56, v15  }
0x62: {  	v38 =	vld.idx.msk [tilespmem:v31+s3+$0x0], $0xffff;
	v16 =	vadd.f32 v23, v16;
	v30 =	vunpack.i.u.bf16.f32 v17;
	v17 =	vunpack.i.l.bf16.f32 v17  }
0x63: {  	v19 =	vld.idx.msk [tilespmem:v57+s3+$0x0], $0xffff;
	v13 =	vadd.f32 v18, v13;
	v18 =	vmul.f32 v35, v63;
	v57 =	vbroadcast v9, $0x9  }
0x64: {  	v48 =	vld.idx.msk [tilespmem:v40+s3+$0x0], $0xffff;
	v23 =	vadd.s32 v3, v50;
	v40 =	vbroadcast v10, $0xC;
	v17 =	vmul.f32 v17, v63  }
0x65: {  	v32 =	vmul.f32 v30, v63;
	v61 =	vunpack.i.l.bf16.f32 v22;
	v22 =	vunpack.i.u.bf16.f32 v22  }
0x66: {  	v13 =	vadd.f32 v18, v13;
	v24 =	vmul.f32 v61, v52;
	v21 =	vmul.f32 v22, v52  }
0x67: {  	v12 =	vadd.f32 v17, v12;
	v15 =	vadd.f32 v32, v15;
	v17 =	vmul.f32 v34, v63  }
0x68: {  	v60 =	vld.idx.msk [tilespmem:v49+s3+$0x0], $0xffff;
	v41 =	vunpack.i.l.bf16.f32 v33;
	v44 =	vunpack.i.u.bf16.f32 v33;
	v46 =	vunpack.i.u.bf16.f32 v38  }
0x69: {  	v47 =	vunpack.i.l.bf16.f32 v38;
	v52 =	vld.idx.msk [tilespmem:v42+s3+$0x0], $0xffff;
	v34 =	vbroadcast v9, $0xA;
	v42 =	vbroadcast v9, $0xB  }
0x6a: {  	v61 =	vadd.s32 v2, v50;
	v43 =	vmul.f32 v41, v39;
	v45 =	vmul.f32 v44, v39  }
0x6b: {  	v18 =	vmul.f32 v46, v39;
	v11 =	vadd.f32 v24, v11;
	v14 =	vadd.f32 v21, v14  }
0x6c: {  	v37 =	vunpack.i.u.bf16.f32 v19;
	v19 =	vunpack.i.l.bf16.f32 v19;
	v16 =	vadd.f32 v17, v16  }
0x6d: {  	v20 =	vld.idx.msk [tilespmem:v20+s3+$0x0], $0xffff;
	v58 =	vunpack.i.u.bf16.f32 v48;
	v59 =	vunpack.i.l.bf16.f32 v48;
	v32 =	vunpack.i.l.bf16.f32 v60  }
0x6e: {  	v21 =	vunpack.i.u.bf16.f32 v60;
	v19 =	vmul.f32 v19, v63;
	v22 =	vmul.f32 v37, v63  }
0x6f: {  	v12 =	vadd.f32 v43, v12;
	v15 =	vadd.f32 v45, v15;
	v63 =	vbroadcast v10, $0xB  }
0x70: {  	v13 =	vadd.f32 v18, v13;
	v17 =	vmul.f32 v32, v57;
	v18 =	vmul.f32 v21, v57  }
0x71: {  	v43 =	vadd.s32 v0, v40;
	v45 =	vadd.s32 v2, v40;
	v11 =	vadd.f32 v19, v11  }
0x72: {  	v19 =	vmul.f32 v47, v39;
	v51 =	vunpack.i.l.bf16.f32 v20;
	v55 =	vunpack.i.u.bf16.f32 v20  }
0x73: {  	v24 =	vld.idx.msk [tilespmem:v54+s3+$0x0], $0xffff;
	v20 =	vmul.f32 v59, v57;
	v31 =	vadd.s32 v0, v63;
	v36 =	vadd.s32 v2, v63  }
0x74: {  	v23 =	vld.idx.msk [tilespmem:v23+s3+$0x0], $0xffff;
	v38 =	vadd.s32 v3, v63;
	v47 =	vbroadcast v10, $0xD;
	v63 =	vbroadcast v10, $0xE  }
0x75: {  	v25 =	vunpack.i.l.bf16.f32 v52;
	v10 =	vbroadcast v10, $0xF;
	v53 =	vmul.f32 v51, v39  }
0x76: {  	v62 =	vunpack.i.u.bf16.f32 v52;
	v56 =	vmul.f32 v55, v39;
	v29 =	vmul.f32 v25, v57  }
0x77: {  	v14 =	vadd.f32 v22, v14;
	v30 =	vmul.f32 v62, v57;
	v55 =	vbroadcast v9, $0xC  }
0x78: {  	v16 =	vadd.f32 v19, v16;
	v19 =	vmul.f32 v58, v57;
	v12 =	vadd.f32 v20, v12  }
0x79: {  	v35 =	vunpack.i.u.bf16.f32 v24;
	v24 =	vunpack.i.l.bf16.f32 v24;
	v41 =	vunpack.i.u.bf16.f32 v23  }
0x7a: {  	v23 =	vunpack.i.l.bf16.f32 v23;
	v58 =	vadd.s32 v2, v47;
	v11 =	vadd.f32 v53, v11  }
0x7b: {  	v33 =	vld.idx.msk [tilespmem:v61+s3+$0x0], $0xffff;
	v14 =	vadd.f32 v56, v14;
	v24 =	vmul.f32 v24, v34;
	v21 =	vmul.f32 v35, v34  }
0x7c: {  	v13 =	vadd.f32 v30, v13;
	v23 =	vmul.f32 v23, v34;
	v22 =	vmul.f32 v41, v34  }
0x7d: {  	v53 =	vadd.s32 v0, v47;
	v30 =	vbroadcast v9, $0xD;
	v15 =	vadd.f32 v19, v15  }
0x7e: {  	v50 =	vld.idx.msk [tilespmem:v43+s3+$0x0], $0xffff;
	v35 =	vadd.s32 v2, v63;
	v16 =	vadd.f32 v29, v16;
	v11 =	vadd.f32 v17, v11  }
0x7f: {  	v52 =	vld.idx.msk [tilespmem:v45+s3+$0x0], $0xffff;
	v43 =	vadd.s32 v0, v10;
	v14 =	vadd.f32 v18, v14;
	v12 =	vadd.f32 v24, v12  }
0x80: {  	v37 =	vld.idx.msk [tilespmem:v31+s3+$0x0], $0xffff;
	v39 =	vunpack.i.l.bf16.f32 v33;
	v20 =	vunpack.i.u.bf16.f32 v33;
	v31 =	vadd.s32 v0, v63  }
0x81: {  	v15 =	vadd.f32 v21, v15;
	v19 =	vmul.f32 v39, v34;
	v20 =	vmul.f32 v20, v34  }
0x82: {  	v25 =	vld.idx.msk [tilespmem:v36+s3+$0x0], $0xffff;
	v21 =	vadd.s32 v3, v40;
	v11 =	vadd.f32 v23, v11;
	v14 =	vadd.f32 v22, v14  }
0x83: {  	v18 =	vld.idx.msk [tilespmem:v38+s3+$0x0], $0xffff;
	v39 =	vadd.s32 v3, v63;
	v16 =	vadd.f32 v19, v16;
	v13 =	vadd.f32 v20, v13  }
0x84: {  	v56 =	vunpack.i.l.bf16.f32 v50;
	v59 =	vunpack.i.u.bf16.f32 v50;
	v60 =	vunpack.i.l.bf16.f32 v52  }
0x85: {  	v19 =	vadd.s32 v3, v47;
	v62 =	vunpack.i.u.bf16.f32 v52;
	v47 =	vbroadcast v9, $0xE  }
0x86: {  	v61 =	vld.idx.msk [tilespmem:v53+s3+$0x0], $0xffff;
	v53 =	vadd.s32 v3, v10;
	v23 =	vmul.f32 v60, v55;
	v44 =	vunpack.i.l.bf16.f32 v37  }
0x87: {  	v41 =	vld [tilespmem:s18+$0x0];
	v17 =	vunpack.i.u.bf16.f32 v37;
	v48 =	vunpack.i.u.bf16.f32 v25;
	v49 =	vunpack.i.l.bf16.f32 v25  }
0x88: {  	v51 =	vunpack.i.l.bf16.f32 v18;
	v46 =	vmul.f32 v44, v42;
	v17 =	vmul.f32 v17, v42  }
0x89: {  	v18 =	vunpack.i.u.bf16.f32 v18;
	v22 =	vmul.f32 v49, v42;
	v20 =	vmul.f32 v48, v42  }
0x8a: {  	v52 =	vld.idx.msk [tilespmem:v43+s3+$0x0], $0xffff;
	v24 =	vmul.f32 v51, v42;
	v54 =	vmul.f32 v18, v42;
	v12 =	vadd.f32 v46, v12  }
0x8b: {  	v38 =	vld.idx.msk [tilespmem:v31+s3+$0x0], $0xffff;
	v49 =	vadd.s32 v2, v10;
	v15 =	vadd.f32 v17, v15;
	v16 =	vadd.f32 v22, v16  }
0x8c: {  	v57 =	vld.idx.msk [tilespmem:v21+s3+$0x0], $0xffff;
	v10 =	vmul.u32 $0x38, v41;
	v13 =	vadd.f32 v20, v13;
	v11 =	vadd.f32 v24, v11  }
0x8d: {  	v21 =	vld.idx.msk [tilespmem:v58+s3+$0x0], $0xffff;
	v14 =	vadd.f32 v54, v14;
	v17 =	vmul.f32 v56, v55;
	v22 =	vmul.f32 v59, v55  }
0x8e: {  	v27 =	vunpack.i.l.bf16.f32 v61;
	v34 =	vunpack.i.u.bf16.f32 v61;
	v24 =	vld.idx.msk [tilespmem:v39+s3+$0x0], $0xffff;
	v39 =	vbroadcast v10, $0x2  }
0x8f: {  	v59 =	vunpack.i.l.bf16.f32 v52;
	v60 =	vld.idx.msk [tilespmem:v53+s3+$0x0], $0xffff;
	v53 =	vbroadcast v10, $0x3;
	v33 =	vmul.f32 v27, v30  }
0x90: {  	v36 =	vmul.f32 v34, v30;
	v12 =	vadd.f32 v17, v12;
	v15 =	vadd.f32 v22, v15  }
0x91: {  	v16 =	vadd.f32 v23, v16;
	v17 =	vmul.f32 v62, v55;
	v48 =	vunpack.i.u.bf16.f32 v38  }
0x92: {  	v19 =	vld.idx.msk [tilespmem:v19+s3+$0x0], $0xffff;
	v29 =	vunpack.i.l.bf16.f32 v57;
	v20 =	vunpack.i.u.bf16.f32 v57;
	v37 =	vunpack.i.l.bf16.f32 v21  }
0x93: {  	v40 =	vunpack.i.u.bf16.f32 v21;
	v51 =	vmul.f32 v48, v47;
	v21 =	vbroadcast v10, $0x0  }
0x94: {  	v57 =	vbroadcast v9, $0xF;
	v48 =	vadd.s32 v2, v39;
	v22 =	vmul.f32 v29, v55  }
0x95: {  	v13 =	vadd.f32 v17, v13;
	v32 =	vmul.f32 v20, v55;
	v12 =	vadd.f32 v33, v12  }
0x96: {  	v15 =	vadd.f32 v36, v15;
	v18 =	vmul.f32 v37, v30;
	v17 =	vmul.f32 v40, v30  }
0x97: {  	v20 =	vunpack.i.l.bf16.f32 v38;
	v29 =	vbroadcast v10, $0x1;
	v42 =	vunpack.i.l.bf16.f32 v19  }
0x98: {  	v44 =	vunpack.i.u.bf16.f32 v19;
	v50 =	vmul.f32 v20, v47;
	v56 =	vunpack.i.u.bf16.f32 v24  }
0x99: {  	v24 =	vunpack.i.l.bf16.f32 v24;
	v58 =	vadd.s32 v0, v21;
	v61 =	vadd.s32 v2, v21  }
0x9a: {  	v21 =	vadd.s32 v3, v21;
	v33 =	vunpack.i.u.bf16.f32 v60;
	v11 =	vadd.f32 v22, v11  }
0x9b: {  	v14 =	vadd.f32 v32, v14;
	v16 =	vadd.f32 v18, v16;
	v45 =	vmul.f32 v42, v30  }
0x9c: {  	v13 =	vadd.f32 v17, v13;
	v46 =	vmul.f32 v44, v30;
	v24 =	vmul.f32 v24, v47  }
0x9d: {  	v25 =	vld.idx.msk [tilespmem:v49+s3+$0x0], $0xffff;
	v15 =	vadd.f32 v51, v15;
	v9 =	vmul.f32 v56, v47;
	v18 =	vmul.f32 v59, v57  }
0x9e: {  	v17 =	vunpack.i.u.bf16.f32 v52;
	v30 =	vunpack.i.l.bf16.f32 v60;
	v32 =	vadd.s32 v0, v29  }
0x9f: {  	v22 =	vld.idx.msk [tilespmem:v35+s3+$0x0], $0xffff;
	v34 =	vmul.f32 v33, v57;
	v37 =	vadd.s32 v2, v29;
	v42 =	vadd.s32 v0, v39  }
0xa0: {  	v51 =	vadd.s32 v3, v39;
	v60 =	vadd.s32 v2, v53;
	v14 =	vadd.f32 v46, v14  }
0xa1: {  	v12 =	vadd.f32 v50, v12;
	v17 =	vmul.f32 v17, v57;
	v31 =	vmul.f32 v30, v57  }
0xa2: {  	v11 =	vadd.f32 v45, v11;
	v62 =	vunpack.i.u.bf16.f32 v25;
	v14 =	vadd.f32 v9, v14;
	v9 =	vld [tilespmem:s19+$0xFFFFFFF0]  }
0xa3: {  	v63 =	vunpack.i.l.bf16.f32 v25;
	v12 =	vadd.f32 v18, v12;
	v18 =	vmul.f32 v62, v57;
	v28 =	vld.idx.msk [tilespmem:v58+s3+$0x0], $0xffff  }
0xa4: {  	v11 =	vadd.f32 v24, v11;
	v23 =	vld.idx.msk [tilespmem:v61+s3+$0x0], $0xffff;
	v54 =	vunpack.i.l.bf16.f32 v22;
	v55 =	vunpack.i.u.bf16.f32 v22  }
0xa5: {  	v15 =	vadd.f32 v17, v15;
	v21 =	vld.idx.msk [tilespmem:v21+s3+$0x0], $0xffff;
	v19 =	vmul.f32 v54, v47;
	v20 =	vmul.f32 v55, v47  }
0xa6: {  	v11 =	vadd.f32 v31, v11;
	v14 =	vadd.f32 v34, v14;
	v31 =	vbroadcast v10, $0x4  }
0xa7: {  	v24 =	vadd.s32 v3, v29;
	v25 =	vld.idx.msk [tilespmem:v32+s3+$0x0], $0xffff;
	v16 =	vadd.f32 v19, v16;
	v13 =	vadd.f32 v20, v13  }
0xa8: {  	v44 =	vld.idx.msk [tilespmem:v37+s3+$0x0], $0xffff;
	v19 =	vmul.f32 v63, v57;
	v57 =	vadd.s32 v0, v53;
	v39 =	vadd.s32 v2, v31  }
0xa9: {  	v35 =	vbroadcast v9, $0x0;
	v36 =	vunpack.i.u.bf16.f32 v28;
	v20 =	vunpack.i.l.bf16.f32 v28  }
0xaa: {  	v50 =	vld.idx.msk [tilespmem:v42+s3+$0x0], $0xffff;
	v38 =	vunpack.i.u.bf16.f32 v23;
	v23 =	vunpack.i.l.bf16.f32 v23;
	v43 =	vunpack.i.l.bf16.f32 v21  }
0xab: {  	v21 =	vunpack.i.u.bf16.f32 v21;
	v45 =	vbroadcast v9, $0x1;
	v58 =	vbroadcast v9, $0x2  }
0xac: {  	v16 =	vadd.f32 v19, v16;
	v13 =	vadd.f32 v18, v13;
	v46 =	vunpack.i.l.bf16.f32 v25  }
0xad: {  	v49 =	vunpack.i.u.bf16.f32 v25;
	v52 =	vunpack.i.l.bf16.f32 v44;
	v20 =	vmul.f32 v20, v35  }
0xae: {  	v33 =	vld.idx.msk [tilespmem:v60+s3+$0x0], $0xffff;
	v54 =	vunpack.i.u.bf16.f32 v44;
	v19 =	vmul.f32 v36, v35;
	v40 =	vmul.f32 v23, v35  }
0xaf: {  	v59 =	vunpack.i.l.bf16.f32 v50;
	v41 =	vmul.f32 v38, v35;
	v17 =	vmul.f32 v43, v35  }
0xb0: {  	v25 =	vadd.s32 v3, v53;
	v18 =	vmul.f32 v21, v35;
	v21 =	vmul.f32 v46, v45  }
0xb1: {  	v47 =	vld.idx.msk [tilespmem:v24+s3+$0x0], $0xffff;
	v55 =	vmul.f32 v52, v45;
	v61 =	vmul.f32 v59, v58;
	v35 =	vadd.s32 v0, v31  }
0xb2: {  	v24 =	vld.idx.msk [tilespmem:v48+s3+$0x0], $0xffff;
	v36 =	vbroadcast v9, $0x3;
	v12 =	vadd.f32 v20, v12;
	v15 =	vadd.f32 v19, v15  }
0xb3: {  	v38 =	vunpack.i.l.bf16.f32 v33;
	v16 =	vadd.f32 v40, v16;
	v13 =	vadd.f32 v41, v13  }
0xb4: {  	v11 =	vadd.f32 v17, v11;
	v14 =	vadd.f32 v18, v14;
	v17 =	vmul.f32 v49, v45  }
0xb5: {  	v19 =	vld.idx.msk [tilespmem:v51+s3+$0x0], $0xffff;
	v18 =	vunpack.i.u.bf16.f32 v50;
	v41 =	vbroadcast v10, $0x5;
	v51 =	vbroadcast v10, $0x6  }
0xb6: {  	v56 =	vunpack.i.l.bf16.f32 v47;
	v23 =	vunpack.i.u.bf16.f32 v47;
	v62 =	vmul.f32 v18, v58  }
0xb7: {  	v63 =	vunpack.i.l.bf16.f32 v24;
	v30 =	vunpack.i.u.bf16.f32 v24;
	v24 =	vunpack.i.u.bf16.f32 v33  }
0xb8: {  	v33 =	vbroadcast v9, $0x6;
	v15 =	vadd.f32 v17, v15;
	v17 =	vmul.f32 v54, v45  }
0xb9: {  	v12 =	vadd.f32 v21, v12;
	v21 =	vmul.f32 v56, v45;
	v22 =	vmul.f32 v23, v45  }
0xba: {  	v16 =	vadd.f32 v55, v16;
	v18 =	vmul.f32 v63, v58;
	v40 =	vmul.f32 v24, v36  }
0xbb: {  	v29 =	vld.idx.msk [tilespmem:v57+s3+$0x0], $0xffff;
	v42 =	vadd.s32 v0, v41;
	v45 =	vbroadcast v9, $0x4;
	v48 =	vadd.s32 v2, v41  }
0xbc: {  	v46 =	vld.idx.msk [tilespmem:v39+s3+$0x0], $0xffff;
	v50 =	vadd.s32 v3, v41;
	v55 =	vadd.s32 v0, v51;
	v56 =	vbroadcast v9, $0x5  }
0xbd: {  	v63 =	vbroadcast v10, $0x7;
	v13 =	vadd.f32 v17, v13;
	v11 =	vadd.f32 v21, v11  }
0xbe: {  	v14 =	vadd.f32 v22, v14;
	v12 =	vadd.f32 v61, v12;
	v21 =	vmul.f32 v30, v58  }
0xbf: {  	v25 =	vld.idx.msk [tilespmem:v25+s3+$0x0], $0xffff;
	v15 =	vadd.f32 v62, v15;
	v16 =	vadd.f32 v18, v16;
	v22 =	vadd.s32 v3, v31  }
0xc0: {  	v32 =	vunpack.i.l.bf16.f32 v19;
	v19 =	vunpack.i.u.bf16.f32 v19;
	v37 =	vunpack.i.l.bf16.f32 v29  }
0xc1: {  	v20 =	vunpack.i.u.bf16.f32 v29;
	v52 =	vunpack.i.u.bf16.f32 v46;
	v34 =	vmul.f32 v32, v58  }
0xc2: {  	v23 =	vld.idx.msk [tilespmem:v35+s3+$0x0], $0xffff;
	v53 =	vunpack.i.l.bf16.f32 v46;
	v19 =	vmul.f32 v19, v58;
	v17 =	vmul.f32 v37, v36  }
0xc3: {  	v13 =	vadd.f32 v21, v13;
	v20 =	vmul.f32 v20, v36;
	v21 =	vmul.f32 v38, v36  }
0xc4: {  	v58 =	vadd.s32 v2, v51;
	v43 =	vunpack.i.u.bf16.f32 v25;
	v11 =	vadd.f32 v34, v11  }
0xc5: {  	v44 =	vunpack.i.l.bf16.f32 v25;
	v14 =	vadd.f32 v19, v14;
	v12 =	vadd.f32 v17, v12  }
0xc6: {  	v15 =	vadd.f32 v20, v15;
	v16 =	vadd.f32 v21, v16;
	v20 =	vmul.f32 v44, v36  }
0xc7: {  	v18 =	vmul.f32 v43, v36;
	v47 =	vunpack.i.l.bf16.f32 v23;
	v23 =	vunpack.i.u.bf16.f32 v23  }
0xc8: {  	v34 =	vadd.s32 v0, v63;
	v36 =	vadd.s32 v2, v63;
	v44 =	vbroadcast v10, $0x8  }
0xc9: {  	v26 =	vld.idx.msk [tilespmem:v48+s3+$0x0], $0xffff;
	v43 =	vadd.s32 v3, v63;
	v63 =	vbroadcast v9, $0x8;
	v19 =	vmul.f32 v47, v45  }
0xca: {  	v60 =	vld.idx.msk [tilespmem:v55+s3+$0x0], $0xffff;
	v13 =	vadd.f32 v40, v13;
	v49 =	vmul.f32 v23, v45;
	v23 =	vmul.f32 v53, v45  }
0xcb: {  	v17 =	vld.idx.msk [tilespmem:v42+s3+$0x0], $0xffff;
	v11 =	vadd.f32 v20, v11;
	v14 =	vadd.f32 v18, v14;
	v18 =	vmul.f32 v52, v45  }
0xcc: {  	v20 =	vadd.s32 v3, v51;
	v48 =	vadd.s32 v0, v44;
	v51 =	vbroadcast v9, $0x7  }
0xcd: {  	v22 =	vld.idx.msk [tilespmem:v22+s3+$0x0], $0xffff;
	v55 =	vadd.s32 v2, v44;
	v12 =	vadd.f32 v19, v12;
	v15 =	vadd.f32 v49, v15  }
0xce: {  	v16 =	vadd.f32 v23, v16;
	v23 =	vadd.s32 v3, v44;
	v13 =	vadd.f32 v18, v13  }
0xcf: {  	v61 =	vunpack.i.l.bf16.f32 v26;
	v62 =	vunpack.i.u.bf16.f32 v26;
	v35 =	vunpack.i.l.bf16.f32 v60  }
0xd0: {  	v38 =	vunpack.i.u.bf16.f32 v60;
	v57 =	vunpack.i.u.bf16.f32 v17;
	v18 =	vmul.f32 v62, v56  }
0xd1: {  	v19 =	vld.idx.msk [tilespmem:v50+s3+$0x0], $0xffff;
	v17 =	vunpack.i.l.bf16.f32 v17;
	v37 =	vmul.f32 v35, v33;
	v39 =	vmul.f32 v38, v33  }
0xd2: {  	v32 =	vld.idx.msk [tilespmem:v58+s3+$0x0], $0xffff;
	v35 =	vbroadcast v10, $0xA;
	v54 =	vunpack.i.l.bf16.f32 v22;
	v17 =	vmul.f32 v17, v56  }
0xd3: {  	v22 =	vunpack.i.u.bf16.f32 v22;
	v59 =	vmul.f32 v57, v56;
	v57 =	vbroadcast v10, $0x9  }
0xd4: {  	v24 =	vmul.f32 v54, v45;
	v21 =	vmul.f32 v22, v45;
	v13 =	vadd.f32 v18, v13  }
0xd5: {  	v38 =	vadd.s32 v0, v35;
	v12 =	vadd.f32 v17, v12;
	v15 =	vadd.f32 v59, v15  }
0xd6: {  	v42 =	vld.idx.msk [tilespmem:v34+s3+$0x0], $0xffff;
	v17 =	vmul.f32 v61, v56;
	v31 =	vunpack.i.u.bf16.f32 v19;
	v19 =	vunpack.i.l.bf16.f32 v19  }
0xd7: {  	v46 =	vld.idx.msk [tilespmem:v36+s3+$0x0], $0xffff;
	v40 =	vunpack.i.u.bf16.f32 v32;
	v41 =	vunpack.i.l.bf16.f32 v32;
	v60 =	vadd.s32 v0, v57  }
0xd8: {  	v11 =	vadd.f32 v24, v11;
	v14 =	vadd.f32 v21, v14;
	v19 =	vmul.f32 v19, v56  }
0xd9: {  	v22 =	vmul.f32 v31, v56;
	v18 =	vmul.f32 v40, v33;
	v31 =	vadd.s32 v2, v57  }
0xda: {  	v20 =	vld.idx.msk [tilespmem:v20+s3+$0x0], $0xffff;
	v40 =	vadd.s32 v2, v35;
	v16 =	vadd.f32 v17, v16;
	v12 =	vadd.f32 v37, v12  }
0xdb: {  	v54 =	vld.idx.msk [tilespmem:v43+s3+$0x0], $0xffff;
	v15 =	vadd.f32 v39, v15;
	v52 =	vunpack.i.u.bf16.f32 v42;
	v53 =	vunpack.i.l.bf16.f32 v42  }
0xdc: {  	v62 =	vld.idx.msk [tilespmem:v55+s3+$0x0], $0xffff;
	v56 =	vunpack.i.u.bf16.f32 v46;
	v25 =	vunpack.i.l.bf16.f32 v46;
	v37 =	vbroadcast v9, $0x9  }
0xdd: {  	v42 =	vbroadcast v10, $0xB;
	v11 =	vadd.f32 v19, v11;
	v14 =	vadd.f32 v22, v14  }
0xde: {  	v19 =	vmul.f32 v41, v33;
	v13 =	vadd.f32 v18, v13;
	v58 =	vmul.f32 v25, v51  }
0xdf: {  	v23 =	vld.idx.msk [tilespmem:v23+s3+$0x0], $0xffff;
	v59 =	vmul.f32 v56, v51;
	v45 =	vunpack.i.l.bf16.f32 v20;
	v49 =	vunpack.i.u.bf16.f32 v20  }
0xe0: {  	v20 =	vmul.f32 v53, v51;
	v61 =	vunpack.i.l.bf16.f32 v54;
	v21 =	vunpack.i.u.bf16.f32 v54  }
0xe1: {  	v24 =	vld.idx.msk [tilespmem:v48+s3+$0x0], $0xffff;
	v34 =	vunpack.i.l.bf16.f32 v62;
	v48 =	vadd.s32 v0, v42;
	v53 =	vadd.s32 v2, v42  }
0xe2: {  	v47 =	vmul.f32 v45, v33;
	v16 =	vadd.f32 v19, v16;
	v50 =	vmul.f32 v49, v33  }
0xe3: {  	v19 =	vmul.f32 v52, v51;
	v13 =	vadd.f32 v59, v13;
	v17 =	vmul.f32 v61, v51  }
0xe4: {  	v18 =	vmul.f32 v21, v51;
	v33 =	vadd.s32 v3, v57;
	v36 =	vunpack.i.u.bf16.f32 v23  }
0xe5: {  	v32 =	vld.idx.msk [tilespmem:v60+s3+$0x0], $0xffff;
	v23 =	vunpack.i.l.bf16.f32 v23;
	v60 =	vbroadcast v9, $0xB;
	v12 =	vadd.f32 v20, v12  }
0xe6: {  	v30 =	vunpack.i.u.bf16.f32 v24;
	v24 =	vunpack.i.l.bf16.f32 v24;
	v20 =	vunpack.i.u.bf16.f32 v62  }
0xe7: {  	v23 =	vmul.f32 v23, v63;
	v22 =	vmul.f32 v36, v63;
	v11 =	vadd.f32 v47, v11  }
0xe8: {  	v14 =	vadd.f32 v50, v14;
	v15 =	vadd.f32 v19, v15;
	v24 =	vmul.f32 v24, v63  }
0xe9: {  	v16 =	vadd.f32 v58, v16;
	v21 =	vmul.f32 v30, v63;
	v19 =	vmul.f32 v34, v63  }
0xea: {  	v45 =	vld.idx.msk [tilespmem:v38+s3+$0x0], $0xffff;
	v20 =	vmul.f32 v20, v63;
	v11 =	vadd.f32 v17, v11;
	v14 =	vadd.f32 v18, v14  }
0xeb: {  	v58 =	vbroadcast v10, $0xC;
	v12 =	vadd.f32 v24, v12;
	v15 =	vadd.f32 v21, v15  }
0xec: {  	v25 =	vld.idx.msk [tilespmem:v31+s3+$0x0], $0xffff;
	v50 =	vbroadcast v9, $0xA;
	v16 =	vadd.f32 v19, v16;
	v13 =	vadd.f32 v20, v13  }
0xed: {  	v21 =	vadd.s32 v3, v35;
	v19 =	vadd.s32 v3, v42;
	v61 =	vadd.s32 v0, v58  }
0xee: {  	v47 =	vld.idx.msk [tilespmem:v40+s3+$0x0], $0xffff;
	v63 =	vadd.s32 v2, v58;
	v39 =	vunpack.i.l.bf16.f32 v32;
	v17 =	vunpack.i.u.bf16.f32 v32  }
0xef: {  	v51 =	vunpack.i.l.bf16.f32 v45;
	v54 =	vunpack.i.u.bf16.f32 v45;
	v32 =	vadd.s32 v3, v58  }
0xf0: {  	v18 =	vld.idx.msk [tilespmem:v33+s3+$0x0], $0xffff;
	v33 =	vbroadcast v10, $0xD;
	v41 =	vmul.f32 v39, v37;
	v11 =	vadd.f32 v23, v11  }
0xf1: {  	v14 =	vadd.f32 v22, v14;
	v17 =	vmul.f32 v17, v37;
	v44 =	vunpack.i.l.bf16.f32 v25  }
0xf2: {  	v56 =	vld.idx.msk [tilespmem:v48+s3+$0x0], $0xffff;
	v43 =	vunpack.i.u.bf16.f32 v25;
	v39 =	vbroadcast v9, $0xC;
	v22 =	vmul.f32 v44, v37  }
0xf3: {  	v20 =	vmul.f32 v43, v37;
	v55 =	vunpack.i.l.bf16.f32 v47;
	v57 =	vunpack.i.u.bf16.f32 v47  }
0xf4: {  	v36 =	vadd.s32 v0, v33;
	v42 =	vadd.s32 v2, v33;
	v47 =	vbroadcast v10, $0xE  }
0xf5: {  	v10 =	vbroadcast v10, $0xF;
	v12 =	vadd.f32 v41, v12;
	v15 =	vadd.f32 v17, v15  }
0xf6: {  	v17 =	vmul.f32 v51, v50;
	v23 =	vmul.f32 v55, v50;
	v16 =	vadd.f32 v22, v16  }
0xf7: {  	v13 =	vadd.f32 v20, v13;
	v22 =	vmul.f32 v54, v50;
	v27 =	vunpack.i.l.bf16.f32 v56  }
0xf8: {  	v52 =	vld.idx.msk [tilespmem:v21+s3+$0x0], $0xffff;
	v29 =	vunpack.i.u.bf16.f32 v56;
	v51 =	vadd.s32 v0, v47;
	v54 =	vadd.s32 v2, v47  }
0xf9: {  	v35 =	vld.idx.msk [tilespmem:v63+s3+$0x0], $0xffff;
	v63 =	vadd.s32 v0, v10;
	v46 =	vunpack.i.l.bf16.f32 v18;
	v18 =	vunpack.i.u.bf16.f32 v18  }
0xfa: {  	v21 =	vld.idx.msk [tilespmem:v53+s3+$0x0], $0xffff;
	v12 =	vadd.f32 v17, v12;
	v17 =	vmul.f32 v57, v50;
	v62 =	vmul.f32 v27, v60  }
0xfb: {  	v19 =	vld.idx.msk [tilespmem:v19+s3+$0x0], $0xffff;
	v24 =	vmul.f32 v46, v37;
	v15 =	vadd.f32 v22, v15;
	v16 =	vadd.f32 v23, v16  }
0xfc: {  	v31 =	vld.idx.msk [tilespmem:v61+s3+$0x0], $0xffff;
	v49 =	vmul.f32 v18, v37;
	v13 =	vadd.f32 v17, v13;
	v12 =	vadd.f32 v62, v12  }
0xfd: {  	v17 =	vmul.f32 v29, v60;
	v29 =	vbroadcast v9, $0xE;
	v11 =	vadd.f32 v24, v11  }
0xfe: {  	v14 =	vadd.f32 v49, v14;
	v24 =	vadd.s32 v3, v33;
	v59 =	vunpack.i.l.bf16.f32 v52  }
0xff: {  	v41 =	vld.idx.msk [tilespmem:v32+s3+$0x0], $0xffff;
	v20 =	vunpack.i.u.bf16.f32 v52;
	v30 =	vunpack.i.l.bf16.f32 v21;
	v21 =	vunpack.i.u.bf16.f32 v21  }
0x100: {  	v34 =	vunpack.i.l.bf16.f32 v19;
	v15 =	vadd.f32 v17, v15;
	v38 =	vunpack.i.u.bf16.f32 v19  }
0x101: {  	v40 =	vunpack.i.l.bf16.f32 v31;
	v43 =	vunpack.i.l.bf16.f32 v35;
	v22 =	vmul.f32 v59, v50  }
0x102: {  	v46 =	vunpack.i.u.bf16.f32 v35;
	v18 =	vmul.f32 v20, v50;
	v21 =	vmul.f32 v21, v60  }
0x103: {  	v44 =	vld.idx.msk [tilespmem:v36+s3+$0x0], $0xffff;
	v37 =	vmul.f32 v34, v60;
	v20 =	vunpack.i.u.bf16.f32 v31;
	v17 =	vmul.f32 v40, v39  }
0x104: {  	v45 =	vmul.f32 v43, v39;
	v48 =	vmul.f32 v46, v39;
	v49 =	vunpack.i.u.bf16.f32 v41  }
0x105: {  	v50 =	vbroadcast v9, $0xD;
	v31 =	vadd.s32 v2, v10;
	v10 =	vadd.s32 v3, v10  }
0x106: {  	v19 =	vld.idx.msk [tilespmem:v54+s3+$0x0], $0xffff;
	v9 =	vbroadcast v9, $0xF;
	v20 =	vmul.f32 v20, v39;
	v11 =	vadd.f32 v22, v11  }
0x107: {  	v26 =	vld.idx.msk [tilespmem:v63+s3+$0x0], $0xffff;
	v14 =	vadd.f32 v18, v14;
	v18 =	vmul.f32 v30, v60;
	v13 =	vadd.f32 v21, v13  }
0x108: {  	v59 =	vld.idx.msk [tilespmem:v51+s3+$0x0], $0xffff;
	v12 =	vadd.f32 v17, v12;
	v21 =	vunpack.i.l.bf16.f32 v41;
	v52 =	vunpack.i.l.bf16.f32 v44  }
0x109: {  	v22 =	vld.idx.msk [tilespmem:v42+s3+$0x0], $0xffff;
	v55 =	vunpack.i.u.bf16.f32 v44;
	v42 =	vmov s17;
	v21 =	vmul.f32 v21, v39  }
0x10a: {  	v15 =	vadd.f32 v20, v15;
	v53 =	vmul.f32 v52, v50;
	v56 =	vmul.f32 v55, v50  }
0x10b: {  	v20 =	vadd.s32 v3, v47;
	v16 =	vadd.f32 v18, v16;
	v11 =	vadd.f32 v37, v11  }
0x10c: {  	v18 =	vmul.f32 v38, v60;
	v13 =	vadd.f32 v48, v13;
	v33 =	vunpack.i.l.bf16.f32 v19  }
0x10d: {  	v19 =	vunpack.i.u.bf16.f32 v19;
	v43 =	vunpack.i.u.bf16.f32 v26;
	v12 =	vadd.f32 v53, v12  }
0x10e: {  	v24 =	vld.idx.msk [tilespmem:v24+s3+$0x0], $0xffff;
	v15 =	vadd.f32 v56, v15;
	v30 =	vunpack.i.u.bf16.f32 v59;
	v34 =	vmul.f32 v33, v29  }
0x10f: {  	v60 =	vld [tilespmem:s18+$0x10];
	v35 =	vmul.f32 v19, v29;
	v44 =	vmul.f32 v43, v9;
	v14 =	vadd.f32 v18, v14  }
0x110: {  	v16 =	vadd.f32 v45, v16;
	v18 =	vmul.f32 v49, v39;
	v11 =	vadd.f32 v21, v11  }
0x111: {  	v39 =	vunpack.i.l.bf16.f32 v26;
	v57 =	vunpack.i.l.bf16.f32 v22;
	v58 =	vunpack.i.u.bf16.f32 v22  }
0x112: {  	v38 =	vld.idx.msk [tilespmem:v31+s3+$0x0], $0xffff;
	v22 =	vunpack.i.l.bf16.f32 v59;
	v41 =	vmul.f32 v39, v9;
	v14 =	vadd.f32 v18, v14  }
0x113: {  	v10 =	vld.idx.msk [tilespmem:v10+s3+$0x0], $0xffff;
	v18 =	vmul.f32 v57, v50;
	v21 =	vmul.f32 v58, v50;
	v61 =	vunpack.i.l.bf16.f32 v24  }
0x114: {  	v28 =	vunpack.i.u.bf16.f32 v24;
	v22 =	vmul.f32 v22, v29;
	v32 =	vmul.u32 $0x38, v60  }
0x115: {  	v62 =	vmul.f32 v61, v50;
	v16 =	vadd.f32 v18, v16;
	v18 =	vmul.f32 v28, v50  }
0x116: {  	v13 =	vadd.f32 v21, v13;
	v21 =	vmul.f32 v30, v29;
	v24 =	vbroadcast v32, $0x0  }
0x117: {  	v20 =	vld.idx.msk [tilespmem:v20+s3+$0x0], $0xffff;
	v12 =	vadd.f32 v22, v12;
	v47 =	vunpack.i.u.bf16.f32 v38;
	v22 =	vunpack.i.l.bf16.f32 v38  }
0x118: {  	v49 =	vunpack.i.l.bf16.f32 v10;
	v10 =	vunpack.i.u.bf16.f32 v10;
	v36 =	vadd.s32 v0, v24  }
0x119: {  	v11 =	vadd.f32 v62, v11;
	v22 =	vmul.f32 v22, v9;
	v50 =	vmul.f32 v49, v9  }
0x11a: {  	v14 =	vadd.f32 v18, v14;
	v15 =	vadd.f32 v21, v15;
	v40 =	vadd.s32 v2, v24  }
0x11b: {  	v16 =	vadd.f32 v34, v16;
	v13 =	vadd.f32 v35, v13;
	v21 =	vmul.u32 $0x68, v42  }
0x11c: {  	v37 =	vunpack.i.u.bf16.f32 v20;
	v20 =	vunpack.i.l.bf16.f32 v20;
	v48 =	vadd.s32 v3, v24  }
0x11d: {  	v12 =	vadd.f32 v41, v12;
	v20 =	vmul.f32 v20, v29;
	v17 =	vmul.f32 v37, v29;
	v45 =	vld.idx.msk [tilespmem:v36+s3+$0x0], $0xffff  }
0x11e: {  	v46 =	vld.msk [tilespmem:s19+$0x0 ss:$0x0], $0xffff;
	v15 =	vadd.f32 v44, v15;
	v16 =	vadd.f32 v22, v16;
	v52 =	vbroadcast v21, $0x0  }
0x11f: {  	v11 =	vadd.f32 v20, v11;
	v14 =	vadd.f32 v17, v14;
	v20 =	vmul.f32 v47, v9;
	v25 =	vld.idx.msk [tilespmem:v40+s3+$0x0], $0xffff  }
0x120: {  	v9 =	vmul.f32 v10, v9;
	v55 =	vadd.s32 v1, v52;
	v57 =	vadd.s32 v4, v52  }
0x121: {  	v58 =	vadd.s32 v5, v52;
	v60 =	vadd.s32 v6, v52;
	v61 =	vadd.s32 v7, v52;
	v53 =	vld.idx.msk [tilespmem:v48+s3+$0x0], $0xffff  }
0x122: {  	v62 =	vadd.s32 v8, v52;
	v13 =	vadd.f32 v20, v13;
	v51 =	vunpack.i.l.bf16.f32 v45  }
0x123: {  	v11 =	vadd.f32 v50, v11;
	v10 =	vunpack.i.u.bf16.f32 v45;
	v17 =	vmul.f32 v51, v46  }
0x124: {  	v9 =	vadd.f32 v9, v14;
	v54 =	vunpack.i.l.bf16.f32 v25;
	v10 =	vmul.f32 v10, v46  }
0x125: {  	v59 =	vunpack.i.u.bf16.f32 v25;
	v56 =	vmul.f32 v54, v46;
	v12 =	vadd.f32 v17, v12  }
0x126: {  	v23 =	vunpack.i.l.bf16.f32 v53;
	v10 =	vadd.f32 v10, v15;
	v17 =	vmul.f32 v59, v46  }
0x127: {  	p0 =	sne.s32 s17, $0xFF;
	v18 =	vunpack.i.u.bf16.f32 v53;
	v23 =	vmul.f32 v23, v46;
	v14 =	vadd.f32 v56, v16;
	[tilespmem:v55+s14+$0x0] =	vst.idx.msk $0xffff, v12  }
.Ltmp1:
0x128: {  	v63 =	vmul.f32 v18, v46;
	v13 =	vadd.f32 v17, v13;
	[tilespmem:v57+s14+$0x0] =	vst.idx.msk $0xffff, v10;
	(pc) =	sbr.rel @p0 .LBB2_5-.Ltmp1, $4  }
0x129: {  	v10 =	vadd.f32 v23, v11;
	[tilespmem:v58+s14+$0x0] =	vst.idx.msk $0xffff, v14  }
0x12a: {  	v9 =	vadd.f32 v63, v9;
	[tilespmem:v60+s14+$0x0] =	vst.idx.msk $0xffff, v13  }
0x12b: {  	[tilespmem:v61+s14+$0x0] =	vst.idx.msk $0xffff, v10  }
0x12c: {  	s19 =	sadd.s32 $0x30, s19;
	s17 =	sadd.s32 $0x1, s17;
	s18 =	sadd.s32 $0x30, s18;
	[tilespmem:v62+s14+$0x0] =	vst.idx.msk $0xffff, v9  }
0x12d: {  	s17 =	smul.u32 $0x60, s16;
	_ =	sdelay $0x1  }
0x12e: {  	s17 =	sadd.s32 s9, s17  }
0x12f: {  	s17 =	sshrl.u32 s17, $0x3  }
0x130: {  	s18 =	simm.s32 $0x10F00;
	s17 =	sadd.s32 s2, s17  }
0x131: {  	s19 =	simm.s32 $0x60;
	s20 =	simm.s32 $0x10F68;
	s21 =	sadd.s32 $0x0, s17  }
.LBB2_7:
0x132: {  	[hbm4b:s21+s3] =	stream.linear.scatter [tilespmem:s18], [sflag:$0x1], $0x60, $0x38;
	[tilespmem:$0x17700] =	vst v63  }
0x133: {  	s21 =	smov.u32 s19;
	s18 =	smov.u32 s20;
	p0 =	sne.s32 s19, $0x5FA0  }
.Ltmp2:
0x134: {  	s19 =	sadd.s32 $0x60, s19;
	(pc) =	sbr.rel @p0 .LBB2_7-.Ltmp2, $2  }
0x135: {  	_ =	sdelay $0x2  }
0x136: {  	s20 =	sadd.s32 $0x68, s20;
	s21 =	sadd.s32 s21, s17  }
0x137: {  	s16 =	sadd.s32 $0x1, s16  }
0x138: {  	p0 =	sne.s32 s16, $0x8  }
.Ltmp3:
0x139: {  	_ = 	snop;
	(pc) =	sbr.rel @p0 .LBB2_2-.Ltmp3, $4  }
0x13a: {  	[hbm4b:s21+s3] =	stream.linear.scatter [tilespmem:s18], [sflag:$0x1], $0x60, $0x38;
	[tilespmem:$0x17700] =	vst v63  }
0x13b: {  	_ =	swait.ge [sflag:s12], $0x6000  }
0x13c: {  	[sflag:s12] =	ssyncset.done $0x0  }
0x13d: {  	[sflag:s12] =	ssyncadd.s32 $0xFFFFA000  }
0x13e: {  	s15 =	sadd.s32 $0x1, s15  }
0x13f: {  	p0 =	sne.s32 s15, s10  }
.Ltmp4:
0x140: {  	_ = 	snop;
	(pc) =	sbr.rel @p0 .LBB2_1-.Ltmp4, $1  }
0x141: {  	_ =	sdelay $0x3  }
0x142: {  	_ =	sfence.sel $0x180000  }
0x143: {  	[bflag:$0x0] =	sbarrier.arrive $0xFFFF  }
0x144: {  	p0 =	sne.s32 s1, $0x0;
	_ =	strace $0x90000047  }
0x145: {  	s0 =	sadd.s32 @!p0 $0x100000, s0;
	[bflag:$0x2] =	sbarrier.arrive $0xFFFF  }
0x146: {  	[sflag:s0] =	ssyncadd.tile.s32 @!p0 $0x1;
	_ =	shalt  }
.Lfunc_end2:
_tile_overlayer_lowered:
.L_overlay_start_2:
0x147: {  	(tag) =	ssettag $0x2  }
0x148: {  	s0 =	rddreg [dreg:$0x0];
	s2 =	stileid.u32  }
0x149: {  	s1 =	rddreg [dreg:$0x1];
	p0 =	sne.s32 s2, $0x0  }
0x14a: {  	s3 =	rddreg [dreg:$0x2];
	[bflag:$0x3] =	sbarrier.arrive $0xFFFF;
	s2 =	simm.s32 @!p0 $0x1C01  }
0x14b: {  	[timem:s3], [sflag:s2] =	dma.local @!p0 [hbm:s0], s1  }
0x14c: {  	s0 =	simm.s32 @!p0 $0x1  }
0x14d: {  	_ =	swait.ge @!p0 [sflag:s0], s1  }
0x14e: {  	s1 =	ssub.s32 @!p0 $0x0, s1;
	[sflag:s0] =	ssyncset.done @!p0 $0x0  }
0x14f: {  	[sflag:s0] =	ssyncadd.s32 @!p0 s1  }
0x150: {  	[bflag:$0x3] =	sbarrier.arrive $0xFFFF  }
0x151: {  	_ =	shalt  }

</sc_bundles>
